<compile_context>
chip_gen: v7x
topology: tpu7x:2x2x1
jax: 0.10.2.dev20260603
libtpu: 0.0.44.dev20260713+nightly
codegen_flags: <defaults>
</compile_context>

<pallas_src>
import functools

import jax
import jax.numpy as jnp
from jax import lax
from jax.experimental import pallas as pl
from jax.experimental.pallas import tpu as pltpu
from jax.experimental.pallas import tpu_sc as plsc

N = 10000
NPAD = 10240
RPT = 640
RC = 64
NRC = RPT // RC
D = 256
DQ = 64
E = 160000
EC = 128
NCHUNK = 80
EPT = NCHUNK * EC
R_HOPS = 3
NSUB = 16
LANES = 16
ZR = 32
RD = 5
SL = 2


def _sc_body(x_qsplit, srcp, dstp, hops, gflat, degpart,
             src_v, dst_v, gbufv, rowbuf, gout, zbuf, deglocal,
             degsum, disv, acc, sem, sem2):
    s = lax.axis_index("s")
    c = lax.axis_index("c")
    nbase = s * RPT

    zeros16 = jnp.zeros((LANES,), jnp.float32)
    ones16 = jnp.ones((LANES,), jnp.float32)

    def _zrow(i, _):
        for g in range(DQ // LANES):
            zbuf[i, pl.ds(g * LANES, LANES)] = zeros16
        return 0
    lax.fori_loop(0, ZR, _zrow, 0)

    def _zero_acc(rbase):
        for z in range(RC // ZR):
            pltpu.sync_copy(zbuf, acc.at[pl.ds(rbase + z * ZR, ZR)])

    def _dz(i, _):
        deglocal[pl.ds(i * LANES, LANES)] = zeros16
        return 0
    lax.fori_loop(0, NPAD // LANES, _dz, 0)

    for cc in range(NRC):
        _zero_acc(nbase + cc * RC)

    pltpu.sync_copy(srcp.at[pl.ds(s * NCHUNK, NCHUNK)], src_v)
    pltpu.sync_copy(dstp.at[pl.ds(s * NCHUNK, NCHUNK)], dst_v)

    def _bias(j, _):
        for g in range(EC // LANES):
            sl = pl.ds(g * LANES, LANES)
            src_v[j, sl] = src_v[j, sl] + (2 * c) * NPAD
        return 0
    lax.fori_loop(0, NCHUNK, _bias, 0)

    def _deg(j, _):
        for g in range(EC // LANES):
            dvals = dst_v[j, pl.ds(g * LANES, LANES)]
            plsc.addupdate_scatter(deglocal, [dvals], ones16)
        return 0
    lax.fori_loop(0, NCHUNK, _deg, 0)

    pltpu.sync_copy(deglocal, degpart.at[c, s])
    plsc.subcore_barrier()

    def _dis_chunk(cc, _):
        pltpu.sync_copy(degpart.at[c, :, pl.ds(nbase + cc * RC, RC)], degsum)

        def _dis(gg, _):
            sl = pl.ds(gg * LANES, LANES)
            dvec = degsum[0, sl]
            for t in range(1, NSUB):
                dvec = dvec + degsum[t, sl]
            d1 = jnp.maximum(dvec, 1.0)
            bits = lax.bitcast_convert_type(d1, jnp.int32)
            bits = jnp.int32(0x5F3759DF) - lax.shift_right_arithmetic(bits, 1)
            y = lax.bitcast_convert_type(bits, jnp.float32)
            for _ in range(4):
                y = y * (1.5 - 0.5 * d1 * y * y)
            disv[pl.ds(cc * RC + gg * LANES, LANES)] = jnp.where(
                dvec > 0.5, y, 0.0)
            return 0
        lax.fori_loop(0, RC // LANES, _dis, 0)
        return 0
    lax.fori_loop(0, NRC, _dis_chunk, 0)

    def _scale_rows(coff, also_g):
        def _grp(gg, _):
            dvec = disv[pl.ds(coff + gg * LANES, LANES)]
            for i in range(LANES):
                dv = jnp.broadcast_to(dvec[i], (LANES,))
                row = gg * LANES + i
                for g in range(DQ // LANES):
                    sl = pl.ds(g * LANES, LANES)
                    v = rowbuf[row, sl] * dv
                    rowbuf[row, sl] = v
                    if also_g:
                        gout[row, sl] = v * dv
            return 0
        lax.fori_loop(0, RC // LANES, _grp, 0)

    for q in range(2):
        qid = 2 * c + q

        def _g0(cc, _):
            rbase = nbase + cc * RC
            pltpu.sync_copy(x_qsplit.at[qid, pl.ds(rbase, RC)], rowbuf)
            _scale_rows(cc * RC, False)
            pltpu.sync_copy(rowbuf, gflat.at[pl.ds(qid * NPAD + rbase, RC)])
            return 0
        lax.fori_loop(0, NRC, _g0, 0)

    plsc.subcore_barrier()

    def _pass(p, _):
        k = p // 2
        q = p % 2
        qid = 2 * c + q

        @pl.when(p >= 1)
        def _():
            delta = jnp.where(q == 1, NPAD, -NPAD).astype(jnp.int32)
            dvec = jnp.broadcast_to(delta, (LANES,))

            def _rb(j, _):
                for g in range(EC // LANES):
                    sl = pl.ds(g * LANES, LANES)
                    src_v[j, sl] = src_v[j, sl] + dvec
                return 0
            lax.fori_loop(0, NCHUNK, _rb, 0)

        for jj in range(RD):
            pltpu.async_copy(gflat.at[src_v.at[jj]],
                             gbufv.at[jj], sem.at[jj])

        def _edge(j, _):
            b = lax.rem(j, RD)
            bf = lax.rem(j + RD - SL, RD)

            @pl.when(j >= SL)
            def _():
                pltpu.make_async_copy(
                    gbufv.at[bf], acc.at[dst_v.at[j - SL]],
                    sem2.at[bf]).wait()

            @pl.when((j >= SL) & (j + RD - SL < NCHUNK))
            def _():
                pltpu.async_copy(
                    gflat.at[src_v.at[j + RD - SL]],
                    gbufv.at[bf], sem.at[bf])

            pltpu.make_async_copy(
                gflat.at[src_v.at[j]], gbufv.at[b],
                sem.at[b]).wait()
            pltpu.async_copy(gbufv.at[b], acc.at[dst_v.at[j]], sem2.at[b],
                             add=True)
            return 0
        lax.fori_loop(0, NCHUNK, _edge, 0)
        for t in range(SL):
            jt = NCHUNK - SL + t
            pltpu.make_async_copy(
                gbufv.at[jt % RD], acc.at[dst_v.at[jt]],
                sem2.at[jt % RD]).wait()

        plsc.subcore_barrier()

        def _scale(cc, _):
            rbase = nbase + cc * RC
            pltpu.sync_copy(acc.at[pl.ds(rbase, RC)], rowbuf)
            _scale_rows(cc * RC, True)
            pltpu.sync_copy(rowbuf, hops.at[k, qid, pl.ds(rbase, RC)])

            @pl.when(k < R_HOPS - 1)
            def _():
                pltpu.sync_copy(gout, gflat.at[pl.ds(qid * NPAD + rbase, RC)])
            _zero_acc(rbase)
            return 0
        lax.fori_loop(0, NRC, _scale, 0)

        plsc.subcore_barrier()
        return 0
    lax.fori_loop(0, 2 * R_HOPS, _pass, 0)


def _sc_propagate(x_qsplit, srcp, dstp):
    mesh = plsc.VectorSubcoreMesh(
        core_axis_name="c", subcore_axis_name="s",
        num_cores=2, num_subcores=NSUB)
    return pl.kernel(
        _sc_body,
        out_type=[
            jax.ShapeDtypeStruct((R_HOPS, 4, NPAD, DQ), jnp.float32),
            jax.ShapeDtypeStruct((4 * NPAD, DQ), jnp.float32),
            jax.ShapeDtypeStruct((2, NSUB, NPAD), jnp.float32),
        ],
        mesh=mesh,
        scratch_types=[
            pltpu.VMEM((NCHUNK, EC), jnp.int32),
            pltpu.VMEM((NCHUNK, EC), jnp.int32),
            pltpu.VMEM((RD, EC, DQ), jnp.float32),
            pltpu.VMEM((RC, DQ), jnp.float32),
            pltpu.VMEM((RC, DQ), jnp.float32),
            pltpu.VMEM((ZR, DQ), jnp.float32),
            pltpu.VMEM((NPAD,), jnp.float32),
            pltpu.VMEM((NSUB, RC), jnp.float32),
            pltpu.VMEM((RPT,), jnp.float32),
            pltpu.VMEM_SHARED((NPAD, DQ), jnp.float32),
            pltpu.SemaphoreType.DMA((RD,)),
            pltpu.SemaphoreType.DMA((RD,)),
        ],
        compiler_params=pltpu.CompilerParams(
            needs_layout_passes=False, use_tc_tiling_on_sc=False),
    )(x_qsplit, srcp, dstp)


def _mlp_body(x_ref, hops_ref, w1_ref, b1_ref, w2_ref, b2_ref, o_ref):
    acc = jnp.dot(x_ref[...], w1_ref[0:D, :],
                  preferred_element_type=jnp.float32)
    for r in range(R_HOPS):
        for qd in range(4):
            base = D + r * D + qd * DQ
            acc += jnp.dot(hops_ref[r, qd], w1_ref[base:base + DQ, :],
                           preferred_element_type=jnp.float32)
    hid = jnp.maximum(acc + b1_ref[...], 0.0)
    o_ref[...] = jnp.dot(hid, w2_ref[...],
                         preferred_element_type=jnp.float32) + b2_ref[...]


def _mlp(x_pad, hops, W1, b1, W2, b2):
    BR = 1024
    grid = (NPAD // BR,)
    return pl.pallas_call(
        _mlp_body,
        grid=grid,
        in_specs=[
            pl.BlockSpec((BR, D), lambda i: (i, 0)),
            pl.BlockSpec((R_HOPS, 4, BR, DQ), lambda i: (0, 0, i, 0)),
            pl.BlockSpec((D * (R_HOPS + 1), D), lambda i: (0, 0)),
            pl.BlockSpec((1, D), lambda i: (0, 0)),
            pl.BlockSpec((D, D), lambda i: (0, 0)),
            pl.BlockSpec((1, D), lambda i: (0, 0)),
        ],
        out_specs=pl.BlockSpec((BR, D), lambda i: (i, 0)),
        out_shape=jax.ShapeDtypeStruct((NPAD, D), jnp.float32),
        compiler_params=pltpu.CompilerParams(
            dimension_semantics=("arbitrary",),
        ),
    )(x_pad, hops, W1, b1, W2, b2)


@jax.jit
def kernel(x, edge_index, W1, b1, W2, b2):
    x_pad = jnp.pad(x, ((0, NPAD - N), (0, 0)))
    x_qsplit = x_pad.reshape(NPAD, 4, DQ).transpose(1, 0, 2)

    ei = edge_index.astype(jnp.int32)
    pad_e = NSUB * EPT - E
    src = jnp.pad(ei[0], (0, pad_e), constant_values=N)
    dst = jnp.pad(ei[1], (0, pad_e), constant_values=N)
    srcp = src.reshape(NSUB * NCHUNK, EC)
    dstp = dst.reshape(NSUB * NCHUNK, EC)

    hops, _g, _dp = _sc_propagate(x_qsplit, srcp, dstp)

    out = _mlp(x_pad, hops, W1, b1.reshape(1, D), W2, b2.reshape(1, D))
    return out[:N]

# --- scband reference (transcript-rebuilt; emitter-appended) ---
"""Pipeline reference for scband-sign-66803921322662 (READ-ONLY COPY).

The authoritative reference and input builder live on the scoring server;
editing this copy changes nothing except your own understanding.
"""

import jax, jax.numpy as jnp
import numpy as np

N = 10000
E = 160000
D = 256
R = 3
HIDDEN = 256
OUT = 256


def setup_inputs(seed: int = 0) -> dict:
    key = jax.random.key(seed)
    k_x, k_ei, k_w1, k_b1, k_w2, k_b2 = jax.random.split(key, 6)
    x = jax.random.normal(k_x, (N, D), dtype=jnp.float32)
    edge_index = jax.random.randint(k_ei, (2, E), 0, N, dtype=jnp.int64)
    # SIGN MLP params: Linear(D*(R+1) -> HIDDEN) -> ReLU -> Linear(HIDDEN -> OUT)
    fan_in1 = D * (R + 1)
    W1 = jax.random.normal(k_w1, (fan_in1, HIDDEN), dtype=jnp.float32) / np.sqrt(fan_in1)
    b1 = jnp.zeros((HIDDEN,), dtype=jnp.float32)
    W2 = jax.random.normal(k_w2, (HIDDEN, OUT), dtype=jnp.float32) / np.sqrt(HIDDEN)
    b2 = jnp.zeros((OUT,), dtype=jnp.float32)
    return {"x": x, "edge_index": edge_index, "W1": W1, "b1": b1, "W2": W2, "b2": b2}


def _sign_preprocess(x, edge_index, n_hops):
    # D^{-1/2} A D^{-1/2} propagation, R hops; concat [x, Ax, A^2 x, ..., A^R x]
    src = edge_index[0]
    dst = edge_index[1]
    n = x.shape[0]
    ones = jnp.ones((src.shape[0],), dtype=x.dtype)
    deg = jax.ops.segment_sum(ones, dst, num_segments=n)
    deg_inv_sqrt = jnp.where(deg > 0, 1.0 / jnp.sqrt(jnp.maximum(deg, 1.0)), 0.0)
    norm = deg_inv_sqrt[src] * deg_inv_sqrt[dst]
    xs = [x]
    h = x
    for _ in range(n_hops):
        msg = h[src] * norm[:, None]
        h = jax.ops.segment_sum(msg, dst, num_segments=n)
        xs.append(h)
    return jnp.concatenate(xs, axis=-1)


def reference(x, edge_index, W1, b1, W2, b2):
    feats = _sign_preprocess(x, edge_index, R)
    h = jnp.maximum(feats @ W1 + b1, 0.0)
    out = h @ W2 + b2
    return out

if __name__ == "__main__":
    import jax
    _d = setup_inputs()
    print(jax.jit(kernel)(*tuple(_d.values())))

</pallas_src>

<mosaic_0001>
#map = affine_map<(d0, d1) -> (0, 0, 0)>
#map1 = affine_map<(d0, d1) -> (0, 0)>
#map2 = affine_map<(d0, d1) -> (0, 0, 0, 0)>
module attributes {stable_mosaic.version = 14 : i64} {
  func.func @_sc_body(%arg0: i32, %arg1: i32, %arg2: memref<4x10240x64xf32, #tpu.memory_space<hbm>>, %arg3: memref<1280x128xi32, #tpu.memory_space<hbm>>, %arg4: memref<1280x128xi32, #tpu.memory_space<hbm>>, %arg5: memref<3x4x10240x64xf32, #tpu.memory_space<hbm>>, %arg6: memref<40960x64xf32, #tpu.memory_space<hbm>>, %arg7: memref<2x16x10240xf32, #tpu.memory_space<hbm>>, %arg8: memref<80x128xi32, #tpu.memory_space<vmem>>, %arg9: memref<80x128xi32, #tpu.memory_space<vmem>>, %arg10: memref<5x128x64xf32, #tpu.memory_space<vmem>>, %arg11: memref<64x64xf32, #tpu.memory_space<vmem>>, %arg12: memref<64x64xf32, #tpu.memory_space<vmem>>, %arg13: memref<32x64xf32, #tpu.memory_space<vmem>>, %arg14: memref<10240xf32, #tpu.memory_space<vmem>>, %arg15: memref<16x64xf32, #tpu.memory_space<vmem>>, %arg16: memref<640xf32, #tpu.memory_space<vmem>>, %arg17: memref<10240x64xf32, #tpu.memory_space<vmem_shared>>, %arg18: memref<5x!tpu.dma_semaphore, #tpu.memory_space<semaphore_mem>>, %arg19: memref<5x!tpu.dma_semaphore, #tpu.memory_space<semaphore_mem>>) attributes {dimension_semantics = [#tpu.dimension_semantics<core_parallel>, #tpu.dimension_semantics<subcore_parallel>], iteration_bounds = array<i64: 2, 16>, scalar_prefetch = 0 : i64, scratch_operands = 12 : i64, tpu.core_type = #tpu.core_type<sc_vector_subcore>, window_params = [{transform_indices = #map}, {transform_indices = #map1}, {transform_indices = #map1}, {transform_indices = #map2}, {transform_indices = #map1}, {transform_indices = #map}]} {
    %mul3A = arith.constant 640 : i32
    %mul3A_0 = arith.muli %arg1, %mul3A : i32
    %broadcast_in_dim3A = arith.constant 0.000000e+00 : f32
    %broadcast_in_dim3A_1 = vector.broadcast %broadcast_in_dim3A : f32 to vector<16xf32>
    %broadcast_in_dim3A_2 = arith.constant 1.000000e+00 : f32
    %broadcast_in_dim3A_3 = vector.broadcast %broadcast_in_dim3A_2 : f32 to vector<16xf32>
    %scan3A = arith.constant 0 : i32
    %scan3A_4 = arith.constant 0 : i32
    %scan3A_5 = arith.constant 32 : i32
    %scan3A_6 = arith.addi %scan3A_4, %scan3A_5 : i32
    %scan3A_7 = arith.constant 1 : i32
    %scan3A_8 = scf.for %scan3A_131 = %scan3A_4 to %scan3A_6 step %scan3A_7 iter_args(%scan3A_132 = %scan3A) -> (i32)  : i32 {
      %swap3A = arith.index_cast %scan3A_131 : i32 to index
      %swap3A_133 = arith.constant 0 : index
      %swap3A_134 = tpu.vector_load %arg13[%swap3A, %swap3A_133] {strides = array<i32>} : memref<32x64xf32, #tpu.memory_space<vmem>>, vector<16xf32>,
      tpu.vector_store %arg13[%swap3A, %swap3A_133], %broadcast_in_dim3A_1 {strides = array<i32>} : memref<32x64xf32, #tpu.memory_space<vmem>>, vector<16xf32>,
      %swap3A_135 = arith.index_cast %scan3A_131 : i32 to index
      %swap3A_136 = arith.constant 16 : index
      %swap3A_137 = tpu.vector_load %arg13[%swap3A_135, %swap3A_136] {strides = array<i32>} : memref<32x64xf32, #tpu.memory_space<vmem>>, vector<16xf32>,
      tpu.vector_store %arg13[%swap3A_135, %swap3A_136], %broadcast_in_dim3A_1 {strides = array<i32>} : memref<32x64xf32, #tpu.memory_space<vmem>>, vector<16xf32>,
      %swap3A_138 = arith.index_cast %scan3A_131 : i32 to index
      %swap3A_139 = arith.constant 32 : index
      %swap3A_140 = tpu.vector_load %arg13[%swap3A_138, %swap3A_139] {strides = array<i32>} : memref<32x64xf32, #tpu.memory_space<vmem>>, vector<16xf32>,
      tpu.vector_store %arg13[%swap3A_138, %swap3A_139], %broadcast_in_dim3A_1 {strides = array<i32>} : memref<32x64xf32, #tpu.memory_space<vmem>>, vector<16xf32>,
      %swap3A_141 = arith.index_cast %scan3A_131 : i32 to index
      %swap3A_142 = arith.constant 48 : index
      %swap3A_143 = tpu.vector_load %arg13[%swap3A_141, %swap3A_142] {strides = array<i32>} : memref<32x64xf32, #tpu.memory_space<vmem>>, vector<16xf32>,
      tpu.vector_store %arg13[%swap3A_141, %swap3A_142], %broadcast_in_dim3A_1 {strides = array<i32>} : memref<32x64xf32, #tpu.memory_space<vmem>>, vector<16xf32>,
      %scan3A_144 = arith.constant 0 : i32
      scf.yield %scan3A_144 : i32
    }
    %scan3A_9 = arith.constant 32 : i32
    %scan3A_10 = arith.constant 0 : i32
    %scan3A_11 = arith.constant 0 : i32
    %scan3A_12 = arith.constant 640 : i32
    %scan3A_13 = arith.addi %scan3A_11, %scan3A_12 : i32
    %scan3A_14 = arith.constant 1 : i32
    %scan3A_15 = scf.for %scan3A_131 = %scan3A_11 to %scan3A_13 step %scan3A_14 iter_args(%scan3A_132 = %scan3A_10) -> (i32)  : i32 {
      %mul3A_133 = arith.constant 16 : i32
      %mul3A_134 = arith.muli %scan3A_131, %mul3A_133 : i32
      %swap3A = arith.index_cast %mul3A_134 : i32 to index
      %swap3A_135 = tpu.vector_load %arg14[%swap3A] {strides = array<i32>} : memref<10240xf32, #tpu.memory_space<vmem>>, vector<16xf32>,
      tpu.vector_store %arg14[%swap3A], %broadcast_in_dim3A_1 {strides = array<i32>} : memref<10240xf32, #tpu.memory_space<vmem>>, vector<16xf32>,
      %scan3A_136 = arith.constant 0 : i32
      scf.yield %scan3A_136 : i32
    }
    %scan3A_16 = arith.constant 640 : i32
    %add3A = arith.constant 0 : i32
    %add3A_17 = arith.addi %mul3A_0, %add3A : i32
    %add3A_18 = arith.constant 0 : i32
    %add3A_19 = arith.addi %add3A_17, %add3A_18 : i32
    "tpu.region"() ({
      %run_scoped3A = tpu.sem_alloc : memref<!tpu.dma_semaphore, #tpu.memory_space<semaphore_mem>>
      %dma_start3A = arith.constant 0 : i32
      %dma_start3A_131 = tpu.memref_slice %arg17[%add3A_19, %dma_start3A] : memref<10240x64xf32, #tpu.memory_space<vmem_shared>> -> memref<32x64xf32, #tpu.memory_space<vmem_shared>>
      %dma_start3A_132 = arith.constant 0 : i32
      %dma_start3A_133 = tpu.memref_slice %arg17[%add3A_19, %dma_start3A_132] : memref<10240x64xf32, #tpu.memory_space<vmem_shared>> -> memref<32x64xf32, #tpu.memory_space<vmem_shared>>
      tpu.enqueue_dma source(%arg13 : memref<32x64xf32, #tpu.memory_space<vmem>>) target(%dma_start3A_133 : memref<32x64xf32, #tpu.memory_space<vmem_shared>>) target_semaphore(%run_scoped3A : memref<!tpu.dma_semaphore, #tpu.memory_space<semaphore_mem>>)
      %dma_wait3A = arith.constant 0 : i32
      %dma_wait3A_134 = tpu.memref_slice %arg17[%add3A_19, %dma_wait3A] : memref<10240x64xf32, #tpu.memory_space<vmem_shared>> -> memref<32x64xf32, #tpu.memory_space<vmem_shared>>
      %dma_wait3A_135 = arith.constant 0 : i32
      %dma_wait3A_136 = tpu.memref_slice %arg17[%add3A_19, %dma_wait3A_135] : memref<10240x64xf32, #tpu.memory_space<vmem_shared>> -> memref<32x64xf32, #tpu.memory_space<vmem_shared>>
      tpu.wait_dma2 semaphore(%run_scoped3A : memref<!tpu.dma_semaphore, #tpu.memory_space<semaphore_mem>>) src(%arg13 : memref<32x64xf32, #tpu.memory_space<vmem>>) dst(%dma_wait3A_136 : memref<32x64xf32, #tpu.memory_space<vmem_shared>>)
      tpu.yield
    }) : () -> ()
    %add3A_20 = arith.constant 32 : i32
    %add3A_21 = arith.addi %add3A_17, %add3A_20 : i32
    "tpu.region"() ({
      %run_scoped3A = tpu.sem_alloc : memref<!tpu.dma_semaphore, #tpu.memory_space<semaphore_mem>>
      %dma_start3A = arith.constant 0 : i32
      %dma_start3A_131 = tpu.memref_slice %arg17[%add3A_21, %dma_start3A] : memref<10240x64xf32, #tpu.memory_space<vmem_shared>> -> memref<32x64xf32, #tpu.memory_space<vmem_shared>>
      %dma_start3A_132 = arith.constant 0 : i32
      %dma_start3A_133 = tpu.memref_slice %arg17[%add3A_21, %dma_start3A_132] : memref<10240x64xf32, #tpu.memory_space<vmem_shared>> -> memref<32x64xf32, #tpu.memory_space<vmem_shared>>
      tpu.enqueue_dma source(%arg13 : memref<32x64xf32, #tpu.memory_space<vmem>>) target(%dma_start3A_133 : memref<32x64xf32, #tpu.memory_space<vmem_shared>>) target_semaphore(%run_scoped3A : memref<!tpu.dma_semaphore, #tpu.memory_space<semaphore_mem>>)
      %dma_wait3A = arith.constant 0 : i32
      %dma_wait3A_134 = tpu.memref_slice %arg17[%add3A_21, %dma_wait3A] : memref<10240x64xf32, #tpu.memory_space<vmem_shared>> -> memref<32x64xf32, #tpu.memory_space<vmem_shared>>
      %dma_wait3A_135 = arith.constant 0 : i32
      %dma_wait3A_136 = tpu.memref_slice %arg17[%add3A_21, %dma_wait3A_135] : memref<10240x64xf32, #tpu.memory_space<vmem_shared>> -> memref<32x64xf32, #tpu.memory_space<vmem_shared>>
      tpu.wait_dma2 semaphore(%run_scoped3A : memref<!tpu.dma_semaphore, #tpu.memory_space<semaphore_mem>>) src(%arg13 : memref<32x64xf32, #tpu.memory_space<vmem>>) dst(%dma_wait3A_136 : memref<32x64xf32, #tpu.memory_space<vmem_shared>>)
      tpu.yield
    }) : () -> ()
    %add3A_22 = arith.constant 64 : i32
    %add3A_23 = arith.addi %mul3A_0, %add3A_22 : i32
    %add3A_24 = arith.constant 0 : i32
    %add3A_25 = arith.addi %add3A_23, %add3A_24 : i32
    "tpu.region"() ({
      %run_scoped3A = tpu.sem_alloc : memref<!tpu.dma_semaphore, #tpu.memory_space<semaphore_mem>>
      %dma_start3A = arith.constant 0 : i32
      %dma_start3A_131 = tpu.memref_slice %arg17[%add3A_25, %dma_start3A] : memref<10240x64xf32, #tpu.memory_space<vmem_shared>> -> memref<32x64xf32, #tpu.memory_space<vmem_shared>>
      %dma_start3A_132 = arith.constant 0 : i32
      %dma_start3A_133 = tpu.memref_slice %arg17[%add3A_25, %dma_start3A_132] : memref<10240x64xf32, #tpu.memory_space<vmem_shared>> -> memref<32x64xf32, #tpu.memory_space<vmem_shared>>
      tpu.enqueue_dma source(%arg13 : memref<32x64xf32, #tpu.memory_space<vmem>>) target(%dma_start3A_133 : memref<32x64xf32, #tpu.memory_space<vmem_shared>>) target_semaphore(%run_scoped3A : memref<!tpu.dma_semaphore, #tpu.memory_space<semaphore_mem>>)
      %dma_wait3A = arith.constant 0 : i32
      %dma_wait3A_134 = tpu.memref_slice %arg17[%add3A_25, %dma_wait3A] : memref<10240x64xf32, #tpu.memory_space<vmem_shared>> -> memref<32x64xf32, #tpu.memory_space<vmem_shared>>
      %dma_wait3A_135 = arith.constant 0 : i32
      %dma_wait3A_136 = tpu.memref_slice %arg17[%add3A_25, %dma_wait3A_135] : memref<10240x64xf32, #tpu.memory_space<vmem_shared>> -> memref<32x64xf32, #tpu.memory_space<vmem_shared>>
      tpu.wait_dma2 semaphore(%run_scoped3A : memref<!tpu.dma_semaphore, #tpu.memory_space<semaphore_mem>>) src(%arg13 : memref<32x64xf32, #tpu.memory_space<vmem>>) dst(%dma_wait3A_136 : memref<32x64xf32, #tpu.memory_space<vmem_shared>>)
      tpu.yield
    }) : () -> ()
    %add3A_26 = arith.constant 32 : i32
    %add3A_27 = arith.addi %add3A_23, %add3A_26 : i32
    "tpu.region"() ({
      %run_scoped3A = tpu.sem_alloc : memref<!tpu.dma_semaphore, #tpu.memory_space<semaphore_mem>>
      %dma_start3A = arith.constant 0 : i32
      %dma_start3A_131 = tpu.memref_slice %arg17[%add3A_27, %dma_start3A] : memref<10240x64xf32, #tpu.memory_space<vmem_shared>> -> memref<32x64xf32, #tpu.memory_space<vmem_shared>>
      %dma_start3A_132 = arith.constant 0 : i32
      %dma_start3A_133 = tpu.memref_slice %arg17[%add3A_27, %dma_start3A_132] : memref<10240x64xf32, #tpu.memory_space<vmem_shared>> -> memref<32x64xf32, #tpu.memory_space<vmem_shared>>
      tpu.enqueue_dma source(%arg13 : memref<32x64xf32, #tpu.memory_space<vmem>>) target(%dma_start3A_133 : memref<32x64xf32, #tpu.memory_space<vmem_shared>>) target_semaphore(%run_scoped3A : memref<!tpu.dma_semaphore, #tpu.memory_space<semaphore_mem>>)
      %dma_wait3A = arith.constant 0 : i32
      %dma_wait3A_134 = tpu.memref_slice %arg17[%add3A_27, %dma_wait3A] : memref<10240x64xf32, #tpu.memory_space<vmem_shared>> -> memref<32x64xf32, #tpu.memory_space<vmem_shared>>
      %dma_wait3A_135 = arith.constant 0 : i32
      %dma_wait3A_136 = tpu.memref_slice %arg17[%add3A_27, %dma_wait3A_135] : memref<10240x64xf32, #tpu.memory_space<vmem_shared>> -> memref<32x64xf32, #tpu.memory_space<vmem_shared>>
      tpu.wait_dma2 semaphore(%run_scoped3A : memref<!tpu.dma_semaphore, #tpu.memory_space<semaphore_mem>>) src(%arg13 : memref<32x64xf32, #tpu.memory_space<vmem>>) dst(%dma_wait3A_136 : memref<32x64xf32, #tpu.memory_space<vmem_shared>>)
      tpu.yield
    }) : () -> ()
    %add3A_28 = arith.constant 128 : i32
    %add3A_29 = arith.addi %mul3A_0, %add3A_28 : i32
    %add3A_30 = arith.constant 0 : i32
    %add3A_31 = arith.addi %add3A_29, %add3A_30 : i32
    "tpu.region"() ({
      %run_scoped3A = tpu.sem_alloc : memref<!tpu.dma_semaphore, #tpu.memory_space<semaphore_mem>>
      %dma_start3A = arith.constant 0 : i32
      %dma_start3A_131 = tpu.memref_slice %arg17[%add3A_31, %dma_start3A] : memref<10240x64xf32, #tpu.memory_space<vmem_shared>> -> memref<32x64xf32, #tpu.memory_space<vmem_shared>>
      %dma_start3A_132 = arith.constant 0 : i32
      %dma_start3A_133 = tpu.memref_slice %arg17[%add3A_31, %dma_start3A_132] : memref<10240x64xf32, #tpu.memory_space<vmem_shared>> -> memref<32x64xf32, #tpu.memory_space<vmem_shared>>
      tpu.enqueue_dma source(%arg13 : memref<32x64xf32, #tpu.memory_space<vmem>>) target(%dma_start3A_133 : memref<32x64xf32, #tpu.memory_space<vmem_shared>>) target_semaphore(%run_scoped3A : memref<!tpu.dma_semaphore, #tpu.memory_space<semaphore_mem>>)
      %dma_wait3A = arith.constant 0 : i32
      %dma_wait3A_134 = tpu.memref_slice %arg17[%add3A_31, %dma_wait3A] : memref<10240x64xf32, #tpu.memory_space<vmem_shared>> -> memref<32x64xf32, #tpu.memory_space<vmem_shared>>
      %dma_wait3A_135 = arith.constant 0 : i32
      %dma_wait3A_136 = tpu.memref_slice %arg17[%add3A_31, %dma_wait3A_135] : memref<10240x64xf32, #tpu.memory_space<vmem_shared>> -> memref<32x64xf32, #tpu.memory_space<vmem_shared>>
      tpu.wait_dma2 semaphore(%run_scoped3A : memref<!tpu.dma_semaphore, #tpu.memory_space<semaphore_mem>>) src(%arg13 : memref<32x64xf32, #tpu.memory_space<vmem>>) dst(%dma_wait3A_136 : memref<32x64xf32, #tpu.memory_space<vmem_shared>>)
      tpu.yield
    }) : () -> ()
    %add3A_32 = arith.constant 32 : i32
    %add3A_33 = arith.addi %add3A_29, %add3A_32 : i32
    "tpu.region"() ({
      %run_scoped3A = tpu.sem_alloc : memref<!tpu.dma_semaphore, #tpu.memory_space<semaphore_mem>>
      %dma_start3A = arith.constant 0 : i32
      %dma_start3A_131 = tpu.memref_slice %arg17[%add3A_33, %dma_start3A] : memref<10240x64xf32, #tpu.memory_space<vmem_shared>> -> memref<32x64xf32, #tpu.memory_space<vmem_shared>>
      %dma_start3A_132 = arith.constant 0 : i32
      %dma_start3A_133 = tpu.memref_slice %arg17[%add3A_33, %dma_start3A_132] : memref<10240x64xf32, #tpu.memory_space<vmem_shared>> -> memref<32x64xf32, #tpu.memory_space<vmem_shared>>
      tpu.enqueue_dma source(%arg13 : memref<32x64xf32, #tpu.memory_space<vmem>>) target(%dma_start3A_133 : memref<32x64xf32, #tpu.memory_space<vmem_shared>>) target_semaphore(%run_scoped3A : memref<!tpu.dma_semaphore, #tpu.memory_space<semaphore_mem>>)
      %dma_wait3A = arith.constant 0 : i32
      %dma_wait3A_134 = tpu.memref_slice %arg17[%add3A_33, %dma_wait3A] : memref<10240x64xf32, #tpu.memory_space<vmem_shared>> -> memref<32x64xf32, #tpu.memory_space<vmem_shared>>
      %dma_wait3A_135 = arith.constant 0 : i32
      %dma_wait3A_136 = tpu.memref_slice %arg17[%add3A_33, %dma_wait3A_135] : memref<10240x64xf32, #tpu.memory_space<vmem_shared>> -> memref<32x64xf32, #tpu.memory_space<vmem_shared>>
      tpu.wait_dma2 semaphore(%run_scoped3A : memref<!tpu.dma_semaphore, #tpu.memory_space<semaphore_mem>>) src(%arg13 : memref<32x64xf32, #tpu.memory_space<vmem>>) dst(%dma_wait3A_136 : memref<32x64xf32, #tpu.memory_space<vmem_shared>>)
      tpu.yield
    }) : () -> ()
    %add3A_34 = arith.constant 192 : i32
    %add3A_35 = arith.addi %mul3A_0, %add3A_34 : i32
    %add3A_36 = arith.constant 0 : i32
    %add3A_37 = arith.addi %add3A_35, %add3A_36 : i32
    "tpu.region"() ({
      %run_scoped3A = tpu.sem_alloc : memref<!tpu.dma_semaphore, #tpu.memory_space<semaphore_mem>>
      %dma_start3A = arith.constant 0 : i32
      %dma_start3A_131 = tpu.memref_slice %arg17[%add3A_37, %dma_start3A] : memref<10240x64xf32, #tpu.memory_space<vmem_shared>> -> memref<32x64xf32, #tpu.memory_space<vmem_shared>>
      %dma_start3A_132 = arith.constant 0 : i32
      %dma_start3A_133 = tpu.memref_slice %arg17[%add3A_37, %dma_start3A_132] : memref<10240x64xf32, #tpu.memory_space<vmem_shared>> -> memref<32x64xf32, #tpu.memory_space<vmem_shared>>
      tpu.enqueue_dma source(%arg13 : memref<32x64xf32, #tpu.memory_space<vmem>>) target(%dma_start3A_133 : memref<32x64xf32, #tpu.memory_space<vmem_shared>>) target_semaphore(%run_scoped3A : memref<!tpu.dma_semaphore, #tpu.memory_space<semaphore_mem>>)
      %dma_wait3A = arith.constant 0 : i32
      %dma_wait3A_134 = tpu.memref_slice %arg17[%add3A_37, %dma_wait3A] : memref<10240x64xf32, #tpu.memory_space<vmem_shared>> -> memref<32x64xf32, #tpu.memory_space<vmem_shared>>
      %dma_wait3A_135 = arith.constant 0 : i32
      %dma_wait3A_136 = tpu.memref_slice %arg17[%add3A_37, %dma_wait3A_135] : memref<10240x64xf32, #tpu.memory_space<vmem_shared>> -> memref<32x64xf32, #tpu.memory_space<vmem_shared>>
      tpu.wait_dma2 semaphore(%run_scoped3A : memref<!tpu.dma_semaphore, #tpu.memory_space<semaphore_mem>>) src(%arg13 : memref<32x64xf32, #tpu.memory_space<vmem>>) dst(%dma_wait3A_136 : memref<32x64xf32, #tpu.memory_space<vmem_shared>>)
      tpu.yield
    }) : () -> ()
    %add3A_38 = arith.constant 32 : i32
    %add3A_39 = arith.addi %add3A_35, %add3A_38 : i32
    "tpu.region"() ({
      %run_scoped3A = tpu.sem_alloc : memref<!tpu.dma_semaphore, #tpu.memory_space<semaphore_mem>>
      %dma_start3A = arith.constant 0 : i32
      %dma_start3A_131 = tpu.memref_slice %arg17[%add3A_39, %dma_start3A] : memref<10240x64xf32, #tpu.memory_space<vmem_shared>> -> memref<32x64xf32, #tpu.memory_space<vmem_shared>>
      %dma_start3A_132 = arith.constant 0 : i32
      %dma_start3A_133 = tpu.memref_slice %arg17[%add3A_39, %dma_start3A_132] : memref<10240x64xf32, #tpu.memory_space<vmem_shared>> -> memref<32x64xf32, #tpu.memory_space<vmem_shared>>
      tpu.enqueue_dma source(%arg13 : memref<32x64xf32, #tpu.memory_space<vmem>>) target(%dma_start3A_133 : memref<32x64xf32, #tpu.memory_space<vmem_shared>>) target_semaphore(%run_scoped3A : memref<!tpu.dma_semaphore, #tpu.memory_space<semaphore_mem>>)
      %dma_wait3A = arith.constant 0 : i32
      %dma_wait3A_134 = tpu.memref_slice %arg17[%add3A_39, %dma_wait3A] : memref<10240x64xf32, #tpu.memory_space<vmem_shared>> -> memref<32x64xf32, #tpu.memory_space<vmem_shared>>
      %dma_wait3A_135 = arith.constant 0 : i32
      %dma_wait3A_136 = tpu.memref_slice %arg17[%add3A_39, %dma_wait3A_135] : memref<10240x64xf32, #tpu.memory_space<vmem_shared>> -> memref<32x64xf32, #tpu.memory_space<vmem_shared>>
      tpu.wait_dma2 semaphore(%run_scoped3A : memref<!tpu.dma_semaphore, #tpu.memory_space<semaphore_mem>>) src(%arg13 : memref<32x64xf32, #tpu.memory_space<vmem>>) dst(%dma_wait3A_136 : memref<32x64xf32, #tpu.memory_space<vmem_shared>>)
      tpu.yield
    }) : () -> ()
    %add3A_40 = arith.constant 256 : i32
    %add3A_41 = arith.addi %mul3A_0, %add3A_40 : i32
    %add3A_42 = arith.constant 0 : i32
    %add3A_43 = arith.addi %add3A_41, %add3A_42 : i32
    "tpu.region"() ({
      %run_scoped3A = tpu.sem_alloc : memref<!tpu.dma_semaphore, #tpu.memory_space<semaphore_mem>>
      %dma_start3A = arith.constant 0 : i32
      %dma_start3A_131 = tpu.memref_slice %arg17[%add3A_43, %dma_start3A] : memref<10240x64xf32, #tpu.memory_space<vmem_shared>> -> memref<32x64xf32, #tpu.memory_space<vmem_shared>>
      %dma_start3A_132 = arith.constant 0 : i32
      %dma_start3A_133 = tpu.memref_slice %arg17[%add3A_43, %dma_start3A_132] : memref<10240x64xf32, #tpu.memory_space<vmem_shared>> -> memref<32x64xf32, #tpu.memory_space<vmem_shared>>
      tpu.enqueue_dma source(%arg13 : memref<32x64xf32, #tpu.memory_space<vmem>>) target(%dma_start3A_133 : memref<32x64xf32, #tpu.memory_space<vmem_shared>>) target_semaphore(%run_scoped3A : memref<!tpu.dma_semaphore, #tpu.memory_space<semaphore_mem>>)
      %dma_wait3A = arith.constant 0 : i32
      %dma_wait3A_134 = tpu.memref_slice %arg17[%add3A_43, %dma_wait3A] : memref<10240x64xf32, #tpu.memory_space<vmem_shared>> -> memref<32x64xf32, #tpu.memory_space<vmem_shared>>
      %dma_wait3A_135 = arith.constant 0 : i32
      %dma_wait3A_136 = tpu.memref_slice %arg17[%add3A_43, %dma_wait3A_135] : memref<10240x64xf32, #tpu.memory_space<vmem_shared>> -> memref<32x64xf32, #tpu.memory_space<vmem_shared>>
      tpu.wait_dma2 semaphore(%run_scoped3A : memref<!tpu.dma_semaphore, #tpu.memory_space<semaphore_mem>>) src(%arg13 : memref<32x64xf32, #tpu.memory_space<vmem>>) dst(%dma_wait3A_136 : memref<32x64xf32, #tpu.memory_space<vmem_shared>>)
      tpu.yield
    }) : () -> ()
    %add3A_44 = arith.constant 32 : i32
    %add3A_45 = arith.addi %add3A_41, %add3A_44 : i32
    "tpu.region"() ({
      %run_scoped3A = tpu.sem_alloc : memref<!tpu.dma_semaphore, #tpu.memory_space<semaphore_mem>>
      %dma_start3A = arith.constant 0 : i32
      %dma_start3A_131 = tpu.memref_slice %arg17[%add3A_45, %dma_start3A] : memref<10240x64xf32, #tpu.memory_space<vmem_shared>> -> memref<32x64xf32, #tpu.memory_space<vmem_shared>>
      %dma_start3A_132 = arith.constant 0 : i32
      %dma_start3A_133 = tpu.memref_slice %arg17[%add3A_45, %dma_start3A_132] : memref<10240x64xf32, #tpu.memory_space<vmem_shared>> -> memref<32x64xf32, #tpu.memory_space<vmem_shared>>
      tpu.enqueue_dma source(%arg13 : memref<32x64xf32, #tpu.memory_space<vmem>>) target(%dma_start3A_133 : memref<32x64xf32, #tpu.memory_space<vmem_shared>>) target_semaphore(%run_scoped3A : memref<!tpu.dma_semaphore, #tpu.memory_space<semaphore_mem>>)
      %dma_wait3A = arith.constant 0 : i32
      %dma_wait3A_134 = tpu.memref_slice %arg17[%add3A_45, %dma_wait3A] : memref<10240x64xf32, #tpu.memory_space<vmem_shared>> -> memref<32x64xf32, #tpu.memory_space<vmem_shared>>
      %dma_wait3A_135 = arith.constant 0 : i32
      %dma_wait3A_136 = tpu.memref_slice %arg17[%add3A_45, %dma_wait3A_135] : memref<10240x64xf32, #tpu.memory_space<vmem_shared>> -> memref<32x64xf32, #tpu.memory_space<vmem_shared>>
      tpu.wait_dma2 semaphore(%run_scoped3A : memref<!tpu.dma_semaphore, #tpu.memory_space<semaphore_mem>>) src(%arg13 : memref<32x64xf32, #tpu.memory_space<vmem>>) dst(%dma_wait3A_136 : memref<32x64xf32, #tpu.memory_space<vmem_shared>>)
      tpu.yield
    }) : () -> ()
    %add3A_46 = arith.constant 320 : i32
    %add3A_47 = arith.addi %mul3A_0, %add3A_46 : i32
    %add3A_48 = arith.constant 0 : i32
    %add3A_49 = arith.addi %add3A_47, %add3A_48 : i32
    "tpu.region"() ({
      %run_scoped3A = tpu.sem_alloc : memref<!tpu.dma_semaphore, #tpu.memory_space<semaphore_mem>>
      %dma_start3A = arith.constant 0 : i32
      %dma_start3A_131 = tpu.memref_slice %arg17[%add3A_49, %dma_start3A] : memref<10240x64xf32, #tpu.memory_space<vmem_shared>> -> memref<32x64xf32, #tpu.memory_space<vmem_shared>>
      %dma_start3A_132 = arith.constant 0 : i32
      %dma_start3A_133 = tpu.memref_slice %arg17[%add3A_49, %dma_start3A_132] : memref<10240x64xf32, #tpu.memory_space<vmem_shared>> -> memref<32x64xf32, #tpu.memory_space<vmem_shared>>
      tpu.enqueue_dma source(%arg13 : memref<32x64xf32, #tpu.memory_space<vmem>>) target(%dma_start3A_133 : memref<32x64xf32, #tpu.memory_space<vmem_shared>>) target_semaphore(%run_scoped3A : memref<!tpu.dma_semaphore, #tpu.memory_space<semaphore_mem>>)
      %dma_wait3A = arith.constant 0 : i32
      %dma_wait3A_134 = tpu.memref_slice %arg17[%add3A_49, %dma_wait3A] : memref<10240x64xf32, #tpu.memory_space<vmem_shared>> -> memref<32x64xf32, #tpu.memory_space<vmem_shared>>
      %dma_wait3A_135 = arith.constant 0 : i32
      %dma_wait3A_136 = tpu.memref_slice %arg17[%add3A_49, %dma_wait3A_135] : memref<10240x64xf32, #tpu.memory_space<vmem_shared>> -> memref<32x64xf32, #tpu.memory_space<vmem_shared>>
      tpu.wait_dma2 semaphore(%run_scoped3A : memref<!tpu.dma_semaphore, #tpu.memory_space<semaphore_mem>>) src(%arg13 : memref<32x64xf32, #tpu.memory_space<vmem>>) dst(%dma_wait3A_136 : memref<32x64xf32, #tpu.memory_space<vmem_shared>>)
      tpu.yield
    }) : () -> ()
    %add3A_50 = arith.constant 32 : i32
    %add3A_51 = arith.addi %add3A_47, %add3A_50 : i32
    "tpu.region"() ({
      %run_scoped3A = tpu.sem_alloc : memref<!tpu.dma_semaphore, #tpu.memory_space<semaphore_mem>>
      %dma_start3A = arith.constant 0 : i32
      %dma_start3A_131 = tpu.memref_slice %arg17[%add3A_51, %dma_start3A] : memref<10240x64xf32, #tpu.memory_space<vmem_shared>> -> memref<32x64xf32, #tpu.memory_space<vmem_shared>>
      %dma_start3A_132 = arith.constant 0 : i32
      %dma_start3A_133 = tpu.memref_slice %arg17[%add3A_51, %dma_start3A_132] : memref<10240x64xf32, #tpu.memory_space<vmem_shared>> -> memref<32x64xf32, #tpu.memory_space<vmem_shared>>
      tpu.enqueue_dma source(%arg13 : memref<32x64xf32, #tpu.memory_space<vmem>>) target(%dma_start3A_133 : memref<32x64xf32, #tpu.memory_space<vmem_shared>>) target_semaphore(%run_scoped3A : memref<!tpu.dma_semaphore, #tpu.memory_space<semaphore_mem>>)
      %dma_wait3A = arith.constant 0 : i32
      %dma_wait3A_134 = tpu.memref_slice %arg17[%add3A_51, %dma_wait3A] : memref<10240x64xf32, #tpu.memory_space<vmem_shared>> -> memref<32x64xf32, #tpu.memory_space<vmem_shared>>
      %dma_wait3A_135 = arith.constant 0 : i32
      %dma_wait3A_136 = tpu.memref_slice %arg17[%add3A_51, %dma_wait3A_135] : memref<10240x64xf32, #tpu.memory_space<vmem_shared>> -> memref<32x64xf32, #tpu.memory_space<vmem_shared>>
      tpu.wait_dma2 semaphore(%run_scoped3A : memref<!tpu.dma_semaphore, #tpu.memory_space<semaphore_mem>>) src(%arg13 : memref<32x64xf32, #tpu.memory_space<vmem>>) dst(%dma_wait3A_136 : memref<32x64xf32, #tpu.memory_space<vmem_shared>>)
      tpu.yield
    }) : () -> ()
    %add3A_52 = arith.constant 384 : i32
    %add3A_53 = arith.addi %mul3A_0, %add3A_52 : i32
    %add3A_54 = arith.constant 0 : i32
    %add3A_55 = arith.addi %add3A_53, %add3A_54 : i32
    "tpu.region"() ({
      %run_scoped3A = tpu.sem_alloc : memref<!tpu.dma_semaphore, #tpu.memory_space<semaphore_mem>>
      %dma_start3A = arith.constant 0 : i32
      %dma_start3A_131 = tpu.memref_slice %arg17[%add3A_55, %dma_start3A] : memref<10240x64xf32, #tpu.memory_space<vmem_shared>> -> memref<32x64xf32, #tpu.memory_space<vmem_shared>>
      %dma_start3A_132 = arith.constant 0 : i32
      %dma_start3A_133 = tpu.memref_slice %arg17[%add3A_55, %dma_start3A_132] : memref<10240x64xf32, #tpu.memory_space<vmem_shared>> -> memref<32x64xf32, #tpu.memory_space<vmem_shared>>
      tpu.enqueue_dma source(%arg13 : memref<32x64xf32, #tpu.memory_space<vmem>>) target(%dma_start3A_133 : memref<32x64xf32, #tpu.memory_space<vmem_shared>>) target_semaphore(%run_scoped3A : memref<!tpu.dma_semaphore, #tpu.memory_space<semaphore_mem>>)
      %dma_wait3A = arith.constant 0 : i32
      %dma_wait3A_134 = tpu.memref_slice %arg17[%add3A_55, %dma_wait3A] : memref<10240x64xf32, #tpu.memory_space<vmem_shared>> -> memref<32x64xf32, #tpu.memory_space<vmem_shared>>
      %dma_wait3A_135 = arith.constant 0 : i32
      %dma_wait3A_136 = tpu.memref_slice %arg17[%add3A_55, %dma_wait3A_135] : memref<10240x64xf32, #tpu.memory_space<vmem_shared>> -> memref<32x64xf32, #tpu.memory_space<vmem_shared>>
      tpu.wait_dma2 semaphore(%run_scoped3A : memref<!tpu.dma_semaphore, #tpu.memory_space<semaphore_mem>>) src(%arg13 : memref<32x64xf32, #tpu.memory_space<vmem>>) dst(%dma_wait3A_136 : memref<32x64xf32, #tpu.memory_space<vmem_shared>>)
      tpu.yield
    }) : () -> ()
    %add3A_56 = arith.constant 32 : i32
    %add3A_57 = arith.addi %add3A_53, %add3A_56 : i32
    "tpu.region"() ({
      %run_scoped3A = tpu.sem_alloc : memref<!tpu.dma_semaphore, #tpu.memory_space<semaphore_mem>>
      %dma_start3A = arith.constant 0 : i32
      %dma_start3A_131 = tpu.memref_slice %arg17[%add3A_57, %dma_start3A] : memref<10240x64xf32, #tpu.memory_space<vmem_shared>> -> memref<32x64xf32, #tpu.memory_space<vmem_shared>>
      %dma_start3A_132 = arith.constant 0 : i32
      %dma_start3A_133 = tpu.memref_slice %arg17[%add3A_57, %dma_start3A_132] : memref<10240x64xf32, #tpu.memory_space<vmem_shared>> -> memref<32x64xf32, #tpu.memory_space<vmem_shared>>
      tpu.enqueue_dma source(%arg13 : memref<32x64xf32, #tpu.memory_space<vmem>>) target(%dma_start3A_133 : memref<32x64xf32, #tpu.memory_space<vmem_shared>>) target_semaphore(%run_scoped3A : memref<!tpu.dma_semaphore, #tpu.memory_space<semaphore_mem>>)
      %dma_wait3A = arith.constant 0 : i32
      %dma_wait3A_134 = tpu.memref_slice %arg17[%add3A_57, %dma_wait3A] : memref<10240x64xf32, #tpu.memory_space<vmem_shared>> -> memref<32x64xf32, #tpu.memory_space<vmem_shared>>
      %dma_wait3A_135 = arith.constant 0 : i32
      %dma_wait3A_136 = tpu.memref_slice %arg17[%add3A_57, %dma_wait3A_135] : memref<10240x64xf32, #tpu.memory_space<vmem_shared>> -> memref<32x64xf32, #tpu.memory_space<vmem_shared>>
      tpu.wait_dma2 semaphore(%run_scoped3A : memref<!tpu.dma_semaphore, #tpu.memory_space<semaphore_mem>>) src(%arg13 : memref<32x64xf32, #tpu.memory_space<vmem>>) dst(%dma_wait3A_136 : memref<32x64xf32, #tpu.memory_space<vmem_shared>>)
      tpu.yield
    }) : () -> ()
    %add3A_58 = arith.constant 448 : i32
    %add3A_59 = arith.addi %mul3A_0, %add3A_58 : i32
    %add3A_60 = arith.constant 0 : i32
    %add3A_61 = arith.addi %add3A_59, %add3A_60 : i32
    "tpu.region"() ({
      %run_scoped3A = tpu.sem_alloc : memref<!tpu.dma_semaphore, #tpu.memory_space<semaphore_mem>>
      %dma_start3A = arith.constant 0 : i32
      %dma_start3A_131 = tpu.memref_slice %arg17[%add3A_61, %dma_start3A] : memref<10240x64xf32, #tpu.memory_space<vmem_shared>> -> memref<32x64xf32, #tpu.memory_space<vmem_shared>>
      %dma_start3A_132 = arith.constant 0 : i32
      %dma_start3A_133 = tpu.memref_slice %arg17[%add3A_61, %dma_start3A_132] : memref<10240x64xf32, #tpu.memory_space<vmem_shared>> -> memref<32x64xf32, #tpu.memory_space<vmem_shared>>
      tpu.enqueue_dma source(%arg13 : memref<32x64xf32, #tpu.memory_space<vmem>>) target(%dma_start3A_133 : memref<32x64xf32, #tpu.memory_space<vmem_shared>>) target_semaphore(%run_scoped3A : memref<!tpu.dma_semaphore, #tpu.memory_space<semaphore_mem>>)
      %dma_wait3A = arith.constant 0 : i32
      %dma_wait3A_134 = tpu.memref_slice %arg17[%add3A_61, %dma_wait3A] : memref<10240x64xf32, #tpu.memory_space<vmem_shared>> -> memref<32x64xf32, #tpu.memory_space<vmem_shared>>
      %dma_wait3A_135 = arith.constant 0 : i32
      %dma_wait3A_136 = tpu.memref_slice %arg17[%add3A_61, %dma_wait3A_135] : memref<10240x64xf32, #tpu.memory_space<vmem_shared>> -> memref<32x64xf32, #tpu.memory_space<vmem_shared>>
      tpu.wait_dma2 semaphore(%run_scoped3A : memref<!tpu.dma_semaphore, #tpu.memory_space<semaphore_mem>>) src(%arg13 : memref<32x64xf32, #tpu.memory_space<vmem>>) dst(%dma_wait3A_136 : memref<32x64xf32, #tpu.memory_space<vmem_shared>>)
      tpu.yield
    }) : () -> ()
    %add3A_62 = arith.constant 32 : i32
    %add3A_63 = arith.addi %add3A_59, %add3A_62 : i32
    "tpu.region"() ({
      %run_scoped3A = tpu.sem_alloc : memref<!tpu.dma_semaphore, #tpu.memory_space<semaphore_mem>>
      %dma_start3A = arith.constant 0 : i32
      %dma_start3A_131 = tpu.memref_slice %arg17[%add3A_63, %dma_start3A] : memref<10240x64xf32, #tpu.memory_space<vmem_shared>> -> memref<32x64xf32, #tpu.memory_space<vmem_shared>>
      %dma_start3A_132 = arith.constant 0 : i32
      %dma_start3A_133 = tpu.memref_slice %arg17[%add3A_63, %dma_start3A_132] : memref<10240x64xf32, #tpu.memory_space<vmem_shared>> -> memref<32x64xf32, #tpu.memory_space<vmem_shared>>
      tpu.enqueue_dma source(%arg13 : memref<32x64xf32, #tpu.memory_space<vmem>>) target(%dma_start3A_133 : memref<32x64xf32, #tpu.memory_space<vmem_shared>>) target_semaphore(%run_scoped3A : memref<!tpu.dma_semaphore, #tpu.memory_space<semaphore_mem>>)
      %dma_wait3A = arith.constant 0 : i32
      %dma_wait3A_134 = tpu.memref_slice %arg17[%add3A_63, %dma_wait3A] : memref<10240x64xf32, #tpu.memory_space<vmem_shared>> -> memref<32x64xf32, #tpu.memory_space<vmem_shared>>
      %dma_wait3A_135 = arith.constant 0 : i32
      %dma_wait3A_136 = tpu.memref_slice %arg17[%add3A_63, %dma_wait3A_135] : memref<10240x64xf32, #tpu.memory_space<vmem_shared>> -> memref<32x64xf32, #tpu.memory_space<vmem_shared>>
      tpu.wait_dma2 semaphore(%run_scoped3A : memref<!tpu.dma_semaphore, #tpu.memory_space<semaphore_mem>>) src(%arg13 : memref<32x64xf32, #tpu.memory_space<vmem>>) dst(%dma_wait3A_136 : memref<32x64xf32, #tpu.memory_space<vmem_shared>>)
      tpu.yield
    }) : () -> ()
    %add3A_64 = arith.constant 512 : i32
    %add3A_65 = arith.addi %mul3A_0, %add3A_64 : i32
    %add3A_66 = arith.constant 0 : i32
    %add3A_67 = arith.addi %add3A_65, %add3A_66 : i32
    "tpu.region"() ({
      %run_scoped3A = tpu.sem_alloc : memref<!tpu.dma_semaphore, #tpu.memory_space<semaphore_mem>>
      %dma_start3A = arith.constant 0 : i32
      %dma_start3A_131 = tpu.memref_slice %arg17[%add3A_67, %dma_start3A] : memref<10240x64xf32, #tpu.memory_space<vmem_shared>> -> memref<32x64xf32, #tpu.memory_space<vmem_shared>>
      %dma_start3A_132 = arith.constant 0 : i32
      %dma_start3A_133 = tpu.memref_slice %arg17[%add3A_67, %dma_start3A_132] : memref<10240x64xf32, #tpu.memory_space<vmem_shared>> -> memref<32x64xf32, #tpu.memory_space<vmem_shared>>
      tpu.enqueue_dma source(%arg13 : memref<32x64xf32, #tpu.memory_space<vmem>>) target(%dma_start3A_133 : memref<32x64xf32, #tpu.memory_space<vmem_shared>>) target_semaphore(%run_scoped3A : memref<!tpu.dma_semaphore, #tpu.memory_space<semaphore_mem>>)
      %dma_wait3A = arith.constant 0 : i32
      %dma_wait3A_134 = tpu.memref_slice %arg17[%add3A_67, %dma_wait3A] : memref<10240x64xf32, #tpu.memory_space<vmem_shared>> -> memref<32x64xf32, #tpu.memory_space<vmem_shared>>
      %dma_wait3A_135 = arith.constant 0 : i32
      %dma_wait3A_136 = tpu.memref_slice %arg17[%add3A_67, %dma_wait3A_135] : memref<10240x64xf32, #tpu.memory_space<vmem_shared>> -> memref<32x64xf32, #tpu.memory_space<vmem_shared>>
      tpu.wait_dma2 semaphore(%run_scoped3A : memref<!tpu.dma_semaphore, #tpu.memory_space<semaphore_mem>>) src(%arg13 : memref<32x64xf32, #tpu.memory_space<vmem>>) dst(%dma_wait3A_136 : memref<32x64xf32, #tpu.memory_space<vmem_shared>>)
      tpu.yield
    }) : () -> ()
    %add3A_68 = arith.constant 32 : i32
    %add3A_69 = arith.addi %add3A_65, %add3A_68 : i32
    "tpu.region"() ({
      %run_scoped3A = tpu.sem_alloc : memref<!tpu.dma_semaphore, #tpu.memory_space<semaphore_mem>>
      %dma_start3A = arith.constant 0 : i32
      %dma_start3A_131 = tpu.memref_slice %arg17[%add3A_69, %dma_start3A] : memref<10240x64xf32, #tpu.memory_space<vmem_shared>> -> memref<32x64xf32, #tpu.memory_space<vmem_shared>>
      %dma_start3A_132 = arith.constant 0 : i32
      %dma_start3A_133 = tpu.memref_slice %arg17[%add3A_69, %dma_start3A_132] : memref<10240x64xf32, #tpu.memory_space<vmem_shared>> -> memref<32x64xf32, #tpu.memory_space<vmem_shared>>
      tpu.enqueue_dma source(%arg13 : memref<32x64xf32, #tpu.memory_space<vmem>>) target(%dma_start3A_133 : memref<32x64xf32, #tpu.memory_space<vmem_shared>>) target_semaphore(%run_scoped3A : memref<!tpu.dma_semaphore, #tpu.memory_space<semaphore_mem>>)
      %dma_wait3A = arith.constant 0 : i32
      %dma_wait3A_134 = tpu.memref_slice %arg17[%add3A_69, %dma_wait3A] : memref<10240x64xf32, #tpu.memory_space<vmem_shared>> -> memref<32x64xf32, #tpu.memory_space<vmem_shared>>
      %dma_wait3A_135 = arith.constant 0 : i32
      %dma_wait3A_136 = tpu.memref_slice %arg17[%add3A_69, %dma_wait3A_135] : memref<10240x64xf32, #tpu.memory_space<vmem_shared>> -> memref<32x64xf32, #tpu.memory_space<vmem_shared>>
      tpu.wait_dma2 semaphore(%run_scoped3A : memref<!tpu.dma_semaphore, #tpu.memory_space<semaphore_mem>>) src(%arg13 : memref<32x64xf32, #tpu.memory_space<vmem>>) dst(%dma_wait3A_136 : memref<32x64xf32, #tpu.memory_space<vmem_shared>>)
      tpu.yield
    }) : () -> ()
    %add3A_70 = arith.constant 576 : i32
    %add3A_71 = arith.addi %mul3A_0, %add3A_70 : i32
    %add3A_72 = arith.constant 0 : i32
    %add3A_73 = arith.addi %add3A_71, %add3A_72 : i32
    "tpu.region"() ({
      %run_scoped3A = tpu.sem_alloc : memref<!tpu.dma_semaphore, #tpu.memory_space<semaphore_mem>>
      %dma_start3A = arith.constant 0 : i32
      %dma_start3A_131 = tpu.memref_slice %arg17[%add3A_73, %dma_start3A] : memref<10240x64xf32, #tpu.memory_space<vmem_shared>> -> memref<32x64xf32, #tpu.memory_space<vmem_shared>>
      %dma_start3A_132 = arith.constant 0 : i32
      %dma_start3A_133 = tpu.memref_slice %arg17[%add3A_73, %dma_start3A_132] : memref<10240x64xf32, #tpu.memory_space<vmem_shared>> -> memref<32x64xf32, #tpu.memory_space<vmem_shared>>
      tpu.enqueue_dma source(%arg13 : memref<32x64xf32, #tpu.memory_space<vmem>>) target(%dma_start3A_133 : memref<32x64xf32, #tpu.memory_space<vmem_shared>>) target_semaphore(%run_scoped3A : memref<!tpu.dma_semaphore, #tpu.memory_space<semaphore_mem>>)
      %dma_wait3A = arith.constant 0 : i32
      %dma_wait3A_134 = tpu.memref_slice %arg17[%add3A_73, %dma_wait3A] : memref<10240x64xf32, #tpu.memory_space<vmem_shared>> -> memref<32x64xf32, #tpu.memory_space<vmem_shared>>
      %dma_wait3A_135 = arith.constant 0 : i32
      %dma_wait3A_136 = tpu.memref_slice %arg17[%add3A_73, %dma_wait3A_135] : memref<10240x64xf32, #tpu.memory_space<vmem_shared>> -> memref<32x64xf32, #tpu.memory_space<vmem_shared>>
      tpu.wait_dma2 semaphore(%run_scoped3A : memref<!tpu.dma_semaphore, #tpu.memory_space<semaphore_mem>>) src(%arg13 : memref<32x64xf32, #tpu.memory_space<vmem>>) dst(%dma_wait3A_136 : memref<32x64xf32, #tpu.memory_space<vmem_shared>>)
      tpu.yield
    }) : () -> ()
    %add3A_74 = arith.constant 32 : i32
    %add3A_75 = arith.addi %add3A_71, %add3A_74 : i32
    "tpu.region"() ({
      %run_scoped3A = tpu.sem_alloc : memref<!tpu.dma_semaphore, #tpu.memory_space<semaphore_mem>>
      %dma_start3A = arith.constant 0 : i32
      %dma_start3A_131 = tpu.memref_slice %arg17[%add3A_75, %dma_start3A] : memref<10240x64xf32, #tpu.memory_space<vmem_shared>> -> memref<32x64xf32, #tpu.memory_space<vmem_shared>>
      %dma_start3A_132 = arith.constant 0 : i32
      %dma_start3A_133 = tpu.memref_slice %arg17[%add3A_75, %dma_start3A_132] : memref<10240x64xf32, #tpu.memory_space<vmem_shared>> -> memref<32x64xf32, #tpu.memory_space<vmem_shared>>
      tpu.enqueue_dma source(%arg13 : memref<32x64xf32, #tpu.memory_space<vmem>>) target(%dma_start3A_133 : memref<32x64xf32, #tpu.memory_space<vmem_shared>>) target_semaphore(%run_scoped3A : memref<!tpu.dma_semaphore, #tpu.memory_space<semaphore_mem>>)
      %dma_wait3A = arith.constant 0 : i32
      %dma_wait3A_134 = tpu.memref_slice %arg17[%add3A_75, %dma_wait3A] : memref<10240x64xf32, #tpu.memory_space<vmem_shared>> -> memref<32x64xf32, #tpu.memory_space<vmem_shared>>
      %dma_wait3A_135 = arith.constant 0 : i32
      %dma_wait3A_136 = tpu.memref_slice %arg17[%add3A_75, %dma_wait3A_135] : memref<10240x64xf32, #tpu.memory_space<vmem_shared>> -> memref<32x64xf32, #tpu.memory_space<vmem_shared>>
      tpu.wait_dma2 semaphore(%run_scoped3A : memref<!tpu.dma_semaphore, #tpu.memory_space<semaphore_mem>>) src(%arg13 : memref<32x64xf32, #tpu.memory_space<vmem>>) dst(%dma_wait3A_136 : memref<32x64xf32, #tpu.memory_space<vmem_shared>>)
      tpu.yield
    }) : () -> ()
    %mul3A_76 = arith.constant 80 : i32
    %mul3A_77 = arith.muli %arg1, %mul3A_76 : i32
    "tpu.region"() ({
      %run_scoped3A = tpu.sem_alloc : memref<!tpu.dma_semaphore, #tpu.memory_space<semaphore_mem>>
      %dma_start3A = arith.constant 0 : i32
      %dma_start3A_131 = tpu.memref_slice %arg3[%mul3A_77, %dma_start3A] : memref<1280x128xi32, #tpu.memory_space<hbm>> -> memref<80x128xi32, #tpu.memory_space<hbm>>
      %dma_start3A_132 = arith.constant 0 : i32
      %dma_start3A_133 = tpu.memref_slice %arg3[%mul3A_77, %dma_start3A_132] : memref<1280x128xi32, #tpu.memory_space<hbm>> -> memref<80x128xi32, #tpu.memory_space<hbm>>
      tpu.enqueue_dma source(%dma_start3A_133 : memref<80x128xi32, #tpu.memory_space<hbm>>) target(%arg8 : memref<80x128xi32, #tpu.memory_space<vmem>>) target_semaphore(%run_scoped3A : memref<!tpu.dma_semaphore, #tpu.memory_space<semaphore_mem>>)
      %dma_wait3A = arith.constant 0 : i32
      %dma_wait3A_134 = tpu.memref_slice %arg3[%mul3A_77, %dma_wait3A] : memref<1280x128xi32, #tpu.memory_space<hbm>> -> memref<80x128xi32, #tpu.memory_space<hbm>>
      %dma_wait3A_135 = arith.constant 0 : i32
      %dma_wait3A_136 = tpu.memref_slice %arg3[%mul3A_77, %dma_wait3A_135] : memref<1280x128xi32, #tpu.memory_space<hbm>> -> memref<80x128xi32, #tpu.memory_space<hbm>>
      tpu.wait_dma2 semaphore(%run_scoped3A : memref<!tpu.dma_semaphore, #tpu.memory_space<semaphore_mem>>) src(%dma_wait3A_136 : memref<80x128xi32, #tpu.memory_space<hbm>>) dst(%arg8 : memref<80x128xi32, #tpu.memory_space<vmem>>)
      tpu.yield
    }) : () -> ()
    %mul3A_78 = arith.constant 80 : i32
    %mul3A_79 = arith.muli %arg1, %mul3A_78 : i32
    "tpu.region"() ({
      %run_scoped3A = tpu.sem_alloc : memref<!tpu.dma_semaphore, #tpu.memory_space<semaphore_mem>>
      %dma_start3A = arith.constant 0 : i32
      %dma_start3A_131 = tpu.memref_slice %arg4[%mul3A_79, %dma_start3A] : memref<1280x128xi32, #tpu.memory_space<hbm>> -> memref<80x128xi32, #tpu.memory_space<hbm>>
      %dma_start3A_132 = arith.constant 0 : i32
      %dma_start3A_133 = tpu.memref_slice %arg4[%mul3A_79, %dma_start3A_132] : memref<1280x128xi32, #tpu.memory_space<hbm>> -> memref<80x128xi32, #tpu.memory_space<hbm>>
      tpu.enqueue_dma source(%dma_start3A_133 : memref<80x128xi32, #tpu.memory_space<hbm>>) target(%arg9 : memref<80x128xi32, #tpu.memory_space<vmem>>) target_semaphore(%run_scoped3A : memref<!tpu.dma_semaphore, #tpu.memory_space<semaphore_mem>>)
      %dma_wait3A = arith.constant 0 : i32
      %dma_wait3A_134 = tpu.memref_slice %arg4[%mul3A_79, %dma_wait3A] : memref<1280x128xi32, #tpu.memory_space<hbm>> -> memref<80x128xi32, #tpu.memory_space<hbm>>
      %dma_wait3A_135 = arith.constant 0 : i32
      %dma_wait3A_136 = tpu.memref_slice %arg4[%mul3A_79, %dma_wait3A_135] : memref<1280x128xi32, #tpu.memory_space<hbm>> -> memref<80x128xi32, #tpu.memory_space<hbm>>
      tpu.wait_dma2 semaphore(%run_scoped3A : memref<!tpu.dma_semaphore, #tpu.memory_space<semaphore_mem>>) src(%dma_wait3A_136 : memref<80x128xi32, #tpu.memory_space<hbm>>) dst(%arg9 : memref<80x128xi32, #tpu.memory_space<vmem>>)
      tpu.yield
    }) : () -> ()
    %scan3A_80 = arith.constant 0 : i32
    %scan3A_81 = arith.constant 0 : i32
    %scan3A_82 = arith.constant 80 : i32
    %scan3A_83 = arith.addi %scan3A_81, %scan3A_82 : i32
    %scan3A_84 = arith.constant 1 : i32
    %scan3A_85 = scf.for %scan3A_131 = %scan3A_81 to %scan3A_83 step %scan3A_84 iter_args(%scan3A_132 = %scan3A_80) -> (i32)  : i32 {
      %get3A = arith.index_cast %scan3A_131 : i32 to index
      %get3A_133 = arith.constant 0 : index
      %get3A_134 = tpu.vector_load %arg8[%get3A, %get3A_133] {strides = array<i32>} : memref<80x128xi32, #tpu.memory_space<vmem>>, vector<16xi32>,
      %mul3A_135 = arith.constant 2 : i32
      %mul3A_136 = arith.muli %mul3A_135, %arg0 : i32
      %mul3A_137 = arith.constant 10240 : i32
      %mul3A_138 = arith.muli %mul3A_136, %mul3A_137 : i32
      %add3A_139 = vector.broadcast %mul3A_138 : i32 to vector<16xi32>
      %add3A_140 = arith.addi %get3A_134, %add3A_139 : vector<16xi32>
      %swap3A = arith.index_cast %scan3A_131 : i32 to index
      %swap3A_141 = arith.constant 0 : index
      %swap3A_142 = tpu.vector_load %arg8[%swap3A, %swap3A_141] {strides = array<i32>} : memref<80x128xi32, #tpu.memory_space<vmem>>, vector<16xi32>,
      tpu.vector_store %arg8[%swap3A, %swap3A_141], %add3A_140 {strides = array<i32>} : memref<80x128xi32, #tpu.memory_space<vmem>>, vector<16xi32>,
      %get3A_143 = arith.index_cast %scan3A_131 : i32 to index
      %get3A_144 = arith.constant 16 : index
      %get3A_145 = tpu.vector_load %arg8[%get3A_143, %get3A_144] {strides = array<i32>} : memref<80x128xi32, #tpu.memory_space<vmem>>, vector<16xi32>,
      %mul3A_146 = arith.constant 2 : i32
      %mul3A_147 = arith.muli %mul3A_146, %arg0 : i32
      %mul3A_148 = arith.constant 10240 : i32
      %mul3A_149 = arith.muli %mul3A_147, %mul3A_148 : i32
      %add3A_150 = vector.broadcast %mul3A_149 : i32 to vector<16xi32>
      %add3A_151 = arith.addi %get3A_145, %add3A_150 : vector<16xi32>
      %swap3A_152 = arith.index_cast %scan3A_131 : i32 to index
      %swap3A_153 = arith.constant 16 : index
      %swap3A_154 = tpu.vector_load %arg8[%swap3A_152, %swap3A_153] {strides = array<i32>} : memref<80x128xi32, #tpu.memory_space<vmem>>, vector<16xi32>,
      tpu.vector_store %arg8[%swap3A_152, %swap3A_153], %add3A_151 {strides = array<i32>} : memref<80x128xi32, #tpu.memory_space<vmem>>, vector<16xi32>,
      %get3A_155 = arith.index_cast %scan3A_131 : i32 to index
      %get3A_156 = arith.constant 32 : index
      %get3A_157 = tpu.vector_load %arg8[%get3A_155, %get3A_156] {strides = array<i32>} : memref<80x128xi32, #tpu.memory_space<vmem>>, vector<16xi32>,
      %mul3A_158 = arith.constant 2 : i32
      %mul3A_159 = arith.muli %mul3A_158, %arg0 : i32
      %mul3A_160 = arith.constant 10240 : i32
      %mul3A_161 = arith.muli %mul3A_159, %mul3A_160 : i32
      %add3A_162 = vector.broadcast %mul3A_161 : i32 to vector<16xi32>
      %add3A_163 = arith.addi %get3A_157, %add3A_162 : vector<16xi32>
      %swap3A_164 = arith.index_cast %scan3A_131 : i32 to index
      %swap3A_165 = arith.constant 32 : index
      %swap3A_166 = tpu.vector_load %arg8[%swap3A_164, %swap3A_165] {strides = array<i32>} : memref<80x128xi32, #tpu.memory_space<vmem>>, vector<16xi32>,
      tpu.vector_store %arg8[%swap3A_164, %swap3A_165], %add3A_163 {strides = array<i32>} : memref<80x128xi32, #tpu.memory_space<vmem>>, vector<16xi32>,
      %get3A_167 = arith.index_cast %scan3A_131 : i32 to index
      %get3A_168 = arith.constant 48 : index
      %get3A_169 = tpu.vector_load %arg8[%get3A_167, %get3A_168] {strides = array<i32>} : memref<80x128xi32, #tpu.memory_space<vmem>>, vector<16xi32>,
      %mul3A_170 = arith.constant 2 : i32
      %mul3A_171 = arith.muli %mul3A_170, %arg0 : i32
      %mul3A_172 = arith.constant 10240 : i32
      %mul3A_173 = arith.muli %mul3A_171, %mul3A_172 : i32
      %add3A_174 = vector.broadcast %mul3A_173 : i32 to vector<16xi32>
      %add3A_175 = arith.addi %get3A_169, %add3A_174 : vector<16xi32>
      %swap3A_176 = arith.index_cast %scan3A_131 : i32 to index
      %swap3A_177 = arith.constant 48 : index
      %swap3A_178 = tpu.vector_load %arg8[%swap3A_176, %swap3A_177] {strides = array<i32>} : memref<80x128xi32, #tpu.memory_space<vmem>>, vector<16xi32>,
      tpu.vector_store %arg8[%swap3A_176, %swap3A_177], %add3A_175 {strides = array<i32>} : memref<80x128xi32, #tpu.memory_space<vmem>>, vector<16xi32>,
      %get3A_179 = arith.index_cast %scan3A_131 : i32 to index
      %get3A_180 = arith.constant 64 : index
      %get3A_181 = tpu.vector_load %arg8[%get3A_179, %get3A_180] {strides = array<i32>} : memref<80x128xi32, #tpu.memory_space<vmem>>, vector<16xi32>,
      %mul3A_182 = arith.constant 2 : i32
      %mul3A_183 = arith.muli %mul3A_182, %arg0 : i32
      %mul3A_184 = arith.constant 10240 : i32
      %mul3A_185 = arith.muli %mul3A_183, %mul3A_184 : i32
      %add3A_186 = vector.broadcast %mul3A_185 : i32 to vector<16xi32>
      %add3A_187 = arith.addi %get3A_181, %add3A_186 : vector<16xi32>
      %swap3A_188 = arith.index_cast %scan3A_131 : i32 to index
      %swap3A_189 = arith.constant 64 : index
      %swap3A_190 = tpu.vector_load %arg8[%swap3A_188, %swap3A_189] {strides = array<i32>} : memref<80x128xi32, #tpu.memory_space<vmem>>, vector<16xi32>,
      tpu.vector_store %arg8[%swap3A_188, %swap3A_189], %add3A_187 {strides = array<i32>} : memref<80x128xi32, #tpu.memory_space<vmem>>, vector<16xi32>,
      %get3A_191 = arith.index_cast %scan3A_131 : i32 to index
      %get3A_192 = arith.constant 80 : index
      %get3A_193 = tpu.vector_load %arg8[%get3A_191, %get3A_192] {strides = array<i32>} : memref<80x128xi32, #tpu.memory_space<vmem>>, vector<16xi32>,
      %mul3A_194 = arith.constant 2 : i32
      %mul3A_195 = arith.muli %mul3A_194, %arg0 : i32
      %mul3A_196 = arith.constant 10240 : i32
      %mul3A_197 = arith.muli %mul3A_195, %mul3A_196 : i32
      %add3A_198 = vector.broadcast %mul3A_197 : i32 to vector<16xi32>
      %add3A_199 = arith.addi %get3A_193, %add3A_198 : vector<16xi32>
      %swap3A_200 = arith.index_cast %scan3A_131 : i32 to index
      %swap3A_201 = arith.constant 80 : index
      %swap3A_202 = tpu.vector_load %arg8[%swap3A_200, %swap3A_201] {strides = array<i32>} : memref<80x128xi32, #tpu.memory_space<vmem>>, vector<16xi32>,
      tpu.vector_store %arg8[%swap3A_200, %swap3A_201], %add3A_199 {strides = array<i32>} : memref<80x128xi32, #tpu.memory_space<vmem>>, vector<16xi32>,
      %get3A_203 = arith.index_cast %scan3A_131 : i32 to index
      %get3A_204 = arith.constant 96 : index
      %get3A_205 = tpu.vector_load %arg8[%get3A_203, %get3A_204] {strides = array<i32>} : memref<80x128xi32, #tpu.memory_space<vmem>>, vector<16xi32>,
      %mul3A_206 = arith.constant 2 : i32
      %mul3A_207 = arith.muli %mul3A_206, %arg0 : i32
      %mul3A_208 = arith.constant 10240 : i32
      %mul3A_209 = arith.muli %mul3A_207, %mul3A_208 : i32
      %add3A_210 = vector.broadcast %mul3A_209 : i32 to vector<16xi32>
      %add3A_211 = arith.addi %get3A_205, %add3A_210 : vector<16xi32>
      %swap3A_212 = arith.index_cast %scan3A_131 : i32 to index
      %swap3A_213 = arith.constant 96 : index
      %swap3A_214 = tpu.vector_load %arg8[%swap3A_212, %swap3A_213] {strides = array<i32>} : memref<80x128xi32, #tpu.memory_space<vmem>>, vector<16xi32>,
      tpu.vector_store %arg8[%swap3A_212, %swap3A_213], %add3A_211 {strides = array<i32>} : memref<80x128xi32, #tpu.memory_space<vmem>>, vector<16xi32>,
      %get3A_215 = arith.index_cast %scan3A_131 : i32 to index
      %get3A_216 = arith.constant 112 : index
      %get3A_217 = tpu.vector_load %arg8[%get3A_215, %get3A_216] {strides = array<i32>} : memref<80x128xi32, #tpu.memory_space<vmem>>, vector<16xi32>,
      %mul3A_218 = arith.constant 2 : i32
      %mul3A_219 = arith.muli %mul3A_218, %arg0 : i32
      %mul3A_220 = arith.constant 10240 : i32
      %mul3A_221 = arith.muli %mul3A_219, %mul3A_220 : i32
      %add3A_222 = vector.broadcast %mul3A_221 : i32 to vector<16xi32>
      %add3A_223 = arith.addi %get3A_217, %add3A_222 : vector<16xi32>
      %swap3A_224 = arith.index_cast %scan3A_131 : i32 to index
      %swap3A_225 = arith.constant 112 : index
      %swap3A_226 = tpu.vector_load %arg8[%swap3A_224, %swap3A_225] {strides = array<i32>} : memref<80x128xi32, #tpu.memory_space<vmem>>, vector<16xi32>,
      tpu.vector_store %arg8[%swap3A_224, %swap3A_225], %add3A_223 {strides = array<i32>} : memref<80x128xi32, #tpu.memory_space<vmem>>, vector<16xi32>,
      %scan3A_227 = arith.constant 0 : i32
      scf.yield %scan3A_227 : i32
    }
    %scan3A_86 = arith.constant 80 : i32
    %scan3A_87 = arith.constant 0 : i32
    %scan3A_88 = arith.constant 0 : i32
    %scan3A_89 = arith.constant 80 : i32
    %scan3A_90 = arith.addi %scan3A_88, %scan3A_89 : i32
    %scan3A_91 = arith.constant 1 : i32
    %scan3A_92 = scf.for %scan3A_131 = %scan3A_88 to %scan3A_90 step %scan3A_91 iter_args(%scan3A_132 = %scan3A_87) -> (i32)  : i32 {
      %get3A = arith.index_cast %scan3A_131 : i32 to index
      %get3A_133 = arith.constant 0 : index
      %get3A_134 = tpu.vector_load %arg9[%get3A, %get3A_133] {strides = array<i32>} : memref<80x128xi32, #tpu.memory_space<vmem>>, vector<16xi32>,
      tpu.vector_store_idx %arg14[%get3A_134], %broadcast_in_dim3A_3 {add = true} : memref<10240xf32, #tpu.memory_space<vmem>>[vector<16xi32>], vector<16xf32>,
      %get3A_135 = arith.index_cast %scan3A_131 : i32 to index
      %get3A_136 = arith.constant 16 : index
      %get3A_137 = tpu.vector_load %arg9[%get3A_135, %get3A_136] {strides = array<i32>} : memref<80x128xi32, #tpu.memory_space<vmem>>, vector<16xi32>,
      tpu.vector_store_idx %arg14[%get3A_137], %broadcast_in_dim3A_3 {add = true} : memref<10240xf32, #tpu.memory_space<vmem>>[vector<16xi32>], vector<16xf32>,
      %get3A_138 = arith.index_cast %scan3A_131 : i32 to index
      %get3A_139 = arith.constant 32 : index
      %get3A_140 = tpu.vector_load %arg9[%get3A_138, %get3A_139] {strides = array<i32>} : memref<80x128xi32, #tpu.memory_space<vmem>>, vector<16xi32>,
      tpu.vector_store_idx %arg14[%get3A_140], %broadcast_in_dim3A_3 {add = true} : memref<10240xf32, #tpu.memory_space<vmem>>[vector<16xi32>], vector<16xf32>,
      %get3A_141 = arith.index_cast %scan3A_131 : i32 to index
      %get3A_142 = arith.constant 48 : index
      %get3A_143 = tpu.vector_load %arg9[%get3A_141, %get3A_142] {strides = array<i32>} : memref<80x128xi32, #tpu.memory_space<vmem>>, vector<16xi32>,
      tpu.vector_store_idx %arg14[%get3A_143], %broadcast_in_dim3A_3 {add = true} : memref<10240xf32, #tpu.memory_space<vmem>>[vector<16xi32>], vector<16xf32>,
      %get3A_144 = arith.index_cast %scan3A_131 : i32 to index
      %get3A_145 = arith.constant 64 : index
      %get3A_146 = tpu.vector_load %arg9[%get3A_144, %get3A_145] {strides = array<i32>} : memref<80x128xi32, #tpu.memory_space<vmem>>, vector<16xi32>,
      tpu.vector_store_idx %arg14[%get3A_146], %broadcast_in_dim3A_3 {add = true} : memref<10240xf32, #tpu.memory_space<vmem>>[vector<16xi32>], vector<16xf32>,
      %get3A_147 = arith.index_cast %scan3A_131 : i32 to index
      %get3A_148 = arith.constant 80 : index
      %get3A_149 = tpu.vector_load %arg9[%get3A_147, %get3A_148] {strides = array<i32>} : memref<80x128xi32, #tpu.memory_space<vmem>>, vector<16xi32>,
      tpu.vector_store_idx %arg14[%get3A_149], %broadcast_in_dim3A_3 {add = true} : memref<10240xf32, #tpu.memory_space<vmem>>[vector<16xi32>], vector<16xf32>,
      %get3A_150 = arith.index_cast %scan3A_131 : i32 to index
      %get3A_151 = arith.constant 96 : index
      %get3A_152 = tpu.vector_load %arg9[%get3A_150, %get3A_151] {strides = array<i32>} : memref<80x128xi32, #tpu.memory_space<vmem>>, vector<16xi32>,
      tpu.vector_store_idx %arg14[%get3A_152], %broadcast_in_dim3A_3 {add = true} : memref<10240xf32, #tpu.memory_space<vmem>>[vector<16xi32>], vector<16xf32>,
      %get3A_153 = arith.index_cast %scan3A_131 : i32 to index
      %get3A_154 = arith.constant 112 : index
      %get3A_155 = tpu.vector_load %arg9[%get3A_153, %get3A_154] {strides = array<i32>} : memref<80x128xi32, #tpu.memory_space<vmem>>, vector<16xi32>,
      tpu.vector_store_idx %arg14[%get3A_155], %broadcast_in_dim3A_3 {add = true} : memref<10240xf32, #tpu.memory_space<vmem>>[vector<16xi32>], vector<16xf32>,
      %scan3A_156 = arith.constant 0 : i32
      scf.yield %scan3A_156 : i32
    }
    %scan3A_93 = arith.constant 80 : i32
    "tpu.region"() ({
      %run_scoped3A = tpu.sem_alloc : memref<!tpu.dma_semaphore, #tpu.memory_space<semaphore_mem>>
      %dma_start3A = arith.constant 0 : i32
      %dma_start3A_131 = tpu.memref_slice %arg7[%arg0, %arg1, %dma_start3A] : memref<2x16x10240xf32, #tpu.memory_space<hbm>> -> memref<1x1x10240xf32, #tpu.memory_space<hbm>>
      %dma_start3A_132 = tpu.memref_squeeze %dma_start3A_131 : memref<1x1x10240xf32, #tpu.memory_space<hbm>> -> memref<10240xf32, #tpu.memory_space<hbm>>
      %dma_start3A_133 = arith.constant 0 : i32
      %dma_start3A_134 = tpu.memref_slice %arg7[%arg0, %arg1, %dma_start3A_133] : memref<2x16x10240xf32, #tpu.memory_space<hbm>> -> memref<1x1x10240xf32, #tpu.memory_space<hbm>>
      %dma_start3A_135 = tpu.memref_squeeze %dma_start3A_134 : memref<1x1x10240xf32, #tpu.memory_space<hbm>> -> memref<10240xf32, #tpu.memory_space<hbm>>
      tpu.enqueue_dma source(%arg14 : memref<10240xf32, #tpu.memory_space<vmem>>) target(%dma_start3A_135 : memref<10240xf32, #tpu.memory_space<hbm>>) target_semaphore(%run_scoped3A : memref<!tpu.dma_semaphore, #tpu.memory_space<semaphore_mem>>)
      %dma_wait3A = arith.constant 0 : i32
      %dma_wait3A_136 = tpu.memref_slice %arg7[%arg0, %arg1, %dma_wait3A] : memref<2x16x10240xf32, #tpu.memory_space<hbm>> -> memref<1x1x10240xf32, #tpu.memory_space<hbm>>
      %dma_wait3A_137 = tpu.memref_squeeze %dma_wait3A_136 : memref<1x1x10240xf32, #tpu.memory_space<hbm>> -> memref<10240xf32, #tpu.memory_space<hbm>>
      %dma_wait3A_138 = arith.constant 0 : i32
      %dma_wait3A_139 = tpu.memref_slice %arg7[%arg0, %arg1, %dma_wait3A_138] : memref<2x16x10240xf32, #tpu.memory_space<hbm>> -> memref<1x1x10240xf32, #tpu.memory_space<hbm>>
      %dma_wait3A_140 = tpu.memref_squeeze %dma_wait3A_139 : memref<1x1x10240xf32, #tpu.memory_space<hbm>> -> memref<10240xf32, #tpu.memory_space<hbm>>
      tpu.wait_dma2 semaphore(%run_scoped3A : memref<!tpu.dma_semaphore, #tpu.memory_space<semaphore_mem>>) src(%arg14 : memref<10240xf32, #tpu.memory_space<vmem>>) dst(%dma_wait3A_140 : memref<10240xf32, #tpu.memory_space<hbm>>)
      tpu.yield
    }) : () -> ()
    %barrier3A = arith.constant 0 : index
    tpu.barrier barrier_id(%barrier3A)
    %scan3A_94 = arith.constant 0 : i32
    %scan3A_95 = arith.constant 0 : i32
    %scan3A_96 = arith.constant 10 : i32
    %scan3A_97 = arith.addi %scan3A_95, %scan3A_96 : i32
    %scan3A_98 = arith.constant 1 : i32
    %scan3A_99 = scf.for %scan3A_131 = %scan3A_95 to %scan3A_97 step %scan3A_98 iter_args(%scan3A_132 = %scan3A_94) -> (i32)  : i32 {
      %mul3A_133 = arith.constant 64 : i32
      %mul3A_134 = arith.muli %scan3A_131, %mul3A_133 : i32
      %add3A_135 = arith.addi %mul3A_0, %mul3A_134 : i32
      "tpu.region"() ({
        %run_scoped3A = tpu.sem_alloc : memref<!tpu.dma_semaphore, #tpu.memory_space<semaphore_mem>>
        %dma_start3A = arith.constant 0 : i32
        %dma_start3A_144 = tpu.memref_slice %arg7[%arg0, %dma_start3A, %add3A_135] : memref<2x16x10240xf32, #tpu.memory_space<hbm>> -> memref<1x16x64xf32, #tpu.memory_space<hbm>>
        %dma_start3A_145 = tpu.memref_squeeze %dma_start3A_144 : memref<1x16x64xf32, #tpu.memory_space<hbm>> -> memref<16x64xf32, #tpu.memory_space<hbm>>
        %dma_start3A_146 = arith.constant 0 : i32
        %dma_start3A_147 = tpu.memref_slice %arg7[%arg0, %dma_start3A_146, %add3A_135] : memref<2x16x10240xf32, #tpu.memory_space<hbm>> -> memref<1x16x64xf32, #tpu.memory_space<hbm>>
        %dma_start3A_148 = tpu.memref_squeeze %dma_start3A_147 : memref<1x16x64xf32, #tpu.memory_space<hbm>> -> memref<16x64xf32, #tpu.memory_space<hbm>>
        tpu.enqueue_dma source(%dma_start3A_148 : memref<16x64xf32, #tpu.memory_space<hbm>>) target(%arg15 : memref<16x64xf32, #tpu.memory_space<vmem>>) target_semaphore(%run_scoped3A : memref<!tpu.dma_semaphore, #tpu.memory_space<semaphore_mem>>)
        %dma_wait3A = arith.constant 0 : i32
        %dma_wait3A_149 = tpu.memref_slice %arg7[%arg0, %dma_wait3A, %add3A_135] : memref<2x16x10240xf32, #tpu.memory_space<hbm>> -> memref<1x16x64xf32, #tpu.memory_space<hbm>>
        %dma_wait3A_150 = tpu.memref_squeeze %dma_wait3A_149 : memref<1x16x64xf32, #tpu.memory_space<hbm>> -> memref<16x64xf32, #tpu.memory_space<hbm>>
        %dma_wait3A_151 = arith.constant 0 : i32
        %dma_wait3A_152 = tpu.memref_slice %arg7[%arg0, %dma_wait3A_151, %add3A_135] : memref<2x16x10240xf32, #tpu.memory_space<hbm>> -> memref<1x16x64xf32, #tpu.memory_space<hbm>>
        %dma_wait3A_153 = tpu.memref_squeeze %dma_wait3A_152 : memref<1x16x64xf32, #tpu.memory_space<hbm>> -> memref<16x64xf32, #tpu.memory_space<hbm>>
        tpu.wait_dma2 semaphore(%run_scoped3A : memref<!tpu.dma_semaphore, #tpu.memory_space<semaphore_mem>>) src(%dma_wait3A_153 : memref<16x64xf32, #tpu.memory_space<hbm>>) dst(%arg15 : memref<16x64xf32, #tpu.memory_space<vmem>>)
        tpu.yield
      }) : () -> ()
      %scan3A_136 = arith.constant 0 : i32
      %scan3A_137 = arith.constant 0 : i32
      %scan3A_138 = arith.constant 4 : i32
      %scan3A_139 = arith.addi %scan3A_137, %scan3A_138 : i32
      %scan3A_140 = arith.constant 1 : i32
      %scan3A_141 = scf.for %scan3A_144 = %scan3A_137 to %scan3A_139 step %scan3A_140 iter_args(%scan3A_145 = %scan3A_136) -> (i32)  : i32 {
        %mul3A_146 = arith.constant 16 : i32
        %mul3A_147 = arith.muli %scan3A_144, %mul3A_146 : i32
        %get3A = arith.constant 0 : i32
        %get3A_148 = arith.index_cast %get3A : i32 to index
        %get3A_149 = arith.index_cast %mul3A_147 : i32 to index
        %get3A_150 = tpu.vector_load %arg15[%get3A_148, %get3A_149] {strides = array<i32>} : memref<16x64xf32, #tpu.memory_space<vmem>>, vector<16xf32>,
        %get3A_151 = arith.constant 1 : i32
        %get3A_152 = arith.index_cast %get3A_151 : i32 to index
        %get3A_153 = arith.index_cast %mul3A_147 : i32 to index
        %get3A_154 = tpu.vector_load %arg15[%get3A_152, %get3A_153] {strides = array<i32>} : memref<16x64xf32, #tpu.memory_space<vmem>>, vector<16xf32>,
        %add3A_155 = arith.addf %get3A_150, %get3A_154 : vector<16xf32>
        %get3A_156 = arith.constant 2 : i32
        %get3A_157 = arith.index_cast %get3A_156 : i32 to index
        %get3A_158 = arith.index_cast %mul3A_147 : i32 to index
        %get3A_159 = tpu.vector_load %arg15[%get3A_157, %get3A_158] {strides = array<i32>} : memref<16x64xf32, #tpu.memory_space<vmem>>, vector<16xf32>,
        %add3A_160 = arith.addf %add3A_155, %get3A_159 : vector<16xf32>
        %get3A_161 = arith.constant 3 : i32
        %get3A_162 = arith.index_cast %get3A_161 : i32 to index
        %get3A_163 = arith.index_cast %mul3A_147 : i32 to index
        %get3A_164 = tpu.vector_load %arg15[%get3A_162, %get3A_163] {strides = array<i32>} : memref<16x64xf32, #tpu.memory_space<vmem>>, vector<16xf32>,
        %add3A_165 = arith.addf %add3A_160, %get3A_164 : vector<16xf32>
        %get3A_166 = arith.constant 4 : i32
        %get3A_167 = arith.index_cast %get3A_166 : i32 to index
        %get3A_168 = arith.index_cast %mul3A_147 : i32 to index
        %get3A_169 = tpu.vector_load %arg15[%get3A_167, %get3A_168] {strides = array<i32>} : memref<16x64xf32, #tpu.memory_space<vmem>>, vector<16xf32>,
        %add3A_170 = arith.addf %add3A_165, %get3A_169 : vector<16xf32>
        %get3A_171 = arith.constant 5 : i32
        %get3A_172 = arith.index_cast %get3A_171 : i32 to index
        %get3A_173 = arith.index_cast %mul3A_147 : i32 to index
        %get3A_174 = tpu.vector_load %arg15[%get3A_172, %get3A_173] {strides = array<i32>} : memref<16x64xf32, #tpu.memory_space<vmem>>, vector<16xf32>,
        %add3A_175 = arith.addf %add3A_170, %get3A_174 : vector<16xf32>
        %get3A_176 = arith.constant 6 : i32
        %get3A_177 = arith.index_cast %get3A_176 : i32 to index
        %get3A_178 = arith.index_cast %mul3A_147 : i32 to index
        %get3A_179 = tpu.vector_load %arg15[%get3A_177, %get3A_178] {strides = array<i32>} : memref<16x64xf32, #tpu.memory_space<vmem>>, vector<16xf32>,
        %add3A_180 = arith.addf %add3A_175, %get3A_179 : vector<16xf32>
        %get3A_181 = arith.constant 7 : i32
        %get3A_182 = arith.index_cast %get3A_181 : i32 to index
        %get3A_183 = arith.index_cast %mul3A_147 : i32 to index
        %get3A_184 = tpu.vector_load %arg15[%get3A_182, %get3A_183] {strides = array<i32>} : memref<16x64xf32, #tpu.memory_space<vmem>>, vector<16xf32>,
        %add3A_185 = arith.addf %add3A_180, %get3A_184 : vector<16xf32>
        %get3A_186 = arith.constant 8 : i32
        %get3A_187 = arith.index_cast %get3A_186 : i32 to index
        %get3A_188 = arith.index_cast %mul3A_147 : i32 to index
        %get3A_189 = tpu.vector_load %arg15[%get3A_187, %get3A_188] {strides = array<i32>} : memref<16x64xf32, #tpu.memory_space<vmem>>, vector<16xf32>,
        %add3A_190 = arith.addf %add3A_185, %get3A_189 : vector<16xf32>
        %get3A_191 = arith.constant 9 : i32
        %get3A_192 = arith.index_cast %get3A_191 : i32 to index
        %get3A_193 = arith.index_cast %mul3A_147 : i32 to index
        %get3A_194 = tpu.vector_load %arg15[%get3A_192, %get3A_193] {strides = array<i32>} : memref<16x64xf32, #tpu.memory_space<vmem>>, vector<16xf32>,
        %add3A_195 = arith.addf %add3A_190, %get3A_194 : vector<16xf32>
        %get3A_196 = arith.constant 10 : i32
        %get3A_197 = arith.index_cast %get3A_196 : i32 to index
        %get3A_198 = arith.index_cast %mul3A_147 : i32 to index
        %get3A_199 = tpu.vector_load %arg15[%get3A_197, %get3A_198] {strides = array<i32>} : memref<16x64xf32, #tpu.memory_space<vmem>>, vector<16xf32>,
        %add3A_200 = arith.addf %add3A_195, %get3A_199 : vector<16xf32>
        %get3A_201 = arith.constant 11 : i32
        %get3A_202 = arith.index_cast %get3A_201 : i32 to index
        %get3A_203 = arith.index_cast %mul3A_147 : i32 to index
        %get3A_204 = tpu.vector_load %arg15[%get3A_202, %get3A_203] {strides = array<i32>} : memref<16x64xf32, #tpu.memory_space<vmem>>, vector<16xf32>,
        %add3A_205 = arith.addf %add3A_200, %get3A_204 : vector<16xf32>
        %get3A_206 = arith.constant 12 : i32
        %get3A_207 = arith.index_cast %get3A_206 : i32 to index
        %get3A_208 = arith.index_cast %mul3A_147 : i32 to index
        %get3A_209 = tpu.vector_load %arg15[%get3A_207, %get3A_208] {strides = array<i32>} : memref<16x64xf32, #tpu.memory_space<vmem>>, vector<16xf32>,
        %add3A_210 = arith.addf %add3A_205, %get3A_209 : vector<16xf32>
        %get3A_211 = arith.constant 13 : i32
        %get3A_212 = arith.index_cast %get3A_211 : i32 to index
        %get3A_213 = arith.index_cast %mul3A_147 : i32 to index
        %get3A_214 = tpu.vector_load %arg15[%get3A_212, %get3A_213] {strides = array<i32>} : memref<16x64xf32, #tpu.memory_space<vmem>>, vector<16xf32>,
        %add3A_215 = arith.addf %add3A_210, %get3A_214 : vector<16xf32>
        %get3A_216 = arith.constant 14 : i32
        %get3A_217 = arith.index_cast %get3A_216 : i32 to index
        %get3A_218 = arith.index_cast %mul3A_147 : i32 to index
        %get3A_219 = tpu.vector_load %arg15[%get3A_217, %get3A_218] {strides = array<i32>} : memref<16x64xf32, #tpu.memory_space<vmem>>, vector<16xf32>,
        %add3A_220 = arith.addf %add3A_215, %get3A_219 : vector<16xf32>
        %get3A_221 = arith.constant 15 : i32
        %get3A_222 = arith.index_cast %get3A_221 : i32 to index
        %get3A_223 = arith.index_cast %mul3A_147 : i32 to index
        %get3A_224 = tpu.vector_load %arg15[%get3A_222, %get3A_223] {strides = array<i32>} : memref<16x64xf32, #tpu.memory_space<vmem>>, vector<16xf32>,
        %add3A_225 = arith.addf %add3A_220, %get3A_224 : vector<16xf32>
        %max3A = arith.constant 1.000000e+00 : f32
        %max3A_226 = vector.broadcast %max3A : f32 to vector<16xf32>
        %max3A_227 = arith.maximumf %add3A_225, %max3A_226 : vector<16xf32>
        %bitcast_convert_type3A = tpu.bitcast %max3A_227 : vector<16xf32> -> vector<16xi32>
        %shift_right_arithmetic3A = arith.constant 1 : i32
        %shift_right_arithmetic3A_228 = vector.broadcast %shift_right_arithmetic3A : i32 to vector<16xi32>
        %shift_right_arithmetic3A_229 = arith.shrsi %bitcast_convert_type3A, %shift_right_arithmetic3A_228 : vector<16xi32>
        %sub3A = arith.constant 1597463007 : i32
        %sub3A_230 = vector.broadcast %sub3A : i32 to vector<16xi32>
        %sub3A_231 = arith.subi %sub3A_230, %shift_right_arithmetic3A_229 : vector<16xi32>
        %bitcast_convert_type3A_232 = tpu.bitcast %sub3A_231 : vector<16xi32> -> vector<16xf32>
        %mul3A_233 = arith.constant 5.000000e-01 : f32
        %mul3A_234 = vector.broadcast %mul3A_233 : f32 to vector<16xf32>
        %mul3A_235 = arith.mulf %mul3A_234, %max3A_227 : vector<16xf32>
        %mul3A_236 = arith.mulf %mul3A_235, %bitcast_convert_type3A_232 : vector<16xf32>
        %mul3A_237 = arith.mulf %mul3A_236, %bitcast_convert_type3A_232 : vector<16xf32>
        %sub3A_238 = arith.constant 1.500000e+00 : f32
        %sub3A_239 = vector.broadcast %sub3A_238 : f32 to vector<16xf32>
        %sub3A_240 = arith.subf %sub3A_239, %mul3A_237 : vector<16xf32>
        %mul3A_241 = arith.mulf %bitcast_convert_type3A_232, %sub3A_240 : vector<16xf32>
        %mul3A_242 = arith.constant 5.000000e-01 : f32
        %mul3A_243 = vector.broadcast %mul3A_242 : f32 to vector<16xf32>
        %mul3A_244 = arith.mulf %mul3A_243, %max3A_227 : vector<16xf32>
        %mul3A_245 = arith.mulf %mul3A_244, %mul3A_241 : vector<16xf32>
        %mul3A_246 = arith.mulf %mul3A_245, %mul3A_241 : vector<16xf32>
        %sub3A_247 = arith.constant 1.500000e+00 : f32
        %sub3A_248 = vector.broadcast %sub3A_247 : f32 to vector<16xf32>
        %sub3A_249 = arith.subf %sub3A_248, %mul3A_246 : vector<16xf32>
        %mul3A_250 = arith.mulf %mul3A_241, %sub3A_249 : vector<16xf32>
        %mul3A_251 = arith.constant 5.000000e-01 : f32
        %mul3A_252 = vector.broadcast %mul3A_251 : f32 to vector<16xf32>
        %mul3A_253 = arith.mulf %mul3A_252, %max3A_227 : vector<16xf32>
        %mul3A_254 = arith.mulf %mul3A_253, %mul3A_250 : vector<16xf32>
        %mul3A_255 = arith.mulf %mul3A_254, %mul3A_250 : vector<16xf32>
        %sub3A_256 = arith.constant 1.500000e+00 : f32
        %sub3A_257 = vector.broadcast %sub3A_256 : f32 to vector<16xf32>
        %sub3A_258 = arith.subf %sub3A_257, %mul3A_255 : vector<16xf32>
        %mul3A_259 = arith.mulf %mul3A_250, %sub3A_258 : vector<16xf32>
        %mul3A_260 = arith.constant 5.000000e-01 : f32
        %mul3A_261 = vector.broadcast %mul3A_260 : f32 to vector<16xf32>
        %mul3A_262 = arith.mulf %mul3A_261, %max3A_227 : vector<16xf32>
        %mul3A_263 = arith.mulf %mul3A_262, %mul3A_259 : vector<16xf32>
        %mul3A_264 = arith.mulf %mul3A_263, %mul3A_259 : vector<16xf32>
        %sub3A_265 = arith.constant 1.500000e+00 : f32
        %sub3A_266 = vector.broadcast %sub3A_265 : f32 to vector<16xf32>
        %sub3A_267 = arith.subf %sub3A_266, %mul3A_264 : vector<16xf32>
        %mul3A_268 = arith.mulf %mul3A_259, %sub3A_267 : vector<16xf32>
        %gt3A = arith.constant 5.000000e-01 : f32
        %gt3A_269 = vector.broadcast %gt3A : f32 to vector<16xf32>
        %gt3A_270 = arith.cmpf ogt, %add3A_225, %gt3A_269 : vector<16xf32>
        %jit3A = arith.constant 0.000000e+00 : f32
        %broadcast_in_dim3A_271 = vector.broadcast %jit3A : f32 to vector<16xf32>
        %select_n3A = arith.select %gt3A_270, %mul3A_268, %broadcast_in_dim3A_271 : vector<16xi1>, vector<16xf32>
        %mul3A_272 = arith.constant 64 : i32
        %mul3A_273 = arith.muli %scan3A_131, %mul3A_272 : i32
        %mul3A_274 = arith.constant 16 : i32
        %mul3A_275 = arith.muli %scan3A_144, %mul3A_274 : i32
        %add3A_276 = arith.addi %mul3A_273, %mul3A_275 : i32
        %swap3A = arith.index_cast %add3A_276 : i32 to index
        %swap3A_277 = tpu.vector_load %arg16[%swap3A] {strides = array<i32>} : memref<640xf32, #tpu.memory_space<vmem>>, vector<16xf32>,
        tpu.vector_store %arg16[%swap3A], %select_n3A {strides = array<i32>} : memref<640xf32, #tpu.memory_space<vmem>>, vector<16xf32>,
        %scan3A_278 = arith.constant 0 : i32
        scf.yield %scan3A_278 : i32
      }
      %scan3A_142 = arith.constant 4 : i32
      %scan3A_143 = arith.constant 0 : i32
      scf.yield %scan3A_143 : i32
    }
    %scan3A_100 = arith.constant 10 : i32
    %mul3A_101 = arith.constant 2 : i32
    %mul3A_102 = arith.muli %mul3A_101, %arg0 : i32
    %add3A_103 = arith.constant 0 : i32
    %add3A_104 = arith.addi %mul3A_102, %add3A_103 : i32
    %scan3A_105 = arith.constant 0 : i32
    %scan3A_106 = arith.constant 0 : i32
    %scan3A_107 = arith.constant 10 : i32
    %scan3A_108 = arith.addi %scan3A_106, %scan3A_107 : i32
    %scan3A_109 = arith.constant 1 : i32
    %scan3A_110 = scf.for %scan3A_131 = %scan3A_106 to %scan3A_108 step %scan3A_109 iter_args(%scan3A_132 = %scan3A_105) -> (i32)  : i32 {
      %mul3A_133 = arith.constant 64 : i32
      %mul3A_134 = arith.muli %scan3A_131, %mul3A_133 : i32
      %add3A_135 = arith.addi %mul3A_0, %mul3A_134 : i32
      "tpu.region"() ({
        %run_scoped3A = tpu.sem_alloc : memref<!tpu.dma_semaphore, #tpu.memory_space<semaphore_mem>>
        %dma_start3A = arith.constant 0 : i32
        %dma_start3A_149 = tpu.memref_slice %arg2[%add3A_104, %add3A_135, %dma_start3A] : memref<4x10240x64xf32, #tpu.memory_space<hbm>> -> memref<1x64x64xf32, #tpu.memory_space<hbm>>
        %dma_start3A_150 = tpu.memref_squeeze %dma_start3A_149 : memref<1x64x64xf32, #tpu.memory_space<hbm>> -> memref<64x64xf32, #tpu.memory_space<hbm>>
        %dma_start3A_151 = arith.constant 0 : i32
        %dma_start3A_152 = tpu.memref_slice %arg2[%add3A_104, %add3A_135, %dma_start3A_151] : memref<4x10240x64xf32, #tpu.memory_space<hbm>> -> memref<1x64x64xf32, #tpu.memory_space<hbm>>
        %dma_start3A_153 = tpu.memref_squeeze %dma_start3A_152 : memref<1x64x64xf32, #tpu.memory_space<hbm>> -> memref<64x64xf32, #tpu.memory_space<hbm>>
        tpu.enqueue_dma source(%dma_start3A_153 : memref<64x64xf32, #tpu.memory_space<hbm>>) target(%arg11 : memref<64x64xf32, #tpu.memory_space<vmem>>) target_semaphore(%run_scoped3A : memref<!tpu.dma_semaphore, #tpu.memory_space<semaphore_mem>>)
        %dma_wait3A = arith.constant 0 : i32
        %dma_wait3A_154 = tpu.memref_slice %arg2[%add3A_104, %add3A_135, %dma_wait3A] : memref<4x10240x64xf32, #tpu.memory_space<hbm>> -> memref<1x64x64xf32, #tpu.memory_space<hbm>>
        %dma_wait3A_155 = tpu.memref_squeeze %dma_wait3A_154 : memref<1x64x64xf32, #tpu.memory_space<hbm>> -> memref<64x64xf32, #tpu.memory_space<hbm>>
        %dma_wait3A_156 = arith.constant 0 : i32
        %dma_wait3A_157 = tpu.memref_slice %arg2[%add3A_104, %add3A_135, %dma_wait3A_156] : memref<4x10240x64xf32, #tpu.memory_space<hbm>> -> memref<1x64x64xf32, #tpu.memory_space<hbm>>
        %dma_wait3A_158 = tpu.memref_squeeze %dma_wait3A_157 : memref<1x64x64xf32, #tpu.memory_space<hbm>> -> memref<64x64xf32, #tpu.memory_space<hbm>>
        tpu.wait_dma2 semaphore(%run_scoped3A : memref<!tpu.dma_semaphore, #tpu.memory_space<semaphore_mem>>) src(%dma_wait3A_158 : memref<64x64xf32, #tpu.memory_space<hbm>>) dst(%arg11 : memref<64x64xf32, #tpu.memory_space<vmem>>)
        tpu.yield
      }) : () -> ()
      %mul3A_136 = arith.constant 64 : i32
      %mul3A_137 = arith.muli %scan3A_131, %mul3A_136 : i32
      %scan3A_138 = arith.constant 0 : i32
      %scan3A_139 = arith.constant 0 : i32
      %scan3A_140 = arith.constant 4 : i32
      %scan3A_141 = arith.addi %scan3A_139, %scan3A_140 : i32
      %scan3A_142 = arith.constant 1 : i32
      %scan3A_143 = scf.for %scan3A_149 = %scan3A_139 to %scan3A_141 step %scan3A_142 iter_args(%scan3A_150 = %scan3A_138) -> (i32)  : i32 {
        %mul3A_151 = arith.constant 16 : i32
        %mul3A_152 = arith.muli %scan3A_149, %mul3A_151 : i32
        %add3A_153 = arith.addi %mul3A_137, %mul3A_152 : i32
        %get3A = arith.index_cast %add3A_153 : i32 to index
        %get3A_154 = tpu.vector_load %arg16[%get3A] {strides = array<i32>} : memref<640xf32, #tpu.memory_space<vmem>>, vector<16xf32>,
        %slice3A = vector.extract_strided_slice %get3A_154 {offsets = [0], sizes = [1], strides = [1]} : vector<16xf32> to vector<1xf32>
        %squeeze3A = vector.extract %slice3A[0] : f32 from vector<1xf32>
        %broadcast_in_dim3A_155 = vector.broadcast %squeeze3A : f32 to vector<16xf32>
        %mul3A_156 = arith.constant 16 : i32
        %mul3A_157 = arith.muli %scan3A_149, %mul3A_156 : i32
        %add3A_158 = arith.constant 0 : i32
        %add3A_159 = arith.addi %mul3A_157, %add3A_158 : i32
        %get3A_160 = arith.index_cast %add3A_159 : i32 to index
        %get3A_161 = arith.constant 0 : index
        %get3A_162 = tpu.vector_load %arg11[%get3A_160, %get3A_161] {strides = array<i32>} : memref<64x64xf32, #tpu.memory_space<vmem>>, vector<16xf32>,
        %mul3A_163 = arith.mulf %get3A_162, %broadcast_in_dim3A_155 : vector<16xf32>
        %swap3A = arith.index_cast %add3A_159 : i32 to index
        %swap3A_164 = arith.constant 0 : index
        %swap3A_165 = tpu.vector_load %arg11[%swap3A, %swap3A_164] {strides = array<i32>} : memref<64x64xf32, #tpu.memory_space<vmem>>, vector<16xf32>,
        tpu.vector_store %arg11[%swap3A, %swap3A_164], %mul3A_163 {strides = array<i32>} : memref<64x64xf32, #tpu.memory_space<vmem>>, vector<16xf32>,
        %get3A_166 = arith.index_cast %add3A_159 : i32 to index
        %get3A_167 = arith.constant 16 : index
        %get3A_168 = tpu.vector_load %arg11[%get3A_166, %get3A_167] {strides = array<i32>} : memref<64x64xf32, #tpu.memory_space<vmem>>, vector<16xf32>,
        %mul3A_169 = arith.mulf %get3A_168, %broadcast_in_dim3A_155 : vector<16xf32>
        %swap3A_170 = arith.index_cast %add3A_159 : i32 to index
        %swap3A_171 = arith.constant 16 : index
        %swap3A_172 = tpu.vector_load %arg11[%swap3A_170, %swap3A_171] {strides = array<i32>} : memref<64x64xf32, #tpu.memory_space<vmem>>, vector<16xf32>,
        tpu.vector_store %arg11[%swap3A_170, %swap3A_171], %mul3A_169 {strides = array<i32>} : memref<64x64xf32, #tpu.memory_space<vmem>>, vector<16xf32>,
        %get3A_173 = arith.index_cast %add3A_159 : i32 to index
        %get3A_174 = arith.constant 32 : index
        %get3A_175 = tpu.vector_load %arg11[%get3A_173, %get3A_174] {strides = array<i32>} : memref<64x64xf32, #tpu.memory_space<vmem>>, vector<16xf32>,
        %mul3A_176 = arith.mulf %get3A_175, %broadcast_in_dim3A_155 : vector<16xf32>
        %swap3A_177 = arith.index_cast %add3A_159 : i32 to index
        %swap3A_178 = arith.constant 32 : index
        %swap3A_179 = tpu.vector_load %arg11[%swap3A_177, %swap3A_178] {strides = array<i32>} : memref<64x64xf32, #tpu.memory_space<vmem>>, vector<16xf32>,
        tpu.vector_store %arg11[%swap3A_177, %swap3A_178], %mul3A_176 {strides = array<i32>} : memref<64x64xf32, #tpu.memory_space<vmem>>, vector<16xf32>,
        %get3A_180 = arith.index_cast %add3A_159 : i32 to index
        %get3A_181 = arith.constant 48 : index
        %get3A_182 = tpu.vector_load %arg11[%get3A_180, %get3A_181] {strides = array<i32>} : memref<64x64xf32, #tpu.memory_space<vmem>>, vector<16xf32>,
        %mul3A_183 = arith.mulf %get3A_182, %broadcast_in_dim3A_155 : vector<16xf32>
        %swap3A_184 = arith.index_cast %add3A_159 : i32 to index
        %swap3A_185 = arith.constant 48 : index
        %swap3A_186 = tpu.vector_load %arg11[%swap3A_184, %swap3A_185] {strides = array<i32>} : memref<64x64xf32, #tpu.memory_space<vmem>>, vector<16xf32>,
        tpu.vector_store %arg11[%swap3A_184, %swap3A_185], %mul3A_183 {strides = array<i32>} : memref<64x64xf32, #tpu.memory_space<vmem>>, vector<16xf32>,
        %slice3A_187 = vector.extract_strided_slice %get3A_154 {offsets = [1], sizes = [1], strides = [1]} : vector<16xf32> to vector<1xf32>
        %squeeze3A_188 = vector.extract %slice3A_187[0] : f32 from vector<1xf32>
        %broadcast_in_dim3A_189 = vector.broadcast %squeeze3A_188 : f32 to vector<16xf32>
        %mul3A_190 = arith.constant 16 : i32
        %mul3A_191 = arith.muli %scan3A_149, %mul3A_190 : i32
        %add3A_192 = arith.constant 1 : i32
        %add3A_193 = arith.addi %mul3A_191, %add3A_192 : i32
        %get3A_194 = arith.index_cast %add3A_193 : i32 to index
        %get3A_195 = arith.constant 0 : index
        %get3A_196 = tpu.vector_load %arg11[%get3A_194, %get3A_195] {strides = array<i32>} : memref<64x64xf32, #tpu.memory_space<vmem>>, vector<16xf32>,
        %mul3A_197 = arith.mulf %get3A_196, %broadcast_in_dim3A_189 : vector<16xf32>
        %swap3A_198 = arith.index_cast %add3A_193 : i32 to index
        %swap3A_199 = arith.constant 0 : index
        %swap3A_200 = tpu.vector_load %arg11[%swap3A_198, %swap3A_199] {strides = array<i32>} : memref<64x64xf32, #tpu.memory_space<vmem>>, vector<16xf32>,
        tpu.vector_store %arg11[%swap3A_198, %swap3A_199], %mul3A_197 {strides = array<i32>} : memref<64x64xf32, #tpu.memory_space<vmem>>, vector<16xf32>,
        %get3A_201 = arith.index_cast %add3A_193 : i32 to index
        %get3A_202 = arith.constant 16 : index
        %get3A_203 = tpu.vector_load %arg11[%get3A_201, %get3A_202] {strides = array<i32>} : memref<64x64xf32, #tpu.memory_space<vmem>>, vector<16xf32>,
        %mul3A_204 = arith.mulf %get3A_203, %broadcast_in_dim3A_189 : vector<16xf32>
        %swap3A_205 = arith.index_cast %add3A_193 : i32 to index
        %swap3A_206 = arith.constant 16 : index
        %swap3A_207 = tpu.vector_load %arg11[%swap3A_205, %swap3A_206] {strides = array<i32>} : memref<64x64xf32, #tpu.memory_space<vmem>>, vector<16xf32>,
        tpu.vector_store %arg11[%swap3A_205, %swap3A_206], %mul3A_204 {strides = array<i32>} : memref<64x64xf32, #tpu.memory_space<vmem>>, vector<16xf32>,
        %get3A_208 = arith.index_cast %add3A_193 : i32 to index
        %get3A_209 = arith.constant 32 : index
        %get3A_210 = tpu.vector_load %arg11[%get3A_208, %get3A_209] {strides = array<i32>} : memref<64x64xf32, #tpu.memory_space<vmem>>, vector<16xf32>,
        %mul3A_211 = arith.mulf %get3A_210, %broadcast_in_dim3A_189 : vector<16xf32>
        %swap3A_212 = arith.index_cast %add3A_193 : i32 to index
        %swap3A_213 = arith.constant 32 : index
        %swap3A_214 = tpu.vector_load %arg11[%swap3A_212, %swap3A_213] {strides = array<i32>} : memref<64x64xf32, #tpu.memory_space<vmem>>, vector<16xf32>,
        tpu.vector_store %arg11[%swap3A_212, %swap3A_213], %mul3A_211 {strides = array<i32>} : memref<64x64xf32, #tpu.memory_space<vmem>>, vector<16xf32>,
        %get3A_215 = arith.index_cast %add3A_193 : i32 to index
        %get3A_216 = arith.constant 48 : index
        %get3A_217 = tpu.vector_load %arg11[%get3A_215, %get3A_216] {strides = array<i32>} : memref<64x64xf32, #tpu.memory_space<vmem>>, vector<16xf32>,
        %mul3A_218 = arith.mulf %get3A_217, %broadcast_in_dim3A_189 : vector<16xf32>
        %swap3A_219 = arith.index_cast %add3A_193 : i32 to index
        %swap3A_220 = arith.constant 48 : index
        %swap3A_221 = tpu.vector_load %arg11[%swap3A_219, %swap3A_220] {strides = array<i32>} : memref<64x64xf32, #tpu.memory_space<vmem>>, vector<16xf32>,
        tpu.vector_store %arg11[%swap3A_219, %swap3A_220], %mul3A_218 {strides = array<i32>} : memref<64x64xf32, #tpu.memory_space<vmem>>, vector<16xf32>,
        %slice3A_222 = vector.extract_strided_slice %get3A_154 {offsets = [2], sizes = [1], strides = [1]} : vector<16xf32> to vector<1xf32>
        %squeeze3A_223 = vector.extract %slice3A_222[0] : f32 from vector<1xf32>
        %broadcast_in_dim3A_224 = vector.broadcast %squeeze3A_223 : f32 to vector<16xf32>
        %mul3A_225 = arith.constant 16 : i32
        %mul3A_226 = arith.muli %scan3A_149, %mul3A_225 : i32
        %add3A_227 = arith.constant 2 : i32
        %add3A_228 = arith.addi %mul3A_226, %add3A_227 : i32
        %get3A_229 = arith.index_cast %add3A_228 : i32 to index
        %get3A_230 = arith.constant 0 : index
        %get3A_231 = tpu.vector_load %arg11[%get3A_229, %get3A_230] {strides = array<i32>} : memref<64x64xf32, #tpu.memory_space<vmem>>, vector<16xf32>,
        %mul3A_232 = arith.mulf %get3A_231, %broadcast_in_dim3A_224 : vector<16xf32>
        %swap3A_233 = arith.index_cast %add3A_228 : i32 to index
        %swap3A_234 = arith.constant 0 : index
        %swap3A_235 = tpu.vector_load %arg11[%swap3A_233, %swap3A_234] {strides = array<i32>} : memref<64x64xf32, #tpu.memory_space<vmem>>, vector<16xf32>,
        tpu.vector_store %arg11[%swap3A_233, %swap3A_234], %mul3A_232 {strides = array<i32>} : memref<64x64xf32, #tpu.memory_space<vmem>>, vector<16xf32>,
        %get3A_236 = arith.index_cast %add3A_228 : i32 to index
        %get3A_237 = arith.constant 16 : index
        %get3A_238 = tpu.vector_load %arg11[%get3A_236, %get3A_237] {strides = array<i32>} : memref<64x64xf32, #tpu.memory_space<vmem>>, vector<16xf32>,
        %mul3A_239 = arith.mulf %get3A_238, %broadcast_in_dim3A_224 : vector<16xf32>
        %swap3A_240 = arith.index_cast %add3A_228 : i32 to index
        %swap3A_241 = arith.constant 16 : index
        %swap3A_242 = tpu.vector_load %arg11[%swap3A_240, %swap3A_241] {strides = array<i32>} : memref<64x64xf32, #tpu.memory_space<vmem>>, vector<16xf32>,
        tpu.vector_store %arg11[%swap3A_240, %swap3A_241], %mul3A_239 {strides = array<i32>} : memref<64x64xf32, #tpu.memory_space<vmem>>, vector<16xf32>,
        %get3A_243 = arith.index_cast %add3A_228 : i32 to index
        %get3A_244 = arith.constant 32 : index
        %get3A_245 = tpu.vector_load %arg11[%get3A_243, %get3A_244] {strides = array<i32>} : memref<64x64xf32, #tpu.memory_space<vmem>>, vector<16xf32>,
        %mul3A_246 = arith.mulf %get3A_245, %broadcast_in_dim3A_224 : vector<16xf32>
        %swap3A_247 = arith.index_cast %add3A_228 : i32 to index
        %swap3A_248 = arith.constant 32 : index
        %swap3A_249 = tpu.vector_load %arg11[%swap3A_247, %swap3A_248] {strides = array<i32>} : memref<64x64xf32, #tpu.memory_space<vmem>>, vector<16xf32>,
        tpu.vector_store %arg11[%swap3A_247, %swap3A_248], %mul3A_246 {strides = array<i32>} : memref<64x64xf32, #tpu.memory_space<vmem>>, vector<16xf32>,
        %get3A_250 = arith.index_cast %add3A_228 : i32 to index
        %get3A_251 = arith.constant 48 : index
        %get3A_252 = tpu.vector_load %arg11[%get3A_250, %get3A_251] {strides = array<i32>} : memref<64x64xf32, #tpu.memory_space<vmem>>, vector<16xf32>,
        %mul3A_253 = arith.mulf %get3A_252, %broadcast_in_dim3A_224 : vector<16xf32>
        %swap3A_254 = arith.index_cast %add3A_228 : i32 to index
        %swap3A_255 = arith.constant 48 : index
        %swap3A_256 = tpu.vector_load %arg11[%swap3A_254, %swap3A_255] {strides = array<i32>} : memref<64x64xf32, #tpu.memory_space<vmem>>, vector<16xf32>,
        tpu.vector_store %arg11[%swap3A_254, %swap3A_255], %mul3A_253 {strides = array<i32>} : memref<64x64xf32, #tpu.memory_space<vmem>>, vector<16xf32>,
        %slice3A_257 = vector.extract_strided_slice %get3A_154 {offsets = [3], sizes = [1], strides = [1]} : vector<16xf32> to vector<1xf32>
        %squeeze3A_258 = vector.extract %slice3A_257[0] : f32 from vector<1xf32>
        %broadcast_in_dim3A_259 = vector.broadcast %squeeze3A_258 : f32 to vector<16xf32>
        %mul3A_260 = arith.constant 16 : i32
        %mul3A_261 = arith.muli %scan3A_149, %mul3A_260 : i32
        %add3A_262 = arith.constant 3 : i32
        %add3A_263 = arith.addi %mul3A_261, %add3A_262 : i32
        %get3A_264 = arith.index_cast %add3A_263 : i32 to index
        %get3A_265 = arith.constant 0 : index
        %get3A_266 = tpu.vector_load %arg11[%get3A_264, %get3A_265] {strides = array<i32>} : memref<64x64xf32, #tpu.memory_space<vmem>>, vector<16xf32>,
        %mul3A_267 = arith.mulf %get3A_266, %broadcast_in_dim3A_259 : vector<16xf32>
        %swap3A_268 = arith.index_cast %add3A_263 : i32 to index
        %swap3A_269 = arith.constant 0 : index
        %swap3A_270 = tpu.vector_load %arg11[%swap3A_268, %swap3A_269] {strides = array<i32>} : memref<64x64xf32, #tpu.memory_space<vmem>>, vector<16xf32>,
        tpu.vector_store %arg11[%swap3A_268, %swap3A_269], %mul3A_267 {strides = array<i32>} : memref<64x64xf32, #tpu.memory_space<vmem>>, vector<16xf32>,
        %get3A_271 = arith.index_cast %add3A_263 : i32 to index
        %get3A_272 = arith.constant 16 : index
        %get3A_273 = tpu.vector_load %arg11[%get3A_271, %get3A_272] {strides = array<i32>} : memref<64x64xf32, #tpu.memory_space<vmem>>, vector<16xf32>,
        %mul3A_274 = arith.mulf %get3A_273, %broadcast_in_dim3A_259 : vector<16xf32>
        %swap3A_275 = arith.index_cast %add3A_263 : i32 to index
        %swap3A_276 = arith.constant 16 : index
        %swap3A_277 = tpu.vector_load %arg11[%swap3A_275, %swap3A_276] {strides = array<i32>} : memref<64x64xf32, #tpu.memory_space<vmem>>, vector<16xf32>,
        tpu.vector_store %arg11[%swap3A_275, %swap3A_276], %mul3A_274 {strides = array<i32>} : memref<64x64xf32, #tpu.memory_space<vmem>>, vector<16xf32>,
        %get3A_278 = arith.index_cast %add3A_263 : i32 to index
        %get3A_279 = arith.constant 32 : index
        %get3A_280 = tpu.vector_load %arg11[%get3A_278, %get3A_279] {strides = array<i32>} : memref<64x64xf32, #tpu.memory_space<vmem>>, vector<16xf32>,
        %mul3A_281 = arith.mulf %get3A_280, %broadcast_in_dim3A_259 : vector<16xf32>
        %swap3A_282 = arith.index_cast %add3A_263 : i32 to index
        %swap3A_283 = arith.constant 32 : index
        %swap3A_284 = tpu.vector_load %arg11[%swap3A_282, %swap3A_283] {strides = array<i32>} : memref<64x64xf32, #tpu.memory_space<vmem>>, vector<16xf32>,
        tpu.vector_store %arg11[%swap3A_282, %swap3A_283], %mul3A_281 {strides = array<i32>} : memref<64x64xf32, #tpu.memory_space<vmem>>, vector<16xf32>,
        %get3A_285 = arith.index_cast %add3A_263 : i32 to index
        %get3A_286 = arith.constant 48 : index
        %get3A_287 = tpu.vector_load %arg11[%get3A_285, %get3A_286] {strides = array<i32>} : memref<64x64xf32, #tpu.memory_space<vmem>>, vector<16xf32>,
        %mul3A_288 = arith.mulf %get3A_287, %broadcast_in_dim3A_259 : vector<16xf32>
        %swap3A_289 = arith.index_cast %add3A_263 : i32 to index
        %swap3A_290 = arith.constant 48 : index
        %swap3A_291 = tpu.vector_load %arg11[%swap3A_289, %swap3A_290] {strides = array<i32>} : memref<64x64xf32, #tpu.memory_space<vmem>>, vector<16xf32>,
        tpu.vector_store %arg11[%swap3A_289, %swap3A_290], %mul3A_288 {strides = array<i32>} : memref<64x64xf32, #tpu.memory_space<vmem>>, vector<16xf32>,
        %slice3A_292 = vector.extract_strided_slice %get3A_154 {offsets = [4], sizes = [1], strides = [1]} : vector<16xf32> to vector<1xf32>
        %squeeze3A_293 = vector.extract %slice3A_292[0] : f32 from vector<1xf32>
        %broadcast_in_dim3A_294 = vector.broadcast %squeeze3A_293 : f32 to vector<16xf32>
        %mul3A_295 = arith.constant 16 : i32
        %mul3A_296 = arith.muli %scan3A_149, %mul3A_295 : i32
        %add3A_297 = arith.constant 4 : i32
        %add3A_298 = arith.addi %mul3A_296, %add3A_297 : i32
        %get3A_299 = arith.index_cast %add3A_298 : i32 to index
        %get3A_300 = arith.constant 0 : index
        %get3A_301 = tpu.vector_load %arg11[%get3A_299, %get3A_300] {strides = array<i32>} : memref<64x64xf32, #tpu.memory_space<vmem>>, vector<16xf32>,
        %mul3A_302 = arith.mulf %get3A_301, %broadcast_in_dim3A_294 : vector<16xf32>
        %swap3A_303 = arith.index_cast %add3A_298 : i32 to index
        %swap3A_304 = arith.constant 0 : index
        %swap3A_305 = tpu.vector_load %arg11[%swap3A_303, %swap3A_304] {strides = array<i32>} : memref<64x64xf32, #tpu.memory_space<vmem>>, vector<16xf32>,
        tpu.vector_store %arg11[%swap3A_303, %swap3A_304], %mul3A_302 {strides = array<i32>} : memref<64x64xf32, #tpu.memory_space<vmem>>, vector<16xf32>,
        %get3A_306 = arith.index_cast %add3A_298 : i32 to index
        %get3A_307 = arith.constant 16 : index
        %get3A_308 = tpu.vector_load %arg11[%get3A_306, %get3A_307] {strides = array<i32>} : memref<64x64xf32, #tpu.memory_space<vmem>>, vector<16xf32>,
        %mul3A_309 = arith.mulf %get3A_308, %broadcast_in_dim3A_294 : vector<16xf32>
        %swap3A_310 = arith.index_cast %add3A_298 : i32 to index
        %swap3A_311 = arith.constant 16 : index
        %swap3A_312 = tpu.vector_load %arg11[%swap3A_310, %swap3A_311] {strides = array<i32>} : memref<64x64xf32, #tpu.memory_space<vmem>>, vector<16xf32>,
        tpu.vector_store %arg11[%swap3A_310, %swap3A_311], %mul3A_309 {strides = array<i32>} : memref<64x64xf32, #tpu.memory_space<vmem>>, vector<16xf32>,
        %get3A_313 = arith.index_cast %add3A_298 : i32 to index
        %get3A_314 = arith.constant 32 : index
        %get3A_315 = tpu.vector_load %arg11[%get3A_313, %get3A_314] {strides = array<i32>} : memref<64x64xf32, #tpu.memory_space<vmem>>, vector<16xf32>,
        %mul3A_316 = arith.mulf %get3A_315, %broadcast_in_dim3A_294 : vector<16xf32>
        %swap3A_317 = arith.index_cast %add3A_298 : i32 to index
        %swap3A_318 = arith.constant 32 : index
        %swap3A_319 = tpu.vector_load %arg11[%swap3A_317, %swap3A_318] {strides = array<i32>} : memref<64x64xf32, #tpu.memory_space<vmem>>, vector<16xf32>,
        tpu.vector_store %arg11[%swap3A_317, %swap3A_318], %mul3A_316 {strides = array<i32>} : memref<64x64xf32, #tpu.memory_space<vmem>>, vector<16xf32>,
        %get3A_320 = arith.index_cast %add3A_298 : i32 to index
        %get3A_321 = arith.constant 48 : index
        %get3A_322 = tpu.vector_load %arg11[%get3A_320, %get3A_321] {strides = array<i32>} : memref<64x64xf32, #tpu.memory_space<vmem>>, vector<16xf32>,
        %mul3A_323 = arith.mulf %get3A_322, %broadcast_in_dim3A_294 : vector<16xf32>
        %swap3A_324 = arith.index_cast %add3A_298 : i32 to index
        %swap3A_325 = arith.constant 48 : index
        %swap3A_326 = tpu.vector_load %arg11[%swap3A_324, %swap3A_325] {strides = array<i32>} : memref<64x64xf32, #tpu.memory_space<vmem>>, vector<16xf32>,
        tpu.vector_store %arg11[%swap3A_324, %swap3A_325], %mul3A_323 {strides = array<i32>} : memref<64x64xf32, #tpu.memory_space<vmem>>, vector<16xf32>,
        %slice3A_327 = vector.extract_strided_slice %get3A_154 {offsets = [5], sizes = [1], strides = [1]} : vector<16xf32> to vector<1xf32>
        %squeeze3A_328 = vector.extract %slice3A_327[0] : f32 from vector<1xf32>
        %broadcast_in_dim3A_329 = vector.broadcast %squeeze3A_328 : f32 to vector<16xf32>
        %mul3A_330 = arith.constant 16 : i32
        %mul3A_331 = arith.muli %scan3A_149, %mul3A_330 : i32
        %add3A_332 = arith.constant 5 : i32
        %add3A_333 = arith.addi %mul3A_331, %add3A_332 : i32
        %get3A_334 = arith.index_cast %add3A_333 : i32 to index
        %get3A_335 = arith.constant 0 : index
        %get3A_336 = tpu.vector_load %arg11[%get3A_334, %get3A_335] {strides = array<i32>} : memref<64x64xf32, #tpu.memory_space<vmem>>, vector<16xf32>,
        %mul3A_337 = arith.mulf %get3A_336, %broadcast_in_dim3A_329 : vector<16xf32>
        %swap3A_338 = arith.index_cast %add3A_333 : i32 to index
        %swap3A_339 = arith.constant 0 : index
        %swap3A_340 = tpu.vector_load %arg11[%swap3A_338, %swap3A_339] {strides = array<i32>} : memref<64x64xf32, #tpu.memory_space<vmem>>, vector<16xf32>,
        tpu.vector_store %arg11[%swap3A_338, %swap3A_339], %mul3A_337 {strides = array<i32>} : memref<64x64xf32, #tpu.memory_space<vmem>>, vector<16xf32>,
        %get3A_341 = arith.index_cast %add3A_333 : i32 to index
        %get3A_342 = arith.constant 16 : index
        %get3A_343 = tpu.vector_load %arg11[%get3A_341, %get3A_342] {strides = array<i32>} : memref<64x64xf32, #tpu.memory_space<vmem>>, vector<16xf32>,
        %mul3A_344 = arith.mulf %get3A_343, %broadcast_in_dim3A_329 : vector<16xf32>
        %swap3A_345 = arith.index_cast %add3A_333 : i32 to index
        %swap3A_346 = arith.constant 16 : index
        %swap3A_347 = tpu.vector_load %arg11[%swap3A_345, %swap3A_346] {strides = array<i32>} : memref<64x64xf32, #tpu.memory_space<vmem>>, vector<16xf32>,
        tpu.vector_store %arg11[%swap3A_345, %swap3A_346], %mul3A_344 {strides = array<i32>} : memref<64x64xf32, #tpu.memory_space<vmem>>, vector<16xf32>,
        %get3A_348 = arith.index_cast %add3A_333 : i32 to index
        %get3A_349 = arith.constant 32 : index
        %get3A_350 = tpu.vector_load %arg11[%get3A_348, %get3A_349] {strides = array<i32>} : memref<64x64xf32, #tpu.memory_space<vmem>>, vector<16xf32>,
        %mul3A_351 = arith.mulf %get3A_350, %broadcast_in_dim3A_329 : vector<16xf32>
        %swap3A_352 = arith.index_cast %add3A_333 : i32 to index
        %swap3A_353 = arith.constant 32 : index
        %swap3A_354 = tpu.vector_load %arg11[%swap3A_352, %swap3A_353] {strides = array<i32>} : memref<64x64xf32, #tpu.memory_space<vmem>>, vector<16xf32>,
        tpu.vector_store %arg11[%swap3A_352, %swap3A_353], %mul3A_351 {strides = array<i32>} : memref<64x64xf32, #tpu.memory_space<vmem>>, vector<16xf32>,
        %get3A_355 = arith.index_cast %add3A_333 : i32 to index
        %get3A_356 = arith.constant 48 : index
        %get3A_357 = tpu.vector_load %arg11[%get3A_355, %get3A_356] {strides = array<i32>} : memref<64x64xf32, #tpu.memory_space<vmem>>, vector<16xf32>,
        %mul3A_358 = arith.mulf %get3A_357, %broadcast_in_dim3A_329 : vector<16xf32>
        %swap3A_359 = arith.index_cast %add3A_333 : i32 to index
        %swap3A_360 = arith.constant 48 : index
        %swap3A_361 = tpu.vector_load %arg11[%swap3A_359, %swap3A_360] {strides = array<i32>} : memref<64x64xf32, #tpu.memory_space<vmem>>, vector<16xf32>,
        tpu.vector_store %arg11[%swap3A_359, %swap3A_360], %mul3A_358 {strides = array<i32>} : memref<64x64xf32, #tpu.memory_space<vmem>>, vector<16xf32>,
        %slice3A_362 = vector.extract_strided_slice %get3A_154 {offsets = [6], sizes = [1], strides = [1]} : vector<16xf32> to vector<1xf32>
        %squeeze3A_363 = vector.extract %slice3A_362[0] : f32 from vector<1xf32>
        %broadcast_in_dim3A_364 = vector.broadcast %squeeze3A_363 : f32 to vector<16xf32>
        %mul3A_365 = arith.constant 16 : i32
        %mul3A_366 = arith.muli %scan3A_149, %mul3A_365 : i32
        %add3A_367 = arith.constant 6 : i32
        %add3A_368 = arith.addi %mul3A_366, %add3A_367 : i32
        %get3A_369 = arith.index_cast %add3A_368 : i32 to index
        %get3A_370 = arith.constant 0 : index
        %get3A_371 = tpu.vector_load %arg11[%get3A_369, %get3A_370] {strides = array<i32>} : memref<64x64xf32, #tpu.memory_space<vmem>>, vector<16xf32>,
        %mul3A_372 = arith.mulf %get3A_371, %broadcast_in_dim3A_364 : vector<16xf32>
        %swap3A_373 = arith.index_cast %add3A_368 : i32 to index
        %swap3A_374 = arith.constant 0 : index
        %swap3A_375 = tpu.vector_load %arg11[%swap3A_373, %swap3A_374] {strides = array<i32>} : memref<64x64xf32, #tpu.memory_space<vmem>>, vector<16xf32>,
        tpu.vector_store %arg11[%swap3A_373, %swap3A_374], %mul3A_372 {strides = array<i32>} : memref<64x64xf32, #tpu.memory_space<vmem>>, vector<16xf32>,
        %get3A_376 = arith.index_cast %add3A_368 : i32 to index
        %get3A_377 = arith.constant 16 : index
        %get3A_378 = tpu.vector_load %arg11[%get3A_376, %get3A_377] {strides = array<i32>} : memref<64x64xf32, #tpu.memory_space<vmem>>, vector<16xf32>,
        %mul3A_379 = arith.mulf %get3A_378, %broadcast_in_dim3A_364 : vector<16xf32>
        %swap3A_380 = arith.index_cast %add3A_368 : i32 to index
        %swap3A_381 = arith.constant 16 : index
        %swap3A_382 = tpu.vector_load %arg11[%swap3A_380, %swap3A_381] {strides = array<i32>} : memref<64x64xf32, #tpu.memory_space<vmem>>, vector<16xf32>,
        tpu.vector_store %arg11[%swap3A_380, %swap3A_381], %mul3A_379 {strides = array<i32>} : memref<64x64xf32, #tpu.memory_space<vmem>>, vector<16xf32>,
        %get3A_383 = arith.index_cast %add3A_368 : i32 to index
        %get3A_384 = arith.constant 32 : index
        %get3A_385 = tpu.vector_load %arg11[%get3A_383, %get3A_384] {strides = array<i32>} : memref<64x64xf32, #tpu.memory_space<vmem>>, vector<16xf32>,
        %mul3A_386 = arith.mulf %get3A_385, %broadcast_in_dim3A_364 : vector<16xf32>
        %swap3A_387 = arith.index_cast %add3A_368 : i32 to index
        %swap3A_388 = arith.constant 32 : index
        %swap3A_389 = tpu.vector_load %arg11[%swap3A_387, %swap3A_388] {strides = array<i32>} : memref<64x64xf32, #tpu.memory_space<vmem>>, vector<16xf32>,
        tpu.vector_store %arg11[%swap3A_387, %swap3A_388], %mul3A_386 {strides = array<i32>} : memref<64x64xf32, #tpu.memory_space<vmem>>, vector<16xf32>,
        %get3A_390 = arith.index_cast %add3A_368 : i32 to index
        %get3A_391 = arith.constant 48 : index
        %get3A_392 = tpu.vector_load %arg11[%get3A_390, %get3A_391] {strides = array<i32>} : memref<64x64xf32, #tpu.memory_space<vmem>>, vector<16xf32>,
        %mul3A_393 = arith.mulf %get3A_392, %broadcast_in_dim3A_364 : vector<16xf32>
        %swap3A_394 = arith.index_cast %add3A_368 : i32 to index
        %swap3A_395 = arith.constant 48 : index
        %swap3A_396 = tpu.vector_load %arg11[%swap3A_394, %swap3A_395] {strides = array<i32>} : memref<64x64xf32, #tpu.memory_space<vmem>>, vector<16xf32>,
        tpu.vector_store %arg11[%swap3A_394, %swap3A_395], %mul3A_393 {strides = array<i32>} : memref<64x64xf32, #tpu.memory_space<vmem>>, vector<16xf32>,
        %slice3A_397 = vector.extract_strided_slice %get3A_154 {offsets = [7], sizes = [1], strides = [1]} : vector<16xf32> to vector<1xf32>
        %squeeze3A_398 = vector.extract %slice3A_397[0] : f32 from vector<1xf32>
        %broadcast_in_dim3A_399 = vector.broadcast %squeeze3A_398 : f32 to vector<16xf32>
        %mul3A_400 = arith.constant 16 : i32
        %mul3A_401 = arith.muli %scan3A_149, %mul3A_400 : i32
        %add3A_402 = arith.constant 7 : i32
        %add3A_403 = arith.addi %mul3A_401, %add3A_402 : i32
        %get3A_404 = arith.index_cast %add3A_403 : i32 to index
        %get3A_405 = arith.constant 0 : index
        %get3A_406 = tpu.vector_load %arg11[%get3A_404, %get3A_405] {strides = array<i32>} : memref<64x64xf32, #tpu.memory_space<vmem>>, vector<16xf32>,
        %mul3A_407 = arith.mulf %get3A_406, %broadcast_in_dim3A_399 : vector<16xf32>
        %swap3A_408 = arith.index_cast %add3A_403 : i32 to index
        %swap3A_409 = arith.constant 0 : index
        %swap3A_410 = tpu.vector_load %arg11[%swap3A_408, %swap3A_409] {strides = array<i32>} : memref<64x64xf32, #tpu.memory_space<vmem>>, vector<16xf32>,
        tpu.vector_store %arg11[%swap3A_408, %swap3A_409], %mul3A_407 {strides = array<i32>} : memref<64x64xf32, #tpu.memory_space<vmem>>, vector<16xf32>,
        %get3A_411 = arith.index_cast %add3A_403 : i32 to index
        %get3A_412 = arith.constant 16 : index
        %get3A_413 = tpu.vector_load %arg11[%get3A_411, %get3A_412] {strides = array<i32>} : memref<64x64xf32, #tpu.memory_space<vmem>>, vector<16xf32>,
        %mul3A_414 = arith.mulf %get3A_413, %broadcast_in_dim3A_399 : vector<16xf32>
        %swap3A_415 = arith.index_cast %add3A_403 : i32 to index
        %swap3A_416 = arith.constant 16 : index
        %swap3A_417 = tpu.vector_load %arg11[%swap3A_415, %swap3A_416] {strides = array<i32>} : memref<64x64xf32, #tpu.memory_space<vmem>>, vector<16xf32>,
        tpu.vector_store %arg11[%swap3A_415, %swap3A_416], %mul3A_414 {strides = array<i32>} : memref<64x64xf32, #tpu.memory_space<vmem>>, vector<16xf32>,
        %get3A_418 = arith.index_cast %add3A_403 : i32 to index
        %get3A_419 = arith.constant 32 : index
        %get3A_420 = tpu.vector_load %arg11[%get3A_418, %get3A_419] {strides = array<i32>} : memref<64x64xf32, #tpu.memory_space<vmem>>, vector<16xf32>,
        %mul3A_421 = arith.mulf %get3A_420, %broadcast_in_dim3A_399 : vector<16xf32>
        %swap3A_422 = arith.index_cast %add3A_403 : i32 to index
        %swap3A_423 = arith.constant 32 : index
        %swap3A_424 = tpu.vector_load %arg11[%swap3A_422, %swap3A_423] {strides = array<i32>} : memref<64x64xf32, #tpu.memory_space<vmem>>, vector<16xf32>,
        tpu.vector_store %arg11[%swap3A_422, %swap3A_423], %mul3A_421 {strides = array<i32>} : memref<64x64xf32, #tpu.memory_space<vmem>>, vector<16xf32>,
        %get3A_425 = arith.index_cast %add3A_403 : i32 to index
        %get3A_426 = arith.constant 48 : index
        %get3A_427 = tpu.vector_load %arg11[%get3A_425, %get3A_426] {strides = array<i32>} : memref<64x64xf32, #tpu.memory_space<vmem>>, vector<16xf32>,
        %mul3A_428 = arith.mulf %get3A_427, %broadcast_in_dim3A_399 : vector<16xf32>
        %swap3A_429 = arith.index_cast %add3A_403 : i32 to index
        %swap3A_430 = arith.constant 48 : index
        %swap3A_431 = tpu.vector_load %arg11[%swap3A_429, %swap3A_430] {strides = array<i32>} : memref<64x64xf32, #tpu.memory_space<vmem>>, vector<16xf32>,
        tpu.vector_store %arg11[%swap3A_429, %swap3A_430], %mul3A_428 {strides = array<i32>} : memref<64x64xf32, #tpu.memory_space<vmem>>, vector<16xf32>,
        %slice3A_432 = vector.extract_strided_slice %get3A_154 {offsets = [8], sizes = [1], strides = [1]} : vector<16xf32> to vector<1xf32>
        %squeeze3A_433 = vector.extract %slice3A_432[0] : f32 from vector<1xf32>
        %broadcast_in_dim3A_434 = vector.broadcast %squeeze3A_433 : f32 to vector<16xf32>
        %mul3A_435 = arith.constant 16 : i32
        %mul3A_436 = arith.muli %scan3A_149, %mul3A_435 : i32
        %add3A_437 = arith.constant 8 : i32
        %add3A_438 = arith.addi %mul3A_436, %add3A_437 : i32
        %get3A_439 = arith.index_cast %add3A_438 : i32 to index
        %get3A_440 = arith.constant 0 : index
        %get3A_441 = tpu.vector_load %arg11[%get3A_439, %get3A_440] {strides = array<i32>} : memref<64x64xf32, #tpu.memory_space<vmem>>, vector<16xf32>,
        %mul3A_442 = arith.mulf %get3A_441, %broadcast_in_dim3A_434 : vector<16xf32>
        %swap3A_443 = arith.index_cast %add3A_438 : i32 to index
        %swap3A_444 = arith.constant 0 : index
        %swap3A_445 = tpu.vector_load %arg11[%swap3A_443, %swap3A_444] {strides = array<i32>} : memref<64x64xf32, #tpu.memory_space<vmem>>, vector<16xf32>,
        tpu.vector_store %arg11[%swap3A_443, %swap3A_444], %mul3A_442 {strides = array<i32>} : memref<64x64xf32, #tpu.memory_space<vmem>>, vector<16xf32>,
        %get3A_446 = arith.index_cast %add3A_438 : i32 to index
        %get3A_447 = arith.constant 16 : index
        %get3A_448 = tpu.vector_load %arg11[%get3A_446, %get3A_447] {strides = array<i32>} : memref<64x64xf32, #tpu.memory_space<vmem>>, vector<16xf32>,
        %mul3A_449 = arith.mulf %get3A_448, %broadcast_in_dim3A_434 : vector<16xf32>
        %swap3A_450 = arith.index_cast %add3A_438 : i32 to index
        %swap3A_451 = arith.constant 16 : index
        %swap3A_452 = tpu.vector_load %arg11[%swap3A_450, %swap3A_451] {strides = array<i32>} : memref<64x64xf32, #tpu.memory_space<vmem>>, vector<16xf32>,
        tpu.vector_store %arg11[%swap3A_450, %swap3A_451], %mul3A_449 {strides = array<i32>} : memref<64x64xf32, #tpu.memory_space<vmem>>, vector<16xf32>,
        %get3A_453 = arith.index_cast %add3A_438 : i32 to index
        %get3A_454 = arith.constant 32 : index
        %get3A_455 = tpu.vector_load %arg11[%get3A_453, %get3A_454] {strides = array<i32>} : memref<64x64xf32, #tpu.memory_space<vmem>>, vector<16xf32>,
        %mul3A_456 = arith.mulf %get3A_455, %broadcast_in_dim3A_434 : vector<16xf32>
        %swap3A_457 = arith.index_cast %add3A_438 : i32 to index
        %swap3A_458 = arith.constant 32 : index
        %swap3A_459 = tpu.vector_load %arg11[%swap3A_457, %swap3A_458] {strides = array<i32>} : memref<64x64xf32, #tpu.memory_space<vmem>>, vector<16xf32>,
        tpu.vector_store %arg11[%swap3A_457, %swap3A_458], %mul3A_456 {strides = array<i32>} : memref<64x64xf32, #tpu.memory_space<vmem>>, vector<16xf32>,
        %get3A_460 = arith.index_cast %add3A_438 : i32 to index
        %get3A_461 = arith.constant 48 : index
        %get3A_462 = tpu.vector_load %arg11[%get3A_460, %get3A_461] {strides = array<i32>} : memref<64x64xf32, #tpu.memory_space<vmem>>, vector<16xf32>,
        %mul3A_463 = arith.mulf %get3A_462, %broadcast_in_dim3A_434 : vector<16xf32>
        %swap3A_464 = arith.index_cast %add3A_438 : i32 to index
        %swap3A_465 = arith.constant 48 : index
        %swap3A_466 = tpu.vector_load %arg11[%swap3A_464, %swap3A_465] {strides = array<i32>} : memref<64x64xf32, #tpu.memory_space<vmem>>, vector<16xf32>,
        tpu.vector_store %arg11[%swap3A_464, %swap3A_465], %mul3A_463 {strides = array<i32>} : memref<64x64xf32, #tpu.memory_space<vmem>>, vector<16xf32>,
        %slice3A_467 = vector.extract_strided_slice %get3A_154 {offsets = [9], sizes = [1], strides = [1]} : vector<16xf32> to vector<1xf32>
        %squeeze3A_468 = vector.extract %slice3A_467[0] : f32 from vector<1xf32>
        %broadcast_in_dim3A_469 = vector.broadcast %squeeze3A_468 : f32 to vector<16xf32>
        %mul3A_470 = arith.constant 16 : i32
        %mul3A_471 = arith.muli %scan3A_149, %mul3A_470 : i32
        %add3A_472 = arith.constant 9 : i32
        %add3A_473 = arith.addi %mul3A_471, %add3A_472 : i32
        %get3A_474 = arith.index_cast %add3A_473 : i32 to index
        %get3A_475 = arith.constant 0 : index
        %get3A_476 = tpu.vector_load %arg11[%get3A_474, %get3A_475] {strides = array<i32>} : memref<64x64xf32, #tpu.memory_space<vmem>>, vector<16xf32>,
        %mul3A_477 = arith.mulf %get3A_476, %broadcast_in_dim3A_469 : vector<16xf32>
        %swap3A_478 = arith.index_cast %add3A_473 : i32 to index
        %swap3A_479 = arith.constant 0 : index
        %swap3A_480 = tpu.vector_load %arg11[%swap3A_478, %swap3A_479] {strides = array<i32>} : memref<64x64xf32, #tpu.memory_space<vmem>>, vector<16xf32>,
        tpu.vector_store %arg11[%swap3A_478, %swap3A_479], %mul3A_477 {strides = array<i32>} : memref<64x64xf32, #tpu.memory_space<vmem>>, vector<16xf32>,
        %get3A_481 = arith.index_cast %add3A_473 : i32 to index
        %get3A_482 = arith.constant 16 : index
        %get3A_483 = tpu.vector_load %arg11[%get3A_481, %get3A_482] {strides = array<i32>} : memref<64x64xf32, #tpu.memory_space<vmem>>, vector<16xf32>,
        %mul3A_484 = arith.mulf %get3A_483, %broadcast_in_dim3A_469 : vector<16xf32>
        %swap3A_485 = arith.index_cast %add3A_473 : i32 to index
        %swap3A_486 = arith.constant 16 : index
        %swap3A_487 = tpu.vector_load %arg11[%swap3A_485, %swap3A_486] {strides = array<i32>} : memref<64x64xf32, #tpu.memory_space<vmem>>, vector<16xf32>,
        tpu.vector_store %arg11[%swap3A_485, %swap3A_486], %mul3A_484 {strides = array<i32>} : memref<64x64xf32, #tpu.memory_space<vmem>>, vector<16xf32>,
        %get3A_488 = arith.index_cast %add3A_473 : i32 to index
        %get3A_489 = arith.constant 32 : index
        %get3A_490 = tpu.vector_load %arg11[%get3A_488, %get3A_489] {strides = array<i32>} : memref<64x64xf32, #tpu.memory_space<vmem>>, vector<16xf32>,
        %mul3A_491 = arith.mulf %get3A_490, %broadcast_in_dim3A_469 : vector<16xf32>
        %swap3A_492 = arith.index_cast %add3A_473 : i32 to index
        %swap3A_493 = arith.constant 32 : index
        %swap3A_494 = tpu.vector_load %arg11[%swap3A_492, %swap3A_493] {strides = array<i32>} : memref<64x64xf32, #tpu.memory_space<vmem>>, vector<16xf32>,
        tpu.vector_store %arg11[%swap3A_492, %swap3A_493], %mul3A_491 {strides = array<i32>} : memref<64x64xf32, #tpu.memory_space<vmem>>, vector<16xf32>,
        %get3A_495 = arith.index_cast %add3A_473 : i32 to index
        %get3A_496 = arith.constant 48 : index
        %get3A_497 = tpu.vector_load %arg11[%get3A_495, %get3A_496] {strides = array<i32>} : memref<64x64xf32, #tpu.memory_space<vmem>>, vector<16xf32>,
        %mul3A_498 = arith.mulf %get3A_497, %broadcast_in_dim3A_469 : vector<16xf32>
        %swap3A_499 = arith.index_cast %add3A_473 : i32 to index
        %swap3A_500 = arith.constant 48 : index
        %swap3A_501 = tpu.vector_load %arg11[%swap3A_499, %swap3A_500] {strides = array<i32>} : memref<64x64xf32, #tpu.memory_space<vmem>>, vector<16xf32>,
        tpu.vector_store %arg11[%swap3A_499, %swap3A_500], %mul3A_498 {strides = array<i32>} : memref<64x64xf32, #tpu.memory_space<vmem>>, vector<16xf32>,
        %slice3A_502 = vector.extract_strided_slice %get3A_154 {offsets = [10], sizes = [1], strides = [1]} : vector<16xf32> to vector<1xf32>
        %squeeze3A_503 = vector.extract %slice3A_502[0] : f32 from vector<1xf32>
        %broadcast_in_dim3A_504 = vector.broadcast %squeeze3A_503 : f32 to vector<16xf32>
        %mul3A_505 = arith.constant 16 : i32
        %mul3A_506 = arith.muli %scan3A_149, %mul3A_505 : i32
        %add3A_507 = arith.constant 10 : i32
        %add3A_508 = arith.addi %mul3A_506, %add3A_507 : i32
        %get3A_509 = arith.index_cast %add3A_508 : i32 to index
        %get3A_510 = arith.constant 0 : index
        %get3A_511 = tpu.vector_load %arg11[%get3A_509, %get3A_510] {strides = array<i32>} : memref<64x64xf32, #tpu.memory_space<vmem>>, vector<16xf32>,
        %mul3A_512 = arith.mulf %get3A_511, %broadcast_in_dim3A_504 : vector<16xf32>
        %swap3A_513 = arith.index_cast %add3A_508 : i32 to index
        %swap3A_514 = arith.constant 0 : index
        %swap3A_515 = tpu.vector_load %arg11[%swap3A_513, %swap3A_514] {strides = array<i32>} : memref<64x64xf32, #tpu.memory_space<vmem>>, vector<16xf32>,
        tpu.vector_store %arg11[%swap3A_513, %swap3A_514], %mul3A_512 {strides = array<i32>} : memref<64x64xf32, #tpu.memory_space<vmem>>, vector<16xf32>,
        %get3A_516 = arith.index_cast %add3A_508 : i32 to index
        %get3A_517 = arith.constant 16 : index
        %get3A_518 = tpu.vector_load %arg11[%get3A_516, %get3A_517] {strides = array<i32>} : memref<64x64xf32, #tpu.memory_space<vmem>>, vector<16xf32>,
        %mul3A_519 = arith.mulf %get3A_518, %broadcast_in_dim3A_504 : vector<16xf32>
        %swap3A_520 = arith.index_cast %add3A_508 : i32 to index
        %swap3A_521 = arith.constant 16 : index
        %swap3A_522 = tpu.vector_load %arg11[%swap3A_520, %swap3A_521] {strides = array<i32>} : memref<64x64xf32, #tpu.memory_space<vmem>>, vector<16xf32>,
        tpu.vector_store %arg11[%swap3A_520, %swap3A_521], %mul3A_519 {strides = array<i32>} : memref<64x64xf32, #tpu.memory_space<vmem>>, vector<16xf32>,
        %get3A_523 = arith.index_cast %add3A_508 : i32 to index
        %get3A_524 = arith.constant 32 : index
        %get3A_525 = tpu.vector_load %arg11[%get3A_523, %get3A_524] {strides = array<i32>} : memref<64x64xf32, #tpu.memory_space<vmem>>, vector<16xf32>,
        %mul3A_526 = arith.mulf %get3A_525, %broadcast_in_dim3A_504 : vector<16xf32>
        %swap3A_527 = arith.index_cast %add3A_508 : i32 to index
        %swap3A_528 = arith.constant 32 : index
        %swap3A_529 = tpu.vector_load %arg11[%swap3A_527, %swap3A_528] {strides = array<i32>} : memref<64x64xf32, #tpu.memory_space<vmem>>, vector<16xf32>,
        tpu.vector_store %arg11[%swap3A_527, %swap3A_528], %mul3A_526 {strides = array<i32>} : memref<64x64xf32, #tpu.memory_space<vmem>>, vector<16xf32>,
        %get3A_530 = arith.index_cast %add3A_508 : i32 to index
        %get3A_531 = arith.constant 48 : index
        %get3A_532 = tpu.vector_load %arg11[%get3A_530, %get3A_531] {strides = array<i32>} : memref<64x64xf32, #tpu.memory_space<vmem>>, vector<16xf32>,
        %mul3A_533 = arith.mulf %get3A_532, %broadcast_in_dim3A_504 : vector<16xf32>
        %swap3A_534 = arith.index_cast %add3A_508 : i32 to index
        %swap3A_535 = arith.constant 48 : index
        %swap3A_536 = tpu.vector_load %arg11[%swap3A_534, %swap3A_535] {strides = array<i32>} : memref<64x64xf32, #tpu.memory_space<vmem>>, vector<16xf32>,
        tpu.vector_store %arg11[%swap3A_534, %swap3A_535], %mul3A_533 {strides = array<i32>} : memref<64x64xf32, #tpu.memory_space<vmem>>, vector<16xf32>,
        %slice3A_537 = vector.extract_strided_slice %get3A_154 {offsets = [11], sizes = [1], strides = [1]} : vector<16xf32> to vector<1xf32>
        %squeeze3A_538 = vector.extract %slice3A_537[0] : f32 from vector<1xf32>
        %broadcast_in_dim3A_539 = vector.broadcast %squeeze3A_538 : f32 to vector<16xf32>
        %mul3A_540 = arith.constant 16 : i32
        %mul3A_541 = arith.muli %scan3A_149, %mul3A_540 : i32
        %add3A_542 = arith.constant 11 : i32
        %add3A_543 = arith.addi %mul3A_541, %add3A_542 : i32
        %get3A_544 = arith.index_cast %add3A_543 : i32 to index
        %get3A_545 = arith.constant 0 : index
        %get3A_546 = tpu.vector_load %arg11[%get3A_544, %get3A_545] {strides = array<i32>} : memref<64x64xf32, #tpu.memory_space<vmem>>, vector<16xf32>,
        %mul3A_547 = arith.mulf %get3A_546, %broadcast_in_dim3A_539 : vector<16xf32>
        %swap3A_548 = arith.index_cast %add3A_543 : i32 to index
        %swap3A_549 = arith.constant 0 : index
        %swap3A_550 = tpu.vector_load %arg11[%swap3A_548, %swap3A_549] {strides = array<i32>} : memref<64x64xf32, #tpu.memory_space<vmem>>, vector<16xf32>,
        tpu.vector_store %arg11[%swap3A_548, %swap3A_549], %mul3A_547 {strides = array<i32>} : memref<64x64xf32, #tpu.memory_space<vmem>>, vector<16xf32>,
        %get3A_551 = arith.index_cast %add3A_543 : i32 to index
        %get3A_552 = arith.constant 16 : index
        %get3A_553 = tpu.vector_load %arg11[%get3A_551, %get3A_552] {strides = array<i32>} : memref<64x64xf32, #tpu.memory_space<vmem>>, vector<16xf32>,
        %mul3A_554 = arith.mulf %get3A_553, %broadcast_in_dim3A_539 : vector<16xf32>
        %swap3A_555 = arith.index_cast %add3A_543 : i32 to index
        %swap3A_556 = arith.constant 16 : index
        %swap3A_557 = tpu.vector_load %arg11[%swap3A_555, %swap3A_556] {strides = array<i32>} : memref<64x64xf32, #tpu.memory_space<vmem>>, vector<16xf32>,
        tpu.vector_store %arg11[%swap3A_555, %swap3A_556], %mul3A_554 {strides = array<i32>} : memref<64x64xf32, #tpu.memory_space<vmem>>, vector<16xf32>,
        %get3A_558 = arith.index_cast %add3A_543 : i32 to index
        %get3A_559 = arith.constant 32 : index
        %get3A_560 = tpu.vector_load %arg11[%get3A_558, %get3A_559] {strides = array<i32>} : memref<64x64xf32, #tpu.memory_space<vmem>>, vector<16xf32>,
        %mul3A_561 = arith.mulf %get3A_560, %broadcast_in_dim3A_539 : vector<16xf32>
        %swap3A_562 = arith.index_cast %add3A_543 : i32 to index
        %swap3A_563 = arith.constant 32 : index
        %swap3A_564 = tpu.vector_load %arg11[%swap3A_562, %swap3A_563] {strides = array<i32>} : memref<64x64xf32, #tpu.memory_space<vmem>>, vector<16xf32>,
        tpu.vector_store %arg11[%swap3A_562, %swap3A_563], %mul3A_561 {strides = array<i32>} : memref<64x64xf32, #tpu.memory_space<vmem>>, vector<16xf32>,
        %get3A_565 = arith.index_cast %add3A_543 : i32 to index
        %get3A_566 = arith.constant 48 : index
        %get3A_567 = tpu.vector_load %arg11[%get3A_565, %get3A_566] {strides = array<i32>} : memref<64x64xf32, #tpu.memory_space<vmem>>, vector<16xf32>,
        %mul3A_568 = arith.mulf %get3A_567, %broadcast_in_dim3A_539 : vector<16xf32>
        %swap3A_569 = arith.index_cast %add3A_543 : i32 to index
        %swap3A_570 = arith.constant 48 : index
        %swap3A_571 = tpu.vector_load %arg11[%swap3A_569, %swap3A_570] {strides = array<i32>} : memref<64x64xf32, #tpu.memory_space<vmem>>, vector<16xf32>,
        tpu.vector_store %arg11[%swap3A_569, %swap3A_570], %mul3A_568 {strides = array<i32>} : memref<64x64xf32, #tpu.memory_space<vmem>>, vector<16xf32>,
        %slice3A_572 = vector.extract_strided_slice %get3A_154 {offsets = [12], sizes = [1], strides = [1]} : vector<16xf32> to vector<1xf32>
        %squeeze3A_573 = vector.extract %slice3A_572[0] : f32 from vector<1xf32>
        %broadcast_in_dim3A_574 = vector.broadcast %squeeze3A_573 : f32 to vector<16xf32>
        %mul3A_575 = arith.constant 16 : i32
        %mul3A_576 = arith.muli %scan3A_149, %mul3A_575 : i32
        %add3A_577 = arith.constant 12 : i32
        %add3A_578 = arith.addi %mul3A_576, %add3A_577 : i32
        %get3A_579 = arith.index_cast %add3A_578 : i32 to index
        %get3A_580 = arith.constant 0 : index
        %get3A_581 = tpu.vector_load %arg11[%get3A_579, %get3A_580] {strides = array<i32>} : memref<64x64xf32, #tpu.memory_space<vmem>>, vector<16xf32>,
        %mul3A_582 = arith.mulf %get3A_581, %broadcast_in_dim3A_574 : vector<16xf32>
        %swap3A_583 = arith.index_cast %add3A_578 : i32 to index
        %swap3A_584 = arith.constant 0 : index
        %swap3A_585 = tpu.vector_load %arg11[%swap3A_583, %swap3A_584] {strides = array<i32>} : memref<64x64xf32, #tpu.memory_space<vmem>>, vector<16xf32>,
        tpu.vector_store %arg11[%swap3A_583, %swap3A_584], %mul3A_582 {strides = array<i32>} : memref<64x64xf32, #tpu.memory_space<vmem>>, vector<16xf32>,
        %get3A_586 = arith.index_cast %add3A_578 : i32 to index
        %get3A_587 = arith.constant 16 : index
        %get3A_588 = tpu.vector_load %arg11[%get3A_586, %get3A_587] {strides = array<i32>} : memref<64x64xf32, #tpu.memory_space<vmem>>, vector<16xf32>,
        %mul3A_589 = arith.mulf %get3A_588, %broadcast_in_dim3A_574 : vector<16xf32>
        %swap3A_590 = arith.index_cast %add3A_578 : i32 to index
        %swap3A_591 = arith.constant 16 : index
        %swap3A_592 = tpu.vector_load %arg11[%swap3A_590, %swap3A_591] {strides = array<i32>} : memref<64x64xf32, #tpu.memory_space<vmem>>, vector<16xf32>,
        tpu.vector_store %arg11[%swap3A_590, %swap3A_591], %mul3A_589 {strides = array<i32>} : memref<64x64xf32, #tpu.memory_space<vmem>>, vector<16xf32>,
        %get3A_593 = arith.index_cast %add3A_578 : i32 to index
        %get3A_594 = arith.constant 32 : index
        %get3A_595 = tpu.vector_load %arg11[%get3A_593, %get3A_594] {strides = array<i32>} : memref<64x64xf32, #tpu.memory_space<vmem>>, vector<16xf32>,
        %mul3A_596 = arith.mulf %get3A_595, %broadcast_in_dim3A_574 : vector<16xf32>
        %swap3A_597 = arith.index_cast %add3A_578 : i32 to index
        %swap3A_598 = arith.constant 32 : index
        %swap3A_599 = tpu.vector_load %arg11[%swap3A_597, %swap3A_598] {strides = array<i32>} : memref<64x64xf32, #tpu.memory_space<vmem>>, vector<16xf32>,
        tpu.vector_store %arg11[%swap3A_597, %swap3A_598], %mul3A_596 {strides = array<i32>} : memref<64x64xf32, #tpu.memory_space<vmem>>, vector<16xf32>,
        %get3A_600 = arith.index_cast %add3A_578 : i32 to index
        %get3A_601 = arith.constant 48 : index
        %get3A_602 = tpu.vector_load %arg11[%get3A_600, %get3A_601] {strides = array<i32>} : memref<64x64xf32, #tpu.memory_space<vmem>>, vector<16xf32>,
        %mul3A_603 = arith.mulf %get3A_602, %broadcast_in_dim3A_574 : vector<16xf32>
        %swap3A_604 = arith.index_cast %add3A_578 : i32 to index
        %swap3A_605 = arith.constant 48 : index
        %swap3A_606 = tpu.vector_load %arg11[%swap3A_604, %swap3A_605] {strides = array<i32>} : memref<64x64xf32, #tpu.memory_space<vmem>>, vector<16xf32>,
        tpu.vector_store %arg11[%swap3A_604, %swap3A_605], %mul3A_603 {strides = array<i32>} : memref<64x64xf32, #tpu.memory_space<vmem>>, vector<16xf32>,
        %slice3A_607 = vector.extract_strided_slice %get3A_154 {offsets = [13], sizes = [1], strides = [1]} : vector<16xf32> to vector<1xf32>
        %squeeze3A_608 = vector.extract %slice3A_607[0] : f32 from vector<1xf32>
        %broadcast_in_dim3A_609 = vector.broadcast %squeeze3A_608 : f32 to vector<16xf32>
        %mul3A_610 = arith.constant 16 : i32
        %mul3A_611 = arith.muli %scan3A_149, %mul3A_610 : i32
        %add3A_612 = arith.constant 13 : i32
        %add3A_613 = arith.addi %mul3A_611, %add3A_612 : i32
        %get3A_614 = arith.index_cast %add3A_613 : i32 to index
        %get3A_615 = arith.constant 0 : index
        %get3A_616 = tpu.vector_load %arg11[%get3A_614, %get3A_615] {strides = array<i32>} : memref<64x64xf32, #tpu.memory_space<vmem>>, vector<16xf32>,
        %mul3A_617 = arith.mulf %get3A_616, %broadcast_in_dim3A_609 : vector<16xf32>
        %swap3A_618 = arith.index_cast %add3A_613 : i32 to index
        %swap3A_619 = arith.constant 0 : index
        %swap3A_620 = tpu.vector_load %arg11[%swap3A_618, %swap3A_619] {strides = array<i32>} : memref<64x64xf32, #tpu.memory_space<vmem>>, vector<16xf32>,
        tpu.vector_store %arg11[%swap3A_618, %swap3A_619], %mul3A_617 {strides = array<i32>} : memref<64x64xf32, #tpu.memory_space<vmem>>, vector<16xf32>,
        %get3A_621 = arith.index_cast %add3A_613 : i32 to index
        %get3A_622 = arith.constant 16 : index
        %get3A_623 = tpu.vector_load %arg11[%get3A_621, %get3A_622] {strides = array<i32>} : memref<64x64xf32, #tpu.memory_space<vmem>>, vector<16xf32>,
        %mul3A_624 = arith.mulf %get3A_623, %broadcast_in_dim3A_609 : vector<16xf32>
        %swap3A_625 = arith.index_cast %add3A_613 : i32 to index
        %swap3A_626 = arith.constant 16 : index
        %swap3A_627 = tpu.vector_load %arg11[%swap3A_625, %swap3A_626] {strides = array<i32>} : memref<64x64xf32, #tpu.memory_space<vmem>>, vector<16xf32>,
        tpu.vector_store %arg11[%swap3A_625, %swap3A_626], %mul3A_624 {strides = array<i32>} : memref<64x64xf32, #tpu.memory_space<vmem>>, vector<16xf32>,
        %get3A_628 = arith.index_cast %add3A_613 : i32 to index
        %get3A_629 = arith.constant 32 : index
        %get3A_630 = tpu.vector_load %arg11[%get3A_628, %get3A_629] {strides = array<i32>} : memref<64x64xf32, #tpu.memory_space<vmem>>, vector<16xf32>,
        %mul3A_631 = arith.mulf %get3A_630, %broadcast_in_dim3A_609 : vector<16xf32>
        %swap3A_632 = arith.index_cast %add3A_613 : i32 to index
        %swap3A_633 = arith.constant 32 : index
        %swap3A_634 = tpu.vector_load %arg11[%swap3A_632, %swap3A_633] {strides = array<i32>} : memref<64x64xf32, #tpu.memory_space<vmem>>, vector<16xf32>,
        tpu.vector_store %arg11[%swap3A_632, %swap3A_633], %mul3A_631 {strides = array<i32>} : memref<64x64xf32, #tpu.memory_space<vmem>>, vector<16xf32>,
        %get3A_635 = arith.index_cast %add3A_613 : i32 to index
        %get3A_636 = arith.constant 48 : index
        %get3A_637 = tpu.vector_load %arg11[%get3A_635, %get3A_636] {strides = array<i32>} : memref<64x64xf32, #tpu.memory_space<vmem>>, vector<16xf32>,
        %mul3A_638 = arith.mulf %get3A_637, %broadcast_in_dim3A_609 : vector<16xf32>
        %swap3A_639 = arith.index_cast %add3A_613 : i32 to index
        %swap3A_640 = arith.constant 48 : index
        %swap3A_641 = tpu.vector_load %arg11[%swap3A_639, %swap3A_640] {strides = array<i32>} : memref<64x64xf32, #tpu.memory_space<vmem>>, vector<16xf32>,
        tpu.vector_store %arg11[%swap3A_639, %swap3A_640], %mul3A_638 {strides = array<i32>} : memref<64x64xf32, #tpu.memory_space<vmem>>, vector<16xf32>,
        %slice3A_642 = vector.extract_strided_slice %get3A_154 {offsets = [14], sizes = [1], strides = [1]} : vector<16xf32> to vector<1xf32>
        %squeeze3A_643 = vector.extract %slice3A_642[0] : f32 from vector<1xf32>
        %broadcast_in_dim3A_644 = vector.broadcast %squeeze3A_643 : f32 to vector<16xf32>
        %mul3A_645 = arith.constant 16 : i32
        %mul3A_646 = arith.muli %scan3A_149, %mul3A_645 : i32
        %add3A_647 = arith.constant 14 : i32
        %add3A_648 = arith.addi %mul3A_646, %add3A_647 : i32
        %get3A_649 = arith.index_cast %add3A_648 : i32 to index
        %get3A_650 = arith.constant 0 : index
        %get3A_651 = tpu.vector_load %arg11[%get3A_649, %get3A_650] {strides = array<i32>} : memref<64x64xf32, #tpu.memory_space<vmem>>, vector<16xf32>,
        %mul3A_652 = arith.mulf %get3A_651, %broadcast_in_dim3A_644 : vector<16xf32>
        %swap3A_653 = arith.index_cast %add3A_648 : i32 to index
        %swap3A_654 = arith.constant 0 : index
        %swap3A_655 = tpu.vector_load %arg11[%swap3A_653, %swap3A_654] {strides = array<i32>} : memref<64x64xf32, #tpu.memory_space<vmem>>, vector<16xf32>,
        tpu.vector_store %arg11[%swap3A_653, %swap3A_654], %mul3A_652 {strides = array<i32>} : memref<64x64xf32, #tpu.memory_space<vmem>>, vector<16xf32>,
        %get3A_656 = arith.index_cast %add3A_648 : i32 to index
        %get3A_657 = arith.constant 16 : index
        %get3A_658 = tpu.vector_load %arg11[%get3A_656, %get3A_657] {strides = array<i32>} : memref<64x64xf32, #tpu.memory_space<vmem>>, vector<16xf32>,
        %mul3A_659 = arith.mulf %get3A_658, %broadcast_in_dim3A_644 : vector<16xf32>
        %swap3A_660 = arith.index_cast %add3A_648 : i32 to index
        %swap3A_661 = arith.constant 16 : index
        %swap3A_662 = tpu.vector_load %arg11[%swap3A_660, %swap3A_661] {strides = array<i32>} : memref<64x64xf32, #tpu.memory_space<vmem>>, vector<16xf32>,
        tpu.vector_store %arg11[%swap3A_660, %swap3A_661], %mul3A_659 {strides = array<i32>} : memref<64x64xf32, #tpu.memory_space<vmem>>, vector<16xf32>,
        %get3A_663 = arith.index_cast %add3A_648 : i32 to index
        %get3A_664 = arith.constant 32 : index
        %get3A_665 = tpu.vector_load %arg11[%get3A_663, %get3A_664] {strides = array<i32>} : memref<64x64xf32, #tpu.memory_space<vmem>>, vector<16xf32>,
        %mul3A_666 = arith.mulf %get3A_665, %broadcast_in_dim3A_644 : vector<16xf32>
        %swap3A_667 = arith.index_cast %add3A_648 : i32 to index
        %swap3A_668 = arith.constant 32 : index
        %swap3A_669 = tpu.vector_load %arg11[%swap3A_667, %swap3A_668] {strides = array<i32>} : memref<64x64xf32, #tpu.memory_space<vmem>>, vector<16xf32>,
        tpu.vector_store %arg11[%swap3A_667, %swap3A_668], %mul3A_666 {strides = array<i32>} : memref<64x64xf32, #tpu.memory_space<vmem>>, vector<16xf32>,
        %get3A_670 = arith.index_cast %add3A_648 : i32 to index
        %get3A_671 = arith.constant 48 : index
        %get3A_672 = tpu.vector_load %arg11[%get3A_670, %get3A_671] {strides = array<i32>} : memref<64x64xf32, #tpu.memory_space<vmem>>, vector<16xf32>,
        %mul3A_673 = arith.mulf %get3A_672, %broadcast_in_dim3A_644 : vector<16xf32>
        %swap3A_674 = arith.index_cast %add3A_648 : i32 to index
        %swap3A_675 = arith.constant 48 : index
        %swap3A_676 = tpu.vector_load %arg11[%swap3A_674, %swap3A_675] {strides = array<i32>} : memref<64x64xf32, #tpu.memory_space<vmem>>, vector<16xf32>,
        tpu.vector_store %arg11[%swap3A_674, %swap3A_675], %mul3A_673 {strides = array<i32>} : memref<64x64xf32, #tpu.memory_space<vmem>>, vector<16xf32>,
        %slice3A_677 = vector.extract_strided_slice %get3A_154 {offsets = [15], sizes = [1], strides = [1]} : vector<16xf32> to vector<1xf32>
        %squeeze3A_678 = vector.extract %slice3A_677[0] : f32 from vector<1xf32>
        %broadcast_in_dim3A_679 = vector.broadcast %squeeze3A_678 : f32 to vector<16xf32>
        %mul3A_680 = arith.constant 16 : i32
        %mul3A_681 = arith.muli %scan3A_149, %mul3A_680 : i32
        %add3A_682 = arith.constant 15 : i32
        %add3A_683 = arith.addi %mul3A_681, %add3A_682 : i32
        %get3A_684 = arith.index_cast %add3A_683 : i32 to index
        %get3A_685 = arith.constant 0 : index
        %get3A_686 = tpu.vector_load %arg11[%get3A_684, %get3A_685] {strides = array<i32>} : memref<64x64xf32, #tpu.memory_space<vmem>>, vector<16xf32>,
        %mul3A_687 = arith.mulf %get3A_686, %broadcast_in_dim3A_679 : vector<16xf32>
        %swap3A_688 = arith.index_cast %add3A_683 : i32 to index
        %swap3A_689 = arith.constant 0 : index
        %swap3A_690 = tpu.vector_load %arg11[%swap3A_688, %swap3A_689] {strides = array<i32>} : memref<64x64xf32, #tpu.memory_space<vmem>>, vector<16xf32>,
        tpu.vector_store %arg11[%swap3A_688, %swap3A_689], %mul3A_687 {strides = array<i32>} : memref<64x64xf32, #tpu.memory_space<vmem>>, vector<16xf32>,
        %get3A_691 = arith.index_cast %add3A_683 : i32 to index
        %get3A_692 = arith.constant 16 : index
        %get3A_693 = tpu.vector_load %arg11[%get3A_691, %get3A_692] {strides = array<i32>} : memref<64x64xf32, #tpu.memory_space<vmem>>, vector<16xf32>,
        %mul3A_694 = arith.mulf %get3A_693, %broadcast_in_dim3A_679 : vector<16xf32>
        %swap3A_695 = arith.index_cast %add3A_683 : i32 to index
        %swap3A_696 = arith.constant 16 : index
        %swap3A_697 = tpu.vector_load %arg11[%swap3A_695, %swap3A_696] {strides = array<i32>} : memref<64x64xf32, #tpu.memory_space<vmem>>, vector<16xf32>,
        tpu.vector_store %arg11[%swap3A_695, %swap3A_696], %mul3A_694 {strides = array<i32>} : memref<64x64xf32, #tpu.memory_space<vmem>>, vector<16xf32>,
        %get3A_698 = arith.index_cast %add3A_683 : i32 to index
        %get3A_699 = arith.constant 32 : index
        %get3A_700 = tpu.vector_load %arg11[%get3A_698, %get3A_699] {strides = array<i32>} : memref<64x64xf32, #tpu.memory_space<vmem>>, vector<16xf32>,
        %mul3A_701 = arith.mulf %get3A_700, %broadcast_in_dim3A_679 : vector<16xf32>
        %swap3A_702 = arith.index_cast %add3A_683 : i32 to index
        %swap3A_703 = arith.constant 32 : index
        %swap3A_704 = tpu.vector_load %arg11[%swap3A_702, %swap3A_703] {strides = array<i32>} : memref<64x64xf32, #tpu.memory_space<vmem>>, vector<16xf32>,
        tpu.vector_store %arg11[%swap3A_702, %swap3A_703], %mul3A_701 {strides = array<i32>} : memref<64x64xf32, #tpu.memory_space<vmem>>, vector<16xf32>,
        %get3A_705 = arith.index_cast %add3A_683 : i32 to index
        %get3A_706 = arith.constant 48 : index
        %get3A_707 = tpu.vector_load %arg11[%get3A_705, %get3A_706] {strides = array<i32>} : memref<64x64xf32, #tpu.memory_space<vmem>>, vector<16xf32>,
        %mul3A_708 = arith.mulf %get3A_707, %broadcast_in_dim3A_679 : vector<16xf32>
        %swap3A_709 = arith.index_cast %add3A_683 : i32 to index
        %swap3A_710 = arith.constant 48 : index
        %swap3A_711 = tpu.vector_load %arg11[%swap3A_709, %swap3A_710] {strides = array<i32>} : memref<64x64xf32, #tpu.memory_space<vmem>>, vector<16xf32>,
        tpu.vector_store %arg11[%swap3A_709, %swap3A_710], %mul3A_708 {strides = array<i32>} : memref<64x64xf32, #tpu.memory_space<vmem>>, vector<16xf32>,
        %scan3A_712 = arith.constant 0 : i32
        scf.yield %scan3A_712 : i32
      }
      %scan3A_144 = arith.constant 4 : i32
      %mul3A_145 = arith.constant 10240 : i32
      %mul3A_146 = arith.muli %add3A_104, %mul3A_145 : i32
      %add3A_147 = arith.addi %mul3A_146, %add3A_135 : i32
      "tpu.region"() ({
        %run_scoped3A = tpu.sem_alloc : memref<!tpu.dma_semaphore, #tpu.memory_space<semaphore_mem>>
        %dma_start3A = arith.constant 0 : i32
        %dma_start3A_149 = tpu.memref_slice %arg6[%add3A_147, %dma_start3A] : memref<40960x64xf32, #tpu.memory_space<hbm>> -> memref<64x64xf32, #tpu.memory_space<hbm>>
        %dma_start3A_150 = arith.constant 0 : i32
        %dma_start3A_151 = tpu.memref_slice %arg6[%add3A_147, %dma_start3A_150] : memref<40960x64xf32, #tpu.memory_space<hbm>> -> memref<64x64xf32, #tpu.memory_space<hbm>>
        tpu.enqueue_dma source(%arg11 : memref<64x64xf32, #tpu.memory_space<vmem>>) target(%dma_start3A_151 : memref<64x64xf32, #tpu.memory_space<hbm>>) target_semaphore(%run_scoped3A : memref<!tpu.dma_semaphore, #tpu.memory_space<semaphore_mem>>)
        %dma_wait3A = arith.constant 0 : i32
        %dma_wait3A_152 = tpu.memref_slice %arg6[%add3A_147, %dma_wait3A] : memref<40960x64xf32, #tpu.memory_space<hbm>> -> memref<64x64xf32, #tpu.memory_space<hbm>>
        %dma_wait3A_153 = arith.constant 0 : i32
        %dma_wait3A_154 = tpu.memref_slice %arg6[%add3A_147, %dma_wait3A_153] : memref<40960x64xf32, #tpu.memory_space<hbm>> -> memref<64x64xf32, #tpu.memory_space<hbm>>
        tpu.wait_dma2 semaphore(%run_scoped3A : memref<!tpu.dma_semaphore, #tpu.memory_space<semaphore_mem>>) src(%arg11 : memref<64x64xf32, #tpu.memory_space<vmem>>) dst(%dma_wait3A_154 : memref<64x64xf32, #tpu.memory_space<hbm>>)
        tpu.yield
      }) : () -> ()
      %scan3A_148 = arith.constant 0 : i32
      scf.yield %scan3A_148 : i32
    }
    %scan3A_111 = arith.constant 10 : i32
    %mul3A_112 = arith.constant 2 : i32
    %mul3A_113 = arith.muli %mul3A_112, %arg0 : i32
    %add3A_114 = arith.constant 1 : i32
    %add3A_115 = arith.addi %mul3A_113, %add3A_114 : i32
    %scan3A_116 = arith.constant 0 : i32
    %scan3A_117 = arith.constant 0 : i32
    %scan3A_118 = arith.constant 10 : i32
    %scan3A_119 = arith.addi %scan3A_117, %scan3A_118 : i32
    %scan3A_120 = arith.constant 1 : i32
    %scan3A_121 = scf.for %scan3A_131 = %scan3A_117 to %scan3A_119 step %scan3A_120 iter_args(%scan3A_132 = %scan3A_116) -> (i32)  : i32 {
      %mul3A_133 = arith.constant 64 : i32
      %mul3A_134 = arith.muli %scan3A_131, %mul3A_133 : i32
      %add3A_135 = arith.addi %mul3A_0, %mul3A_134 : i32
      "tpu.region"() ({
        %run_scoped3A = tpu.sem_alloc : memref<!tpu.dma_semaphore, #tpu.memory_space<semaphore_mem>>
        %dma_start3A = arith.constant 0 : i32
        %dma_start3A_149 = tpu.memref_slice %arg2[%add3A_115, %add3A_135, %dma_start3A] : memref<4x10240x64xf32, #tpu.memory_space<hbm>> -> memref<1x64x64xf32, #tpu.memory_space<hbm>>
        %dma_start3A_150 = tpu.memref_squeeze %dma_start3A_149 : memref<1x64x64xf32, #tpu.memory_space<hbm>> -> memref<64x64xf32, #tpu.memory_space<hbm>>
        %dma_start3A_151 = arith.constant 0 : i32
        %dma_start3A_152 = tpu.memref_slice %arg2[%add3A_115, %add3A_135, %dma_start3A_151] : memref<4x10240x64xf32, #tpu.memory_space<hbm>> -> memref<1x64x64xf32, #tpu.memory_space<hbm>>
        %dma_start3A_153 = tpu.memref_squeeze %dma_start3A_152 : memref<1x64x64xf32, #tpu.memory_space<hbm>> -> memref<64x64xf32, #tpu.memory_space<hbm>>
        tpu.enqueue_dma source(%dma_start3A_153 : memref<64x64xf32, #tpu.memory_space<hbm>>) target(%arg11 : memref<64x64xf32, #tpu.memory_space<vmem>>) target_semaphore(%run_scoped3A : memref<!tpu.dma_semaphore, #tpu.memory_space<semaphore_mem>>)
        %dma_wait3A = arith.constant 0 : i32
        %dma_wait3A_154 = tpu.memref_slice %arg2[%add3A_115, %add3A_135, %dma_wait3A] : memref<4x10240x64xf32, #tpu.memory_space<hbm>> -> memref<1x64x64xf32, #tpu.memory_space<hbm>>
        %dma_wait3A_155 = tpu.memref_squeeze %dma_wait3A_154 : memref<1x64x64xf32, #tpu.memory_space<hbm>> -> memref<64x64xf32, #tpu.memory_space<hbm>>
        %dma_wait3A_156 = arith.constant 0 : i32
        %dma_wait3A_157 = tpu.memref_slice %arg2[%add3A_115, %add3A_135, %dma_wait3A_156] : memref<4x10240x64xf32, #tpu.memory_space<hbm>> -> memref<1x64x64xf32, #tpu.memory_space<hbm>>
        %dma_wait3A_158 = tpu.memref_squeeze %dma_wait3A_157 : memref<1x64x64xf32, #tpu.memory_space<hbm>> -> memref<64x64xf32, #tpu.memory_space<hbm>>
        tpu.wait_dma2 semaphore(%run_scoped3A : memref<!tpu.dma_semaphore, #tpu.memory_space<semaphore_mem>>) src(%dma_wait3A_158 : memref<64x64xf32, #tpu.memory_space<hbm>>) dst(%arg11 : memref<64x64xf32, #tpu.memory_space<vmem>>)
        tpu.yield
      }) : () -> ()
      %mul3A_136 = arith.constant 64 : i32
      %mul3A_137 = arith.muli %scan3A_131, %mul3A_136 : i32
      %scan3A_138 = arith.constant 0 : i32
      %scan3A_139 = arith.constant 0 : i32
      %scan3A_140 = arith.constant 4 : i32
      %scan3A_141 = arith.addi %scan3A_139, %scan3A_140 : i32
      %scan3A_142 = arith.constant 1 : i32
      %scan3A_143 = scf.for %scan3A_149 = %scan3A_139 to %scan3A_141 step %scan3A_142 iter_args(%scan3A_150 = %scan3A_138) -> (i32)  : i32 {
        %mul3A_151 = arith.constant 16 : i32
        %mul3A_152 = arith.muli %scan3A_149, %mul3A_151 : i32
        %add3A_153 = arith.addi %mul3A_137, %mul3A_152 : i32
        %get3A = arith.index_cast %add3A_153 : i32 to index
        %get3A_154 = tpu.vector_load %arg16[%get3A] {strides = array<i32>} : memref<640xf32, #tpu.memory_space<vmem>>, vector<16xf32>,
        %slice3A = vector.extract_strided_slice %get3A_154 {offsets = [0], sizes = [1], strides = [1]} : vector<16xf32> to vector<1xf32>
        %squeeze3A = vector.extract %slice3A[0] : f32 from vector<1xf32>
        %broadcast_in_dim3A_155 = vector.broadcast %squeeze3A : f32 to vector<16xf32>
        %mul3A_156 = arith.constant 16 : i32
        %mul3A_157 = arith.muli %scan3A_149, %mul3A_156 : i32
        %add3A_158 = arith.constant 0 : i32
        %add3A_159 = arith.addi %mul3A_157, %add3A_158 : i32
        %get3A_160 = arith.index_cast %add3A_159 : i32 to index
        %get3A_161 = arith.constant 0 : index
        %get3A_162 = tpu.vector_load %arg11[%get3A_160, %get3A_161] {strides = array<i32>} : memref<64x64xf32, #tpu.memory_space<vmem>>, vector<16xf32>,
        %mul3A_163 = arith.mulf %get3A_162, %broadcast_in_dim3A_155 : vector<16xf32>
        %swap3A = arith.index_cast %add3A_159 : i32 to index
        %swap3A_164 = arith.constant 0 : index
        %swap3A_165 = tpu.vector_load %arg11[%swap3A, %swap3A_164] {strides = array<i32>} : memref<64x64xf32, #tpu.memory_space<vmem>>, vector<16xf32>,
        tpu.vector_store %arg11[%swap3A, %swap3A_164], %mul3A_163 {strides = array<i32>} : memref<64x64xf32, #tpu.memory_space<vmem>>, vector<16xf32>,
        %get3A_166 = arith.index_cast %add3A_159 : i32 to index
        %get3A_167 = arith.constant 16 : index
        %get3A_168 = tpu.vector_load %arg11[%get3A_166, %get3A_167] {strides = array<i32>} : memref<64x64xf32, #tpu.memory_space<vmem>>, vector<16xf32>,
        %mul3A_169 = arith.mulf %get3A_168, %broadcast_in_dim3A_155 : vector<16xf32>
        %swap3A_170 = arith.index_cast %add3A_159 : i32 to index
        %swap3A_171 = arith.constant 16 : index
        %swap3A_172 = tpu.vector_load %arg11[%swap3A_170, %swap3A_171] {strides = array<i32>} : memref<64x64xf32, #tpu.memory_space<vmem>>, vector<16xf32>,
        tpu.vector_store %arg11[%swap3A_170, %swap3A_171], %mul3A_169 {strides = array<i32>} : memref<64x64xf32, #tpu.memory_space<vmem>>, vector<16xf32>,
        %get3A_173 = arith.index_cast %add3A_159 : i32 to index
        %get3A_174 = arith.constant 32 : index
        %get3A_175 = tpu.vector_load %arg11[%get3A_173, %get3A_174] {strides = array<i32>} : memref<64x64xf32, #tpu.memory_space<vmem>>, vector<16xf32>,
        %mul3A_176 = arith.mulf %get3A_175, %broadcast_in_dim3A_155 : vector<16xf32>
        %swap3A_177 = arith.index_cast %add3A_159 : i32 to index
        %swap3A_178 = arith.constant 32 : index
        %swap3A_179 = tpu.vector_load %arg11[%swap3A_177, %swap3A_178] {strides = array<i32>} : memref<64x64xf32, #tpu.memory_space<vmem>>, vector<16xf32>,
        tpu.vector_store %arg11[%swap3A_177, %swap3A_178], %mul3A_176 {strides = array<i32>} : memref<64x64xf32, #tpu.memory_space<vmem>>, vector<16xf32>,
        %get3A_180 = arith.index_cast %add3A_159 : i32 to index
        %get3A_181 = arith.constant 48 : index
        %get3A_182 = tpu.vector_load %arg11[%get3A_180, %get3A_181] {strides = array<i32>} : memref<64x64xf32, #tpu.memory_space<vmem>>, vector<16xf32>,
        %mul3A_183 = arith.mulf %get3A_182, %broadcast_in_dim3A_155 : vector<16xf32>
        %swap3A_184 = arith.index_cast %add3A_159 : i32 to index
        %swap3A_185 = arith.constant 48 : index
        %swap3A_186 = tpu.vector_load %arg11[%swap3A_184, %swap3A_185] {strides = array<i32>} : memref<64x64xf32, #tpu.memory_space<vmem>>, vector<16xf32>,
        tpu.vector_store %arg11[%swap3A_184, %swap3A_185], %mul3A_183 {strides = array<i32>} : memref<64x64xf32, #tpu.memory_space<vmem>>, vector<16xf32>,
        %slice3A_187 = vector.extract_strided_slice %get3A_154 {offsets = [1], sizes = [1], strides = [1]} : vector<16xf32> to vector<1xf32>
        %squeeze3A_188 = vector.extract %slice3A_187[0] : f32 from vector<1xf32>
        %broadcast_in_dim3A_189 = vector.broadcast %squeeze3A_188 : f32 to vector<16xf32>
        %mul3A_190 = arith.constant 16 : i32
        %mul3A_191 = arith.muli %scan3A_149, %mul3A_190 : i32
        %add3A_192 = arith.constant 1 : i32
        %add3A_193 = arith.addi %mul3A_191, %add3A_192 : i32
        %get3A_194 = arith.index_cast %add3A_193 : i32 to index
        %get3A_195 = arith.constant 0 : index
        %get3A_196 = tpu.vector_load %arg11[%get3A_194, %get3A_195] {strides = array<i32>} : memref<64x64xf32, #tpu.memory_space<vmem>>, vector<16xf32>,
        %mul3A_197 = arith.mulf %get3A_196, %broadcast_in_dim3A_189 : vector<16xf32>
        %swap3A_198 = arith.index_cast %add3A_193 : i32 to index
        %swap3A_199 = arith.constant 0 : index
        %swap3A_200 = tpu.vector_load %arg11[%swap3A_198, %swap3A_199] {strides = array<i32>} : memref<64x64xf32, #tpu.memory_space<vmem>>, vector<16xf32>,
        tpu.vector_store %arg11[%swap3A_198, %swap3A_199], %mul3A_197 {strides = array<i32>} : memref<64x64xf32, #tpu.memory_space<vmem>>, vector<16xf32>,
        %get3A_201 = arith.index_cast %add3A_193 : i32 to index
        %get3A_202 = arith.constant 16 : index
        %get3A_203 = tpu.vector_load %arg11[%get3A_201, %get3A_202] {strides = array<i32>} : memref<64x64xf32, #tpu.memory_space<vmem>>, vector<16xf32>,
        %mul3A_204 = arith.mulf %get3A_203, %broadcast_in_dim3A_189 : vector<16xf32>
        %swap3A_205 = arith.index_cast %add3A_193 : i32 to index
        %swap3A_206 = arith.constant 16 : index
        %swap3A_207 = tpu.vector_load %arg11[%swap3A_205, %swap3A_206] {strides = array<i32>} : memref<64x64xf32, #tpu.memory_space<vmem>>, vector<16xf32>,
        tpu.vector_store %arg11[%swap3A_205, %swap3A_206], %mul3A_204 {strides = array<i32>} : memref<64x64xf32, #tpu.memory_space<vmem>>, vector<16xf32>,
        %get3A_208 = arith.index_cast %add3A_193 : i32 to index
        %get3A_209 = arith.constant 32 : index
        %get3A_210 = tpu.vector_load %arg11[%get3A_208, %get3A_209] {strides = array<i32>} : memref<64x64xf32, #tpu.memory_space<vmem>>, vector<16xf32>,
        %mul3A_211 = arith.mulf %get3A_210, %broadcast_in_dim3A_189 : vector<16xf32>
        %swap3A_212 = arith.index_cast %add3A_193 : i32 to index
        %swap3A_213 = arith.constant 32 : index
        %swap3A_214 = tpu.vector_load %arg11[%swap3A_212, %swap3A_213] {strides = array<i32>} : memref<64x64xf32, #tpu.memory_space<vmem>>, vector<16xf32>,
        tpu.vector_store %arg11[%swap3A_212, %swap3A_213], %mul3A_211 {strides = array<i32>} : memref<64x64xf32, #tpu.memory_space<vmem>>, vector<16xf32>,
        %get3A_215 = arith.index_cast %add3A_193 : i32 to index
        %get3A_216 = arith.constant 48 : index
        %get3A_217 = tpu.vector_load %arg11[%get3A_215, %get3A_216] {strides = array<i32>} : memref<64x64xf32, #tpu.memory_space<vmem>>, vector<16xf32>,
        %mul3A_218 = arith.mulf %get3A_217, %broadcast_in_dim3A_189 : vector<16xf32>
        %swap3A_219 = arith.index_cast %add3A_193 : i32 to index
        %swap3A_220 = arith.constant 48 : index
        %swap3A_221 = tpu.vector_load %arg11[%swap3A_219, %swap3A_220] {strides = array<i32>} : memref<64x64xf32, #tpu.memory_space<vmem>>, vector<16xf32>,
        tpu.vector_store %arg11[%swap3A_219, %swap3A_220], %mul3A_218 {strides = array<i32>} : memref<64x64xf32, #tpu.memory_space<vmem>>, vector<16xf32>,
        %slice3A_222 = vector.extract_strided_slice %get3A_154 {offsets = [2], sizes = [1], strides = [1]} : vector<16xf32> to vector<1xf32>
        %squeeze3A_223 = vector.extract %slice3A_222[0] : f32 from vector<1xf32>
        %broadcast_in_dim3A_224 = vector.broadcast %squeeze3A_223 : f32 to vector<16xf32>
        %mul3A_225 = arith.constant 16 : i32
        %mul3A_226 = arith.muli %scan3A_149, %mul3A_225 : i32
        %add3A_227 = arith.constant 2 : i32
        %add3A_228 = arith.addi %mul3A_226, %add3A_227 : i32
        %get3A_229 = arith.index_cast %add3A_228 : i32 to index
        %get3A_230 = arith.constant 0 : index
        %get3A_231 = tpu.vector_load %arg11[%get3A_229, %get3A_230] {strides = array<i32>} : memref<64x64xf32, #tpu.memory_space<vmem>>, vector<16xf32>,
        %mul3A_232 = arith.mulf %get3A_231, %broadcast_in_dim3A_224 : vector<16xf32>
        %swap3A_233 = arith.index_cast %add3A_228 : i32 to index
        %swap3A_234 = arith.constant 0 : index
        %swap3A_235 = tpu.vector_load %arg11[%swap3A_233, %swap3A_234] {strides = array<i32>} : memref<64x64xf32, #tpu.memory_space<vmem>>, vector<16xf32>,
        tpu.vector_store %arg11[%swap3A_233, %swap3A_234], %mul3A_232 {strides = array<i32>} : memref<64x64xf32, #tpu.memory_space<vmem>>, vector<16xf32>,
        %get3A_236 = arith.index_cast %add3A_228 : i32 to index
        %get3A_237 = arith.constant 16 : index
        %get3A_238 = tpu.vector_load %arg11[%get3A_236, %get3A_237] {strides = array<i32>} : memref<64x64xf32, #tpu.memory_space<vmem>>, vector<16xf32>,
        %mul3A_239 = arith.mulf %get3A_238, %broadcast_in_dim3A_224 : vector<16xf32>
        %swap3A_240 = arith.index_cast %add3A_228 : i32 to index
        %swap3A_241 = arith.constant 16 : index
        %swap3A_242 = tpu.vector_load %arg11[%swap3A_240, %swap3A_241] {strides = array<i32>} : memref<64x64xf32, #tpu.memory_space<vmem>>, vector<16xf32>,
        tpu.vector_store %arg11[%swap3A_240, %swap3A_241], %mul3A_239 {strides = array<i32>} : memref<64x64xf32, #tpu.memory_space<vmem>>, vector<16xf32>,
        %get3A_243 = arith.index_cast %add3A_228 : i32 to index
        %get3A_244 = arith.constant 32 : index
        %get3A_245 = tpu.vector_load %arg11[%get3A_243, %get3A_244] {strides = array<i32>} : memref<64x64xf32, #tpu.memory_space<vmem>>, vector<16xf32>,
        %mul3A_246 = arith.mulf %get3A_245, %broadcast_in_dim3A_224 : vector<16xf32>
        %swap3A_247 = arith.index_cast %add3A_228 : i32 to index
        %swap3A_248 = arith.constant 32 : index
        %swap3A_249 = tpu.vector_load %arg11[%swap3A_247, %swap3A_248] {strides = array<i32>} : memref<64x64xf32, #tpu.memory_space<vmem>>, vector<16xf32>,
        tpu.vector_store %arg11[%swap3A_247, %swap3A_248], %mul3A_246 {strides = array<i32>} : memref<64x64xf32, #tpu.memory_space<vmem>>, vector<16xf32>,
        %get3A_250 = arith.index_cast %add3A_228 : i32 to index
        %get3A_251 = arith.constant 48 : index
        %get3A_252 = tpu.vector_load %arg11[%get3A_250, %get3A_251] {strides = array<i32>} : memref<64x64xf32, #tpu.memory_space<vmem>>, vector<16xf32>,
        %mul3A_253 = arith.mulf %get3A_252, %broadcast_in_dim3A_224 : vector<16xf32>
        %swap3A_254 = arith.index_cast %add3A_228 : i32 to index
        %swap3A_255 = arith.constant 48 : index
        %swap3A_256 = tpu.vector_load %arg11[%swap3A_254, %swap3A_255] {strides = array<i32>} : memref<64x64xf32, #tpu.memory_space<vmem>>, vector<16xf32>,
        tpu.vector_store %arg11[%swap3A_254, %swap3A_255], %mul3A_253 {strides = array<i32>} : memref<64x64xf32, #tpu.memory_space<vmem>>, vector<16xf32>,
        %slice3A_257 = vector.extract_strided_slice %get3A_154 {offsets = [3], sizes = [1], strides = [1]} : vector<16xf32> to vector<1xf32>
        %squeeze3A_258 = vector.extract %slice3A_257[0] : f32 from vector<1xf32>
        %broadcast_in_dim3A_259 = vector.broadcast %squeeze3A_258 : f32 to vector<16xf32>
        %mul3A_260 = arith.constant 16 : i32
        %mul3A_261 = arith.muli %scan3A_149, %mul3A_260 : i32
        %add3A_262 = arith.constant 3 : i32
        %add3A_263 = arith.addi %mul3A_261, %add3A_262 : i32
        %get3A_264 = arith.index_cast %add3A_263 : i32 to index
        %get3A_265 = arith.constant 0 : index
        %get3A_266 = tpu.vector_load %arg11[%get3A_264, %get3A_265] {strides = array<i32>} : memref<64x64xf32, #tpu.memory_space<vmem>>, vector<16xf32>,
        %mul3A_267 = arith.mulf %get3A_266, %broadcast_in_dim3A_259 : vector<16xf32>
        %swap3A_268 = arith.index_cast %add3A_263 : i32 to index
        %swap3A_269 = arith.constant 0 : index
        %swap3A_270 = tpu.vector_load %arg11[%swap3A_268, %swap3A_269] {strides = array<i32>} : memref<64x64xf32, #tpu.memory_space<vmem>>, vector<16xf32>,
        tpu.vector_store %arg11[%swap3A_268, %swap3A_269], %mul3A_267 {strides = array<i32>} : memref<64x64xf32, #tpu.memory_space<vmem>>, vector<16xf32>,
        %get3A_271 = arith.index_cast %add3A_263 : i32 to index
        %get3A_272 = arith.constant 16 : index
        %get3A_273 = tpu.vector_load %arg11[%get3A_271, %get3A_272] {strides = array<i32>} : memref<64x64xf32, #tpu.memory_space<vmem>>, vector<16xf32>,
        %mul3A_274 = arith.mulf %get3A_273, %broadcast_in_dim3A_259 : vector<16xf32>
        %swap3A_275 = arith.index_cast %add3A_263 : i32 to index
        %swap3A_276 = arith.constant 16 : index
        %swap3A_277 = tpu.vector_load %arg11[%swap3A_275, %swap3A_276] {strides = array<i32>} : memref<64x64xf32, #tpu.memory_space<vmem>>, vector<16xf32>,
        tpu.vector_store %arg11[%swap3A_275, %swap3A_276], %mul3A_274 {strides = array<i32>} : memref<64x64xf32, #tpu.memory_space<vmem>>, vector<16xf32>,
        %get3A_278 = arith.index_cast %add3A_263 : i32 to index
        %get3A_279 = arith.constant 32 : index
        %get3A_280 = tpu.vector_load %arg11[%get3A_278, %get3A_279] {strides = array<i32>} : memref<64x64xf32, #tpu.memory_space<vmem>>, vector<16xf32>,
        %mul3A_281 = arith.mulf %get3A_280, %broadcast_in_dim3A_259 : vector<16xf32>
        %swap3A_282 = arith.index_cast %add3A_263 : i32 to index
        %swap3A_283 = arith.constant 32 : index
        %swap3A_284 = tpu.vector_load %arg11[%swap3A_282, %swap3A_283] {strides = array<i32>} : memref<64x64xf32, #tpu.memory_space<vmem>>, vector<16xf32>,
        tpu.vector_store %arg11[%swap3A_282, %swap3A_283], %mul3A_281 {strides = array<i32>} : memref<64x64xf32, #tpu.memory_space<vmem>>, vector<16xf32>,
        %get3A_285 = arith.index_cast %add3A_263 : i32 to index
        %get3A_286 = arith.constant 48 : index
        %get3A_287 = tpu.vector_load %arg11[%get3A_285, %get3A_286] {strides = array<i32>} : memref<64x64xf32, #tpu.memory_space<vmem>>, vector<16xf32>,
        %mul3A_288 = arith.mulf %get3A_287, %broadcast_in_dim3A_259 : vector<16xf32>
        %swap3A_289 = arith.index_cast %add3A_263 : i32 to index
        %swap3A_290 = arith.constant 48 : index
        %swap3A_291 = tpu.vector_load %arg11[%swap3A_289, %swap3A_290] {strides = array<i32>} : memref<64x64xf32, #tpu.memory_space<vmem>>, vector<16xf32>,
        tpu.vector_store %arg11[%swap3A_289, %swap3A_290], %mul3A_288 {strides = array<i32>} : memref<64x64xf32, #tpu.memory_space<vmem>>, vector<16xf32>,
        %slice3A_292 = vector.extract_strided_slice %get3A_154 {offsets = [4], sizes = [1], strides = [1]} : vector<16xf32> to vector<1xf32>
        %squeeze3A_293 = vector.extract %slice3A_292[0] : f32 from vector<1xf32>
        %broadcast_in_dim3A_294 = vector.broadcast %squeeze3A_293 : f32 to vector<16xf32>
        %mul3A_295 = arith.constant 16 : i32
        %mul3A_296 = arith.muli %scan3A_149, %mul3A_295 : i32
        %add3A_297 = arith.constant 4 : i32
        %add3A_298 = arith.addi %mul3A_296, %add3A_297 : i32
        %get3A_299 = arith.index_cast %add3A_298 : i32 to index
        %get3A_300 = arith.constant 0 : index
        %get3A_301 = tpu.vector_load %arg11[%get3A_299, %get3A_300] {strides = array<i32>} : memref<64x64xf32, #tpu.memory_space<vmem>>, vector<16xf32>,
        %mul3A_302 = arith.mulf %get3A_301, %broadcast_in_dim3A_294 : vector<16xf32>
        %swap3A_303 = arith.index_cast %add3A_298 : i32 to index
        %swap3A_304 = arith.constant 0 : index
        %swap3A_305 = tpu.vector_load %arg11[%swap3A_303, %swap3A_304] {strides = array<i32>} : memref<64x64xf32, #tpu.memory_space<vmem>>, vector<16xf32>,
        tpu.vector_store %arg11[%swap3A_303, %swap3A_304], %mul3A_302 {strides = array<i32>} : memref<64x64xf32, #tpu.memory_space<vmem>>, vector<16xf32>,
        %get3A_306 = arith.index_cast %add3A_298 : i32 to index
        %get3A_307 = arith.constant 16 : index
        %get3A_308 = tpu.vector_load %arg11[%get3A_306, %get3A_307] {strides = array<i32>} : memref<64x64xf32, #tpu.memory_space<vmem>>, vector<16xf32>,
        %mul3A_309 = arith.mulf %get3A_308, %broadcast_in_dim3A_294 : vector<16xf32>
        %swap3A_310 = arith.index_cast %add3A_298 : i32 to index
        %swap3A_311 = arith.constant 16 : index
        %swap3A_312 = tpu.vector_load %arg11[%swap3A_310, %swap3A_311] {strides = array<i32>} : memref<64x64xf32, #tpu.memory_space<vmem>>, vector<16xf32>,
        tpu.vector_store %arg11[%swap3A_310, %swap3A_311], %mul3A_309 {strides = array<i32>} : memref<64x64xf32, #tpu.memory_space<vmem>>, vector<16xf32>,
        %get3A_313 = arith.index_cast %add3A_298 : i32 to index
        %get3A_314 = arith.constant 32 : index
        %get3A_315 = tpu.vector_load %arg11[%get3A_313, %get3A_314] {strides = array<i32>} : memref<64x64xf32, #tpu.memory_space<vmem>>, vector<16xf32>,
        %mul3A_316 = arith.mulf %get3A_315, %broadcast_in_dim3A_294 : vector<16xf32>
        %swap3A_317 = arith.index_cast %add3A_298 : i32 to index
        %swap3A_318 = arith.constant 32 : index
        %swap3A_319 = tpu.vector_load %arg11[%swap3A_317, %swap3A_318] {strides = array<i32>} : memref<64x64xf32, #tpu.memory_space<vmem>>, vector<16xf32>,
        tpu.vector_store %arg11[%swap3A_317, %swap3A_318], %mul3A_316 {strides = array<i32>} : memref<64x64xf32, #tpu.memory_space<vmem>>, vector<16xf32>,
        %get3A_320 = arith.index_cast %add3A_298 : i32 to index
        %get3A_321 = arith.constant 48 : index
        %get3A_322 = tpu.vector_load %arg11[%get3A_320, %get3A_321] {strides = array<i32>} : memref<64x64xf32, #tpu.memory_space<vmem>>, vector<16xf32>,
        %mul3A_323 = arith.mulf %get3A_322, %broadcast_in_dim3A_294 : vector<16xf32>
        %swap3A_324 = arith.index_cast %add3A_298 : i32 to index
        %swap3A_325 = arith.constant 48 : index
        %swap3A_326 = tpu.vector_load %arg11[%swap3A_324, %swap3A_325] {strides = array<i32>} : memref<64x64xf32, #tpu.memory_space<vmem>>, vector<16xf32>,
        tpu.vector_store %arg11[%swap3A_324, %swap3A_325], %mul3A_323 {strides = array<i32>} : memref<64x64xf32, #tpu.memory_space<vmem>>, vector<16xf32>,
        %slice3A_327 = vector.extract_strided_slice %get3A_154 {offsets = [5], sizes = [1], strides = [1]} : vector<16xf32> to vector<1xf32>
        %squeeze3A_328 = vector.extract %slice3A_327[0] : f32 from vector<1xf32>
        %broadcast_in_dim3A_329 = vector.broadcast %squeeze3A_328 : f32 to vector<16xf32>
        %mul3A_330 = arith.constant 16 : i32
        %mul3A_331 = arith.muli %scan3A_149, %mul3A_330 : i32
        %add3A_332 = arith.constant 5 : i32
        %add3A_333 = arith.addi %mul3A_331, %add3A_332 : i32
        %get3A_334 = arith.index_cast %add3A_333 : i32 to index
        %get3A_335 = arith.constant 0 : index
        %get3A_336 = tpu.vector_load %arg11[%get3A_334, %get3A_335] {strides = array<i32>} : memref<64x64xf32, #tpu.memory_space<vmem>>, vector<16xf32>,
        %mul3A_337 = arith.mulf %get3A_336, %broadcast_in_dim3A_329 : vector<16xf32>
        %swap3A_338 = arith.index_cast %add3A_333 : i32 to index
        %swap3A_339 = arith.constant 0 : index
        %swap3A_340 = tpu.vector_load %arg11[%swap3A_338, %swap3A_339] {strides = array<i32>} : memref<64x64xf32, #tpu.memory_space<vmem>>, vector<16xf32>,
        tpu.vector_store %arg11[%swap3A_338, %swap3A_339], %mul3A_337 {strides = array<i32>} : memref<64x64xf32, #tpu.memory_space<vmem>>, vector<16xf32>,
        %get3A_341 = arith.index_cast %add3A_333 : i32 to index
        %get3A_342 = arith.constant 16 : index
        %get3A_343 = tpu.vector_load %arg11[%get3A_341, %get3A_342] {strides = array<i32>} : memref<64x64xf32, #tpu.memory_space<vmem>>, vector<16xf32>,
        %mul3A_344 = arith.mulf %get3A_343, %broadcast_in_dim3A_329 : vector<16xf32>
        %swap3A_345 = arith.index_cast %add3A_333 : i32 to index
        %swap3A_346 = arith.constant 16 : index
        %swap3A_347 = tpu.vector_load %arg11[%swap3A_345, %swap3A_346] {strides = array<i32>} : memref<64x64xf32, #tpu.memory_space<vmem>>, vector<16xf32>,
        tpu.vector_store %arg11[%swap3A_345, %swap3A_346], %mul3A_344 {strides = array<i32>} : memref<64x64xf32, #tpu.memory_space<vmem>>, vector<16xf32>,
        %get3A_348 = arith.index_cast %add3A_333 : i32 to index
        %get3A_349 = arith.constant 32 : index
        %get3A_350 = tpu.vector_load %arg11[%get3A_348, %get3A_349] {strides = array<i32>} : memref<64x64xf32, #tpu.memory_space<vmem>>, vector<16xf32>,
        %mul3A_351 = arith.mulf %get3A_350, %broadcast_in_dim3A_329 : vector<16xf32>
        %swap3A_352 = arith.index_cast %add3A_333 : i32 to index
        %swap3A_353 = arith.constant 32 : index
        %swap3A_354 = tpu.vector_load %arg11[%swap3A_352, %swap3A_353] {strides = array<i32>} : memref<64x64xf32, #tpu.memory_space<vmem>>, vector<16xf32>,
        tpu.vector_store %arg11[%swap3A_352, %swap3A_353], %mul3A_351 {strides = array<i32>} : memref<64x64xf32, #tpu.memory_space<vmem>>, vector<16xf32>,
        %get3A_355 = arith.index_cast %add3A_333 : i32 to index
        %get3A_356 = arith.constant 48 : index
        %get3A_357 = tpu.vector_load %arg11[%get3A_355, %get3A_356] {strides = array<i32>} : memref<64x64xf32, #tpu.memory_space<vmem>>, vector<16xf32>,
        %mul3A_358 = arith.mulf %get3A_357, %broadcast_in_dim3A_329 : vector<16xf32>
        %swap3A_359 = arith.index_cast %add3A_333 : i32 to index
        %swap3A_360 = arith.constant 48 : index
        %swap3A_361 = tpu.vector_load %arg11[%swap3A_359, %swap3A_360] {strides = array<i32>} : memref<64x64xf32, #tpu.memory_space<vmem>>, vector<16xf32>,
        tpu.vector_store %arg11[%swap3A_359, %swap3A_360], %mul3A_358 {strides = array<i32>} : memref<64x64xf32, #tpu.memory_space<vmem>>, vector<16xf32>,
        %slice3A_362 = vector.extract_strided_slice %get3A_154 {offsets = [6], sizes = [1], strides = [1]} : vector<16xf32> to vector<1xf32>
        %squeeze3A_363 = vector.extract %slice3A_362[0] : f32 from vector<1xf32>
        %broadcast_in_dim3A_364 = vector.broadcast %squeeze3A_363 : f32 to vector<16xf32>
        %mul3A_365 = arith.constant 16 : i32
        %mul3A_366 = arith.muli %scan3A_149, %mul3A_365 : i32
        %add3A_367 = arith.constant 6 : i32
        %add3A_368 = arith.addi %mul3A_366, %add3A_367 : i32
        %get3A_369 = arith.index_cast %add3A_368 : i32 to index
        %get3A_370 = arith.constant 0 : index
        %get3A_371 = tpu.vector_load %arg11[%get3A_369, %get3A_370] {strides = array<i32>} : memref<64x64xf32, #tpu.memory_space<vmem>>, vector<16xf32>,
        %mul3A_372 = arith.mulf %get3A_371, %broadcast_in_dim3A_364 : vector<16xf32>
        %swap3A_373 = arith.index_cast %add3A_368 : i32 to index
        %swap3A_374 = arith.constant 0 : index
        %swap3A_375 = tpu.vector_load %arg11[%swap3A_373, %swap3A_374] {strides = array<i32>} : memref<64x64xf32, #tpu.memory_space<vmem>>, vector<16xf32>,
        tpu.vector_store %arg11[%swap3A_373, %swap3A_374], %mul3A_372 {strides = array<i32>} : memref<64x64xf32, #tpu.memory_space<vmem>>, vector<16xf32>,
        %get3A_376 = arith.index_cast %add3A_368 : i32 to index
        %get3A_377 = arith.constant 16 : index
        %get3A_378 = tpu.vector_load %arg11[%get3A_376, %get3A_377] {strides = array<i32>} : memref<64x64xf32, #tpu.memory_space<vmem>>, vector<16xf32>,
        %mul3A_379 = arith.mulf %get3A_378, %broadcast_in_dim3A_364 : vector<16xf32>
        %swap3A_380 = arith.index_cast %add3A_368 : i32 to index
        %swap3A_381 = arith.constant 16 : index
        %swap3A_382 = tpu.vector_load %arg11[%swap3A_380, %swap3A_381] {strides = array<i32>} : memref<64x64xf32, #tpu.memory_space<vmem>>, vector<16xf32>,
        tpu.vector_store %arg11[%swap3A_380, %swap3A_381], %mul3A_379 {strides = array<i32>} : memref<64x64xf32, #tpu.memory_space<vmem>>, vector<16xf32>,
        %get3A_383 = arith.index_cast %add3A_368 : i32 to index
        %get3A_384 = arith.constant 32 : index
        %get3A_385 = tpu.vector_load %arg11[%get3A_383, %get3A_384] {strides = array<i32>} : memref<64x64xf32, #tpu.memory_space<vmem>>, vector<16xf32>,
        %mul3A_386 = arith.mulf %get3A_385, %broadcast_in_dim3A_364 : vector<16xf32>
        %swap3A_387 = arith.index_cast %add3A_368 : i32 to index
        %swap3A_388 = arith.constant 32 : index
        %swap3A_389 = tpu.vector_load %arg11[%swap3A_387, %swap3A_388] {strides = array<i32>} : memref<64x64xf32, #tpu.memory_space<vmem>>, vector<16xf32>,
        tpu.vector_store %arg11[%swap3A_387, %swap3A_388], %mul3A_386 {strides = array<i32>} : memref<64x64xf32, #tpu.memory_space<vmem>>, vector<16xf32>,
        %get3A_390 = arith.index_cast %add3A_368 : i32 to index
        %get3A_391 = arith.constant 48 : index
        %get3A_392 = tpu.vector_load %arg11[%get3A_390, %get3A_391] {strides = array<i32>} : memref<64x64xf32, #tpu.memory_space<vmem>>, vector<16xf32>,
        %mul3A_393 = arith.mulf %get3A_392, %broadcast_in_dim3A_364 : vector<16xf32>
        %swap3A_394 = arith.index_cast %add3A_368 : i32 to index
        %swap3A_395 = arith.constant 48 : index
        %swap3A_396 = tpu.vector_load %arg11[%swap3A_394, %swap3A_395] {strides = array<i32>} : memref<64x64xf32, #tpu.memory_space<vmem>>, vector<16xf32>,
        tpu.vector_store %arg11[%swap3A_394, %swap3A_395], %mul3A_393 {strides = array<i32>} : memref<64x64xf32, #tpu.memory_space<vmem>>, vector<16xf32>,
        %slice3A_397 = vector.extract_strided_slice %get3A_154 {offsets = [7], sizes = [1], strides = [1]} : vector<16xf32> to vector<1xf32>
        %squeeze3A_398 = vector.extract %slice3A_397[0] : f32 from vector<1xf32>
        %broadcast_in_dim3A_399 = vector.broadcast %squeeze3A_398 : f32 to vector<16xf32>
        %mul3A_400 = arith.constant 16 : i32
        %mul3A_401 = arith.muli %scan3A_149, %mul3A_400 : i32
        %add3A_402 = arith.constant 7 : i32
        %add3A_403 = arith.addi %mul3A_401, %add3A_402 : i32
        %get3A_404 = arith.index_cast %add3A_403 : i32 to index
        %get3A_405 = arith.constant 0 : index
        %get3A_406 = tpu.vector_load %arg11[%get3A_404, %get3A_405] {strides = array<i32>} : memref<64x64xf32, #tpu.memory_space<vmem>>, vector<16xf32>,
        %mul3A_407 = arith.mulf %get3A_406, %broadcast_in_dim3A_399 : vector<16xf32>
        %swap3A_408 = arith.index_cast %add3A_403 : i32 to index
        %swap3A_409 = arith.constant 0 : index
        %swap3A_410 = tpu.vector_load %arg11[%swap3A_408, %swap3A_409] {strides = array<i32>} : memref<64x64xf32, #tpu.memory_space<vmem>>, vector<16xf32>,
        tpu.vector_store %arg11[%swap3A_408, %swap3A_409], %mul3A_407 {strides = array<i32>} : memref<64x64xf32, #tpu.memory_space<vmem>>, vector<16xf32>,
        %get3A_411 = arith.index_cast %add3A_403 : i32 to index
        %get3A_412 = arith.constant 16 : index
        %get3A_413 = tpu.vector_load %arg11[%get3A_411, %get3A_412] {strides = array<i32>} : memref<64x64xf32, #tpu.memory_space<vmem>>, vector<16xf32>,
        %mul3A_414 = arith.mulf %get3A_413, %broadcast_in_dim3A_399 : vector<16xf32>
        %swap3A_415 = arith.index_cast %add3A_403 : i32 to index
        %swap3A_416 = arith.constant 16 : index
        %swap3A_417 = tpu.vector_load %arg11[%swap3A_415, %swap3A_416] {strides = array<i32>} : memref<64x64xf32, #tpu.memory_space<vmem>>, vector<16xf32>,
        tpu.vector_store %arg11[%swap3A_415, %swap3A_416], %mul3A_414 {strides = array<i32>} : memref<64x64xf32, #tpu.memory_space<vmem>>, vector<16xf32>,
        %get3A_418 = arith.index_cast %add3A_403 : i32 to index
        %get3A_419 = arith.constant 32 : index
        %get3A_420 = tpu.vector_load %arg11[%get3A_418, %get3A_419] {strides = array<i32>} : memref<64x64xf32, #tpu.memory_space<vmem>>, vector<16xf32>,
        %mul3A_421 = arith.mulf %get3A_420, %broadcast_in_dim3A_399 : vector<16xf32>
        %swap3A_422 = arith.index_cast %add3A_403 : i32 to index
        %swap3A_423 = arith.constant 32 : index
        %swap3A_424 = tpu.vector_load %arg11[%swap3A_422, %swap3A_423] {strides = array<i32>} : memref<64x64xf32, #tpu.memory_space<vmem>>, vector<16xf32>,
        tpu.vector_store %arg11[%swap3A_422, %swap3A_423], %mul3A_421 {strides = array<i32>} : memref<64x64xf32, #tpu.memory_space<vmem>>, vector<16xf32>,
        %get3A_425 = arith.index_cast %add3A_403 : i32 to index
        %get3A_426 = arith.constant 48 : index
        %get3A_427 = tpu.vector_load %arg11[%get3A_425, %get3A_426] {strides = array<i32>} : memref<64x64xf32, #tpu.memory_space<vmem>>, vector<16xf32>,
        %mul3A_428 = arith.mulf %get3A_427, %broadcast_in_dim3A_399 : vector<16xf32>
        %swap3A_429 = arith.index_cast %add3A_403 : i32 to index
        %swap3A_430 = arith.constant 48 : index
        %swap3A_431 = tpu.vector_load %arg11[%swap3A_429, %swap3A_430] {strides = array<i32>} : memref<64x64xf32, #tpu.memory_space<vmem>>, vector<16xf32>,
        tpu.vector_store %arg11[%swap3A_429, %swap3A_430], %mul3A_428 {strides = array<i32>} : memref<64x64xf32, #tpu.memory_space<vmem>>, vector<16xf32>,
        %slice3A_432 = vector.extract_strided_slice %get3A_154 {offsets = [8], sizes = [1], strides = [1]} : vector<16xf32> to vector<1xf32>
        %squeeze3A_433 = vector.extract %slice3A_432[0] : f32 from vector<1xf32>
        %broadcast_in_dim3A_434 = vector.broadcast %squeeze3A_433 : f32 to vector<16xf32>
        %mul3A_435 = arith.constant 16 : i32
        %mul3A_436 = arith.muli %scan3A_149, %mul3A_435 : i32
        %add3A_437 = arith.constant 8 : i32
        %add3A_438 = arith.addi %mul3A_436, %add3A_437 : i32
        %get3A_439 = arith.index_cast %add3A_438 : i32 to index
        %get3A_440 = arith.constant 0 : index
        %get3A_441 = tpu.vector_load %arg11[%get3A_439, %get3A_440] {strides = array<i32>} : memref<64x64xf32, #tpu.memory_space<vmem>>, vector<16xf32>,
        %mul3A_442 = arith.mulf %get3A_441, %broadcast_in_dim3A_434 : vector<16xf32>
        %swap3A_443 = arith.index_cast %add3A_438 : i32 to index
        %swap3A_444 = arith.constant 0 : index
        %swap3A_445 = tpu.vector_load %arg11[%swap3A_443, %swap3A_444] {strides = array<i32>} : memref<64x64xf32, #tpu.memory_space<vmem>>, vector<16xf32>,
        tpu.vector_store %arg11[%swap3A_443, %swap3A_444], %mul3A_442 {strides = array<i32>} : memref<64x64xf32, #tpu.memory_space<vmem>>, vector<16xf32>,
        %get3A_446 = arith.index_cast %add3A_438 : i32 to index
        %get3A_447 = arith.constant 16 : index
        %get3A_448 = tpu.vector_load %arg11[%get3A_446, %get3A_447] {strides = array<i32>} : memref<64x64xf32, #tpu.memory_space<vmem>>, vector<16xf32>,
        %mul3A_449 = arith.mulf %get3A_448, %broadcast_in_dim3A_434 : vector<16xf32>
        %swap3A_450 = arith.index_cast %add3A_438 : i32 to index
        %swap3A_451 = arith.constant 16 : index
        %swap3A_452 = tpu.vector_load %arg11[%swap3A_450, %swap3A_451] {strides = array<i32>} : memref<64x64xf32, #tpu.memory_space<vmem>>, vector<16xf32>,
        tpu.vector_store %arg11[%swap3A_450, %swap3A_451], %mul3A_449 {strides = array<i32>} : memref<64x64xf32, #tpu.memory_space<vmem>>, vector<16xf32>,
        %get3A_453 = arith.index_cast %add3A_438 : i32 to index
        %get3A_454 = arith.constant 32 : index
        %get3A_455 = tpu.vector_load %arg11[%get3A_453, %get3A_454] {strides = array<i32>} : memref<64x64xf32, #tpu.memory_space<vmem>>, vector<16xf32>,
        %mul3A_456 = arith.mulf %get3A_455, %broadcast_in_dim3A_434 : vector<16xf32>
        %swap3A_457 = arith.index_cast %add3A_438 : i32 to index
        %swap3A_458 = arith.constant 32 : index
        %swap3A_459 = tpu.vector_load %arg11[%swap3A_457, %swap3A_458] {strides = array<i32>} : memref<64x64xf32, #tpu.memory_space<vmem>>, vector<16xf32>,
        tpu.vector_store %arg11[%swap3A_457, %swap3A_458], %mul3A_456 {strides = array<i32>} : memref<64x64xf32, #tpu.memory_space<vmem>>, vector<16xf32>,
        %get3A_460 = arith.index_cast %add3A_438 : i32 to index
        %get3A_461 = arith.constant 48 : index
        %get3A_462 = tpu.vector_load %arg11[%get3A_460, %get3A_461] {strides = array<i32>} : memref<64x64xf32, #tpu.memory_space<vmem>>, vector<16xf32>,
        %mul3A_463 = arith.mulf %get3A_462, %broadcast_in_dim3A_434 : vector<16xf32>
        %swap3A_464 = arith.index_cast %add3A_438 : i32 to index
        %swap3A_465 = arith.constant 48 : index
        %swap3A_466 = tpu.vector_load %arg11[%swap3A_464, %swap3A_465] {strides = array<i32>} : memref<64x64xf32, #tpu.memory_space<vmem>>, vector<16xf32>,
        tpu.vector_store %arg11[%swap3A_464, %swap3A_465], %mul3A_463 {strides = array<i32>} : memref<64x64xf32, #tpu.memory_space<vmem>>, vector<16xf32>,
        %slice3A_467 = vector.extract_strided_slice %get3A_154 {offsets = [9], sizes = [1], strides = [1]} : vector<16xf32> to vector<1xf32>
        %squeeze3A_468 = vector.extract %slice3A_467[0] : f32 from vector<1xf32>
        %broadcast_in_dim3A_469 = vector.broadcast %squeeze3A_468 : f32 to vector<16xf32>
        %mul3A_470 = arith.constant 16 : i32
        %mul3A_471 = arith.muli %scan3A_149, %mul3A_470 : i32
        %add3A_472 = arith.constant 9 : i32
        %add3A_473 = arith.addi %mul3A_471, %add3A_472 : i32
        %get3A_474 = arith.index_cast %add3A_473 : i32 to index
        %get3A_475 = arith.constant 0 : index
        %get3A_476 = tpu.vector_load %arg11[%get3A_474, %get3A_475] {strides = array<i32>} : memref<64x64xf32, #tpu.memory_space<vmem>>, vector<16xf32>,
        %mul3A_477 = arith.mulf %get3A_476, %broadcast_in_dim3A_469 : vector<16xf32>
        %swap3A_478 = arith.index_cast %add3A_473 : i32 to index
        %swap3A_479 = arith.constant 0 : index
        %swap3A_480 = tpu.vector_load %arg11[%swap3A_478, %swap3A_479] {strides = array<i32>} : memref<64x64xf32, #tpu.memory_space<vmem>>, vector<16xf32>,
        tpu.vector_store %arg11[%swap3A_478, %swap3A_479], %mul3A_477 {strides = array<i32>} : memref<64x64xf32, #tpu.memory_space<vmem>>, vector<16xf32>,
        %get3A_481 = arith.index_cast %add3A_473 : i32 to index
        %get3A_482 = arith.constant 16 : index
        %get3A_483 = tpu.vector_load %arg11[%get3A_481, %get3A_482] {strides = array<i32>} : memref<64x64xf32, #tpu.memory_space<vmem>>, vector<16xf32>,
        %mul3A_484 = arith.mulf %get3A_483, %broadcast_in_dim3A_469 : vector<16xf32>
        %swap3A_485 = arith.index_cast %add3A_473 : i32 to index
        %swap3A_486 = arith.constant 16 : index
        %swap3A_487 = tpu.vector_load %arg11[%swap3A_485, %swap3A_486] {strides = array<i32>} : memref<64x64xf32, #tpu.memory_space<vmem>>, vector<16xf32>,
        tpu.vector_store %arg11[%swap3A_485, %swap3A_486], %mul3A_484 {strides = array<i32>} : memref<64x64xf32, #tpu.memory_space<vmem>>, vector<16xf32>,
        %get3A_488 = arith.index_cast %add3A_473 : i32 to index
        %get3A_489 = arith.constant 32 : index
        %get3A_490 = tpu.vector_load %arg11[%get3A_488, %get3A_489] {strides = array<i32>} : memref<64x64xf32, #tpu.memory_space<vmem>>, vector<16xf32>,
        %mul3A_491 = arith.mulf %get3A_490, %broadcast_in_dim3A_469 : vector<16xf32>
        %swap3A_492 = arith.index_cast %add3A_473 : i32 to index
        %swap3A_493 = arith.constant 32 : index
        %swap3A_494 = tpu.vector_load %arg11[%swap3A_492, %swap3A_493] {strides = array<i32>} : memref<64x64xf32, #tpu.memory_space<vmem>>, vector<16xf32>,
        tpu.vector_store %arg11[%swap3A_492, %swap3A_493], %mul3A_491 {strides = array<i32>} : memref<64x64xf32, #tpu.memory_space<vmem>>, vector<16xf32>,
        %get3A_495 = arith.index_cast %add3A_473 : i32 to index
        %get3A_496 = arith.constant 48 : index
        %get3A_497 = tpu.vector_load %arg11[%get3A_495, %get3A_496] {strides = array<i32>} : memref<64x64xf32, #tpu.memory_space<vmem>>, vector<16xf32>,
        %mul3A_498 = arith.mulf %get3A_497, %broadcast_in_dim3A_469 : vector<16xf32>
        %swap3A_499 = arith.index_cast %add3A_473 : i32 to index
        %swap3A_500 = arith.constant 48 : index
        %swap3A_501 = tpu.vector_load %arg11[%swap3A_499, %swap3A_500] {strides = array<i32>} : memref<64x64xf32, #tpu.memory_space<vmem>>, vector<16xf32>,
        tpu.vector_store %arg11[%swap3A_499, %swap3A_500], %mul3A_498 {strides = array<i32>} : memref<64x64xf32, #tpu.memory_space<vmem>>, vector<16xf32>,
        %slice3A_502 = vector.extract_strided_slice %get3A_154 {offsets = [10], sizes = [1], strides = [1]} : vector<16xf32> to vector<1xf32>
        %squeeze3A_503 = vector.extract %slice3A_502[0] : f32 from vector<1xf32>
        %broadcast_in_dim3A_504 = vector.broadcast %squeeze3A_503 : f32 to vector<16xf32>
        %mul3A_505 = arith.constant 16 : i32
        %mul3A_506 = arith.muli %scan3A_149, %mul3A_505 : i32
        %add3A_507 = arith.constant 10 : i32
        %add3A_508 = arith.addi %mul3A_506, %add3A_507 : i32
        %get3A_509 = arith.index_cast %add3A_508 : i32 to index
        %get3A_510 = arith.constant 0 : index
        %get3A_511 = tpu.vector_load %arg11[%get3A_509, %get3A_510] {strides = array<i32>} : memref<64x64xf32, #tpu.memory_space<vmem>>, vector<16xf32>,
        %mul3A_512 = arith.mulf %get3A_511, %broadcast_in_dim3A_504 : vector<16xf32>
        %swap3A_513 = arith.index_cast %add3A_508 : i32 to index
        %swap3A_514 = arith.constant 0 : index
        %swap3A_515 = tpu.vector_load %arg11[%swap3A_513, %swap3A_514] {strides = array<i32>} : memref<64x64xf32, #tpu.memory_space<vmem>>, vector<16xf32>,
        tpu.vector_store %arg11[%swap3A_513, %swap3A_514], %mul3A_512 {strides = array<i32>} : memref<64x64xf32, #tpu.memory_space<vmem>>, vector<16xf32>,
        %get3A_516 = arith.index_cast %add3A_508 : i32 to index
        %get3A_517 = arith.constant 16 : index
        %get3A_518 = tpu.vector_load %arg11[%get3A_516, %get3A_517] {strides = array<i32>} : memref<64x64xf32, #tpu.memory_space<vmem>>, vector<16xf32>,
        %mul3A_519 = arith.mulf %get3A_518, %broadcast_in_dim3A_504 : vector<16xf32>
        %swap3A_520 = arith.index_cast %add3A_508 : i32 to index
        %swap3A_521 = arith.constant 16 : index
        %swap3A_522 = tpu.vector_load %arg11[%swap3A_520, %swap3A_521] {strides = array<i32>} : memref<64x64xf32, #tpu.memory_space<vmem>>, vector<16xf32>,
        tpu.vector_store %arg11[%swap3A_520, %swap3A_521], %mul3A_519 {strides = array<i32>} : memref<64x64xf32, #tpu.memory_space<vmem>>, vector<16xf32>,
        %get3A_523 = arith.index_cast %add3A_508 : i32 to index
        %get3A_524 = arith.constant 32 : index
        %get3A_525 = tpu.vector_load %arg11[%get3A_523, %get3A_524] {strides = array<i32>} : memref<64x64xf32, #tpu.memory_space<vmem>>, vector<16xf32>,
        %mul3A_526 = arith.mulf %get3A_525, %broadcast_in_dim3A_504 : vector<16xf32>
        %swap3A_527 = arith.index_cast %add3A_508 : i32 to index
        %swap3A_528 = arith.constant 32 : index
        %swap3A_529 = tpu.vector_load %arg11[%swap3A_527, %swap3A_528] {strides = array<i32>} : memref<64x64xf32, #tpu.memory_space<vmem>>, vector<16xf32>,
        tpu.vector_store %arg11[%swap3A_527, %swap3A_528], %mul3A_526 {strides = array<i32>} : memref<64x64xf32, #tpu.memory_space<vmem>>, vector<16xf32>,
        %get3A_530 = arith.index_cast %add3A_508 : i32 to index
        %get3A_531 = arith.constant 48 : index
        %get3A_532 = tpu.vector_load %arg11[%get3A_530, %get3A_531] {strides = array<i32>} : memref<64x64xf32, #tpu.memory_space<vmem>>, vector<16xf32>,
        %mul3A_533 = arith.mulf %get3A_532, %broadcast_in_dim3A_504 : vector<16xf32>
        %swap3A_534 = arith.index_cast %add3A_508 : i32 to index
        %swap3A_535 = arith.constant 48 : index
        %swap3A_536 = tpu.vector_load %arg11[%swap3A_534, %swap3A_535] {strides = array<i32>} : memref<64x64xf32, #tpu.memory_space<vmem>>, vector<16xf32>,
        tpu.vector_store %arg11[%swap3A_534, %swap3A_535], %mul3A_533 {strides = array<i32>} : memref<64x64xf32, #tpu.memory_space<vmem>>, vector<16xf32>,
        %slice3A_537 = vector.extract_strided_slice %get3A_154 {offsets = [11], sizes = [1], strides = [1]} : vector<16xf32> to vector<1xf32>
        %squeeze3A_538 = vector.extract %slice3A_537[0] : f32 from vector<1xf32>
        %broadcast_in_dim3A_539 = vector.broadcast %squeeze3A_538 : f32 to vector<16xf32>
        %mul3A_540 = arith.constant 16 : i32
        %mul3A_541 = arith.muli %scan3A_149, %mul3A_540 : i32
        %add3A_542 = arith.constant 11 : i32
        %add3A_543 = arith.addi %mul3A_541, %add3A_542 : i32
        %get3A_544 = arith.index_cast %add3A_543 : i32 to index
        %get3A_545 = arith.constant 0 : index
        %get3A_546 = tpu.vector_load %arg11[%get3A_544, %get3A_545] {strides = array<i32>} : memref<64x64xf32, #tpu.memory_space<vmem>>, vector<16xf32>,
        %mul3A_547 = arith.mulf %get3A_546, %broadcast_in_dim3A_539 : vector<16xf32>
        %swap3A_548 = arith.index_cast %add3A_543 : i32 to index
        %swap3A_549 = arith.constant 0 : index
        %swap3A_550 = tpu.vector_load %arg11[%swap3A_548, %swap3A_549] {strides = array<i32>} : memref<64x64xf32, #tpu.memory_space<vmem>>, vector<16xf32>,
        tpu.vector_store %arg11[%swap3A_548, %swap3A_549], %mul3A_547 {strides = array<i32>} : memref<64x64xf32, #tpu.memory_space<vmem>>, vector<16xf32>,
        %get3A_551 = arith.index_cast %add3A_543 : i32 to index
        %get3A_552 = arith.constant 16 : index
        %get3A_553 = tpu.vector_load %arg11[%get3A_551, %get3A_552] {strides = array<i32>} : memref<64x64xf32, #tpu.memory_space<vmem>>, vector<16xf32>,
        %mul3A_554 = arith.mulf %get3A_553, %broadcast_in_dim3A_539 : vector<16xf32>
        %swap3A_555 = arith.index_cast %add3A_543 : i32 to index
        %swap3A_556 = arith.constant 16 : index
        %swap3A_557 = tpu.vector_load %arg11[%swap3A_555, %swap3A_556] {strides = array<i32>} : memref<64x64xf32, #tpu.memory_space<vmem>>, vector<16xf32>,
        tpu.vector_store %arg11[%swap3A_555, %swap3A_556], %mul3A_554 {strides = array<i32>} : memref<64x64xf32, #tpu.memory_space<vmem>>, vector<16xf32>,
        %get3A_558 = arith.index_cast %add3A_543 : i32 to index
        %get3A_559 = arith.constant 32 : index
        %get3A_560 = tpu.vector_load %arg11[%get3A_558, %get3A_559] {strides = array<i32>} : memref<64x64xf32, #tpu.memory_space<vmem>>, vector<16xf32>,
        %mul3A_561 = arith.mulf %get3A_560, %broadcast_in_dim3A_539 : vector<16xf32>
        %swap3A_562 = arith.index_cast %add3A_543 : i32 to index
        %swap3A_563 = arith.constant 32 : index
        %swap3A_564 = tpu.vector_load %arg11[%swap3A_562, %swap3A_563] {strides = array<i32>} : memref<64x64xf32, #tpu.memory_space<vmem>>, vector<16xf32>,
        tpu.vector_store %arg11[%swap3A_562, %swap3A_563], %mul3A_561 {strides = array<i32>} : memref<64x64xf32, #tpu.memory_space<vmem>>, vector<16xf32>,
        %get3A_565 = arith.index_cast %add3A_543 : i32 to index
        %get3A_566 = arith.constant 48 : index
        %get3A_567 = tpu.vector_load %arg11[%get3A_565, %get3A_566] {strides = array<i32>} : memref<64x64xf32, #tpu.memory_space<vmem>>, vector<16xf32>,
        %mul3A_568 = arith.mulf %get3A_567, %broadcast_in_dim3A_539 : vector<16xf32>
        %swap3A_569 = arith.index_cast %add3A_543 : i32 to index
        %swap3A_570 = arith.constant 48 : index
        %swap3A_571 = tpu.vector_load %arg11[%swap3A_569, %swap3A_570] {strides = array<i32>} : memref<64x64xf32, #tpu.memory_space<vmem>>, vector<16xf32>,
        tpu.vector_store %arg11[%swap3A_569, %swap3A_570], %mul3A_568 {strides = array<i32>} : memref<64x64xf32, #tpu.memory_space<vmem>>, vector<16xf32>,
        %slice3A_572 = vector.extract_strided_slice %get3A_154 {offsets = [12], sizes = [1], strides = [1]} : vector<16xf32> to vector<1xf32>
        %squeeze3A_573 = vector.extract %slice3A_572[0] : f32 from vector<1xf32>
        %broadcast_in_dim3A_574 = vector.broadcast %squeeze3A_573 : f32 to vector<16xf32>
        %mul3A_575 = arith.constant 16 : i32
        %mul3A_576 = arith.muli %scan3A_149, %mul3A_575 : i32
        %add3A_577 = arith.constant 12 : i32
        %add3A_578 = arith.addi %mul3A_576, %add3A_577 : i32
        %get3A_579 = arith.index_cast %add3A_578 : i32 to index
        %get3A_580 = arith.constant 0 : index
        %get3A_581 = tpu.vector_load %arg11[%get3A_579, %get3A_580] {strides = array<i32>} : memref<64x64xf32, #tpu.memory_space<vmem>>, vector<16xf32>,
        %mul3A_582 = arith.mulf %get3A_581, %broadcast_in_dim3A_574 : vector<16xf32>
        %swap3A_583 = arith.index_cast %add3A_578 : i32 to index
        %swap3A_584 = arith.constant 0 : index
        %swap3A_585 = tpu.vector_load %arg11[%swap3A_583, %swap3A_584] {strides = array<i32>} : memref<64x64xf32, #tpu.memory_space<vmem>>, vector<16xf32>,
        tpu.vector_store %arg11[%swap3A_583, %swap3A_584], %mul3A_582 {strides = array<i32>} : memref<64x64xf32, #tpu.memory_space<vmem>>, vector<16xf32>,
        %get3A_586 = arith.index_cast %add3A_578 : i32 to index
        %get3A_587 = arith.constant 16 : index
        %get3A_588 = tpu.vector_load %arg11[%get3A_586, %get3A_587] {strides = array<i32>} : memref<64x64xf32, #tpu.memory_space<vmem>>, vector<16xf32>,
        %mul3A_589 = arith.mulf %get3A_588, %broadcast_in_dim3A_574 : vector<16xf32>
        %swap3A_590 = arith.index_cast %add3A_578 : i32 to index
        %swap3A_591 = arith.constant 16 : index
        %swap3A_592 = tpu.vector_load %arg11[%swap3A_590, %swap3A_591] {strides = array<i32>} : memref<64x64xf32, #tpu.memory_space<vmem>>, vector<16xf32>,
        tpu.vector_store %arg11[%swap3A_590, %swap3A_591], %mul3A_589 {strides = array<i32>} : memref<64x64xf32, #tpu.memory_space<vmem>>, vector<16xf32>,
        %get3A_593 = arith.index_cast %add3A_578 : i32 to index
        %get3A_594 = arith.constant 32 : index
        %get3A_595 = tpu.vector_load %arg11[%get3A_593, %get3A_594] {strides = array<i32>} : memref<64x64xf32, #tpu.memory_space<vmem>>, vector<16xf32>,
        %mul3A_596 = arith.mulf %get3A_595, %broadcast_in_dim3A_574 : vector<16xf32>
        %swap3A_597 = arith.index_cast %add3A_578 : i32 to index
        %swap3A_598 = arith.constant 32 : index
        %swap3A_599 = tpu.vector_load %arg11[%swap3A_597, %swap3A_598] {strides = array<i32>} : memref<64x64xf32, #tpu.memory_space<vmem>>, vector<16xf32>,
        tpu.vector_store %arg11[%swap3A_597, %swap3A_598], %mul3A_596 {strides = array<i32>} : memref<64x64xf32, #tpu.memory_space<vmem>>, vector<16xf32>,
        %get3A_600 = arith.index_cast %add3A_578 : i32 to index
        %get3A_601 = arith.constant 48 : index
        %get3A_602 = tpu.vector_load %arg11[%get3A_600, %get3A_601] {strides = array<i32>} : memref<64x64xf32, #tpu.memory_space<vmem>>, vector<16xf32>,
        %mul3A_603 = arith.mulf %get3A_602, %broadcast_in_dim3A_574 : vector<16xf32>
        %swap3A_604 = arith.index_cast %add3A_578 : i32 to index
        %swap3A_605 = arith.constant 48 : index
        %swap3A_606 = tpu.vector_load %arg11[%swap3A_604, %swap3A_605] {strides = array<i32>} : memref<64x64xf32, #tpu.memory_space<vmem>>, vector<16xf32>,
        tpu.vector_store %arg11[%swap3A_604, %swap3A_605], %mul3A_603 {strides = array<i32>} : memref<64x64xf32, #tpu.memory_space<vmem>>, vector<16xf32>,
        %slice3A_607 = vector.extract_strided_slice %get3A_154 {offsets = [13], sizes = [1], strides = [1]} : vector<16xf32> to vector<1xf32>
        %squeeze3A_608 = vector.extract %slice3A_607[0] : f32 from vector<1xf32>
        %broadcast_in_dim3A_609 = vector.broadcast %squeeze3A_608 : f32 to vector<16xf32>
        %mul3A_610 = arith.constant 16 : i32
        %mul3A_611 = arith.muli %scan3A_149, %mul3A_610 : i32
        %add3A_612 = arith.constant 13 : i32
        %add3A_613 = arith.addi %mul3A_611, %add3A_612 : i32
        %get3A_614 = arith.index_cast %add3A_613 : i32 to index
        %get3A_615 = arith.constant 0 : index
        %get3A_616 = tpu.vector_load %arg11[%get3A_614, %get3A_615] {strides = array<i32>} : memref<64x64xf32, #tpu.memory_space<vmem>>, vector<16xf32>,
        %mul3A_617 = arith.mulf %get3A_616, %broadcast_in_dim3A_609 : vector<16xf32>
        %swap3A_618 = arith.index_cast %add3A_613 : i32 to index
        %swap3A_619 = arith.constant 0 : index
        %swap3A_620 = tpu.vector_load %arg11[%swap3A_618, %swap3A_619] {strides = array<i32>} : memref<64x64xf32, #tpu.memory_space<vmem>>, vector<16xf32>,
        tpu.vector_store %arg11[%swap3A_618, %swap3A_619], %mul3A_617 {strides = array<i32>} : memref<64x64xf32, #tpu.memory_space<vmem>>, vector<16xf32>,
        %get3A_621 = arith.index_cast %add3A_613 : i32 to index
        %get3A_622 = arith.constant 16 : index
        %get3A_623 = tpu.vector_load %arg11[%get3A_621, %get3A_622] {strides = array<i32>} : memref<64x64xf32, #tpu.memory_space<vmem>>, vector<16xf32>,
        %mul3A_624 = arith.mulf %get3A_623, %broadcast_in_dim3A_609 : vector<16xf32>
        %swap3A_625 = arith.index_cast %add3A_613 : i32 to index
        %swap3A_626 = arith.constant 16 : index
        %swap3A_627 = tpu.vector_load %arg11[%swap3A_625, %swap3A_626] {strides = array<i32>} : memref<64x64xf32, #tpu.memory_space<vmem>>, vector<16xf32>,
        tpu.vector_store %arg11[%swap3A_625, %swap3A_626], %mul3A_624 {strides = array<i32>} : memref<64x64xf32, #tpu.memory_space<vmem>>, vector<16xf32>,
        %get3A_628 = arith.index_cast %add3A_613 : i32 to index
        %get3A_629 = arith.constant 32 : index
        %get3A_630 = tpu.vector_load %arg11[%get3A_628, %get3A_629] {strides = array<i32>} : memref<64x64xf32, #tpu.memory_space<vmem>>, vector<16xf32>,
        %mul3A_631 = arith.mulf %get3A_630, %broadcast_in_dim3A_609 : vector<16xf32>
        %swap3A_632 = arith.index_cast %add3A_613 : i32 to index
        %swap3A_633 = arith.constant 32 : index
        %swap3A_634 = tpu.vector_load %arg11[%swap3A_632, %swap3A_633] {strides = array<i32>} : memref<64x64xf32, #tpu.memory_space<vmem>>, vector<16xf32>,
        tpu.vector_store %arg11[%swap3A_632, %swap3A_633], %mul3A_631 {strides = array<i32>} : memref<64x64xf32, #tpu.memory_space<vmem>>, vector<16xf32>,
        %get3A_635 = arith.index_cast %add3A_613 : i32 to index
        %get3A_636 = arith.constant 48 : index
        %get3A_637 = tpu.vector_load %arg11[%get3A_635, %get3A_636] {strides = array<i32>} : memref<64x64xf32, #tpu.memory_space<vmem>>, vector<16xf32>,
        %mul3A_638 = arith.mulf %get3A_637, %broadcast_in_dim3A_609 : vector<16xf32>
        %swap3A_639 = arith.index_cast %add3A_613 : i32 to index
        %swap3A_640 = arith.constant 48 : index
        %swap3A_641 = tpu.vector_load %arg11[%swap3A_639, %swap3A_640] {strides = array<i32>} : memref<64x64xf32, #tpu.memory_space<vmem>>, vector<16xf32>,
        tpu.vector_store %arg11[%swap3A_639, %swap3A_640], %mul3A_638 {strides = array<i32>} : memref<64x64xf32, #tpu.memory_space<vmem>>, vector<16xf32>,
        %slice3A_642 = vector.extract_strided_slice %get3A_154 {offsets = [14], sizes = [1], strides = [1]} : vector<16xf32> to vector<1xf32>
        %squeeze3A_643 = vector.extract %slice3A_642[0] : f32 from vector<1xf32>
        %broadcast_in_dim3A_644 = vector.broadcast %squeeze3A_643 : f32 to vector<16xf32>
        %mul3A_645 = arith.constant 16 : i32
        %mul3A_646 = arith.muli %scan3A_149, %mul3A_645 : i32
        %add3A_647 = arith.constant 14 : i32
        %add3A_648 = arith.addi %mul3A_646, %add3A_647 : i32
        %get3A_649 = arith.index_cast %add3A_648 : i32 to index
        %get3A_650 = arith.constant 0 : index
        %get3A_651 = tpu.vector_load %arg11[%get3A_649, %get3A_650] {strides = array<i32>} : memref<64x64xf32, #tpu.memory_space<vmem>>, vector<16xf32>,
        %mul3A_652 = arith.mulf %get3A_651, %broadcast_in_dim3A_644 : vector<16xf32>
        %swap3A_653 = arith.index_cast %add3A_648 : i32 to index
        %swap3A_654 = arith.constant 0 : index
        %swap3A_655 = tpu.vector_load %arg11[%swap3A_653, %swap3A_654] {strides = array<i32>} : memref<64x64xf32, #tpu.memory_space<vmem>>, vector<16xf32>,
        tpu.vector_store %arg11[%swap3A_653, %swap3A_654], %mul3A_652 {strides = array<i32>} : memref<64x64xf32, #tpu.memory_space<vmem>>, vector<16xf32>,
        %get3A_656 = arith.index_cast %add3A_648 : i32 to index
        %get3A_657 = arith.constant 16 : index
        %get3A_658 = tpu.vector_load %arg11[%get3A_656, %get3A_657] {strides = array<i32>} : memref<64x64xf32, #tpu.memory_space<vmem>>, vector<16xf32>,
        %mul3A_659 = arith.mulf %get3A_658, %broadcast_in_dim3A_644 : vector<16xf32>
        %swap3A_660 = arith.index_cast %add3A_648 : i32 to index
        %swap3A_661 = arith.constant 16 : index
        %swap3A_662 = tpu.vector_load %arg11[%swap3A_660, %swap3A_661] {strides = array<i32>} : memref<64x64xf32, #tpu.memory_space<vmem>>, vector<16xf32>,
        tpu.vector_store %arg11[%swap3A_660, %swap3A_661], %mul3A_659 {strides = array<i32>} : memref<64x64xf32, #tpu.memory_space<vmem>>, vector<16xf32>,
        %get3A_663 = arith.index_cast %add3A_648 : i32 to index
        %get3A_664 = arith.constant 32 : index
        %get3A_665 = tpu.vector_load %arg11[%get3A_663, %get3A_664] {strides = array<i32>} : memref<64x64xf32, #tpu.memory_space<vmem>>, vector<16xf32>,
        %mul3A_666 = arith.mulf %get3A_665, %broadcast_in_dim3A_644 : vector<16xf32>
        %swap3A_667 = arith.index_cast %add3A_648 : i32 to index
        %swap3A_668 = arith.constant 32 : index
        %swap3A_669 = tpu.vector_load %arg11[%swap3A_667, %swap3A_668] {strides = array<i32>} : memref<64x64xf32, #tpu.memory_space<vmem>>, vector<16xf32>,
        tpu.vector_store %arg11[%swap3A_667, %swap3A_668], %mul3A_666 {strides = array<i32>} : memref<64x64xf32, #tpu.memory_space<vmem>>, vector<16xf32>,
        %get3A_670 = arith.index_cast %add3A_648 : i32 to index
        %get3A_671 = arith.constant 48 : index
        %get3A_672 = tpu.vector_load %arg11[%get3A_670, %get3A_671] {strides = array<i32>} : memref<64x64xf32, #tpu.memory_space<vmem>>, vector<16xf32>,
        %mul3A_673 = arith.mulf %get3A_672, %broadcast_in_dim3A_644 : vector<16xf32>
        %swap3A_674 = arith.index_cast %add3A_648 : i32 to index
        %swap3A_675 = arith.constant 48 : index
        %swap3A_676 = tpu.vector_load %arg11[%swap3A_674, %swap3A_675] {strides = array<i32>} : memref<64x64xf32, #tpu.memory_space<vmem>>, vector<16xf32>,
        tpu.vector_store %arg11[%swap3A_674, %swap3A_675], %mul3A_673 {strides = array<i32>} : memref<64x64xf32, #tpu.memory_space<vmem>>, vector<16xf32>,
        %slice3A_677 = vector.extract_strided_slice %get3A_154 {offsets = [15], sizes = [1], strides = [1]} : vector<16xf32> to vector<1xf32>
        %squeeze3A_678 = vector.extract %slice3A_677[0] : f32 from vector<1xf32>
        %broadcast_in_dim3A_679 = vector.broadcast %squeeze3A_678 : f32 to vector<16xf32>
        %mul3A_680 = arith.constant 16 : i32
        %mul3A_681 = arith.muli %scan3A_149, %mul3A_680 : i32
        %add3A_682 = arith.constant 15 : i32
        %add3A_683 = arith.addi %mul3A_681, %add3A_682 : i32
        %get3A_684 = arith.index_cast %add3A_683 : i32 to index
        %get3A_685 = arith.constant 0 : index
        %get3A_686 = tpu.vector_load %arg11[%get3A_684, %get3A_685] {strides = array<i32>} : memref<64x64xf32, #tpu.memory_space<vmem>>, vector<16xf32>,
        %mul3A_687 = arith.mulf %get3A_686, %broadcast_in_dim3A_679 : vector<16xf32>
        %swap3A_688 = arith.index_cast %add3A_683 : i32 to index
        %swap3A_689 = arith.constant 0 : index
        %swap3A_690 = tpu.vector_load %arg11[%swap3A_688, %swap3A_689] {strides = array<i32>} : memref<64x64xf32, #tpu.memory_space<vmem>>, vector<16xf32>,
        tpu.vector_store %arg11[%swap3A_688, %swap3A_689], %mul3A_687 {strides = array<i32>} : memref<64x64xf32, #tpu.memory_space<vmem>>, vector<16xf32>,
        %get3A_691 = arith.index_cast %add3A_683 : i32 to index
        %get3A_692 = arith.constant 16 : index
        %get3A_693 = tpu.vector_load %arg11[%get3A_691, %get3A_692] {strides = array<i32>} : memref<64x64xf32, #tpu.memory_space<vmem>>, vector<16xf32>,
        %mul3A_694 = arith.mulf %get3A_693, %broadcast_in_dim3A_679 : vector<16xf32>
        %swap3A_695 = arith.index_cast %add3A_683 : i32 to index
        %swap3A_696 = arith.constant 16 : index
        %swap3A_697 = tpu.vector_load %arg11[%swap3A_695, %swap3A_696] {strides = array<i32>} : memref<64x64xf32, #tpu.memory_space<vmem>>, vector<16xf32>,
        tpu.vector_store %arg11[%swap3A_695, %swap3A_696], %mul3A_694 {strides = array<i32>} : memref<64x64xf32, #tpu.memory_space<vmem>>, vector<16xf32>,
        %get3A_698 = arith.index_cast %add3A_683 : i32 to index
        %get3A_699 = arith.constant 32 : index
        %get3A_700 = tpu.vector_load %arg11[%get3A_698, %get3A_699] {strides = array<i32>} : memref<64x64xf32, #tpu.memory_space<vmem>>, vector<16xf32>,
        %mul3A_701 = arith.mulf %get3A_700, %broadcast_in_dim3A_679 : vector<16xf32>
        %swap3A_702 = arith.index_cast %add3A_683 : i32 to index
        %swap3A_703 = arith.constant 32 : index
        %swap3A_704 = tpu.vector_load %arg11[%swap3A_702, %swap3A_703] {strides = array<i32>} : memref<64x64xf32, #tpu.memory_space<vmem>>, vector<16xf32>,
        tpu.vector_store %arg11[%swap3A_702, %swap3A_703], %mul3A_701 {strides = array<i32>} : memref<64x64xf32, #tpu.memory_space<vmem>>, vector<16xf32>,
        %get3A_705 = arith.index_cast %add3A_683 : i32 to index
        %get3A_706 = arith.constant 48 : index
        %get3A_707 = tpu.vector_load %arg11[%get3A_705, %get3A_706] {strides = array<i32>} : memref<64x64xf32, #tpu.memory_space<vmem>>, vector<16xf32>,
        %mul3A_708 = arith.mulf %get3A_707, %broadcast_in_dim3A_679 : vector<16xf32>
        %swap3A_709 = arith.index_cast %add3A_683 : i32 to index
        %swap3A_710 = arith.constant 48 : index
        %swap3A_711 = tpu.vector_load %arg11[%swap3A_709, %swap3A_710] {strides = array<i32>} : memref<64x64xf32, #tpu.memory_space<vmem>>, vector<16xf32>,
        tpu.vector_store %arg11[%swap3A_709, %swap3A_710], %mul3A_708 {strides = array<i32>} : memref<64x64xf32, #tpu.memory_space<vmem>>, vector<16xf32>,
        %scan3A_712 = arith.constant 0 : i32
        scf.yield %scan3A_712 : i32
      }
      %scan3A_144 = arith.constant 4 : i32
      %mul3A_145 = arith.constant 10240 : i32
      %mul3A_146 = arith.muli %add3A_115, %mul3A_145 : i32
      %add3A_147 = arith.addi %mul3A_146, %add3A_135 : i32
      "tpu.region"() ({
        %run_scoped3A = tpu.sem_alloc : memref<!tpu.dma_semaphore, #tpu.memory_space<semaphore_mem>>
        %dma_start3A = arith.constant 0 : i32
        %dma_start3A_149 = tpu.memref_slice %arg6[%add3A_147, %dma_start3A] : memref<40960x64xf32, #tpu.memory_space<hbm>> -> memref<64x64xf32, #tpu.memory_space<hbm>>
        %dma_start3A_150 = arith.constant 0 : i32
        %dma_start3A_151 = tpu.memref_slice %arg6[%add3A_147, %dma_start3A_150] : memref<40960x64xf32, #tpu.memory_space<hbm>> -> memref<64x64xf32, #tpu.memory_space<hbm>>
        tpu.enqueue_dma source(%arg11 : memref<64x64xf32, #tpu.memory_space<vmem>>) target(%dma_start3A_151 : memref<64x64xf32, #tpu.memory_space<hbm>>) target_semaphore(%run_scoped3A : memref<!tpu.dma_semaphore, #tpu.memory_space<semaphore_mem>>)
        %dma_wait3A = arith.constant 0 : i32
        %dma_wait3A_152 = tpu.memref_slice %arg6[%add3A_147, %dma_wait3A] : memref<40960x64xf32, #tpu.memory_space<hbm>> -> memref<64x64xf32, #tpu.memory_space<hbm>>
        %dma_wait3A_153 = arith.constant 0 : i32
        %dma_wait3A_154 = tpu.memref_slice %arg6[%add3A_147, %dma_wait3A_153] : memref<40960x64xf32, #tpu.memory_space<hbm>> -> memref<64x64xf32, #tpu.memory_space<hbm>>
        tpu.wait_dma2 semaphore(%run_scoped3A : memref<!tpu.dma_semaphore, #tpu.memory_space<semaphore_mem>>) src(%arg11 : memref<64x64xf32, #tpu.memory_space<vmem>>) dst(%dma_wait3A_154 : memref<64x64xf32, #tpu.memory_space<hbm>>)
        tpu.yield
      }) : () -> ()
      %scan3A_148 = arith.constant 0 : i32
      scf.yield %scan3A_148 : i32
    }
    %scan3A_122 = arith.constant 10 : i32
    %barrier3A_123 = arith.constant 0 : index
    tpu.barrier barrier_id(%barrier3A_123)
    %scan3A_124 = arith.constant 0 : i32
    %scan3A_125 = arith.constant 0 : i32
    %scan3A_126 = arith.constant 6 : i32
    %scan3A_127 = arith.addi %scan3A_125, %scan3A_126 : i32
    %scan3A_128 = arith.constant 1 : i32
    %scan3A_129 = scf.for %scan3A_131 = %scan3A_125 to %scan3A_127 step %scan3A_128 iter_args(%scan3A_132 = %scan3A_124) -> (i32)  : i32 {
      %jit3A = arith.constant 2 : i32
      %div3A = arith.divsi %scan3A_131, %jit3A : i32
      %sign3A = arith.constant 0 : i32
      %sign3A_133 = arith.cmpi sgt, %scan3A_131, %sign3A : i32
      %sign3A_134 = arith.extui %sign3A_133 : i1 to i32
      %sign3A_135 = arith.constant 0 : i32
      %sign3A_136 = arith.cmpi slt, %scan3A_131, %sign3A_135 : i32
      %sign3A_137 = arith.extui %sign3A_136 : i1 to i32
      %sign3A_138 = arith.subi %sign3A_134, %sign3A_137 : i32
      %sign3A_139 = arith.constant 0 : i32
      %sign3A_140 = arith.cmpi sgt, %jit3A, %sign3A_139 : i32
      %sign3A_141 = arith.extui %sign3A_140 : i1 to i32
      %sign3A_142 = arith.constant 0 : i32
      %sign3A_143 = arith.cmpi slt, %jit3A, %sign3A_142 : i32
      %sign3A_144 = arith.extui %sign3A_143 : i1 to i32
      %sign3A_145 = arith.subi %sign3A_141, %sign3A_144 : i32
      %ne3A = arith.cmpi ne, %sign3A_138, %sign3A_145 : i32
      %rem3A = arith.remsi %scan3A_131, %jit3A : i32
      %ne3A_146 = arith.constant 0 : i32
      %ne3A_147 = arith.cmpi ne, %rem3A, %ne3A_146 : i32
      %and3A = arith.andi %ne3A, %ne3A_147 : i1
      %sub3A = arith.constant 1 : i32
      %sub3A_148 = arith.subi %div3A, %sub3A : i32
      %select_n3A = arith.select %and3A, %sub3A_148, %div3A : i32
      %jit3A_149 = arith.constant 2 : i32
      %eq3A = arith.constant 0 : i32
      %eq3A_150 = arith.cmpi eq, %jit3A_149, %eq3A : i32
      %jit3A_151 = arith.constant 1 : i32
      %select_n3A_152 = arith.select %eq3A_150, %jit3A_151, %jit3A_149 : i32
      %rem3A_153 = arith.remsi %scan3A_131, %select_n3A_152 : i32
      %ne3A_154 = arith.constant 0 : i32
      %ne3A_155 = arith.cmpi ne, %rem3A_153, %ne3A_154 : i32
      %lt3A = arith.constant 0 : i32
      %lt3A_156 = arith.cmpi slt, %rem3A_153, %lt3A : i32
      %lt3A_157 = arith.constant 0 : i32
      %lt3A_158 = arith.cmpi slt, %select_n3A_152, %lt3A_157 : i32
      %ne3A_159 = arith.xori %lt3A_156, %lt3A_158 : i1
      %and3A_160 = arith.andi %ne3A_159, %ne3A_155 : i1
      %add3A_161 = arith.addi %rem3A_153, %select_n3A_152 : i32
      %select_n3A_162 = arith.select %and3A_160, %add3A_161, %rem3A_153 : i32
      %mul3A_163 = arith.constant 2 : i32
      %mul3A_164 = arith.muli %mul3A_163, %arg0 : i32
      %add3A_165 = arith.addi %mul3A_164, %select_n3A_162 : i32
      %ge3A = arith.constant 1 : i32
      %ge3A_166 = arith.cmpi sge, %scan3A_131, %ge3A : i32
      %convert_element_type3A = arith.extui %ge3A_166 : i1 to i32
      %cond3A = arith.constant 0 : i32
      %cond3A_167 = arith.cmpi ne, %convert_element_type3A, %cond3A : i32
      scf.if %cond3A_167 {
        %eq3A_288 = arith.constant 1 : i32
        %eq3A_289 = arith.cmpi eq, %select_n3A_162, %eq3A_288 : i32
        %jit3A_290 = arith.constant 10240 : i32
        %jit3A_291 = arith.constant -10240 : i32
        %select_n3A_292 = arith.select %eq3A_289, %jit3A_290, %jit3A_291 : i32
        %broadcast_in_dim3A_293 = vector.broadcast %select_n3A_292 : i32 to vector<16xi32>
        %scan3A_294 = arith.constant 0 : i32
        %scan3A_295 = arith.constant 0 : i32
        %scan3A_296 = arith.constant 80 : i32
        %scan3A_297 = arith.addi %scan3A_295, %scan3A_296 : i32
        %scan3A_298 = arith.constant 1 : i32
        %scan3A_299 = scf.for %scan3A_301 = %scan3A_295 to %scan3A_297 step %scan3A_298 iter_args(%scan3A_302 = %scan3A_294) -> (i32)  : i32 {
          %get3A = arith.index_cast %scan3A_301 : i32 to index
          %get3A_303 = arith.constant 0 : index
          %get3A_304 = tpu.vector_load %arg8[%get3A, %get3A_303] {strides = array<i32>} : memref<80x128xi32, #tpu.memory_space<vmem>>, vector<16xi32>,
          %add3A_305 = arith.addi %get3A_304, %broadcast_in_dim3A_293 : vector<16xi32>
          %swap3A = arith.index_cast %scan3A_301 : i32 to index
          %swap3A_306 = arith.constant 0 : index
          %swap3A_307 = tpu.vector_load %arg8[%swap3A, %swap3A_306] {strides = array<i32>} : memref<80x128xi32, #tpu.memory_space<vmem>>, vector<16xi32>,
          tpu.vector_store %arg8[%swap3A, %swap3A_306], %add3A_305 {strides = array<i32>} : memref<80x128xi32, #tpu.memory_space<vmem>>, vector<16xi32>,
          %get3A_308 = arith.index_cast %scan3A_301 : i32 to index
          %get3A_309 = arith.constant 16 : index
          %get3A_310 = tpu.vector_load %arg8[%get3A_308, %get3A_309] {strides = array<i32>} : memref<80x128xi32, #tpu.memory_space<vmem>>, vector<16xi32>,
          %add3A_311 = arith.addi %get3A_310, %broadcast_in_dim3A_293 : vector<16xi32>
          %swap3A_312 = arith.index_cast %scan3A_301 : i32 to index
          %swap3A_313 = arith.constant 16 : index
          %swap3A_314 = tpu.vector_load %arg8[%swap3A_312, %swap3A_313] {strides = array<i32>} : memref<80x128xi32, #tpu.memory_space<vmem>>, vector<16xi32>,
          tpu.vector_store %arg8[%swap3A_312, %swap3A_313], %add3A_311 {strides = array<i32>} : memref<80x128xi32, #tpu.memory_space<vmem>>, vector<16xi32>,
          %get3A_315 = arith.index_cast %scan3A_301 : i32 to index
          %get3A_316 = arith.constant 32 : index
          %get3A_317 = tpu.vector_load %arg8[%get3A_315, %get3A_316] {strides = array<i32>} : memref<80x128xi32, #tpu.memory_space<vmem>>, vector<16xi32>,
          %add3A_318 = arith.addi %get3A_317, %broadcast_in_dim3A_293 : vector<16xi32>
          %swap3A_319 = arith.index_cast %scan3A_301 : i32 to index
          %swap3A_320 = arith.constant 32 : index
          %swap3A_321 = tpu.vector_load %arg8[%swap3A_319, %swap3A_320] {strides = array<i32>} : memref<80x128xi32, #tpu.memory_space<vmem>>, vector<16xi32>,
          tpu.vector_store %arg8[%swap3A_319, %swap3A_320], %add3A_318 {strides = array<i32>} : memref<80x128xi32, #tpu.memory_space<vmem>>, vector<16xi32>,
          %get3A_322 = arith.index_cast %scan3A_301 : i32 to index
          %get3A_323 = arith.constant 48 : index
          %get3A_324 = tpu.vector_load %arg8[%get3A_322, %get3A_323] {strides = array<i32>} : memref<80x128xi32, #tpu.memory_space<vmem>>, vector<16xi32>,
          %add3A_325 = arith.addi %get3A_324, %broadcast_in_dim3A_293 : vector<16xi32>
          %swap3A_326 = arith.index_cast %scan3A_301 : i32 to index
          %swap3A_327 = arith.constant 48 : index
          %swap3A_328 = tpu.vector_load %arg8[%swap3A_326, %swap3A_327] {strides = array<i32>} : memref<80x128xi32, #tpu.memory_space<vmem>>, vector<16xi32>,
          tpu.vector_store %arg8[%swap3A_326, %swap3A_327], %add3A_325 {strides = array<i32>} : memref<80x128xi32, #tpu.memory_space<vmem>>, vector<16xi32>,
          %get3A_329 = arith.index_cast %scan3A_301 : i32 to index
          %get3A_330 = arith.constant 64 : index
          %get3A_331 = tpu.vector_load %arg8[%get3A_329, %get3A_330] {strides = array<i32>} : memref<80x128xi32, #tpu.memory_space<vmem>>, vector<16xi32>,
          %add3A_332 = arith.addi %get3A_331, %broadcast_in_dim3A_293 : vector<16xi32>
          %swap3A_333 = arith.index_cast %scan3A_301 : i32 to index
          %swap3A_334 = arith.constant 64 : index
          %swap3A_335 = tpu.vector_load %arg8[%swap3A_333, %swap3A_334] {strides = array<i32>} : memref<80x128xi32, #tpu.memory_space<vmem>>, vector<16xi32>,
          tpu.vector_store %arg8[%swap3A_333, %swap3A_334], %add3A_332 {strides = array<i32>} : memref<80x128xi32, #tpu.memory_space<vmem>>, vector<16xi32>,
          %get3A_336 = arith.index_cast %scan3A_301 : i32 to index
          %get3A_337 = arith.constant 80 : index
          %get3A_338 = tpu.vector_load %arg8[%get3A_336, %get3A_337] {strides = array<i32>} : memref<80x128xi32, #tpu.memory_space<vmem>>, vector<16xi32>,
          %add3A_339 = arith.addi %get3A_338, %broadcast_in_dim3A_293 : vector<16xi32>
          %swap3A_340 = arith.index_cast %scan3A_301 : i32 to index
          %swap3A_341 = arith.constant 80 : index
          %swap3A_342 = tpu.vector_load %arg8[%swap3A_340, %swap3A_341] {strides = array<i32>} : memref<80x128xi32, #tpu.memory_space<vmem>>, vector<16xi32>,
          tpu.vector_store %arg8[%swap3A_340, %swap3A_341], %add3A_339 {strides = array<i32>} : memref<80x128xi32, #tpu.memory_space<vmem>>, vector<16xi32>,
          %get3A_343 = arith.index_cast %scan3A_301 : i32 to index
          %get3A_344 = arith.constant 96 : index
          %get3A_345 = tpu.vector_load %arg8[%get3A_343, %get3A_344] {strides = array<i32>} : memref<80x128xi32, #tpu.memory_space<vmem>>, vector<16xi32>,
          %add3A_346 = arith.addi %get3A_345, %broadcast_in_dim3A_293 : vector<16xi32>
          %swap3A_347 = arith.index_cast %scan3A_301 : i32 to index
          %swap3A_348 = arith.constant 96 : index
          %swap3A_349 = tpu.vector_load %arg8[%swap3A_347, %swap3A_348] {strides = array<i32>} : memref<80x128xi32, #tpu.memory_space<vmem>>, vector<16xi32>,
          tpu.vector_store %arg8[%swap3A_347, %swap3A_348], %add3A_346 {strides = array<i32>} : memref<80x128xi32, #tpu.memory_space<vmem>>, vector<16xi32>,
          %get3A_350 = arith.index_cast %scan3A_301 : i32 to index
          %get3A_351 = arith.constant 112 : index
          %get3A_352 = tpu.vector_load %arg8[%get3A_350, %get3A_351] {strides = array<i32>} : memref<80x128xi32, #tpu.memory_space<vmem>>, vector<16xi32>,
          %add3A_353 = arith.addi %get3A_352, %broadcast_in_dim3A_293 : vector<16xi32>
          %swap3A_354 = arith.index_cast %scan3A_301 : i32 to index
          %swap3A_355 = arith.constant 112 : index
          %swap3A_356 = tpu.vector_load %arg8[%swap3A_354, %swap3A_355] {strides = array<i32>} : memref<80x128xi32, #tpu.memory_space<vmem>>, vector<16xi32>,
          tpu.vector_store %arg8[%swap3A_354, %swap3A_355], %add3A_353 {strides = array<i32>} : memref<80x128xi32, #tpu.memory_space<vmem>>, vector<16xi32>,
          %scan3A_357 = arith.constant 0 : i32
          scf.yield %scan3A_357 : i32
        }
        %scan3A_300 = arith.constant 80 : i32
      } else {
      }
      %dma_start3A = arith.constant 0 : i32
      %dma_start3A_168 = arith.constant 0 : i32
      %dma_start3A_169 = arith.constant 0 : i32
      %dma_start3A_170 = arith.constant 0 : i32
      %dma_start3A_171 = arith.constant 0 : i32
      %dma_start3A_172 = tpu.memref_slice %arg10[%dma_start3A_168, %dma_start3A_170, %dma_start3A_171] : memref<5x128x64xf32, #tpu.memory_space<vmem>> -> memref<1x128x64xf32, #tpu.memory_space<vmem>>
      %dma_start3A_173 = tpu.memref_squeeze %dma_start3A_172 : memref<1x128x64xf32, #tpu.memory_space<vmem>> -> memref<128x64xf32, #tpu.memory_space<vmem>>
      %dma_start3A_174 = arith.constant 0 : i32
      %dma_start3A_175 = tpu.memref_slice %arg8[%dma_start3A, %dma_start3A_174] : memref<80x128xi32, #tpu.memory_space<vmem>> -> memref<1x128xi32, #tpu.memory_space<vmem>>
      %dma_start3A_176 = tpu.memref_squeeze %dma_start3A_175 : memref<1x128xi32, #tpu.memory_space<vmem>> -> memref<128xi32, #tpu.memory_space<vmem>>
      %dma_start3A_177 = arith.constant 0 : i32
      %dma_start3A_178 = arith.constant 0 : i32
      %dma_start3A_179 = tpu.memref_slice %arg6[%dma_start3A_177, %dma_start3A_178] : memref<40960x64xf32, #tpu.memory_space<hbm>> -> memref<40960x64xf32, #tpu.memory_space<hbm>>
      %dma_start3A_180 = tpu.memref_slice %arg18[%dma_start3A_169] : memref<5x!tpu.dma_semaphore, #tpu.memory_space<semaphore_mem>> -> memref<1x!tpu.dma_semaphore, #tpu.memory_space<semaphore_mem>>
      %dma_start3A_181 = tpu.memref_squeeze %dma_start3A_180 : memref<1x!tpu.dma_semaphore, #tpu.memory_space<semaphore_mem>> -> memref<!tpu.dma_semaphore, #tpu.memory_space<semaphore_mem>>
      tpu.enqueue_indirect_dma source(%dma_start3A_179 : memref<40960x64xf32, #tpu.memory_space<hbm>>) target(%dma_start3A_173 : memref<128x64xf32, #tpu.memory_space<vmem>>) offsets(%dma_start3A_176 : memref<128xi32, #tpu.memory_space<vmem>>) semaphore(%dma_start3A_181 : memref<!tpu.dma_semaphore, #tpu.memory_space<semaphore_mem>>)
      %dma_start3A_182 = arith.constant 1 : i32
      %dma_start3A_183 = arith.constant 1 : i32
      %dma_start3A_184 = arith.constant 1 : i32
      %dma_start3A_185 = arith.constant 0 : i32
      %dma_start3A_186 = arith.constant 0 : i32
      %dma_start3A_187 = tpu.memref_slice %arg10[%dma_start3A_183, %dma_start3A_185, %dma_start3A_186] : memref<5x128x64xf32, #tpu.memory_space<vmem>> -> memref<1x128x64xf32, #tpu.memory_space<vmem>>
      %dma_start3A_188 = tpu.memref_squeeze %dma_start3A_187 : memref<1x128x64xf32, #tpu.memory_space<vmem>> -> memref<128x64xf32, #tpu.memory_space<vmem>>
      %dma_start3A_189 = arith.constant 0 : i32
      %dma_start3A_190 = tpu.memref_slice %arg8[%dma_start3A_182, %dma_start3A_189] : memref<80x128xi32, #tpu.memory_space<vmem>> -> memref<1x128xi32, #tpu.memory_space<vmem>>
      %dma_start3A_191 = tpu.memref_squeeze %dma_start3A_190 : memref<1x128xi32, #tpu.memory_space<vmem>> -> memref<128xi32, #tpu.memory_space<vmem>>
      %dma_start3A_192 = arith.constant 0 : i32
      %dma_start3A_193 = arith.constant 0 : i32
      %dma_start3A_194 = tpu.memref_slice %arg6[%dma_start3A_192, %dma_start3A_193] : memref<40960x64xf32, #tpu.memory_space<hbm>> -> memref<40960x64xf32, #tpu.memory_space<hbm>>
      %dma_start3A_195 = tpu.memref_slice %arg18[%dma_start3A_184] : memref<5x!tpu.dma_semaphore, #tpu.memory_space<semaphore_mem>> -> memref<1x!tpu.dma_semaphore, #tpu.memory_space<semaphore_mem>>
      %dma_start3A_196 = tpu.memref_squeeze %dma_start3A_195 : memref<1x!tpu.dma_semaphore, #tpu.memory_space<semaphore_mem>> -> memref<!tpu.dma_semaphore, #tpu.memory_space<semaphore_mem>>
      tpu.enqueue_indirect_dma source(%dma_start3A_194 : memref<40960x64xf32, #tpu.memory_space<hbm>>) target(%dma_start3A_188 : memref<128x64xf32, #tpu.memory_space<vmem>>) offsets(%dma_start3A_191 : memref<128xi32, #tpu.memory_space<vmem>>) semaphore(%dma_start3A_196 : memref<!tpu.dma_semaphore, #tpu.memory_space<semaphore_mem>>)
      %dma_start3A_197 = arith.constant 2 : i32
      %dma_start3A_198 = arith.constant 2 : i32
      %dma_start3A_199 = arith.constant 2 : i32
      %dma_start3A_200 = arith.constant 0 : i32
      %dma_start3A_201 = arith.constant 0 : i32
      %dma_start3A_202 = tpu.memref_slice %arg10[%dma_start3A_198, %dma_start3A_200, %dma_start3A_201] : memref<5x128x64xf32, #tpu.memory_space<vmem>> -> memref<1x128x64xf32, #tpu.memory_space<vmem>>
      %dma_start3A_203 = tpu.memref_squeeze %dma_start3A_202 : memref<1x128x64xf32, #tpu.memory_space<vmem>> -> memref<128x64xf32, #tpu.memory_space<vmem>>
      %dma_start3A_204 = arith.constant 0 : i32
      %dma_start3A_205 = tpu.memref_slice %arg8[%dma_start3A_197, %dma_start3A_204] : memref<80x128xi32, #tpu.memory_space<vmem>> -> memref<1x128xi32, #tpu.memory_space<vmem>>
      %dma_start3A_206 = tpu.memref_squeeze %dma_start3A_205 : memref<1x128xi32, #tpu.memory_space<vmem>> -> memref<128xi32, #tpu.memory_space<vmem>>
      %dma_start3A_207 = arith.constant 0 : i32
      %dma_start3A_208 = arith.constant 0 : i32
      %dma_start3A_209 = tpu.memref_slice %arg6[%dma_start3A_207, %dma_start3A_208] : memref<40960x64xf32, #tpu.memory_space<hbm>> -> memref<40960x64xf32, #tpu.memory_space<hbm>>
      %dma_start3A_210 = tpu.memref_slice %arg18[%dma_start3A_199] : memref<5x!tpu.dma_semaphore, #tpu.memory_space<semaphore_mem>> -> memref<1x!tpu.dma_semaphore, #tpu.memory_space<semaphore_mem>>
      %dma_start3A_211 = tpu.memref_squeeze %dma_start3A_210 : memref<1x!tpu.dma_semaphore, #tpu.memory_space<semaphore_mem>> -> memref<!tpu.dma_semaphore, #tpu.memory_space<semaphore_mem>>
      tpu.enqueue_indirect_dma source(%dma_start3A_209 : memref<40960x64xf32, #tpu.memory_space<hbm>>) target(%dma_start3A_203 : memref<128x64xf32, #tpu.memory_space<vmem>>) offsets(%dma_start3A_206 : memref<128xi32, #tpu.memory_space<vmem>>) semaphore(%dma_start3A_211 : memref<!tpu.dma_semaphore, #tpu.memory_space<semaphore_mem>>)
      %dma_start3A_212 = arith.constant 3 : i32
      %dma_start3A_213 = arith.constant 3 : i32
      %dma_start3A_214 = arith.constant 3 : i32
      %dma_start3A_215 = arith.constant 0 : i32
      %dma_start3A_216 = arith.constant 0 : i32
      %dma_start3A_217 = tpu.memref_slice %arg10[%dma_start3A_213, %dma_start3A_215, %dma_start3A_216] : memref<5x128x64xf32, #tpu.memory_space<vmem>> -> memref<1x128x64xf32, #tpu.memory_space<vmem>>
      %dma_start3A_218 = tpu.memref_squeeze %dma_start3A_217 : memref<1x128x64xf32, #tpu.memory_space<vmem>> -> memref<128x64xf32, #tpu.memory_space<vmem>>
      %dma_start3A_219 = arith.constant 0 : i32
      %dma_start3A_220 = tpu.memref_slice %arg8[%dma_start3A_212, %dma_start3A_219] : memref<80x128xi32, #tpu.memory_space<vmem>> -> memref<1x128xi32, #tpu.memory_space<vmem>>
      %dma_start3A_221 = tpu.memref_squeeze %dma_start3A_220 : memref<1x128xi32, #tpu.memory_space<vmem>> -> memref<128xi32, #tpu.memory_space<vmem>>
      %dma_start3A_222 = arith.constant 0 : i32
      %dma_start3A_223 = arith.constant 0 : i32
      %dma_start3A_224 = tpu.memref_slice %arg6[%dma_start3A_222, %dma_start3A_223] : memref<40960x64xf32, #tpu.memory_space<hbm>> -> memref<40960x64xf32, #tpu.memory_space<hbm>>
      %dma_start3A_225 = tpu.memref_slice %arg18[%dma_start3A_214] : memref<5x!tpu.dma_semaphore, #tpu.memory_space<semaphore_mem>> -> memref<1x!tpu.dma_semaphore, #tpu.memory_space<semaphore_mem>>
      %dma_start3A_226 = tpu.memref_squeeze %dma_start3A_225 : memref<1x!tpu.dma_semaphore, #tpu.memory_space<semaphore_mem>> -> memref<!tpu.dma_semaphore, #tpu.memory_space<semaphore_mem>>
      tpu.enqueue_indirect_dma source(%dma_start3A_224 : memref<40960x64xf32, #tpu.memory_space<hbm>>) target(%dma_start3A_218 : memref<128x64xf32, #tpu.memory_space<vmem>>) offsets(%dma_start3A_221 : memref<128xi32, #tpu.memory_space<vmem>>) semaphore(%dma_start3A_226 : memref<!tpu.dma_semaphore, #tpu.memory_space<semaphore_mem>>)
      %dma_start3A_227 = arith.constant 4 : i32
      %dma_start3A_228 = arith.constant 4 : i32
      %dma_start3A_229 = arith.constant 4 : i32
      %dma_start3A_230 = arith.constant 0 : i32
      %dma_start3A_231 = arith.constant 0 : i32
      %dma_start3A_232 = tpu.memref_slice %arg10[%dma_start3A_228, %dma_start3A_230, %dma_start3A_231] : memref<5x128x64xf32, #tpu.memory_space<vmem>> -> memref<1x128x64xf32, #tpu.memory_space<vmem>>
      %dma_start3A_233 = tpu.memref_squeeze %dma_start3A_232 : memref<1x128x64xf32, #tpu.memory_space<vmem>> -> memref<128x64xf32, #tpu.memory_space<vmem>>
      %dma_start3A_234 = arith.constant 0 : i32
      %dma_start3A_235 = tpu.memref_slice %arg8[%dma_start3A_227, %dma_start3A_234] : memref<80x128xi32, #tpu.memory_space<vmem>> -> memref<1x128xi32, #tpu.memory_space<vmem>>
      %dma_start3A_236 = tpu.memref_squeeze %dma_start3A_235 : memref<1x128xi32, #tpu.memory_space<vmem>> -> memref<128xi32, #tpu.memory_space<vmem>>
      %dma_start3A_237 = arith.constant 0 : i32
      %dma_start3A_238 = arith.constant 0 : i32
      %dma_start3A_239 = tpu.memref_slice %arg6[%dma_start3A_237, %dma_start3A_238] : memref<40960x64xf32, #tpu.memory_space<hbm>> -> memref<40960x64xf32, #tpu.memory_space<hbm>>
      %dma_start3A_240 = tpu.memref_slice %arg18[%dma_start3A_229] : memref<5x!tpu.dma_semaphore, #tpu.memory_space<semaphore_mem>> -> memref<1x!tpu.dma_semaphore, #tpu.memory_space<semaphore_mem>>
      %dma_start3A_241 = tpu.memref_squeeze %dma_start3A_240 : memref<1x!tpu.dma_semaphore, #tpu.memory_space<semaphore_mem>> -> memref<!tpu.dma_semaphore, #tpu.memory_space<semaphore_mem>>
      tpu.enqueue_indirect_dma source(%dma_start3A_239 : memref<40960x64xf32, #tpu.memory_space<hbm>>) target(%dma_start3A_233 : memref<128x64xf32, #tpu.memory_space<vmem>>) offsets(%dma_start3A_236 : memref<128xi32, #tpu.memory_space<vmem>>) semaphore(%dma_start3A_241 : memref<!tpu.dma_semaphore, #tpu.memory_space<semaphore_mem>>)
      %scan3A_242 = arith.constant 0 : i32
      %scan3A_243 = arith.constant 0 : i32
      %scan3A_244 = arith.constant 80 : i32
      %scan3A_245 = arith.addi %scan3A_243, %scan3A_244 : i32
      %scan3A_246 = arith.constant 1 : i32
      %scan3A_247 = scf.for %scan3A_288 = %scan3A_243 to %scan3A_245 step %scan3A_246 iter_args(%scan3A_289 = %scan3A_242) -> (i32)  : i32 {
        %rem3A_290 = arith.constant 5 : i32
        %rem3A_291 = arith.remsi %scan3A_288, %rem3A_290 : i32
        %add3A_292 = arith.constant 5 : i32
        %add3A_293 = arith.addi %scan3A_288, %add3A_292 : i32
        %sub3A_294 = arith.constant 2 : i32
        %sub3A_295 = arith.subi %add3A_293, %sub3A_294 : i32
        %rem3A_296 = arith.constant 5 : i32
        %rem3A_297 = arith.remsi %sub3A_295, %rem3A_296 : i32
        %ge3A_298 = arith.constant 2 : i32
        %ge3A_299 = arith.cmpi sge, %scan3A_288, %ge3A_298 : i32
        %convert_element_type3A_300 = arith.extui %ge3A_299 : i1 to i32
        %cond3A_301 = arith.constant 0 : i32
        %cond3A_302 = arith.cmpi ne, %convert_element_type3A_300, %cond3A_301 : i32
        scf.if %cond3A_302 {
          %sub3A_340 = arith.constant 2 : i32
          %sub3A_341 = arith.subi %scan3A_288, %sub3A_340 : i32
          %dma_wait3A_342 = arith.constant 0 : i32
          %dma_wait3A_343 = arith.constant 0 : i32
          %dma_wait3A_344 = tpu.memref_slice %arg10[%rem3A_297, %dma_wait3A_342, %dma_wait3A_343] : memref<5x128x64xf32, #tpu.memory_space<vmem>> -> memref<1x128x64xf32, #tpu.memory_space<vmem>>
          %dma_wait3A_345 = tpu.memref_squeeze %dma_wait3A_344 : memref<1x128x64xf32, #tpu.memory_space<vmem>> -> memref<128x64xf32, #tpu.memory_space<vmem>>
          %dma_wait3A_346 = arith.constant 0 : i32
          %dma_wait3A_347 = tpu.memref_slice %arg9[%sub3A_341, %dma_wait3A_346] : memref<80x128xi32, #tpu.memory_space<vmem>> -> memref<1x128xi32, #tpu.memory_space<vmem>>
          %dma_wait3A_348 = tpu.memref_squeeze %dma_wait3A_347 : memref<1x128xi32, #tpu.memory_space<vmem>> -> memref<128xi32, #tpu.memory_space<vmem>>
          %dma_wait3A_349 = arith.constant 0 : i32
          %dma_wait3A_350 = arith.constant 0 : i32
          %dma_wait3A_351 = tpu.memref_slice %arg17[%dma_wait3A_349, %dma_wait3A_350] : memref<10240x64xf32, #tpu.memory_space<vmem_shared>> -> memref<10240x64xf32, #tpu.memory_space<vmem_shared>>
          %dma_wait3A_352 = tpu.memref_slice %arg19[%rem3A_297] : memref<5x!tpu.dma_semaphore, #tpu.memory_space<semaphore_mem>> -> memref<1x!tpu.dma_semaphore, #tpu.memory_space<semaphore_mem>>
          %dma_wait3A_353 = tpu.memref_squeeze %dma_wait3A_352 : memref<1x!tpu.dma_semaphore, #tpu.memory_space<semaphore_mem>> -> memref<!tpu.dma_semaphore, #tpu.memory_space<semaphore_mem>>
          tpu.wait_indirect_dma semaphore(%dma_wait3A_353 : memref<!tpu.dma_semaphore, #tpu.memory_space<semaphore_mem>>) src(%dma_wait3A_345 : memref<128x64xf32, #tpu.memory_space<vmem>>) dst(%dma_wait3A_351 : memref<10240x64xf32, #tpu.memory_space<vmem_shared>>)
        } else {
        }
        %ge3A_303 = arith.constant 2 : i32
        %ge3A_304 = arith.cmpi sge, %scan3A_288, %ge3A_303 : i32
        %add3A_305 = arith.constant 5 : i32
        %add3A_306 = arith.addi %scan3A_288, %add3A_305 : i32
        %sub3A_307 = arith.constant 2 : i32
        %sub3A_308 = arith.subi %add3A_306, %sub3A_307 : i32
        %lt3A_309 = arith.constant 80 : i32
        %lt3A_310 = arith.cmpi slt, %sub3A_308, %lt3A_309 : i32
        %and3A_311 = arith.andi %ge3A_304, %lt3A_310 : i1
        %convert_element_type3A_312 = arith.extui %and3A_311 : i1 to i32
        %cond3A_313 = arith.constant 0 : i32
        %cond3A_314 = arith.cmpi ne, %convert_element_type3A_312, %cond3A_313 : i32
        scf.if %cond3A_314 {
          %add3A_340 = arith.constant 5 : i32
          %add3A_341 = arith.addi %scan3A_288, %add3A_340 : i32
          %sub3A_342 = arith.constant 2 : i32
          %sub3A_343 = arith.subi %add3A_341, %sub3A_342 : i32
          %dma_start3A_344 = arith.constant 0 : i32
          %dma_start3A_345 = arith.constant 0 : i32
          %dma_start3A_346 = tpu.memref_slice %arg10[%rem3A_297, %dma_start3A_344, %dma_start3A_345] : memref<5x128x64xf32, #tpu.memory_space<vmem>> -> memref<1x128x64xf32, #tpu.memory_space<vmem>>
          %dma_start3A_347 = tpu.memref_squeeze %dma_start3A_346 : memref<1x128x64xf32, #tpu.memory_space<vmem>> -> memref<128x64xf32, #tpu.memory_space<vmem>>
          %dma_start3A_348 = arith.constant 0 : i32
          %dma_start3A_349 = tpu.memref_slice %arg8[%sub3A_343, %dma_start3A_348] : memref<80x128xi32, #tpu.memory_space<vmem>> -> memref<1x128xi32, #tpu.memory_space<vmem>>
          %dma_start3A_350 = tpu.memref_squeeze %dma_start3A_349 : memref<1x128xi32, #tpu.memory_space<vmem>> -> memref<128xi32, #tpu.memory_space<vmem>>
          %dma_start3A_351 = arith.constant 0 : i32
          %dma_start3A_352 = arith.constant 0 : i32
          %dma_start3A_353 = tpu.memref_slice %arg6[%dma_start3A_351, %dma_start3A_352] : memref<40960x64xf32, #tpu.memory_space<hbm>> -> memref<40960x64xf32, #tpu.memory_space<hbm>>
          %dma_start3A_354 = tpu.memref_slice %arg18[%rem3A_297] : memref<5x!tpu.dma_semaphore, #tpu.memory_space<semaphore_mem>> -> memref<1x!tpu.dma_semaphore, #tpu.memory_space<semaphore_mem>>
          %dma_start3A_355 = tpu.memref_squeeze %dma_start3A_354 : memref<1x!tpu.dma_semaphore, #tpu.memory_space<semaphore_mem>> -> memref<!tpu.dma_semaphore, #tpu.memory_space<semaphore_mem>>
          tpu.enqueue_indirect_dma source(%dma_start3A_353 : memref<40960x64xf32, #tpu.memory_space<hbm>>) target(%dma_start3A_347 : memref<128x64xf32, #tpu.memory_space<vmem>>) offsets(%dma_start3A_350 : memref<128xi32, #tpu.memory_space<vmem>>) semaphore(%dma_start3A_355 : memref<!tpu.dma_semaphore, #tpu.memory_space<semaphore_mem>>)
        } else {
        }
        %dma_wait3A_315 = arith.constant 0 : i32
        %dma_wait3A_316 = arith.constant 0 : i32
        %dma_wait3A_317 = tpu.memref_slice %arg10[%rem3A_291, %dma_wait3A_315, %dma_wait3A_316] : memref<5x128x64xf32, #tpu.memory_space<vmem>> -> memref<1x128x64xf32, #tpu.memory_space<vmem>>
        %dma_wait3A_318 = tpu.memref_squeeze %dma_wait3A_317 : memref<1x128x64xf32, #tpu.memory_space<vmem>> -> memref<128x64xf32, #tpu.memory_space<vmem>>
        %dma_wait3A_319 = arith.constant 0 : i32
        %dma_wait3A_320 = tpu.memref_slice %arg8[%scan3A_288, %dma_wait3A_319] : memref<80x128xi32, #tpu.memory_space<vmem>> -> memref<1x128xi32, #tpu.memory_space<vmem>>
        %dma_wait3A_321 = tpu.memref_squeeze %dma_wait3A_320 : memref<1x128xi32, #tpu.memory_space<vmem>> -> memref<128xi32, #tpu.memory_space<vmem>>
        %dma_wait3A_322 = arith.constant 0 : i32
        %dma_wait3A_323 = arith.constant 0 : i32
        %dma_wait3A_324 = tpu.memref_slice %arg6[%dma_wait3A_322, %dma_wait3A_323] : memref<40960x64xf32, #tpu.memory_space<hbm>> -> memref<40960x64xf32, #tpu.memory_space<hbm>>
        %dma_wait3A_325 = tpu.memref_slice %arg18[%rem3A_291] : memref<5x!tpu.dma_semaphore, #tpu.memory_space<semaphore_mem>> -> memref<1x!tpu.dma_semaphore, #tpu.memory_space<semaphore_mem>>
        %dma_wait3A_326 = tpu.memref_squeeze %dma_wait3A_325 : memref<1x!tpu.dma_semaphore, #tpu.memory_space<semaphore_mem>> -> memref<!tpu.dma_semaphore, #tpu.memory_space<semaphore_mem>>
        tpu.wait_indirect_dma semaphore(%dma_wait3A_326 : memref<!tpu.dma_semaphore, #tpu.memory_space<semaphore_mem>>) src(%dma_wait3A_324 : memref<40960x64xf32, #tpu.memory_space<hbm>>) dst(%dma_wait3A_318 : memref<128x64xf32, #tpu.memory_space<vmem>>)
        %dma_start3A_327 = arith.constant 0 : i32
        %dma_start3A_328 = arith.constant 0 : i32
        %dma_start3A_329 = tpu.memref_slice %arg10[%rem3A_291, %dma_start3A_327, %dma_start3A_328] : memref<5x128x64xf32, #tpu.memory_space<vmem>> -> memref<1x128x64xf32, #tpu.memory_space<vmem>>
        %dma_start3A_330 = tpu.memref_squeeze %dma_start3A_329 : memref<1x128x64xf32, #tpu.memory_space<vmem>> -> memref<128x64xf32, #tpu.memory_space<vmem>>
        %dma_start3A_331 = arith.constant 0 : i32
        %dma_start3A_332 = tpu.memref_slice %arg9[%scan3A_288, %dma_start3A_331] : memref<80x128xi32, #tpu.memory_space<vmem>> -> memref<1x128xi32, #tpu.memory_space<vmem>>
        %dma_start3A_333 = tpu.memref_squeeze %dma_start3A_332 : memref<1x128xi32, #tpu.memory_space<vmem>> -> memref<128xi32, #tpu.memory_space<vmem>>
        %dma_start3A_334 = arith.constant 0 : i32
        %dma_start3A_335 = arith.constant 0 : i32
        %dma_start3A_336 = tpu.memref_slice %arg17[%dma_start3A_334, %dma_start3A_335] : memref<10240x64xf32, #tpu.memory_space<vmem_shared>> -> memref<10240x64xf32, #tpu.memory_space<vmem_shared>>
        %dma_start3A_337 = tpu.memref_slice %arg19[%rem3A_291] : memref<5x!tpu.dma_semaphore, #tpu.memory_space<semaphore_mem>> -> memref<1x!tpu.dma_semaphore, #tpu.memory_space<semaphore_mem>>
        %dma_start3A_338 = tpu.memref_squeeze %dma_start3A_337 : memref<1x!tpu.dma_semaphore, #tpu.memory_space<semaphore_mem>> -> memref<!tpu.dma_semaphore, #tpu.memory_space<semaphore_mem>>
        tpu.enqueue_indirect_dma source(%dma_start3A_330 : memref<128x64xf32, #tpu.memory_space<vmem>>) target(%dma_start3A_336 : memref<10240x64xf32, #tpu.memory_space<vmem_shared>>) offsets(%dma_start3A_333 : memref<128xi32, #tpu.memory_space<vmem>>) semaphore(%dma_start3A_338 : memref<!tpu.dma_semaphore, #tpu.memory_space<semaphore_mem>>) {add = true}
        %scan3A_339 = arith.constant 0 : i32
        scf.yield %scan3A_339 : i32
      }
      %scan3A_248 = arith.constant 80 : i32
      %dma_wait3A = arith.constant 3 : i32
      %dma_wait3A_249 = arith.constant 78 : i32
      %dma_wait3A_250 = arith.constant 3 : i32
      %dma_wait3A_251 = arith.constant 0 : i32
      %dma_wait3A_252 = arith.constant 0 : i32
      %dma_wait3A_253 = tpu.memref_slice %arg10[%dma_wait3A, %dma_wait3A_251, %dma_wait3A_252] : memref<5x128x64xf32, #tpu.memory_space<vmem>> -> memref<1x128x64xf32, #tpu.memory_space<vmem>>
      %dma_wait3A_254 = tpu.memref_squeeze %dma_wait3A_253 : memref<1x128x64xf32, #tpu.memory_space<vmem>> -> memref<128x64xf32, #tpu.memory_space<vmem>>
      %dma_wait3A_255 = arith.constant 0 : i32
      %dma_wait3A_256 = tpu.memref_slice %arg9[%dma_wait3A_249, %dma_wait3A_255] : memref<80x128xi32, #tpu.memory_space<vmem>> -> memref<1x128xi32, #tpu.memory_space<vmem>>
      %dma_wait3A_257 = tpu.memref_squeeze %dma_wait3A_256 : memref<1x128xi32, #tpu.memory_space<vmem>> -> memref<128xi32, #tpu.memory_space<vmem>>
      %dma_wait3A_258 = arith.constant 0 : i32
      %dma_wait3A_259 = arith.constant 0 : i32
      %dma_wait3A_260 = tpu.memref_slice %arg17[%dma_wait3A_258, %dma_wait3A_259] : memref<10240x64xf32, #tpu.memory_space<vmem_shared>> -> memref<10240x64xf32, #tpu.memory_space<vmem_shared>>
      %dma_wait3A_261 = tpu.memref_slice %arg19[%dma_wait3A_250] : memref<5x!tpu.dma_semaphore, #tpu.memory_space<semaphore_mem>> -> memref<1x!tpu.dma_semaphore, #tpu.memory_space<semaphore_mem>>
      %dma_wait3A_262 = tpu.memref_squeeze %dma_wait3A_261 : memref<1x!tpu.dma_semaphore, #tpu.memory_space<semaphore_mem>> -> memref<!tpu.dma_semaphore, #tpu.memory_space<semaphore_mem>>
      tpu.wait_indirect_dma semaphore(%dma_wait3A_262 : memref<!tpu.dma_semaphore, #tpu.memory_space<semaphore_mem>>) src(%dma_wait3A_254 : memref<128x64xf32, #tpu.memory_space<vmem>>) dst(%dma_wait3A_260 : memref<10240x64xf32, #tpu.memory_space<vmem_shared>>)
      %dma_wait3A_263 = arith.constant 4 : i32
      %dma_wait3A_264 = arith.constant 79 : i32
      %dma_wait3A_265 = arith.constant 4 : i32
      %dma_wait3A_266 = arith.constant 0 : i32
      %dma_wait3A_267 = arith.constant 0 : i32
      %dma_wait3A_268 = tpu.memref_slice %arg10[%dma_wait3A_263, %dma_wait3A_266, %dma_wait3A_267] : memref<5x128x64xf32, #tpu.memory_space<vmem>> -> memref<1x128x64xf32, #tpu.memory_space<vmem>>
      %dma_wait3A_269 = tpu.memref_squeeze %dma_wait3A_268 : memref<1x128x64xf32, #tpu.memory_space<vmem>> -> memref<128x64xf32, #tpu.memory_space<vmem>>
      %dma_wait3A_270 = arith.constant 0 : i32
      %dma_wait3A_271 = tpu.memref_slice %arg9[%dma_wait3A_264, %dma_wait3A_270] : memref<80x128xi32, #tpu.memory_space<vmem>> -> memref<1x128xi32, #tpu.memory_space<vmem>>
      %dma_wait3A_272 = tpu.memref_squeeze %dma_wait3A_271 : memref<1x128xi32, #tpu.memory_space<vmem>> -> memref<128xi32, #tpu.memory_space<vmem>>
      %dma_wait3A_273 = arith.constant 0 : i32
      %dma_wait3A_274 = arith.constant 0 : i32
      %dma_wait3A_275 = tpu.memref_slice %arg17[%dma_wait3A_273, %dma_wait3A_274] : memref<10240x64xf32, #tpu.memory_space<vmem_shared>> -> memref<10240x64xf32, #tpu.memory_space<vmem_shared>>
      %dma_wait3A_276 = tpu.memref_slice %arg19[%dma_wait3A_265] : memref<5x!tpu.dma_semaphore, #tpu.memory_space<semaphore_mem>> -> memref<1x!tpu.dma_semaphore, #tpu.memory_space<semaphore_mem>>
      %dma_wait3A_277 = tpu.memref_squeeze %dma_wait3A_276 : memref<1x!tpu.dma_semaphore, #tpu.memory_space<semaphore_mem>> -> memref<!tpu.dma_semaphore, #tpu.memory_space<semaphore_mem>>
      tpu.wait_indirect_dma semaphore(%dma_wait3A_277 : memref<!tpu.dma_semaphore, #tpu.memory_space<semaphore_mem>>) src(%dma_wait3A_269 : memref<128x64xf32, #tpu.memory_space<vmem>>) dst(%dma_wait3A_275 : memref<10240x64xf32, #tpu.memory_space<vmem_shared>>)
      %barrier3A_278 = arith.constant 0 : index
      tpu.barrier barrier_id(%barrier3A_278)
      %scan3A_279 = arith.constant 0 : i32
      %scan3A_280 = arith.constant 0 : i32
      %scan3A_281 = arith.constant 10 : i32
      %scan3A_282 = arith.addi %scan3A_280, %scan3A_281 : i32
      %scan3A_283 = arith.constant 1 : i32
      %scan3A_284 = scf.for %scan3A_288 = %scan3A_280 to %scan3A_282 step %scan3A_283 iter_args(%scan3A_289 = %scan3A_279) -> (i32)  : i32 {
        %mul3A_290 = arith.constant 64 : i32
        %mul3A_291 = arith.muli %scan3A_288, %mul3A_290 : i32
        %add3A_292 = arith.addi %mul3A_0, %mul3A_291 : i32
        "tpu.region"() ({
          %run_scoped3A = tpu.sem_alloc : memref<!tpu.dma_semaphore, #tpu.memory_space<semaphore_mem>>
          %dma_start3A_312 = arith.constant 0 : i32
          %dma_start3A_313 = tpu.memref_slice %arg17[%add3A_292, %dma_start3A_312] : memref<10240x64xf32, #tpu.memory_space<vmem_shared>> -> memref<64x64xf32, #tpu.memory_space<vmem_shared>>
          %dma_start3A_314 = arith.constant 0 : i32
          %dma_start3A_315 = tpu.memref_slice %arg17[%add3A_292, %dma_start3A_314] : memref<10240x64xf32, #tpu.memory_space<vmem_shared>> -> memref<64x64xf32, #tpu.memory_space<vmem_shared>>
          tpu.enqueue_dma source(%dma_start3A_315 : memref<64x64xf32, #tpu.memory_space<vmem_shared>>) target(%arg11 : memref<64x64xf32, #tpu.memory_space<vmem>>) target_semaphore(%run_scoped3A : memref<!tpu.dma_semaphore, #tpu.memory_space<semaphore_mem>>)
          %dma_wait3A_316 = arith.constant 0 : i32
          %dma_wait3A_317 = tpu.memref_slice %arg17[%add3A_292, %dma_wait3A_316] : memref<10240x64xf32, #tpu.memory_space<vmem_shared>> -> memref<64x64xf32, #tpu.memory_space<vmem_shared>>
          %dma_wait3A_318 = arith.constant 0 : i32
          %dma_wait3A_319 = tpu.memref_slice %arg17[%add3A_292, %dma_wait3A_318] : memref<10240x64xf32, #tpu.memory_space<vmem_shared>> -> memref<64x64xf32, #tpu.memory_space<vmem_shared>>
          tpu.wait_dma2 semaphore(%run_scoped3A : memref<!tpu.dma_semaphore, #tpu.memory_space<semaphore_mem>>) src(%dma_wait3A_319 : memref<64x64xf32, #tpu.memory_space<vmem_shared>>) dst(%arg11 : memref<64x64xf32, #tpu.memory_space<vmem>>)
          tpu.yield
        }) : () -> ()
        %mul3A_293 = arith.constant 64 : i32
        %mul3A_294 = arith.muli %scan3A_288, %mul3A_293 : i32
        %scan3A_295 = arith.constant 0 : i32
        %scan3A_296 = arith.constant 0 : i32
        %scan3A_297 = arith.constant 4 : i32
        %scan3A_298 = arith.addi %scan3A_296, %scan3A_297 : i32
        %scan3A_299 = arith.constant 1 : i32
        %scan3A_300 = scf.for %scan3A_312 = %scan3A_296 to %scan3A_298 step %scan3A_299 iter_args(%scan3A_313 = %scan3A_295) -> (i32)  : i32 {
          %mul3A_314 = arith.constant 16 : i32
          %mul3A_315 = arith.muli %scan3A_312, %mul3A_314 : i32
          %add3A_316 = arith.addi %mul3A_294, %mul3A_315 : i32
          %get3A = arith.index_cast %add3A_316 : i32 to index
          %get3A_317 = tpu.vector_load %arg16[%get3A] {strides = array<i32>} : memref<640xf32, #tpu.memory_space<vmem>>, vector<16xf32>,
          %slice3A = vector.extract_strided_slice %get3A_317 {offsets = [0], sizes = [1], strides = [1]} : vector<16xf32> to vector<1xf32>
          %squeeze3A = vector.extract %slice3A[0] : f32 from vector<1xf32>
          %broadcast_in_dim3A_318 = vector.broadcast %squeeze3A : f32 to vector<16xf32>
          %mul3A_319 = arith.constant 16 : i32
          %mul3A_320 = arith.muli %scan3A_312, %mul3A_319 : i32
          %add3A_321 = arith.constant 0 : i32
          %add3A_322 = arith.addi %mul3A_320, %add3A_321 : i32
          %get3A_323 = arith.index_cast %add3A_322 : i32 to index
          %get3A_324 = arith.constant 0 : index
          %get3A_325 = tpu.vector_load %arg11[%get3A_323, %get3A_324] {strides = array<i32>} : memref<64x64xf32, #tpu.memory_space<vmem>>, vector<16xf32>,
          %mul3A_326 = arith.mulf %get3A_325, %broadcast_in_dim3A_318 : vector<16xf32>
          %swap3A = arith.index_cast %add3A_322 : i32 to index
          %swap3A_327 = arith.constant 0 : index
          %swap3A_328 = tpu.vector_load %arg11[%swap3A, %swap3A_327] {strides = array<i32>} : memref<64x64xf32, #tpu.memory_space<vmem>>, vector<16xf32>,
          tpu.vector_store %arg11[%swap3A, %swap3A_327], %mul3A_326 {strides = array<i32>} : memref<64x64xf32, #tpu.memory_space<vmem>>, vector<16xf32>,
          %mul3A_329 = arith.mulf %mul3A_326, %broadcast_in_dim3A_318 : vector<16xf32>
          %swap3A_330 = arith.index_cast %add3A_322 : i32 to index
          %swap3A_331 = arith.constant 0 : index
          %swap3A_332 = tpu.vector_load %arg12[%swap3A_330, %swap3A_331] {strides = array<i32>} : memref<64x64xf32, #tpu.memory_space<vmem>>, vector<16xf32>,
          tpu.vector_store %arg12[%swap3A_330, %swap3A_331], %mul3A_329 {strides = array<i32>} : memref<64x64xf32, #tpu.memory_space<vmem>>, vector<16xf32>,
          %get3A_333 = arith.index_cast %add3A_322 : i32 to index
          %get3A_334 = arith.constant 16 : index
          %get3A_335 = tpu.vector_load %arg11[%get3A_333, %get3A_334] {strides = array<i32>} : memref<64x64xf32, #tpu.memory_space<vmem>>, vector<16xf32>,
          %mul3A_336 = arith.mulf %get3A_335, %broadcast_in_dim3A_318 : vector<16xf32>
          %swap3A_337 = arith.index_cast %add3A_322 : i32 to index
          %swap3A_338 = arith.constant 16 : index
          %swap3A_339 = tpu.vector_load %arg11[%swap3A_337, %swap3A_338] {strides = array<i32>} : memref<64x64xf32, #tpu.memory_space<vmem>>, vector<16xf32>,
          tpu.vector_store %arg11[%swap3A_337, %swap3A_338], %mul3A_336 {strides = array<i32>} : memref<64x64xf32, #tpu.memory_space<vmem>>, vector<16xf32>,
          %mul3A_340 = arith.mulf %mul3A_336, %broadcast_in_dim3A_318 : vector<16xf32>
          %swap3A_341 = arith.index_cast %add3A_322 : i32 to index
          %swap3A_342 = arith.constant 16 : index
          %swap3A_343 = tpu.vector_load %arg12[%swap3A_341, %swap3A_342] {strides = array<i32>} : memref<64x64xf32, #tpu.memory_space<vmem>>, vector<16xf32>,
          tpu.vector_store %arg12[%swap3A_341, %swap3A_342], %mul3A_340 {strides = array<i32>} : memref<64x64xf32, #tpu.memory_space<vmem>>, vector<16xf32>,
          %get3A_344 = arith.index_cast %add3A_322 : i32 to index
          %get3A_345 = arith.constant 32 : index
          %get3A_346 = tpu.vector_load %arg11[%get3A_344, %get3A_345] {strides = array<i32>} : memref<64x64xf32, #tpu.memory_space<vmem>>, vector<16xf32>,
          %mul3A_347 = arith.mulf %get3A_346, %broadcast_in_dim3A_318 : vector<16xf32>
          %swap3A_348 = arith.index_cast %add3A_322 : i32 to index
          %swap3A_349 = arith.constant 32 : index
          %swap3A_350 = tpu.vector_load %arg11[%swap3A_348, %swap3A_349] {strides = array<i32>} : memref<64x64xf32, #tpu.memory_space<vmem>>, vector<16xf32>,
          tpu.vector_store %arg11[%swap3A_348, %swap3A_349], %mul3A_347 {strides = array<i32>} : memref<64x64xf32, #tpu.memory_space<vmem>>, vector<16xf32>,
          %mul3A_351 = arith.mulf %mul3A_347, %broadcast_in_dim3A_318 : vector<16xf32>
          %swap3A_352 = arith.index_cast %add3A_322 : i32 to index
          %swap3A_353 = arith.constant 32 : index
          %swap3A_354 = tpu.vector_load %arg12[%swap3A_352, %swap3A_353] {strides = array<i32>} : memref<64x64xf32, #tpu.memory_space<vmem>>, vector<16xf32>,
          tpu.vector_store %arg12[%swap3A_352, %swap3A_353], %mul3A_351 {strides = array<i32>} : memref<64x64xf32, #tpu.memory_space<vmem>>, vector<16xf32>,
          %get3A_355 = arith.index_cast %add3A_322 : i32 to index
          %get3A_356 = arith.constant 48 : index
          %get3A_357 = tpu.vector_load %arg11[%get3A_355, %get3A_356] {strides = array<i32>} : memref<64x64xf32, #tpu.memory_space<vmem>>, vector<16xf32>,
          %mul3A_358 = arith.mulf %get3A_357, %broadcast_in_dim3A_318 : vector<16xf32>
          %swap3A_359 = arith.index_cast %add3A_322 : i32 to index
          %swap3A_360 = arith.constant 48 : index
          %swap3A_361 = tpu.vector_load %arg11[%swap3A_359, %swap3A_360] {strides = array<i32>} : memref<64x64xf32, #tpu.memory_space<vmem>>, vector<16xf32>,
          tpu.vector_store %arg11[%swap3A_359, %swap3A_360], %mul3A_358 {strides = array<i32>} : memref<64x64xf32, #tpu.memory_space<vmem>>, vector<16xf32>,
          %mul3A_362 = arith.mulf %mul3A_358, %broadcast_in_dim3A_318 : vector<16xf32>
          %swap3A_363 = arith.index_cast %add3A_322 : i32 to index
          %swap3A_364 = arith.constant 48 : index
          %swap3A_365 = tpu.vector_load %arg12[%swap3A_363, %swap3A_364] {strides = array<i32>} : memref<64x64xf32, #tpu.memory_space<vmem>>, vector<16xf32>,
          tpu.vector_store %arg12[%swap3A_363, %swap3A_364], %mul3A_362 {strides = array<i32>} : memref<64x64xf32, #tpu.memory_space<vmem>>, vector<16xf32>,
          %slice3A_366 = vector.extract_strided_slice %get3A_317 {offsets = [1], sizes = [1], strides = [1]} : vector<16xf32> to vector<1xf32>
          %squeeze3A_367 = vector.extract %slice3A_366[0] : f32 from vector<1xf32>
          %broadcast_in_dim3A_368 = vector.broadcast %squeeze3A_367 : f32 to vector<16xf32>
          %mul3A_369 = arith.constant 16 : i32
          %mul3A_370 = arith.muli %scan3A_312, %mul3A_369 : i32
          %add3A_371 = arith.constant 1 : i32
          %add3A_372 = arith.addi %mul3A_370, %add3A_371 : i32
          %get3A_373 = arith.index_cast %add3A_372 : i32 to index
          %get3A_374 = arith.constant 0 : index
          %get3A_375 = tpu.vector_load %arg11[%get3A_373, %get3A_374] {strides = array<i32>} : memref<64x64xf32, #tpu.memory_space<vmem>>, vector<16xf32>,
          %mul3A_376 = arith.mulf %get3A_375, %broadcast_in_dim3A_368 : vector<16xf32>
          %swap3A_377 = arith.index_cast %add3A_372 : i32 to index
          %swap3A_378 = arith.constant 0 : index
          %swap3A_379 = tpu.vector_load %arg11[%swap3A_377, %swap3A_378] {strides = array<i32>} : memref<64x64xf32, #tpu.memory_space<vmem>>, vector<16xf32>,
          tpu.vector_store %arg11[%swap3A_377, %swap3A_378], %mul3A_376 {strides = array<i32>} : memref<64x64xf32, #tpu.memory_space<vmem>>, vector<16xf32>,
          %mul3A_380 = arith.mulf %mul3A_376, %broadcast_in_dim3A_368 : vector<16xf32>
          %swap3A_381 = arith.index_cast %add3A_372 : i32 to index
          %swap3A_382 = arith.constant 0 : index
          %swap3A_383 = tpu.vector_load %arg12[%swap3A_381, %swap3A_382] {strides = array<i32>} : memref<64x64xf32, #tpu.memory_space<vmem>>, vector<16xf32>,
          tpu.vector_store %arg12[%swap3A_381, %swap3A_382], %mul3A_380 {strides = array<i32>} : memref<64x64xf32, #tpu.memory_space<vmem>>, vector<16xf32>,
          %get3A_384 = arith.index_cast %add3A_372 : i32 to index
          %get3A_385 = arith.constant 16 : index
          %get3A_386 = tpu.vector_load %arg11[%get3A_384, %get3A_385] {strides = array<i32>} : memref<64x64xf32, #tpu.memory_space<vmem>>, vector<16xf32>,
          %mul3A_387 = arith.mulf %get3A_386, %broadcast_in_dim3A_368 : vector<16xf32>
          %swap3A_388 = arith.index_cast %add3A_372 : i32 to index
          %swap3A_389 = arith.constant 16 : index
          %swap3A_390 = tpu.vector_load %arg11[%swap3A_388, %swap3A_389] {strides = array<i32>} : memref<64x64xf32, #tpu.memory_space<vmem>>, vector<16xf32>,
          tpu.vector_store %arg11[%swap3A_388, %swap3A_389], %mul3A_387 {strides = array<i32>} : memref<64x64xf32, #tpu.memory_space<vmem>>, vector<16xf32>,
          %mul3A_391 = arith.mulf %mul3A_387, %broadcast_in_dim3A_368 : vector<16xf32>
          %swap3A_392 = arith.index_cast %add3A_372 : i32 to index
          %swap3A_393 = arith.constant 16 : index
          %swap3A_394 = tpu.vector_load %arg12[%swap3A_392, %swap3A_393] {strides = array<i32>} : memref<64x64xf32, #tpu.memory_space<vmem>>, vector<16xf32>,
          tpu.vector_store %arg12[%swap3A_392, %swap3A_393], %mul3A_391 {strides = array<i32>} : memref<64x64xf32, #tpu.memory_space<vmem>>, vector<16xf32>,
          %get3A_395 = arith.index_cast %add3A_372 : i32 to index
          %get3A_396 = arith.constant 32 : index
          %get3A_397 = tpu.vector_load %arg11[%get3A_395, %get3A_396] {strides = array<i32>} : memref<64x64xf32, #tpu.memory_space<vmem>>, vector<16xf32>,
          %mul3A_398 = arith.mulf %get3A_397, %broadcast_in_dim3A_368 : vector<16xf32>
          %swap3A_399 = arith.index_cast %add3A_372 : i32 to index
          %swap3A_400 = arith.constant 32 : index
          %swap3A_401 = tpu.vector_load %arg11[%swap3A_399, %swap3A_400] {strides = array<i32>} : memref<64x64xf32, #tpu.memory_space<vmem>>, vector<16xf32>,
          tpu.vector_store %arg11[%swap3A_399, %swap3A_400], %mul3A_398 {strides = array<i32>} : memref<64x64xf32, #tpu.memory_space<vmem>>, vector<16xf32>,
          %mul3A_402 = arith.mulf %mul3A_398, %broadcast_in_dim3A_368 : vector<16xf32>
          %swap3A_403 = arith.index_cast %add3A_372 : i32 to index
          %swap3A_404 = arith.constant 32 : index
          %swap3A_405 = tpu.vector_load %arg12[%swap3A_403, %swap3A_404] {strides = array<i32>} : memref<64x64xf32, #tpu.memory_space<vmem>>, vector<16xf32>,
          tpu.vector_store %arg12[%swap3A_403, %swap3A_404], %mul3A_402 {strides = array<i32>} : memref<64x64xf32, #tpu.memory_space<vmem>>, vector<16xf32>,
          %get3A_406 = arith.index_cast %add3A_372 : i32 to index
          %get3A_407 = arith.constant 48 : index
          %get3A_408 = tpu.vector_load %arg11[%get3A_406, %get3A_407] {strides = array<i32>} : memref<64x64xf32, #tpu.memory_space<vmem>>, vector<16xf32>,
          %mul3A_409 = arith.mulf %get3A_408, %broadcast_in_dim3A_368 : vector<16xf32>
          %swap3A_410 = arith.index_cast %add3A_372 : i32 to index
          %swap3A_411 = arith.constant 48 : index
          %swap3A_412 = tpu.vector_load %arg11[%swap3A_410, %swap3A_411] {strides = array<i32>} : memref<64x64xf32, #tpu.memory_space<vmem>>, vector<16xf32>,
          tpu.vector_store %arg11[%swap3A_410, %swap3A_411], %mul3A_409 {strides = array<i32>} : memref<64x64xf32, #tpu.memory_space<vmem>>, vector<16xf32>,
          %mul3A_413 = arith.mulf %mul3A_409, %broadcast_in_dim3A_368 : vector<16xf32>
          %swap3A_414 = arith.index_cast %add3A_372 : i32 to index
          %swap3A_415 = arith.constant 48 : index
          %swap3A_416 = tpu.vector_load %arg12[%swap3A_414, %swap3A_415] {strides = array<i32>} : memref<64x64xf32, #tpu.memory_space<vmem>>, vector<16xf32>,
          tpu.vector_store %arg12[%swap3A_414, %swap3A_415], %mul3A_413 {strides = array<i32>} : memref<64x64xf32, #tpu.memory_space<vmem>>, vector<16xf32>,
          %slice3A_417 = vector.extract_strided_slice %get3A_317 {offsets = [2], sizes = [1], strides = [1]} : vector<16xf32> to vector<1xf32>
          %squeeze3A_418 = vector.extract %slice3A_417[0] : f32 from vector<1xf32>
          %broadcast_in_dim3A_419 = vector.broadcast %squeeze3A_418 : f32 to vector<16xf32>
          %mul3A_420 = arith.constant 16 : i32
          %mul3A_421 = arith.muli %scan3A_312, %mul3A_420 : i32
          %add3A_422 = arith.constant 2 : i32
          %add3A_423 = arith.addi %mul3A_421, %add3A_422 : i32
          %get3A_424 = arith.index_cast %add3A_423 : i32 to index
          %get3A_425 = arith.constant 0 : index
          %get3A_426 = tpu.vector_load %arg11[%get3A_424, %get3A_425] {strides = array<i32>} : memref<64x64xf32, #tpu.memory_space<vmem>>, vector<16xf32>,
          %mul3A_427 = arith.mulf %get3A_426, %broadcast_in_dim3A_419 : vector<16xf32>
          %swap3A_428 = arith.index_cast %add3A_423 : i32 to index
          %swap3A_429 = arith.constant 0 : index
          %swap3A_430 = tpu.vector_load %arg11[%swap3A_428, %swap3A_429] {strides = array<i32>} : memref<64x64xf32, #tpu.memory_space<vmem>>, vector<16xf32>,
          tpu.vector_store %arg11[%swap3A_428, %swap3A_429], %mul3A_427 {strides = array<i32>} : memref<64x64xf32, #tpu.memory_space<vmem>>, vector<16xf32>,
          %mul3A_431 = arith.mulf %mul3A_427, %broadcast_in_dim3A_419 : vector<16xf32>
          %swap3A_432 = arith.index_cast %add3A_423 : i32 to index
          %swap3A_433 = arith.constant 0 : index
          %swap3A_434 = tpu.vector_load %arg12[%swap3A_432, %swap3A_433] {strides = array<i32>} : memref<64x64xf32, #tpu.memory_space<vmem>>, vector<16xf32>,
          tpu.vector_store %arg12[%swap3A_432, %swap3A_433], %mul3A_431 {strides = array<i32>} : memref<64x64xf32, #tpu.memory_space<vmem>>, vector<16xf32>,
          %get3A_435 = arith.index_cast %add3A_423 : i32 to index
          %get3A_436 = arith.constant 16 : index
          %get3A_437 = tpu.vector_load %arg11[%get3A_435, %get3A_436] {strides = array<i32>} : memref<64x64xf32, #tpu.memory_space<vmem>>, vector<16xf32>,
          %mul3A_438 = arith.mulf %get3A_437, %broadcast_in_dim3A_419 : vector<16xf32>
          %swap3A_439 = arith.index_cast %add3A_423 : i32 to index
          %swap3A_440 = arith.constant 16 : index
          %swap3A_441 = tpu.vector_load %arg11[%swap3A_439, %swap3A_440] {strides = array<i32>} : memref<64x64xf32, #tpu.memory_space<vmem>>, vector<16xf32>,
          tpu.vector_store %arg11[%swap3A_439, %swap3A_440], %mul3A_438 {strides = array<i32>} : memref<64x64xf32, #tpu.memory_space<vmem>>, vector<16xf32>,
          %mul3A_442 = arith.mulf %mul3A_438, %broadcast_in_dim3A_419 : vector<16xf32>
          %swap3A_443 = arith.index_cast %add3A_423 : i32 to index
          %swap3A_444 = arith.constant 16 : index
          %swap3A_445 = tpu.vector_load %arg12[%swap3A_443, %swap3A_444] {strides = array<i32>} : memref<64x64xf32, #tpu.memory_space<vmem>>, vector<16xf32>,
          tpu.vector_store %arg12[%swap3A_443, %swap3A_444], %mul3A_442 {strides = array<i32>} : memref<64x64xf32, #tpu.memory_space<vmem>>, vector<16xf32>,
          %get3A_446 = arith.index_cast %add3A_423 : i32 to index
          %get3A_447 = arith.constant 32 : index
          %get3A_448 = tpu.vector_load %arg11[%get3A_446, %get3A_447] {strides = array<i32>} : memref<64x64xf32, #tpu.memory_space<vmem>>, vector<16xf32>,
          %mul3A_449 = arith.mulf %get3A_448, %broadcast_in_dim3A_419 : vector<16xf32>
          %swap3A_450 = arith.index_cast %add3A_423 : i32 to index
          %swap3A_451 = arith.constant 32 : index
          %swap3A_452 = tpu.vector_load %arg11[%swap3A_450, %swap3A_451] {strides = array<i32>} : memref<64x64xf32, #tpu.memory_space<vmem>>, vector<16xf32>,
          tpu.vector_store %arg11[%swap3A_450, %swap3A_451], %mul3A_449 {strides = array<i32>} : memref<64x64xf32, #tpu.memory_space<vmem>>, vector<16xf32>,
          %mul3A_453 = arith.mulf %mul3A_449, %broadcast_in_dim3A_419 : vector<16xf32>
          %swap3A_454 = arith.index_cast %add3A_423 : i32 to index
          %swap3A_455 = arith.constant 32 : index
          %swap3A_456 = tpu.vector_load %arg12[%swap3A_454, %swap3A_455] {strides = array<i32>} : memref<64x64xf32, #tpu.memory_space<vmem>>, vector<16xf32>,
          tpu.vector_store %arg12[%swap3A_454, %swap3A_455], %mul3A_453 {strides = array<i32>} : memref<64x64xf32, #tpu.memory_space<vmem>>, vector<16xf32>,
          %get3A_457 = arith.index_cast %add3A_423 : i32 to index
          %get3A_458 = arith.constant 48 : index
          %get3A_459 = tpu.vector_load %arg11[%get3A_457, %get3A_458] {strides = array<i32>} : memref<64x64xf32, #tpu.memory_space<vmem>>, vector<16xf32>,
          %mul3A_460 = arith.mulf %get3A_459, %broadcast_in_dim3A_419 : vector<16xf32>
          %swap3A_461 = arith.index_cast %add3A_423 : i32 to index
          %swap3A_462 = arith.constant 48 : index
          %swap3A_463 = tpu.vector_load %arg11[%swap3A_461, %swap3A_462] {strides = array<i32>} : memref<64x64xf32, #tpu.memory_space<vmem>>, vector<16xf32>,
          tpu.vector_store %arg11[%swap3A_461, %swap3A_462], %mul3A_460 {strides = array<i32>} : memref<64x64xf32, #tpu.memory_space<vmem>>, vector<16xf32>,
          %mul3A_464 = arith.mulf %mul3A_460, %broadcast_in_dim3A_419 : vector<16xf32>
          %swap3A_465 = arith.index_cast %add3A_423 : i32 to index
          %swap3A_466 = arith.constant 48 : index
          %swap3A_467 = tpu.vector_load %arg12[%swap3A_465, %swap3A_466] {strides = array<i32>} : memref<64x64xf32, #tpu.memory_space<vmem>>, vector<16xf32>,
          tpu.vector_store %arg12[%swap3A_465, %swap3A_466], %mul3A_464 {strides = array<i32>} : memref<64x64xf32, #tpu.memory_space<vmem>>, vector<16xf32>,
          %slice3A_468 = vector.extract_strided_slice %get3A_317 {offsets = [3], sizes = [1], strides = [1]} : vector<16xf32> to vector<1xf32>
          %squeeze3A_469 = vector.extract %slice3A_468[0] : f32 from vector<1xf32>
          %broadcast_in_dim3A_470 = vector.broadcast %squeeze3A_469 : f32 to vector<16xf32>
          %mul3A_471 = arith.constant 16 : i32
          %mul3A_472 = arith.muli %scan3A_312, %mul3A_471 : i32
          %add3A_473 = arith.constant 3 : i32
          %add3A_474 = arith.addi %mul3A_472, %add3A_473 : i32
          %get3A_475 = arith.index_cast %add3A_474 : i32 to index
          %get3A_476 = arith.constant 0 : index
          %get3A_477 = tpu.vector_load %arg11[%get3A_475, %get3A_476] {strides = array<i32>} : memref<64x64xf32, #tpu.memory_space<vmem>>, vector<16xf32>,
          %mul3A_478 = arith.mulf %get3A_477, %broadcast_in_dim3A_470 : vector<16xf32>
          %swap3A_479 = arith.index_cast %add3A_474 : i32 to index
          %swap3A_480 = arith.constant 0 : index
          %swap3A_481 = tpu.vector_load %arg11[%swap3A_479, %swap3A_480] {strides = array<i32>} : memref<64x64xf32, #tpu.memory_space<vmem>>, vector<16xf32>,
          tpu.vector_store %arg11[%swap3A_479, %swap3A_480], %mul3A_478 {strides = array<i32>} : memref<64x64xf32, #tpu.memory_space<vmem>>, vector<16xf32>,
          %mul3A_482 = arith.mulf %mul3A_478, %broadcast_in_dim3A_470 : vector<16xf32>
          %swap3A_483 = arith.index_cast %add3A_474 : i32 to index
          %swap3A_484 = arith.constant 0 : index
          %swap3A_485 = tpu.vector_load %arg12[%swap3A_483, %swap3A_484] {strides = array<i32>} : memref<64x64xf32, #tpu.memory_space<vmem>>, vector<16xf32>,
          tpu.vector_store %arg12[%swap3A_483, %swap3A_484], %mul3A_482 {strides = array<i32>} : memref<64x64xf32, #tpu.memory_space<vmem>>, vector<16xf32>,
          %get3A_486 = arith.index_cast %add3A_474 : i32 to index
          %get3A_487 = arith.constant 16 : index
          %get3A_488 = tpu.vector_load %arg11[%get3A_486, %get3A_487] {strides = array<i32>} : memref<64x64xf32, #tpu.memory_space<vmem>>, vector<16xf32>,
          %mul3A_489 = arith.mulf %get3A_488, %broadcast_in_dim3A_470 : vector<16xf32>
          %swap3A_490 = arith.index_cast %add3A_474 : i32 to index
          %swap3A_491 = arith.constant 16 : index
          %swap3A_492 = tpu.vector_load %arg11[%swap3A_490, %swap3A_491] {strides = array<i32>} : memref<64x64xf32, #tpu.memory_space<vmem>>, vector<16xf32>,
          tpu.vector_store %arg11[%swap3A_490, %swap3A_491], %mul3A_489 {strides = array<i32>} : memref<64x64xf32, #tpu.memory_space<vmem>>, vector<16xf32>,
          %mul3A_493 = arith.mulf %mul3A_489, %broadcast_in_dim3A_470 : vector<16xf32>
          %swap3A_494 = arith.index_cast %add3A_474 : i32 to index
          %swap3A_495 = arith.constant 16 : index
          %swap3A_496 = tpu.vector_load %arg12[%swap3A_494, %swap3A_495] {strides = array<i32>} : memref<64x64xf32, #tpu.memory_space<vmem>>, vector<16xf32>,
          tpu.vector_store %arg12[%swap3A_494, %swap3A_495], %mul3A_493 {strides = array<i32>} : memref<64x64xf32, #tpu.memory_space<vmem>>, vector<16xf32>,
          %get3A_497 = arith.index_cast %add3A_474 : i32 to index
          %get3A_498 = arith.constant 32 : index
          %get3A_499 = tpu.vector_load %arg11[%get3A_497, %get3A_498] {strides = array<i32>} : memref<64x64xf32, #tpu.memory_space<vmem>>, vector<16xf32>,
          %mul3A_500 = arith.mulf %get3A_499, %broadcast_in_dim3A_470 : vector<16xf32>
          %swap3A_501 = arith.index_cast %add3A_474 : i32 to index
          %swap3A_502 = arith.constant 32 : index
          %swap3A_503 = tpu.vector_load %arg11[%swap3A_501, %swap3A_502] {strides = array<i32>} : memref<64x64xf32, #tpu.memory_space<vmem>>, vector<16xf32>,
          tpu.vector_store %arg11[%swap3A_501, %swap3A_502], %mul3A_500 {strides = array<i32>} : memref<64x64xf32, #tpu.memory_space<vmem>>, vector<16xf32>,
          %mul3A_504 = arith.mulf %mul3A_500, %broadcast_in_dim3A_470 : vector<16xf32>
          %swap3A_505 = arith.index_cast %add3A_474 : i32 to index
          %swap3A_506 = arith.constant 32 : index
          %swap3A_507 = tpu.vector_load %arg12[%swap3A_505, %swap3A_506] {strides = array<i32>} : memref<64x64xf32, #tpu.memory_space<vmem>>, vector<16xf32>,
          tpu.vector_store %arg12[%swap3A_505, %swap3A_506], %mul3A_504 {strides = array<i32>} : memref<64x64xf32, #tpu.memory_space<vmem>>, vector<16xf32>,
          %get3A_508 = arith.index_cast %add3A_474 : i32 to index
          %get3A_509 = arith.constant 48 : index
          %get3A_510 = tpu.vector_load %arg11[%get3A_508, %get3A_509] {strides = array<i32>} : memref<64x64xf32, #tpu.memory_space<vmem>>, vector<16xf32>,
          %mul3A_511 = arith.mulf %get3A_510, %broadcast_in_dim3A_470 : vector<16xf32>
          %swap3A_512 = arith.index_cast %add3A_474 : i32 to index
          %swap3A_513 = arith.constant 48 : index
          %swap3A_514 = tpu.vector_load %arg11[%swap3A_512, %swap3A_513] {strides = array<i32>} : memref<64x64xf32, #tpu.memory_space<vmem>>, vector<16xf32>,
          tpu.vector_store %arg11[%swap3A_512, %swap3A_513], %mul3A_511 {strides = array<i32>} : memref<64x64xf32, #tpu.memory_space<vmem>>, vector<16xf32>,
          %mul3A_515 = arith.mulf %mul3A_511, %broadcast_in_dim3A_470 : vector<16xf32>
          %swap3A_516 = arith.index_cast %add3A_474 : i32 to index
          %swap3A_517 = arith.constant 48 : index
          %swap3A_518 = tpu.vector_load %arg12[%swap3A_516, %swap3A_517] {strides = array<i32>} : memref<64x64xf32, #tpu.memory_space<vmem>>, vector<16xf32>,
          tpu.vector_store %arg12[%swap3A_516, %swap3A_517], %mul3A_515 {strides = array<i32>} : memref<64x64xf32, #tpu.memory_space<vmem>>, vector<16xf32>,
          %slice3A_519 = vector.extract_strided_slice %get3A_317 {offsets = [4], sizes = [1], strides = [1]} : vector<16xf32> to vector<1xf32>
          %squeeze3A_520 = vector.extract %slice3A_519[0] : f32 from vector<1xf32>
          %broadcast_in_dim3A_521 = vector.broadcast %squeeze3A_520 : f32 to vector<16xf32>
          %mul3A_522 = arith.constant 16 : i32
          %mul3A_523 = arith.muli %scan3A_312, %mul3A_522 : i32
          %add3A_524 = arith.constant 4 : i32
          %add3A_525 = arith.addi %mul3A_523, %add3A_524 : i32
          %get3A_526 = arith.index_cast %add3A_525 : i32 to index
          %get3A_527 = arith.constant 0 : index
          %get3A_528 = tpu.vector_load %arg11[%get3A_526, %get3A_527] {strides = array<i32>} : memref<64x64xf32, #tpu.memory_space<vmem>>, vector<16xf32>,
          %mul3A_529 = arith.mulf %get3A_528, %broadcast_in_dim3A_521 : vector<16xf32>
          %swap3A_530 = arith.index_cast %add3A_525 : i32 to index
          %swap3A_531 = arith.constant 0 : index
          %swap3A_532 = tpu.vector_load %arg11[%swap3A_530, %swap3A_531] {strides = array<i32>} : memref<64x64xf32, #tpu.memory_space<vmem>>, vector<16xf32>,
          tpu.vector_store %arg11[%swap3A_530, %swap3A_531], %mul3A_529 {strides = array<i32>} : memref<64x64xf32, #tpu.memory_space<vmem>>, vector<16xf32>,
          %mul3A_533 = arith.mulf %mul3A_529, %broadcast_in_dim3A_521 : vector<16xf32>
          %swap3A_534 = arith.index_cast %add3A_525 : i32 to index
          %swap3A_535 = arith.constant 0 : index
          %swap3A_536 = tpu.vector_load %arg12[%swap3A_534, %swap3A_535] {strides = array<i32>} : memref<64x64xf32, #tpu.memory_space<vmem>>, vector<16xf32>,
          tpu.vector_store %arg12[%swap3A_534, %swap3A_535], %mul3A_533 {strides = array<i32>} : memref<64x64xf32, #tpu.memory_space<vmem>>, vector<16xf32>,
          %get3A_537 = arith.index_cast %add3A_525 : i32 to index
          %get3A_538 = arith.constant 16 : index
          %get3A_539 = tpu.vector_load %arg11[%get3A_537, %get3A_538] {strides = array<i32>} : memref<64x64xf32, #tpu.memory_space<vmem>>, vector<16xf32>,
          %mul3A_540 = arith.mulf %get3A_539, %broadcast_in_dim3A_521 : vector<16xf32>
          %swap3A_541 = arith.index_cast %add3A_525 : i32 to index
          %swap3A_542 = arith.constant 16 : index
          %swap3A_543 = tpu.vector_load %arg11[%swap3A_541, %swap3A_542] {strides = array<i32>} : memref<64x64xf32, #tpu.memory_space<vmem>>, vector<16xf32>,
          tpu.vector_store %arg11[%swap3A_541, %swap3A_542], %mul3A_540 {strides = array<i32>} : memref<64x64xf32, #tpu.memory_space<vmem>>, vector<16xf32>,
          %mul3A_544 = arith.mulf %mul3A_540, %broadcast_in_dim3A_521 : vector<16xf32>
          %swap3A_545 = arith.index_cast %add3A_525 : i32 to index
          %swap3A_546 = arith.constant 16 : index
          %swap3A_547 = tpu.vector_load %arg12[%swap3A_545, %swap3A_546] {strides = array<i32>} : memref<64x64xf32, #tpu.memory_space<vmem>>, vector<16xf32>,
          tpu.vector_store %arg12[%swap3A_545, %swap3A_546], %mul3A_544 {strides = array<i32>} : memref<64x64xf32, #tpu.memory_space<vmem>>, vector<16xf32>,
          %get3A_548 = arith.index_cast %add3A_525 : i32 to index
          %get3A_549 = arith.constant 32 : index
          %get3A_550 = tpu.vector_load %arg11[%get3A_548, %get3A_549] {strides = array<i32>} : memref<64x64xf32, #tpu.memory_space<vmem>>, vector<16xf32>,
          %mul3A_551 = arith.mulf %get3A_550, %broadcast_in_dim3A_521 : vector<16xf32>
          %swap3A_552 = arith.index_cast %add3A_525 : i32 to index
          %swap3A_553 = arith.constant 32 : index
          %swap3A_554 = tpu.vector_load %arg11[%swap3A_552, %swap3A_553] {strides = array<i32>} : memref<64x64xf32, #tpu.memory_space<vmem>>, vector<16xf32>,
          tpu.vector_store %arg11[%swap3A_552, %swap3A_553], %mul3A_551 {strides = array<i32>} : memref<64x64xf32, #tpu.memory_space<vmem>>, vector<16xf32>,
          %mul3A_555 = arith.mulf %mul3A_551, %broadcast_in_dim3A_521 : vector<16xf32>
          %swap3A_556 = arith.index_cast %add3A_525 : i32 to index
          %swap3A_557 = arith.constant 32 : index
          %swap3A_558 = tpu.vector_load %arg12[%swap3A_556, %swap3A_557] {strides = array<i32>} : memref<64x64xf32, #tpu.memory_space<vmem>>, vector<16xf32>,
          tpu.vector_store %arg12[%swap3A_556, %swap3A_557], %mul3A_555 {strides = array<i32>} : memref<64x64xf32, #tpu.memory_space<vmem>>, vector<16xf32>,
          %get3A_559 = arith.index_cast %add3A_525 : i32 to index
          %get3A_560 = arith.constant 48 : index
          %get3A_561 = tpu.vector_load %arg11[%get3A_559, %get3A_560] {strides = array<i32>} : memref<64x64xf32, #tpu.memory_space<vmem>>, vector<16xf32>,
          %mul3A_562 = arith.mulf %get3A_561, %broadcast_in_dim3A_521 : vector<16xf32>
          %swap3A_563 = arith.index_cast %add3A_525 : i32 to index
          %swap3A_564 = arith.constant 48 : index
          %swap3A_565 = tpu.vector_load %arg11[%swap3A_563, %swap3A_564] {strides = array<i32>} : memref<64x64xf32, #tpu.memory_space<vmem>>, vector<16xf32>,
          tpu.vector_store %arg11[%swap3A_563, %swap3A_564], %mul3A_562 {strides = array<i32>} : memref<64x64xf32, #tpu.memory_space<vmem>>, vector<16xf32>,
          %mul3A_566 = arith.mulf %mul3A_562, %broadcast_in_dim3A_521 : vector<16xf32>
          %swap3A_567 = arith.index_cast %add3A_525 : i32 to index
          %swap3A_568 = arith.constant 48 : index
          %swap3A_569 = tpu.vector_load %arg12[%swap3A_567, %swap3A_568] {strides = array<i32>} : memref<64x64xf32, #tpu.memory_space<vmem>>, vector<16xf32>,
          tpu.vector_store %arg12[%swap3A_567, %swap3A_568], %mul3A_566 {strides = array<i32>} : memref<64x64xf32, #tpu.memory_space<vmem>>, vector<16xf32>,
          %slice3A_570 = vector.extract_strided_slice %get3A_317 {offsets = [5], sizes = [1], strides = [1]} : vector<16xf32> to vector<1xf32>
          %squeeze3A_571 = vector.extract %slice3A_570[0] : f32 from vector<1xf32>
          %broadcast_in_dim3A_572 = vector.broadcast %squeeze3A_571 : f32 to vector<16xf32>
          %mul3A_573 = arith.constant 16 : i32
          %mul3A_574 = arith.muli %scan3A_312, %mul3A_573 : i32
          %add3A_575 = arith.constant 5 : i32
          %add3A_576 = arith.addi %mul3A_574, %add3A_575 : i32
          %get3A_577 = arith.index_cast %add3A_576 : i32 to index
          %get3A_578 = arith.constant 0 : index
          %get3A_579 = tpu.vector_load %arg11[%get3A_577, %get3A_578] {strides = array<i32>} : memref<64x64xf32, #tpu.memory_space<vmem>>, vector<16xf32>,
          %mul3A_580 = arith.mulf %get3A_579, %broadcast_in_dim3A_572 : vector<16xf32>
          %swap3A_581 = arith.index_cast %add3A_576 : i32 to index
          %swap3A_582 = arith.constant 0 : index
          %swap3A_583 = tpu.vector_load %arg11[%swap3A_581, %swap3A_582] {strides = array<i32>} : memref<64x64xf32, #tpu.memory_space<vmem>>, vector<16xf32>,
          tpu.vector_store %arg11[%swap3A_581, %swap3A_582], %mul3A_580 {strides = array<i32>} : memref<64x64xf32, #tpu.memory_space<vmem>>, vector<16xf32>,
          %mul3A_584 = arith.mulf %mul3A_580, %broadcast_in_dim3A_572 : vector<16xf32>
          %swap3A_585 = arith.index_cast %add3A_576 : i32 to index
          %swap3A_586 = arith.constant 0 : index
          %swap3A_587 = tpu.vector_load %arg12[%swap3A_585, %swap3A_586] {strides = array<i32>} : memref<64x64xf32, #tpu.memory_space<vmem>>, vector<16xf32>,
          tpu.vector_store %arg12[%swap3A_585, %swap3A_586], %mul3A_584 {strides = array<i32>} : memref<64x64xf32, #tpu.memory_space<vmem>>, vector<16xf32>,
          %get3A_588 = arith.index_cast %add3A_576 : i32 to index
          %get3A_589 = arith.constant 16 : index
          %get3A_590 = tpu.vector_load %arg11[%get3A_588, %get3A_589] {strides = array<i32>} : memref<64x64xf32, #tpu.memory_space<vmem>>, vector<16xf32>,
          %mul3A_591 = arith.mulf %get3A_590, %broadcast_in_dim3A_572 : vector<16xf32>
          %swap3A_592 = arith.index_cast %add3A_576 : i32 to index
          %swap3A_593 = arith.constant 16 : index
          %swap3A_594 = tpu.vector_load %arg11[%swap3A_592, %swap3A_593] {strides = array<i32>} : memref<64x64xf32, #tpu.memory_space<vmem>>, vector<16xf32>,
          tpu.vector_store %arg11[%swap3A_592, %swap3A_593], %mul3A_591 {strides = array<i32>} : memref<64x64xf32, #tpu.memory_space<vmem>>, vector<16xf32>,
          %mul3A_595 = arith.mulf %mul3A_591, %broadcast_in_dim3A_572 : vector<16xf32>
          %swap3A_596 = arith.index_cast %add3A_576 : i32 to index
          %swap3A_597 = arith.constant 16 : index
          %swap3A_598 = tpu.vector_load %arg12[%swap3A_596, %swap3A_597] {strides = array<i32>} : memref<64x64xf32, #tpu.memory_space<vmem>>, vector<16xf32>,
          tpu.vector_store %arg12[%swap3A_596, %swap3A_597], %mul3A_595 {strides = array<i32>} : memref<64x64xf32, #tpu.memory_space<vmem>>, vector<16xf32>,
          %get3A_599 = arith.index_cast %add3A_576 : i32 to index
          %get3A_600 = arith.constant 32 : index
          %get3A_601 = tpu.vector_load %arg11[%get3A_599, %get3A_600] {strides = array<i32>} : memref<64x64xf32, #tpu.memory_space<vmem>>, vector<16xf32>,
          %mul3A_602 = arith.mulf %get3A_601, %broadcast_in_dim3A_572 : vector<16xf32>
          %swap3A_603 = arith.index_cast %add3A_576 : i32 to index
          %swap3A_604 = arith.constant 32 : index
          %swap3A_605 = tpu.vector_load %arg11[%swap3A_603, %swap3A_604] {strides = array<i32>} : memref<64x64xf32, #tpu.memory_space<vmem>>, vector<16xf32>,
          tpu.vector_store %arg11[%swap3A_603, %swap3A_604], %mul3A_602 {strides = array<i32>} : memref<64x64xf32, #tpu.memory_space<vmem>>, vector<16xf32>,
          %mul3A_606 = arith.mulf %mul3A_602, %broadcast_in_dim3A_572 : vector<16xf32>
          %swap3A_607 = arith.index_cast %add3A_576 : i32 to index
          %swap3A_608 = arith.constant 32 : index
          %swap3A_609 = tpu.vector_load %arg12[%swap3A_607, %swap3A_608] {strides = array<i32>} : memref<64x64xf32, #tpu.memory_space<vmem>>, vector<16xf32>,
          tpu.vector_store %arg12[%swap3A_607, %swap3A_608], %mul3A_606 {strides = array<i32>} : memref<64x64xf32, #tpu.memory_space<vmem>>, vector<16xf32>,
          %get3A_610 = arith.index_cast %add3A_576 : i32 to index
          %get3A_611 = arith.constant 48 : index
          %get3A_612 = tpu.vector_load %arg11[%get3A_610, %get3A_611] {strides = array<i32>} : memref<64x64xf32, #tpu.memory_space<vmem>>, vector<16xf32>,
          %mul3A_613 = arith.mulf %get3A_612, %broadcast_in_dim3A_572 : vector<16xf32>
          %swap3A_614 = arith.index_cast %add3A_576 : i32 to index
          %swap3A_615 = arith.constant 48 : index
          %swap3A_616 = tpu.vector_load %arg11[%swap3A_614, %swap3A_615] {strides = array<i32>} : memref<64x64xf32, #tpu.memory_space<vmem>>, vector<16xf32>,
          tpu.vector_store %arg11[%swap3A_614, %swap3A_615], %mul3A_613 {strides = array<i32>} : memref<64x64xf32, #tpu.memory_space<vmem>>, vector<16xf32>,
          %mul3A_617 = arith.mulf %mul3A_613, %broadcast_in_dim3A_572 : vector<16xf32>
          %swap3A_618 = arith.index_cast %add3A_576 : i32 to index
          %swap3A_619 = arith.constant 48 : index
          %swap3A_620 = tpu.vector_load %arg12[%swap3A_618, %swap3A_619] {strides = array<i32>} : memref<64x64xf32, #tpu.memory_space<vmem>>, vector<16xf32>,
          tpu.vector_store %arg12[%swap3A_618, %swap3A_619], %mul3A_617 {strides = array<i32>} : memref<64x64xf32, #tpu.memory_space<vmem>>, vector<16xf32>,
          %slice3A_621 = vector.extract_strided_slice %get3A_317 {offsets = [6], sizes = [1], strides = [1]} : vector<16xf32> to vector<1xf32>
          %squeeze3A_622 = vector.extract %slice3A_621[0] : f32 from vector<1xf32>
          %broadcast_in_dim3A_623 = vector.broadcast %squeeze3A_622 : f32 to vector<16xf32>
          %mul3A_624 = arith.constant 16 : i32
          %mul3A_625 = arith.muli %scan3A_312, %mul3A_624 : i32
          %add3A_626 = arith.constant 6 : i32
          %add3A_627 = arith.addi %mul3A_625, %add3A_626 : i32
          %get3A_628 = arith.index_cast %add3A_627 : i32 to index
          %get3A_629 = arith.constant 0 : index
          %get3A_630 = tpu.vector_load %arg11[%get3A_628, %get3A_629] {strides = array<i32>} : memref<64x64xf32, #tpu.memory_space<vmem>>, vector<16xf32>,
          %mul3A_631 = arith.mulf %get3A_630, %broadcast_in_dim3A_623 : vector<16xf32>
          %swap3A_632 = arith.index_cast %add3A_627 : i32 to index
          %swap3A_633 = arith.constant 0 : index
          %swap3A_634 = tpu.vector_load %arg11[%swap3A_632, %swap3A_633] {strides = array<i32>} : memref<64x64xf32, #tpu.memory_space<vmem>>, vector<16xf32>,
          tpu.vector_store %arg11[%swap3A_632, %swap3A_633], %mul3A_631 {strides = array<i32>} : memref<64x64xf32, #tpu.memory_space<vmem>>, vector<16xf32>,
          %mul3A_635 = arith.mulf %mul3A_631, %broadcast_in_dim3A_623 : vector<16xf32>
          %swap3A_636 = arith.index_cast %add3A_627 : i32 to index
          %swap3A_637 = arith.constant 0 : index
          %swap3A_638 = tpu.vector_load %arg12[%swap3A_636, %swap3A_637] {strides = array<i32>} : memref<64x64xf32, #tpu.memory_space<vmem>>, vector<16xf32>,
          tpu.vector_store %arg12[%swap3A_636, %swap3A_637], %mul3A_635 {strides = array<i32>} : memref<64x64xf32, #tpu.memory_space<vmem>>, vector<16xf32>,
          %get3A_639 = arith.index_cast %add3A_627 : i32 to index
          %get3A_640 = arith.constant 16 : index
          %get3A_641 = tpu.vector_load %arg11[%get3A_639, %get3A_640] {strides = array<i32>} : memref<64x64xf32, #tpu.memory_space<vmem>>, vector<16xf32>,
          %mul3A_642 = arith.mulf %get3A_641, %broadcast_in_dim3A_623 : vector<16xf32>
          %swap3A_643 = arith.index_cast %add3A_627 : i32 to index
          %swap3A_644 = arith.constant 16 : index
          %swap3A_645 = tpu.vector_load %arg11[%swap3A_643, %swap3A_644] {strides = array<i32>} : memref<64x64xf32, #tpu.memory_space<vmem>>, vector<16xf32>,
          tpu.vector_store %arg11[%swap3A_643, %swap3A_644], %mul3A_642 {strides = array<i32>} : memref<64x64xf32, #tpu.memory_space<vmem>>, vector<16xf32>,
          %mul3A_646 = arith.mulf %mul3A_642, %broadcast_in_dim3A_623 : vector<16xf32>
          %swap3A_647 = arith.index_cast %add3A_627 : i32 to index
          %swap3A_648 = arith.constant 16 : index
          %swap3A_649 = tpu.vector_load %arg12[%swap3A_647, %swap3A_648] {strides = array<i32>} : memref<64x64xf32, #tpu.memory_space<vmem>>, vector<16xf32>,
          tpu.vector_store %arg12[%swap3A_647, %swap3A_648], %mul3A_646 {strides = array<i32>} : memref<64x64xf32, #tpu.memory_space<vmem>>, vector<16xf32>,
          %get3A_650 = arith.index_cast %add3A_627 : i32 to index
          %get3A_651 = arith.constant 32 : index
          %get3A_652 = tpu.vector_load %arg11[%get3A_650, %get3A_651] {strides = array<i32>} : memref<64x64xf32, #tpu.memory_space<vmem>>, vector<16xf32>,
          %mul3A_653 = arith.mulf %get3A_652, %broadcast_in_dim3A_623 : vector<16xf32>
          %swap3A_654 = arith.index_cast %add3A_627 : i32 to index
          %swap3A_655 = arith.constant 32 : index
          %swap3A_656 = tpu.vector_load %arg11[%swap3A_654, %swap3A_655] {strides = array<i32>} : memref<64x64xf32, #tpu.memory_space<vmem>>, vector<16xf32>,
          tpu.vector_store %arg11[%swap3A_654, %swap3A_655], %mul3A_653 {strides = array<i32>} : memref<64x64xf32, #tpu.memory_space<vmem>>, vector<16xf32>,
          %mul3A_657 = arith.mulf %mul3A_653, %broadcast_in_dim3A_623 : vector<16xf32>
          %swap3A_658 = arith.index_cast %add3A_627 : i32 to index
          %swap3A_659 = arith.constant 32 : index
          %swap3A_660 = tpu.vector_load %arg12[%swap3A_658, %swap3A_659] {strides = array<i32>} : memref<64x64xf32, #tpu.memory_space<vmem>>, vector<16xf32>,
          tpu.vector_store %arg12[%swap3A_658, %swap3A_659], %mul3A_657 {strides = array<i32>} : memref<64x64xf32, #tpu.memory_space<vmem>>, vector<16xf32>,
          %get3A_661 = arith.index_cast %add3A_627 : i32 to index
          %get3A_662 = arith.constant 48 : index
          %get3A_663 = tpu.vector_load %arg11[%get3A_661, %get3A_662] {strides = array<i32>} : memref<64x64xf32, #tpu.memory_space<vmem>>, vector<16xf32>,
          %mul3A_664 = arith.mulf %get3A_663, %broadcast_in_dim3A_623 : vector<16xf32>
          %swap3A_665 = arith.index_cast %add3A_627 : i32 to index
          %swap3A_666 = arith.constant 48 : index
          %swap3A_667 = tpu.vector_load %arg11[%swap3A_665, %swap3A_666] {strides = array<i32>} : memref<64x64xf32, #tpu.memory_space<vmem>>, vector<16xf32>,
          tpu.vector_store %arg11[%swap3A_665, %swap3A_666], %mul3A_664 {strides = array<i32>} : memref<64x64xf32, #tpu.memory_space<vmem>>, vector<16xf32>,
          %mul3A_668 = arith.mulf %mul3A_664, %broadcast_in_dim3A_623 : vector<16xf32>
          %swap3A_669 = arith.index_cast %add3A_627 : i32 to index
          %swap3A_670 = arith.constant 48 : index
          %swap3A_671 = tpu.vector_load %arg12[%swap3A_669, %swap3A_670] {strides = array<i32>} : memref<64x64xf32, #tpu.memory_space<vmem>>, vector<16xf32>,
          tpu.vector_store %arg12[%swap3A_669, %swap3A_670], %mul3A_668 {strides = array<i32>} : memref<64x64xf32, #tpu.memory_space<vmem>>, vector<16xf32>,
          %slice3A_672 = vector.extract_strided_slice %get3A_317 {offsets = [7], sizes = [1], strides = [1]} : vector<16xf32> to vector<1xf32>
          %squeeze3A_673 = vector.extract %slice3A_672[0] : f32 from vector<1xf32>
          %broadcast_in_dim3A_674 = vector.broadcast %squeeze3A_673 : f32 to vector<16xf32>
          %mul3A_675 = arith.constant 16 : i32
          %mul3A_676 = arith.muli %scan3A_312, %mul3A_675 : i32
          %add3A_677 = arith.constant 7 : i32
          %add3A_678 = arith.addi %mul3A_676, %add3A_677 : i32
          %get3A_679 = arith.index_cast %add3A_678 : i32 to index
          %get3A_680 = arith.constant 0 : index
          %get3A_681 = tpu.vector_load %arg11[%get3A_679, %get3A_680] {strides = array<i32>} : memref<64x64xf32, #tpu.memory_space<vmem>>, vector<16xf32>,
          %mul3A_682 = arith.mulf %get3A_681, %broadcast_in_dim3A_674 : vector<16xf32>
          %swap3A_683 = arith.index_cast %add3A_678 : i32 to index
          %swap3A_684 = arith.constant 0 : index
          %swap3A_685 = tpu.vector_load %arg11[%swap3A_683, %swap3A_684] {strides = array<i32>} : memref<64x64xf32, #tpu.memory_space<vmem>>, vector<16xf32>,
          tpu.vector_store %arg11[%swap3A_683, %swap3A_684], %mul3A_682 {strides = array<i32>} : memref<64x64xf32, #tpu.memory_space<vmem>>, vector<16xf32>,
          %mul3A_686 = arith.mulf %mul3A_682, %broadcast_in_dim3A_674 : vector<16xf32>
          %swap3A_687 = arith.index_cast %add3A_678 : i32 to index
          %swap3A_688 = arith.constant 0 : index
          %swap3A_689 = tpu.vector_load %arg12[%swap3A_687, %swap3A_688] {strides = array<i32>} : memref<64x64xf32, #tpu.memory_space<vmem>>, vector<16xf32>,
          tpu.vector_store %arg12[%swap3A_687, %swap3A_688], %mul3A_686 {strides = array<i32>} : memref<64x64xf32, #tpu.memory_space<vmem>>, vector<16xf32>,
          %get3A_690 = arith.index_cast %add3A_678 : i32 to index
          %get3A_691 = arith.constant 16 : index
          %get3A_692 = tpu.vector_load %arg11[%get3A_690, %get3A_691] {strides = array<i32>} : memref<64x64xf32, #tpu.memory_space<vmem>>, vector<16xf32>,
          %mul3A_693 = arith.mulf %get3A_692, %broadcast_in_dim3A_674 : vector<16xf32>
          %swap3A_694 = arith.index_cast %add3A_678 : i32 to index
          %swap3A_695 = arith.constant 16 : index
          %swap3A_696 = tpu.vector_load %arg11[%swap3A_694, %swap3A_695] {strides = array<i32>} : memref<64x64xf32, #tpu.memory_space<vmem>>, vector<16xf32>,
          tpu.vector_store %arg11[%swap3A_694, %swap3A_695], %mul3A_693 {strides = array<i32>} : memref<64x64xf32, #tpu.memory_space<vmem>>, vector<16xf32>,
          %mul3A_697 = arith.mulf %mul3A_693, %broadcast_in_dim3A_674 : vector<16xf32>
          %swap3A_698 = arith.index_cast %add3A_678 : i32 to index
          %swap3A_699 = arith.constant 16 : index
          %swap3A_700 = tpu.vector_load %arg12[%swap3A_698, %swap3A_699] {strides = array<i32>} : memref<64x64xf32, #tpu.memory_space<vmem>>, vector<16xf32>,
          tpu.vector_store %arg12[%swap3A_698, %swap3A_699], %mul3A_697 {strides = array<i32>} : memref<64x64xf32, #tpu.memory_space<vmem>>, vector<16xf32>,
          %get3A_701 = arith.index_cast %add3A_678 : i32 to index
          %get3A_702 = arith.constant 32 : index
          %get3A_703 = tpu.vector_load %arg11[%get3A_701, %get3A_702] {strides = array<i32>} : memref<64x64xf32, #tpu.memory_space<vmem>>, vector<16xf32>,
          %mul3A_704 = arith.mulf %get3A_703, %broadcast_in_dim3A_674 : vector<16xf32>
          %swap3A_705 = arith.index_cast %add3A_678 : i32 to index
          %swap3A_706 = arith.constant 32 : index
          %swap3A_707 = tpu.vector_load %arg11[%swap3A_705, %swap3A_706] {strides = array<i32>} : memref<64x64xf32, #tpu.memory_space<vmem>>, vector<16xf32>,
          tpu.vector_store %arg11[%swap3A_705, %swap3A_706], %mul3A_704 {strides = array<i32>} : memref<64x64xf32, #tpu.memory_space<vmem>>, vector<16xf32>,
          %mul3A_708 = arith.mulf %mul3A_704, %broadcast_in_dim3A_674 : vector<16xf32>
          %swap3A_709 = arith.index_cast %add3A_678 : i32 to index
          %swap3A_710 = arith.constant 32 : index
          %swap3A_711 = tpu.vector_load %arg12[%swap3A_709, %swap3A_710] {strides = array<i32>} : memref<64x64xf32, #tpu.memory_space<vmem>>, vector<16xf32>,
          tpu.vector_store %arg12[%swap3A_709, %swap3A_710], %mul3A_708 {strides = array<i32>} : memref<64x64xf32, #tpu.memory_space<vmem>>, vector<16xf32>,
          %get3A_712 = arith.index_cast %add3A_678 : i32 to index
          %get3A_713 = arith.constant 48 : index
          %get3A_714 = tpu.vector_load %arg11[%get3A_712, %get3A_713] {strides = array<i32>} : memref<64x64xf32, #tpu.memory_space<vmem>>, vector<16xf32>,
          %mul3A_715 = arith.mulf %get3A_714, %broadcast_in_dim3A_674 : vector<16xf32>
          %swap3A_716 = arith.index_cast %add3A_678 : i32 to index
          %swap3A_717 = arith.constant 48 : index
          %swap3A_718 = tpu.vector_load %arg11[%swap3A_716, %swap3A_717] {strides = array<i32>} : memref<64x64xf32, #tpu.memory_space<vmem>>, vector<16xf32>,
          tpu.vector_store %arg11[%swap3A_716, %swap3A_717], %mul3A_715 {strides = array<i32>} : memref<64x64xf32, #tpu.memory_space<vmem>>, vector<16xf32>,
          %mul3A_719 = arith.mulf %mul3A_715, %broadcast_in_dim3A_674 : vector<16xf32>
          %swap3A_720 = arith.index_cast %add3A_678 : i32 to index
          %swap3A_721 = arith.constant 48 : index
          %swap3A_722 = tpu.vector_load %arg12[%swap3A_720, %swap3A_721] {strides = array<i32>} : memref<64x64xf32, #tpu.memory_space<vmem>>, vector<16xf32>,
          tpu.vector_store %arg12[%swap3A_720, %swap3A_721], %mul3A_719 {strides = array<i32>} : memref<64x64xf32, #tpu.memory_space<vmem>>, vector<16xf32>,
          %slice3A_723 = vector.extract_strided_slice %get3A_317 {offsets = [8], sizes = [1], strides = [1]} : vector<16xf32> to vector<1xf32>
          %squeeze3A_724 = vector.extract %slice3A_723[0] : f32 from vector<1xf32>
          %broadcast_in_dim3A_725 = vector.broadcast %squeeze3A_724 : f32 to vector<16xf32>
          %mul3A_726 = arith.constant 16 : i32
          %mul3A_727 = arith.muli %scan3A_312, %mul3A_726 : i32
          %add3A_728 = arith.constant 8 : i32
          %add3A_729 = arith.addi %mul3A_727, %add3A_728 : i32
          %get3A_730 = arith.index_cast %add3A_729 : i32 to index
          %get3A_731 = arith.constant 0 : index
          %get3A_732 = tpu.vector_load %arg11[%get3A_730, %get3A_731] {strides = array<i32>} : memref<64x64xf32, #tpu.memory_space<vmem>>, vector<16xf32>,
          %mul3A_733 = arith.mulf %get3A_732, %broadcast_in_dim3A_725 : vector<16xf32>
          %swap3A_734 = arith.index_cast %add3A_729 : i32 to index
          %swap3A_735 = arith.constant 0 : index
          %swap3A_736 = tpu.vector_load %arg11[%swap3A_734, %swap3A_735] {strides = array<i32>} : memref<64x64xf32, #tpu.memory_space<vmem>>, vector<16xf32>,
          tpu.vector_store %arg11[%swap3A_734, %swap3A_735], %mul3A_733 {strides = array<i32>} : memref<64x64xf32, #tpu.memory_space<vmem>>, vector<16xf32>,
          %mul3A_737 = arith.mulf %mul3A_733, %broadcast_in_dim3A_725 : vector<16xf32>
          %swap3A_738 = arith.index_cast %add3A_729 : i32 to index
          %swap3A_739 = arith.constant 0 : index
          %swap3A_740 = tpu.vector_load %arg12[%swap3A_738, %swap3A_739] {strides = array<i32>} : memref<64x64xf32, #tpu.memory_space<vmem>>, vector<16xf32>,
          tpu.vector_store %arg12[%swap3A_738, %swap3A_739], %mul3A_737 {strides = array<i32>} : memref<64x64xf32, #tpu.memory_space<vmem>>, vector<16xf32>,
          %get3A_741 = arith.index_cast %add3A_729 : i32 to index
          %get3A_742 = arith.constant 16 : index
          %get3A_743 = tpu.vector_load %arg11[%get3A_741, %get3A_742] {strides = array<i32>} : memref<64x64xf32, #tpu.memory_space<vmem>>, vector<16xf32>,
          %mul3A_744 = arith.mulf %get3A_743, %broadcast_in_dim3A_725 : vector<16xf32>
          %swap3A_745 = arith.index_cast %add3A_729 : i32 to index
          %swap3A_746 = arith.constant 16 : index
          %swap3A_747 = tpu.vector_load %arg11[%swap3A_745, %swap3A_746] {strides = array<i32>} : memref<64x64xf32, #tpu.memory_space<vmem>>, vector<16xf32>,
          tpu.vector_store %arg11[%swap3A_745, %swap3A_746], %mul3A_744 {strides = array<i32>} : memref<64x64xf32, #tpu.memory_space<vmem>>, vector<16xf32>,
          %mul3A_748 = arith.mulf %mul3A_744, %broadcast_in_dim3A_725 : vector<16xf32>
          %swap3A_749 = arith.index_cast %add3A_729 : i32 to index
          %swap3A_750 = arith.constant 16 : index
          %swap3A_751 = tpu.vector_load %arg12[%swap3A_749, %swap3A_750] {strides = array<i32>} : memref<64x64xf32, #tpu.memory_space<vmem>>, vector<16xf32>,
          tpu.vector_store %arg12[%swap3A_749, %swap3A_750], %mul3A_748 {strides = array<i32>} : memref<64x64xf32, #tpu.memory_space<vmem>>, vector<16xf32>,
          %get3A_752 = arith.index_cast %add3A_729 : i32 to index
          %get3A_753 = arith.constant 32 : index
          %get3A_754 = tpu.vector_load %arg11[%get3A_752, %get3A_753] {strides = array<i32>} : memref<64x64xf32, #tpu.memory_space<vmem>>, vector<16xf32>,
          %mul3A_755 = arith.mulf %get3A_754, %broadcast_in_dim3A_725 : vector<16xf32>
          %swap3A_756 = arith.index_cast %add3A_729 : i32 to index
          %swap3A_757 = arith.constant 32 : index
          %swap3A_758 = tpu.vector_load %arg11[%swap3A_756, %swap3A_757] {strides = array<i32>} : memref<64x64xf32, #tpu.memory_space<vmem>>, vector<16xf32>,
          tpu.vector_store %arg11[%swap3A_756, %swap3A_757], %mul3A_755 {strides = array<i32>} : memref<64x64xf32, #tpu.memory_space<vmem>>, vector<16xf32>,
          %mul3A_759 = arith.mulf %mul3A_755, %broadcast_in_dim3A_725 : vector<16xf32>
          %swap3A_760 = arith.index_cast %add3A_729 : i32 to index
          %swap3A_761 = arith.constant 32 : index
          %swap3A_762 = tpu.vector_load %arg12[%swap3A_760, %swap3A_761] {strides = array<i32>} : memref<64x64xf32, #tpu.memory_space<vmem>>, vector<16xf32>,
          tpu.vector_store %arg12[%swap3A_760, %swap3A_761], %mul3A_759 {strides = array<i32>} : memref<64x64xf32, #tpu.memory_space<vmem>>, vector<16xf32>,
          %get3A_763 = arith.index_cast %add3A_729 : i32 to index
          %get3A_764 = arith.constant 48 : index
          %get3A_765 = tpu.vector_load %arg11[%get3A_763, %get3A_764] {strides = array<i32>} : memref<64x64xf32, #tpu.memory_space<vmem>>, vector<16xf32>,
          %mul3A_766 = arith.mulf %get3A_765, %broadcast_in_dim3A_725 : vector<16xf32>
          %swap3A_767 = arith.index_cast %add3A_729 : i32 to index
          %swap3A_768 = arith.constant 48 : index
          %swap3A_769 = tpu.vector_load %arg11[%swap3A_767, %swap3A_768] {strides = array<i32>} : memref<64x64xf32, #tpu.memory_space<vmem>>, vector<16xf32>,
          tpu.vector_store %arg11[%swap3A_767, %swap3A_768], %mul3A_766 {strides = array<i32>} : memref<64x64xf32, #tpu.memory_space<vmem>>, vector<16xf32>,
          %mul3A_770 = arith.mulf %mul3A_766, %broadcast_in_dim3A_725 : vector<16xf32>
          %swap3A_771 = arith.index_cast %add3A_729 : i32 to index
          %swap3A_772 = arith.constant 48 : index
          %swap3A_773 = tpu.vector_load %arg12[%swap3A_771, %swap3A_772] {strides = array<i32>} : memref<64x64xf32, #tpu.memory_space<vmem>>, vector<16xf32>,
          tpu.vector_store %arg12[%swap3A_771, %swap3A_772], %mul3A_770 {strides = array<i32>} : memref<64x64xf32, #tpu.memory_space<vmem>>, vector<16xf32>,
          %slice3A_774 = vector.extract_strided_slice %get3A_317 {offsets = [9], sizes = [1], strides = [1]} : vector<16xf32> to vector<1xf32>
          %squeeze3A_775 = vector.extract %slice3A_774[0] : f32 from vector<1xf32>
          %broadcast_in_dim3A_776 = vector.broadcast %squeeze3A_775 : f32 to vector<16xf32>
          %mul3A_777 = arith.constant 16 : i32
          %mul3A_778 = arith.muli %scan3A_312, %mul3A_777 : i32
          %add3A_779 = arith.constant 9 : i32
          %add3A_780 = arith.addi %mul3A_778, %add3A_779 : i32
          %get3A_781 = arith.index_cast %add3A_780 : i32 to index
          %get3A_782 = arith.constant 0 : index
          %get3A_783 = tpu.vector_load %arg11[%get3A_781, %get3A_782] {strides = array<i32>} : memref<64x64xf32, #tpu.memory_space<vmem>>, vector<16xf32>,
          %mul3A_784 = arith.mulf %get3A_783, %broadcast_in_dim3A_776 : vector<16xf32>
          %swap3A_785 = arith.index_cast %add3A_780 : i32 to index
          %swap3A_786 = arith.constant 0 : index
          %swap3A_787 = tpu.vector_load %arg11[%swap3A_785, %swap3A_786] {strides = array<i32>} : memref<64x64xf32, #tpu.memory_space<vmem>>, vector<16xf32>,
          tpu.vector_store %arg11[%swap3A_785, %swap3A_786], %mul3A_784 {strides = array<i32>} : memref<64x64xf32, #tpu.memory_space<vmem>>, vector<16xf32>,
          %mul3A_788 = arith.mulf %mul3A_784, %broadcast_in_dim3A_776 : vector<16xf32>
          %swap3A_789 = arith.index_cast %add3A_780 : i32 to index
          %swap3A_790 = arith.constant 0 : index
          %swap3A_791 = tpu.vector_load %arg12[%swap3A_789, %swap3A_790] {strides = array<i32>} : memref<64x64xf32, #tpu.memory_space<vmem>>, vector<16xf32>,
          tpu.vector_store %arg12[%swap3A_789, %swap3A_790], %mul3A_788 {strides = array<i32>} : memref<64x64xf32, #tpu.memory_space<vmem>>, vector<16xf32>,
          %get3A_792 = arith.index_cast %add3A_780 : i32 to index
          %get3A_793 = arith.constant 16 : index
          %get3A_794 = tpu.vector_load %arg11[%get3A_792, %get3A_793] {strides = array<i32>} : memref<64x64xf32, #tpu.memory_space<vmem>>, vector<16xf32>,
          %mul3A_795 = arith.mulf %get3A_794, %broadcast_in_dim3A_776 : vector<16xf32>
          %swap3A_796 = arith.index_cast %add3A_780 : i32 to index
          %swap3A_797 = arith.constant 16 : index
          %swap3A_798 = tpu.vector_load %arg11[%swap3A_796, %swap3A_797] {strides = array<i32>} : memref<64x64xf32, #tpu.memory_space<vmem>>, vector<16xf32>,
          tpu.vector_store %arg11[%swap3A_796, %swap3A_797], %mul3A_795 {strides = array<i32>} : memref<64x64xf32, #tpu.memory_space<vmem>>, vector<16xf32>,
          %mul3A_799 = arith.mulf %mul3A_795, %broadcast_in_dim3A_776 : vector<16xf32>
          %swap3A_800 = arith.index_cast %add3A_780 : i32 to index
          %swap3A_801 = arith.constant 16 : index
          %swap3A_802 = tpu.vector_load %arg12[%swap3A_800, %swap3A_801] {strides = array<i32>} : memref<64x64xf32, #tpu.memory_space<vmem>>, vector<16xf32>,
          tpu.vector_store %arg12[%swap3A_800, %swap3A_801], %mul3A_799 {strides = array<i32>} : memref<64x64xf32, #tpu.memory_space<vmem>>, vector<16xf32>,
          %get3A_803 = arith.index_cast %add3A_780 : i32 to index
          %get3A_804 = arith.constant 32 : index
          %get3A_805 = tpu.vector_load %arg11[%get3A_803, %get3A_804] {strides = array<i32>} : memref<64x64xf32, #tpu.memory_space<vmem>>, vector<16xf32>,
          %mul3A_806 = arith.mulf %get3A_805, %broadcast_in_dim3A_776 : vector<16xf32>
          %swap3A_807 = arith.index_cast %add3A_780 : i32 to index
          %swap3A_808 = arith.constant 32 : index
          %swap3A_809 = tpu.vector_load %arg11[%swap3A_807, %swap3A_808] {strides = array<i32>} : memref<64x64xf32, #tpu.memory_space<vmem>>, vector<16xf32>,
          tpu.vector_store %arg11[%swap3A_807, %swap3A_808], %mul3A_806 {strides = array<i32>} : memref<64x64xf32, #tpu.memory_space<vmem>>, vector<16xf32>,
          %mul3A_810 = arith.mulf %mul3A_806, %broadcast_in_dim3A_776 : vector<16xf32>
          %swap3A_811 = arith.index_cast %add3A_780 : i32 to index
          %swap3A_812 = arith.constant 32 : index
          %swap3A_813 = tpu.vector_load %arg12[%swap3A_811, %swap3A_812] {strides = array<i32>} : memref<64x64xf32, #tpu.memory_space<vmem>>, vector<16xf32>,
          tpu.vector_store %arg12[%swap3A_811, %swap3A_812], %mul3A_810 {strides = array<i32>} : memref<64x64xf32, #tpu.memory_space<vmem>>, vector<16xf32>,
          %get3A_814 = arith.index_cast %add3A_780 : i32 to index
          %get3A_815 = arith.constant 48 : index
          %get3A_816 = tpu.vector_load %arg11[%get3A_814, %get3A_815] {strides = array<i32>} : memref<64x64xf32, #tpu.memory_space<vmem>>, vector<16xf32>,
          %mul3A_817 = arith.mulf %get3A_816, %broadcast_in_dim3A_776 : vector<16xf32>
          %swap3A_818 = arith.index_cast %add3A_780 : i32 to index
          %swap3A_819 = arith.constant 48 : index
          %swap3A_820 = tpu.vector_load %arg11[%swap3A_818, %swap3A_819] {strides = array<i32>} : memref<64x64xf32, #tpu.memory_space<vmem>>, vector<16xf32>,
          tpu.vector_store %arg11[%swap3A_818, %swap3A_819], %mul3A_817 {strides = array<i32>} : memref<64x64xf32, #tpu.memory_space<vmem>>, vector<16xf32>,
          %mul3A_821 = arith.mulf %mul3A_817, %broadcast_in_dim3A_776 : vector<16xf32>
          %swap3A_822 = arith.index_cast %add3A_780 : i32 to index
          %swap3A_823 = arith.constant 48 : index
          %swap3A_824 = tpu.vector_load %arg12[%swap3A_822, %swap3A_823] {strides = array<i32>} : memref<64x64xf32, #tpu.memory_space<vmem>>, vector<16xf32>,
          tpu.vector_store %arg12[%swap3A_822, %swap3A_823], %mul3A_821 {strides = array<i32>} : memref<64x64xf32, #tpu.memory_space<vmem>>, vector<16xf32>,
          %slice3A_825 = vector.extract_strided_slice %get3A_317 {offsets = [10], sizes = [1], strides = [1]} : vector<16xf32> to vector<1xf32>
          %squeeze3A_826 = vector.extract %slice3A_825[0] : f32 from vector<1xf32>
          %broadcast_in_dim3A_827 = vector.broadcast %squeeze3A_826 : f32 to vector<16xf32>
          %mul3A_828 = arith.constant 16 : i32
          %mul3A_829 = arith.muli %scan3A_312, %mul3A_828 : i32
          %add3A_830 = arith.constant 10 : i32
          %add3A_831 = arith.addi %mul3A_829, %add3A_830 : i32
          %get3A_832 = arith.index_cast %add3A_831 : i32 to index
          %get3A_833 = arith.constant 0 : index
          %get3A_834 = tpu.vector_load %arg11[%get3A_832, %get3A_833] {strides = array<i32>} : memref<64x64xf32, #tpu.memory_space<vmem>>, vector<16xf32>,
          %mul3A_835 = arith.mulf %get3A_834, %broadcast_in_dim3A_827 : vector<16xf32>
          %swap3A_836 = arith.index_cast %add3A_831 : i32 to index
          %swap3A_837 = arith.constant 0 : index
          %swap3A_838 = tpu.vector_load %arg11[%swap3A_836, %swap3A_837] {strides = array<i32>} : memref<64x64xf32, #tpu.memory_space<vmem>>, vector<16xf32>,
          tpu.vector_store %arg11[%swap3A_836, %swap3A_837], %mul3A_835 {strides = array<i32>} : memref<64x64xf32, #tpu.memory_space<vmem>>, vector<16xf32>,
          %mul3A_839 = arith.mulf %mul3A_835, %broadcast_in_dim3A_827 : vector<16xf32>
          %swap3A_840 = arith.index_cast %add3A_831 : i32 to index
          %swap3A_841 = arith.constant 0 : index
          %swap3A_842 = tpu.vector_load %arg12[%swap3A_840, %swap3A_841] {strides = array<i32>} : memref<64x64xf32, #tpu.memory_space<vmem>>, vector<16xf32>,
          tpu.vector_store %arg12[%swap3A_840, %swap3A_841], %mul3A_839 {strides = array<i32>} : memref<64x64xf32, #tpu.memory_space<vmem>>, vector<16xf32>,
          %get3A_843 = arith.index_cast %add3A_831 : i32 to index
          %get3A_844 = arith.constant 16 : index
          %get3A_845 = tpu.vector_load %arg11[%get3A_843, %get3A_844] {strides = array<i32>} : memref<64x64xf32, #tpu.memory_space<vmem>>, vector<16xf32>,
          %mul3A_846 = arith.mulf %get3A_845, %broadcast_in_dim3A_827 : vector<16xf32>
          %swap3A_847 = arith.index_cast %add3A_831 : i32 to index
          %swap3A_848 = arith.constant 16 : index
          %swap3A_849 = tpu.vector_load %arg11[%swap3A_847, %swap3A_848] {strides = array<i32>} : memref<64x64xf32, #tpu.memory_space<vmem>>, vector<16xf32>,
          tpu.vector_store %arg11[%swap3A_847, %swap3A_848], %mul3A_846 {strides = array<i32>} : memref<64x64xf32, #tpu.memory_space<vmem>>, vector<16xf32>,
          %mul3A_850 = arith.mulf %mul3A_846, %broadcast_in_dim3A_827 : vector<16xf32>
          %swap3A_851 = arith.index_cast %add3A_831 : i32 to index
          %swap3A_852 = arith.constant 16 : index
          %swap3A_853 = tpu.vector_load %arg12[%swap3A_851, %swap3A_852] {strides = array<i32>} : memref<64x64xf32, #tpu.memory_space<vmem>>, vector<16xf32>,
          tpu.vector_store %arg12[%swap3A_851, %swap3A_852], %mul3A_850 {strides = array<i32>} : memref<64x64xf32, #tpu.memory_space<vmem>>, vector<16xf32>,
          %get3A_854 = arith.index_cast %add3A_831 : i32 to index
          %get3A_855 = arith.constant 32 : index
          %get3A_856 = tpu.vector_load %arg11[%get3A_854, %get3A_855] {strides = array<i32>} : memref<64x64xf32, #tpu.memory_space<vmem>>, vector<16xf32>,
          %mul3A_857 = arith.mulf %get3A_856, %broadcast_in_dim3A_827 : vector<16xf32>
          %swap3A_858 = arith.index_cast %add3A_831 : i32 to index
          %swap3A_859 = arith.constant 32 : index
          %swap3A_860 = tpu.vector_load %arg11[%swap3A_858, %swap3A_859] {strides = array<i32>} : memref<64x64xf32, #tpu.memory_space<vmem>>, vector<16xf32>,
          tpu.vector_store %arg11[%swap3A_858, %swap3A_859], %mul3A_857 {strides = array<i32>} : memref<64x64xf32, #tpu.memory_space<vmem>>, vector<16xf32>,
          %mul3A_861 = arith.mulf %mul3A_857, %broadcast_in_dim3A_827 : vector<16xf32>
          %swap3A_862 = arith.index_cast %add3A_831 : i32 to index
          %swap3A_863 = arith.constant 32 : index
          %swap3A_864 = tpu.vector_load %arg12[%swap3A_862, %swap3A_863] {strides = array<i32>} : memref<64x64xf32, #tpu.memory_space<vmem>>, vector<16xf32>,
          tpu.vector_store %arg12[%swap3A_862, %swap3A_863], %mul3A_861 {strides = array<i32>} : memref<64x64xf32, #tpu.memory_space<vmem>>, vector<16xf32>,
          %get3A_865 = arith.index_cast %add3A_831 : i32 to index
          %get3A_866 = arith.constant 48 : index
          %get3A_867 = tpu.vector_load %arg11[%get3A_865, %get3A_866] {strides = array<i32>} : memref<64x64xf32, #tpu.memory_space<vmem>>, vector<16xf32>,
          %mul3A_868 = arith.mulf %get3A_867, %broadcast_in_dim3A_827 : vector<16xf32>
          %swap3A_869 = arith.index_cast %add3A_831 : i32 to index
          %swap3A_870 = arith.constant 48 : index
          %swap3A_871 = tpu.vector_load %arg11[%swap3A_869, %swap3A_870] {strides = array<i32>} : memref<64x64xf32, #tpu.memory_space<vmem>>, vector<16xf32>,
          tpu.vector_store %arg11[%swap3A_869, %swap3A_870], %mul3A_868 {strides = array<i32>} : memref<64x64xf32, #tpu.memory_space<vmem>>, vector<16xf32>,
          %mul3A_872 = arith.mulf %mul3A_868, %broadcast_in_dim3A_827 : vector<16xf32>
          %swap3A_873 = arith.index_cast %add3A_831 : i32 to index
          %swap3A_874 = arith.constant 48 : index
          %swap3A_875 = tpu.vector_load %arg12[%swap3A_873, %swap3A_874] {strides = array<i32>} : memref<64x64xf32, #tpu.memory_space<vmem>>, vector<16xf32>,
          tpu.vector_store %arg12[%swap3A_873, %swap3A_874], %mul3A_872 {strides = array<i32>} : memref<64x64xf32, #tpu.memory_space<vmem>>, vector<16xf32>,
          %slice3A_876 = vector.extract_strided_slice %get3A_317 {offsets = [11], sizes = [1], strides = [1]} : vector<16xf32> to vector<1xf32>
          %squeeze3A_877 = vector.extract %slice3A_876[0] : f32 from vector<1xf32>
          %broadcast_in_dim3A_878 = vector.broadcast %squeeze3A_877 : f32 to vector<16xf32>
          %mul3A_879 = arith.constant 16 : i32
          %mul3A_880 = arith.muli %scan3A_312, %mul3A_879 : i32
          %add3A_881 = arith.constant 11 : i32
          %add3A_882 = arith.addi %mul3A_880, %add3A_881 : i32
          %get3A_883 = arith.index_cast %add3A_882 : i32 to index
          %get3A_884 = arith.constant 0 : index
          %get3A_885 = tpu.vector_load %arg11[%get3A_883, %get3A_884] {strides = array<i32>} : memref<64x64xf32, #tpu.memory_space<vmem>>, vector<16xf32>,
          %mul3A_886 = arith.mulf %get3A_885, %broadcast_in_dim3A_878 : vector<16xf32>
          %swap3A_887 = arith.index_cast %add3A_882 : i32 to index
          %swap3A_888 = arith.constant 0 : index
          %swap3A_889 = tpu.vector_load %arg11[%swap3A_887, %swap3A_888] {strides = array<i32>} : memref<64x64xf32, #tpu.memory_space<vmem>>, vector<16xf32>,
          tpu.vector_store %arg11[%swap3A_887, %swap3A_888], %mul3A_886 {strides = array<i32>} : memref<64x64xf32, #tpu.memory_space<vmem>>, vector<16xf32>,
          %mul3A_890 = arith.mulf %mul3A_886, %broadcast_in_dim3A_878 : vector<16xf32>
          %swap3A_891 = arith.index_cast %add3A_882 : i32 to index
          %swap3A_892 = arith.constant 0 : index
          %swap3A_893 = tpu.vector_load %arg12[%swap3A_891, %swap3A_892] {strides = array<i32>} : memref<64x64xf32, #tpu.memory_space<vmem>>, vector<16xf32>,
          tpu.vector_store %arg12[%swap3A_891, %swap3A_892], %mul3A_890 {strides = array<i32>} : memref<64x64xf32, #tpu.memory_space<vmem>>, vector<16xf32>,
          %get3A_894 = arith.index_cast %add3A_882 : i32 to index
          %get3A_895 = arith.constant 16 : index
          %get3A_896 = tpu.vector_load %arg11[%get3A_894, %get3A_895] {strides = array<i32>} : memref<64x64xf32, #tpu.memory_space<vmem>>, vector<16xf32>,
          %mul3A_897 = arith.mulf %get3A_896, %broadcast_in_dim3A_878 : vector<16xf32>
          %swap3A_898 = arith.index_cast %add3A_882 : i32 to index
          %swap3A_899 = arith.constant 16 : index
          %swap3A_900 = tpu.vector_load %arg11[%swap3A_898, %swap3A_899] {strides = array<i32>} : memref<64x64xf32, #tpu.memory_space<vmem>>, vector<16xf32>,
          tpu.vector_store %arg11[%swap3A_898, %swap3A_899], %mul3A_897 {strides = array<i32>} : memref<64x64xf32, #tpu.memory_space<vmem>>, vector<16xf32>,
          %mul3A_901 = arith.mulf %mul3A_897, %broadcast_in_dim3A_878 : vector<16xf32>
          %swap3A_902 = arith.index_cast %add3A_882 : i32 to index
          %swap3A_903 = arith.constant 16 : index
          %swap3A_904 = tpu.vector_load %arg12[%swap3A_902, %swap3A_903] {strides = array<i32>} : memref<64x64xf32, #tpu.memory_space<vmem>>, vector<16xf32>,
          tpu.vector_store %arg12[%swap3A_902, %swap3A_903], %mul3A_901 {strides = array<i32>} : memref<64x64xf32, #tpu.memory_space<vmem>>, vector<16xf32>,
          %get3A_905 = arith.index_cast %add3A_882 : i32 to index
          %get3A_906 = arith.constant 32 : index
          %get3A_907 = tpu.vector_load %arg11[%get3A_905, %get3A_906] {strides = array<i32>} : memref<64x64xf32, #tpu.memory_space<vmem>>, vector<16xf32>,
          %mul3A_908 = arith.mulf %get3A_907, %broadcast_in_dim3A_878 : vector<16xf32>
          %swap3A_909 = arith.index_cast %add3A_882 : i32 to index
          %swap3A_910 = arith.constant 32 : index
          %swap3A_911 = tpu.vector_load %arg11[%swap3A_909, %swap3A_910] {strides = array<i32>} : memref<64x64xf32, #tpu.memory_space<vmem>>, vector<16xf32>,
          tpu.vector_store %arg11[%swap3A_909, %swap3A_910], %mul3A_908 {strides = array<i32>} : memref<64x64xf32, #tpu.memory_space<vmem>>, vector<16xf32>,
          %mul3A_912 = arith.mulf %mul3A_908, %broadcast_in_dim3A_878 : vector<16xf32>
          %swap3A_913 = arith.index_cast %add3A_882 : i32 to index
          %swap3A_914 = arith.constant 32 : index
          %swap3A_915 = tpu.vector_load %arg12[%swap3A_913, %swap3A_914] {strides = array<i32>} : memref<64x64xf32, #tpu.memory_space<vmem>>, vector<16xf32>,
          tpu.vector_store %arg12[%swap3A_913, %swap3A_914], %mul3A_912 {strides = array<i32>} : memref<64x64xf32, #tpu.memory_space<vmem>>, vector<16xf32>,
          %get3A_916 = arith.index_cast %add3A_882 : i32 to index
          %get3A_917 = arith.constant 48 : index
          %get3A_918 = tpu.vector_load %arg11[%get3A_916, %get3A_917] {strides = array<i32>} : memref<64x64xf32, #tpu.memory_space<vmem>>, vector<16xf32>,
          %mul3A_919 = arith.mulf %get3A_918, %broadcast_in_dim3A_878 : vector<16xf32>
          %swap3A_920 = arith.index_cast %add3A_882 : i32 to index
          %swap3A_921 = arith.constant 48 : index
          %swap3A_922 = tpu.vector_load %arg11[%swap3A_920, %swap3A_921] {strides = array<i32>} : memref<64x64xf32, #tpu.memory_space<vmem>>, vector<16xf32>,
          tpu.vector_store %arg11[%swap3A_920, %swap3A_921], %mul3A_919 {strides = array<i32>} : memref<64x64xf32, #tpu.memory_space<vmem>>, vector<16xf32>,
          %mul3A_923 = arith.mulf %mul3A_919, %broadcast_in_dim3A_878 : vector<16xf32>
          %swap3A_924 = arith.index_cast %add3A_882 : i32 to index
          %swap3A_925 = arith.constant 48 : index
          %swap3A_926 = tpu.vector_load %arg12[%swap3A_924, %swap3A_925] {strides = array<i32>} : memref<64x64xf32, #tpu.memory_space<vmem>>, vector<16xf32>,
          tpu.vector_store %arg12[%swap3A_924, %swap3A_925], %mul3A_923 {strides = array<i32>} : memref<64x64xf32, #tpu.memory_space<vmem>>, vector<16xf32>,
          %slice3A_927 = vector.extract_strided_slice %get3A_317 {offsets = [12], sizes = [1], strides = [1]} : vector<16xf32> to vector<1xf32>
          %squeeze3A_928 = vector.extract %slice3A_927[0] : f32 from vector<1xf32>
          %broadcast_in_dim3A_929 = vector.broadcast %squeeze3A_928 : f32 to vector<16xf32>
          %mul3A_930 = arith.constant 16 : i32
          %mul3A_931 = arith.muli %scan3A_312, %mul3A_930 : i32
          %add3A_932 = arith.constant 12 : i32
          %add3A_933 = arith.addi %mul3A_931, %add3A_932 : i32
          %get3A_934 = arith.index_cast %add3A_933 : i32 to index
          %get3A_935 = arith.constant 0 : index
          %get3A_936 = tpu.vector_load %arg11[%get3A_934, %get3A_935] {strides = array<i32>} : memref<64x64xf32, #tpu.memory_space<vmem>>, vector<16xf32>,
          %mul3A_937 = arith.mulf %get3A_936, %broadcast_in_dim3A_929 : vector<16xf32>
          %swap3A_938 = arith.index_cast %add3A_933 : i32 to index
          %swap3A_939 = arith.constant 0 : index
          %swap3A_940 = tpu.vector_load %arg11[%swap3A_938, %swap3A_939] {strides = array<i32>} : memref<64x64xf32, #tpu.memory_space<vmem>>, vector<16xf32>,
          tpu.vector_store %arg11[%swap3A_938, %swap3A_939], %mul3A_937 {strides = array<i32>} : memref<64x64xf32, #tpu.memory_space<vmem>>, vector<16xf32>,
          %mul3A_941 = arith.mulf %mul3A_937, %broadcast_in_dim3A_929 : vector<16xf32>
          %swap3A_942 = arith.index_cast %add3A_933 : i32 to index
          %swap3A_943 = arith.constant 0 : index
          %swap3A_944 = tpu.vector_load %arg12[%swap3A_942, %swap3A_943] {strides = array<i32>} : memref<64x64xf32, #tpu.memory_space<vmem>>, vector<16xf32>,
          tpu.vector_store %arg12[%swap3A_942, %swap3A_943], %mul3A_941 {strides = array<i32>} : memref<64x64xf32, #tpu.memory_space<vmem>>, vector<16xf32>,
          %get3A_945 = arith.index_cast %add3A_933 : i32 to index
          %get3A_946 = arith.constant 16 : index
          %get3A_947 = tpu.vector_load %arg11[%get3A_945, %get3A_946] {strides = array<i32>} : memref<64x64xf32, #tpu.memory_space<vmem>>, vector<16xf32>,
          %mul3A_948 = arith.mulf %get3A_947, %broadcast_in_dim3A_929 : vector<16xf32>
          %swap3A_949 = arith.index_cast %add3A_933 : i32 to index
          %swap3A_950 = arith.constant 16 : index
          %swap3A_951 = tpu.vector_load %arg11[%swap3A_949, %swap3A_950] {strides = array<i32>} : memref<64x64xf32, #tpu.memory_space<vmem>>, vector<16xf32>,
          tpu.vector_store %arg11[%swap3A_949, %swap3A_950], %mul3A_948 {strides = array<i32>} : memref<64x64xf32, #tpu.memory_space<vmem>>, vector<16xf32>,
          %mul3A_952 = arith.mulf %mul3A_948, %broadcast_in_dim3A_929 : vector<16xf32>
          %swap3A_953 = arith.index_cast %add3A_933 : i32 to index
          %swap3A_954 = arith.constant 16 : index
          %swap3A_955 = tpu.vector_load %arg12[%swap3A_953, %swap3A_954] {strides = array<i32>} : memref<64x64xf32, #tpu.memory_space<vmem>>, vector<16xf32>,
          tpu.vector_store %arg12[%swap3A_953, %swap3A_954], %mul3A_952 {strides = array<i32>} : memref<64x64xf32, #tpu.memory_space<vmem>>, vector<16xf32>,
          %get3A_956 = arith.index_cast %add3A_933 : i32 to index
          %get3A_957 = arith.constant 32 : index
          %get3A_958 = tpu.vector_load %arg11[%get3A_956, %get3A_957] {strides = array<i32>} : memref<64x64xf32, #tpu.memory_space<vmem>>, vector<16xf32>,
          %mul3A_959 = arith.mulf %get3A_958, %broadcast_in_dim3A_929 : vector<16xf32>
          %swap3A_960 = arith.index_cast %add3A_933 : i32 to index
          %swap3A_961 = arith.constant 32 : index
          %swap3A_962 = tpu.vector_load %arg11[%swap3A_960, %swap3A_961] {strides = array<i32>} : memref<64x64xf32, #tpu.memory_space<vmem>>, vector<16xf32>,
          tpu.vector_store %arg11[%swap3A_960, %swap3A_961], %mul3A_959 {strides = array<i32>} : memref<64x64xf32, #tpu.memory_space<vmem>>, vector<16xf32>,
          %mul3A_963 = arith.mulf %mul3A_959, %broadcast_in_dim3A_929 : vector<16xf32>
          %swap3A_964 = arith.index_cast %add3A_933 : i32 to index
          %swap3A_965 = arith.constant 32 : index
          %swap3A_966 = tpu.vector_load %arg12[%swap3A_964, %swap3A_965] {strides = array<i32>} : memref<64x64xf32, #tpu.memory_space<vmem>>, vector<16xf32>,
          tpu.vector_store %arg12[%swap3A_964, %swap3A_965], %mul3A_963 {strides = array<i32>} : memref<64x64xf32, #tpu.memory_space<vmem>>, vector<16xf32>,
          %get3A_967 = arith.index_cast %add3A_933 : i32 to index
          %get3A_968 = arith.constant 48 : index
          %get3A_969 = tpu.vector_load %arg11[%get3A_967, %get3A_968] {strides = array<i32>} : memref<64x64xf32, #tpu.memory_space<vmem>>, vector<16xf32>,
          %mul3A_970 = arith.mulf %get3A_969, %broadcast_in_dim3A_929 : vector<16xf32>
          %swap3A_971 = arith.index_cast %add3A_933 : i32 to index
          %swap3A_972 = arith.constant 48 : index
          %swap3A_973 = tpu.vector_load %arg11[%swap3A_971, %swap3A_972] {strides = array<i32>} : memref<64x64xf32, #tpu.memory_space<vmem>>, vector<16xf32>,
          tpu.vector_store %arg11[%swap3A_971, %swap3A_972], %mul3A_970 {strides = array<i32>} : memref<64x64xf32, #tpu.memory_space<vmem>>, vector<16xf32>,
          %mul3A_974 = arith.mulf %mul3A_970, %broadcast_in_dim3A_929 : vector<16xf32>
          %swap3A_975 = arith.index_cast %add3A_933 : i32 to index
          %swap3A_976 = arith.constant 48 : index
          %swap3A_977 = tpu.vector_load %arg12[%swap3A_975, %swap3A_976] {strides = array<i32>} : memref<64x64xf32, #tpu.memory_space<vmem>>, vector<16xf32>,
          tpu.vector_store %arg12[%swap3A_975, %swap3A_976], %mul3A_974 {strides = array<i32>} : memref<64x64xf32, #tpu.memory_space<vmem>>, vector<16xf32>,
          %slice3A_978 = vector.extract_strided_slice %get3A_317 {offsets = [13], sizes = [1], strides = [1]} : vector<16xf32> to vector<1xf32>
          %squeeze3A_979 = vector.extract %slice3A_978[0] : f32 from vector<1xf32>
          %broadcast_in_dim3A_980 = vector.broadcast %squeeze3A_979 : f32 to vector<16xf32>
          %mul3A_981 = arith.constant 16 : i32
          %mul3A_982 = arith.muli %scan3A_312, %mul3A_981 : i32
          %add3A_983 = arith.constant 13 : i32
          %add3A_984 = arith.addi %mul3A_982, %add3A_983 : i32
          %get3A_985 = arith.index_cast %add3A_984 : i32 to index
          %get3A_986 = arith.constant 0 : index
          %get3A_987 = tpu.vector_load %arg11[%get3A_985, %get3A_986] {strides = array<i32>} : memref<64x64xf32, #tpu.memory_space<vmem>>, vector<16xf32>,
          %mul3A_988 = arith.mulf %get3A_987, %broadcast_in_dim3A_980 : vector<16xf32>
          %swap3A_989 = arith.index_cast %add3A_984 : i32 to index
          %swap3A_990 = arith.constant 0 : index
          %swap3A_991 = tpu.vector_load %arg11[%swap3A_989, %swap3A_990] {strides = array<i32>} : memref<64x64xf32, #tpu.memory_space<vmem>>, vector<16xf32>,
          tpu.vector_store %arg11[%swap3A_989, %swap3A_990], %mul3A_988 {strides = array<i32>} : memref<64x64xf32, #tpu.memory_space<vmem>>, vector<16xf32>,
          %mul3A_992 = arith.mulf %mul3A_988, %broadcast_in_dim3A_980 : vector<16xf32>
          %swap3A_993 = arith.index_cast %add3A_984 : i32 to index
          %swap3A_994 = arith.constant 0 : index
          %swap3A_995 = tpu.vector_load %arg12[%swap3A_993, %swap3A_994] {strides = array<i32>} : memref<64x64xf32, #tpu.memory_space<vmem>>, vector<16xf32>,
          tpu.vector_store %arg12[%swap3A_993, %swap3A_994], %mul3A_992 {strides = array<i32>} : memref<64x64xf32, #tpu.memory_space<vmem>>, vector<16xf32>,
          %get3A_996 = arith.index_cast %add3A_984 : i32 to index
          %get3A_997 = arith.constant 16 : index
          %get3A_998 = tpu.vector_load %arg11[%get3A_996, %get3A_997] {strides = array<i32>} : memref<64x64xf32, #tpu.memory_space<vmem>>, vector<16xf32>,
          %mul3A_999 = arith.mulf %get3A_998, %broadcast_in_dim3A_980 : vector<16xf32>
          %swap3A_1000 = arith.index_cast %add3A_984 : i32 to index
          %swap3A_1001 = arith.constant 16 : index
          %swap3A_1002 = tpu.vector_load %arg11[%swap3A_1000, %swap3A_1001] {strides = array<i32>} : memref<64x64xf32, #tpu.memory_space<vmem>>, vector<16xf32>,
          tpu.vector_store %arg11[%swap3A_1000, %swap3A_1001], %mul3A_999 {strides = array<i32>} : memref<64x64xf32, #tpu.memory_space<vmem>>, vector<16xf32>,
          %mul3A_1003 = arith.mulf %mul3A_999, %broadcast_in_dim3A_980 : vector<16xf32>
          %swap3A_1004 = arith.index_cast %add3A_984 : i32 to index
          %swap3A_1005 = arith.constant 16 : index
          %swap3A_1006 = tpu.vector_load %arg12[%swap3A_1004, %swap3A_1005] {strides = array<i32>} : memref<64x64xf32, #tpu.memory_space<vmem>>, vector<16xf32>,
          tpu.vector_store %arg12[%swap3A_1004, %swap3A_1005], %mul3A_1003 {strides = array<i32>} : memref<64x64xf32, #tpu.memory_space<vmem>>, vector<16xf32>,
          %get3A_1007 = arith.index_cast %add3A_984 : i32 to index
          %get3A_1008 = arith.constant 32 : index
          %get3A_1009 = tpu.vector_load %arg11[%get3A_1007, %get3A_1008] {strides = array<i32>} : memref<64x64xf32, #tpu.memory_space<vmem>>, vector<16xf32>,
          %mul3A_1010 = arith.mulf %get3A_1009, %broadcast_in_dim3A_980 : vector<16xf32>
          %swap3A_1011 = arith.index_cast %add3A_984 : i32 to index
          %swap3A_1012 = arith.constant 32 : index
          %swap3A_1013 = tpu.vector_load %arg11[%swap3A_1011, %swap3A_1012] {strides = array<i32>} : memref<64x64xf32, #tpu.memory_space<vmem>>, vector<16xf32>,
          tpu.vector_store %arg11[%swap3A_1011, %swap3A_1012], %mul3A_1010 {strides = array<i32>} : memref<64x64xf32, #tpu.memory_space<vmem>>, vector<16xf32>,
          %mul3A_1014 = arith.mulf %mul3A_1010, %broadcast_in_dim3A_980 : vector<16xf32>
          %swap3A_1015 = arith.index_cast %add3A_984 : i32 to index
          %swap3A_1016 = arith.constant 32 : index
          %swap3A_1017 = tpu.vector_load %arg12[%swap3A_1015, %swap3A_1016] {strides = array<i32>} : memref<64x64xf32, #tpu.memory_space<vmem>>, vector<16xf32>,
          tpu.vector_store %arg12[%swap3A_1015, %swap3A_1016], %mul3A_1014 {strides = array<i32>} : memref<64x64xf32, #tpu.memory_space<vmem>>, vector<16xf32>,
          %get3A_1018 = arith.index_cast %add3A_984 : i32 to index
          %get3A_1019 = arith.constant 48 : index
          %get3A_1020 = tpu.vector_load %arg11[%get3A_1018, %get3A_1019] {strides = array<i32>} : memref<64x64xf32, #tpu.memory_space<vmem>>, vector<16xf32>,
          %mul3A_1021 = arith.mulf %get3A_1020, %broadcast_in_dim3A_980 : vector<16xf32>
          %swap3A_1022 = arith.index_cast %add3A_984 : i32 to index
          %swap3A_1023 = arith.constant 48 : index
          %swap3A_1024 = tpu.vector_load %arg11[%swap3A_1022, %swap3A_1023] {strides = array<i32>} : memref<64x64xf32, #tpu.memory_space<vmem>>, vector<16xf32>,
          tpu.vector_store %arg11[%swap3A_1022, %swap3A_1023], %mul3A_1021 {strides = array<i32>} : memref<64x64xf32, #tpu.memory_space<vmem>>, vector<16xf32>,
          %mul3A_1025 = arith.mulf %mul3A_1021, %broadcast_in_dim3A_980 : vector<16xf32>
          %swap3A_1026 = arith.index_cast %add3A_984 : i32 to index
          %swap3A_1027 = arith.constant 48 : index
          %swap3A_1028 = tpu.vector_load %arg12[%swap3A_1026, %swap3A_1027] {strides = array<i32>} : memref<64x64xf32, #tpu.memory_space<vmem>>, vector<16xf32>,
          tpu.vector_store %arg12[%swap3A_1026, %swap3A_1027], %mul3A_1025 {strides = array<i32>} : memref<64x64xf32, #tpu.memory_space<vmem>>, vector<16xf32>,
          %slice3A_1029 = vector.extract_strided_slice %get3A_317 {offsets = [14], sizes = [1], strides = [1]} : vector<16xf32> to vector<1xf32>
          %squeeze3A_1030 = vector.extract %slice3A_1029[0] : f32 from vector<1xf32>
          %broadcast_in_dim3A_1031 = vector.broadcast %squeeze3A_1030 : f32 to vector<16xf32>
          %mul3A_1032 = arith.constant 16 : i32
          %mul3A_1033 = arith.muli %scan3A_312, %mul3A_1032 : i32
          %add3A_1034 = arith.constant 14 : i32
          %add3A_1035 = arith.addi %mul3A_1033, %add3A_1034 : i32
          %get3A_1036 = arith.index_cast %add3A_1035 : i32 to index
          %get3A_1037 = arith.constant 0 : index
          %get3A_1038 = tpu.vector_load %arg11[%get3A_1036, %get3A_1037] {strides = array<i32>} : memref<64x64xf32, #tpu.memory_space<vmem>>, vector<16xf32>,
          %mul3A_1039 = arith.mulf %get3A_1038, %broadcast_in_dim3A_1031 : vector<16xf32>
          %swap3A_1040 = arith.index_cast %add3A_1035 : i32 to index
          %swap3A_1041 = arith.constant 0 : index
          %swap3A_1042 = tpu.vector_load %arg11[%swap3A_1040, %swap3A_1041] {strides = array<i32>} : memref<64x64xf32, #tpu.memory_space<vmem>>, vector<16xf32>,
          tpu.vector_store %arg11[%swap3A_1040, %swap3A_1041], %mul3A_1039 {strides = array<i32>} : memref<64x64xf32, #tpu.memory_space<vmem>>, vector<16xf32>,
          %mul3A_1043 = arith.mulf %mul3A_1039, %broadcast_in_dim3A_1031 : vector<16xf32>
          %swap3A_1044 = arith.index_cast %add3A_1035 : i32 to index
          %swap3A_1045 = arith.constant 0 : index
          %swap3A_1046 = tpu.vector_load %arg12[%swap3A_1044, %swap3A_1045] {strides = array<i32>} : memref<64x64xf32, #tpu.memory_space<vmem>>, vector<16xf32>,
          tpu.vector_store %arg12[%swap3A_1044, %swap3A_1045], %mul3A_1043 {strides = array<i32>} : memref<64x64xf32, #tpu.memory_space<vmem>>, vector<16xf32>,
          %get3A_1047 = arith.index_cast %add3A_1035 : i32 to index
          %get3A_1048 = arith.constant 16 : index
          %get3A_1049 = tpu.vector_load %arg11[%get3A_1047, %get3A_1048] {strides = array<i32>} : memref<64x64xf32, #tpu.memory_space<vmem>>, vector<16xf32>,
          %mul3A_1050 = arith.mulf %get3A_1049, %broadcast_in_dim3A_1031 : vector<16xf32>
          %swap3A_1051 = arith.index_cast %add3A_1035 : i32 to index
          %swap3A_1052 = arith.constant 16 : index
          %swap3A_1053 = tpu.vector_load %arg11[%swap3A_1051, %swap3A_1052] {strides = array<i32>} : memref<64x64xf32, #tpu.memory_space<vmem>>, vector<16xf32>,
          tpu.vector_store %arg11[%swap3A_1051, %swap3A_1052], %mul3A_1050 {strides = array<i32>} : memref<64x64xf32, #tpu.memory_space<vmem>>, vector<16xf32>,
          %mul3A_1054 = arith.mulf %mul3A_1050, %broadcast_in_dim3A_1031 : vector<16xf32>
          %swap3A_1055 = arith.index_cast %add3A_1035 : i32 to index
          %swap3A_1056 = arith.constant 16 : index
          %swap3A_1057 = tpu.vector_load %arg12[%swap3A_1055, %swap3A_1056] {strides = array<i32>} : memref<64x64xf32, #tpu.memory_space<vmem>>, vector<16xf32>,
          tpu.vector_store %arg12[%swap3A_1055, %swap3A_1056], %mul3A_1054 {strides = array<i32>} : memref<64x64xf32, #tpu.memory_space<vmem>>, vector<16xf32>,
          %get3A_1058 = arith.index_cast %add3A_1035 : i32 to index
          %get3A_1059 = arith.constant 32 : index
          %get3A_1060 = tpu.vector_load %arg11[%get3A_1058, %get3A_1059] {strides = array<i32>} : memref<64x64xf32, #tpu.memory_space<vmem>>, vector<16xf32>,
          %mul3A_1061 = arith.mulf %get3A_1060, %broadcast_in_dim3A_1031 : vector<16xf32>
          %swap3A_1062 = arith.index_cast %add3A_1035 : i32 to index
          %swap3A_1063 = arith.constant 32 : index
          %swap3A_1064 = tpu.vector_load %arg11[%swap3A_1062, %swap3A_1063] {strides = array<i32>} : memref<64x64xf32, #tpu.memory_space<vmem>>, vector<16xf32>,
          tpu.vector_store %arg11[%swap3A_1062, %swap3A_1063], %mul3A_1061 {strides = array<i32>} : memref<64x64xf32, #tpu.memory_space<vmem>>, vector<16xf32>,
          %mul3A_1065 = arith.mulf %mul3A_1061, %broadcast_in_dim3A_1031 : vector<16xf32>
          %swap3A_1066 = arith.index_cast %add3A_1035 : i32 to index
          %swap3A_1067 = arith.constant 32 : index
          %swap3A_1068 = tpu.vector_load %arg12[%swap3A_1066, %swap3A_1067] {strides = array<i32>} : memref<64x64xf32, #tpu.memory_space<vmem>>, vector<16xf32>,
          tpu.vector_store %arg12[%swap3A_1066, %swap3A_1067], %mul3A_1065 {strides = array<i32>} : memref<64x64xf32, #tpu.memory_space<vmem>>, vector<16xf32>,
          %get3A_1069 = arith.index_cast %add3A_1035 : i32 to index
          %get3A_1070 = arith.constant 48 : index
          %get3A_1071 = tpu.vector_load %arg11[%get3A_1069, %get3A_1070] {strides = array<i32>} : memref<64x64xf32, #tpu.memory_space<vmem>>, vector<16xf32>,
          %mul3A_1072 = arith.mulf %get3A_1071, %broadcast_in_dim3A_1031 : vector<16xf32>
          %swap3A_1073 = arith.index_cast %add3A_1035 : i32 to index
          %swap3A_1074 = arith.constant 48 : index
          %swap3A_1075 = tpu.vector_load %arg11[%swap3A_1073, %swap3A_1074] {strides = array<i32>} : memref<64x64xf32, #tpu.memory_space<vmem>>, vector<16xf32>,
          tpu.vector_store %arg11[%swap3A_1073, %swap3A_1074], %mul3A_1072 {strides = array<i32>} : memref<64x64xf32, #tpu.memory_space<vmem>>, vector<16xf32>,
          %mul3A_1076 = arith.mulf %mul3A_1072, %broadcast_in_dim3A_1031 : vector<16xf32>
          %swap3A_1077 = arith.index_cast %add3A_1035 : i32 to index
          %swap3A_1078 = arith.constant 48 : index
          %swap3A_1079 = tpu.vector_load %arg12[%swap3A_1077, %swap3A_1078] {strides = array<i32>} : memref<64x64xf32, #tpu.memory_space<vmem>>, vector<16xf32>,
          tpu.vector_store %arg12[%swap3A_1077, %swap3A_1078], %mul3A_1076 {strides = array<i32>} : memref<64x64xf32, #tpu.memory_space<vmem>>, vector<16xf32>,
          %slice3A_1080 = vector.extract_strided_slice %get3A_317 {offsets = [15], sizes = [1], strides = [1]} : vector<16xf32> to vector<1xf32>
          %squeeze3A_1081 = vector.extract %slice3A_1080[0] : f32 from vector<1xf32>
          %broadcast_in_dim3A_1082 = vector.broadcast %squeeze3A_1081 : f32 to vector<16xf32>
          %mul3A_1083 = arith.constant 16 : i32
          %mul3A_1084 = arith.muli %scan3A_312, %mul3A_1083 : i32
          %add3A_1085 = arith.constant 15 : i32
          %add3A_1086 = arith.addi %mul3A_1084, %add3A_1085 : i32
          %get3A_1087 = arith.index_cast %add3A_1086 : i32 to index
          %get3A_1088 = arith.constant 0 : index
          %get3A_1089 = tpu.vector_load %arg11[%get3A_1087, %get3A_1088] {strides = array<i32>} : memref<64x64xf32, #tpu.memory_space<vmem>>, vector<16xf32>,
          %mul3A_1090 = arith.mulf %get3A_1089, %broadcast_in_dim3A_1082 : vector<16xf32>
          %swap3A_1091 = arith.index_cast %add3A_1086 : i32 to index
          %swap3A_1092 = arith.constant 0 : index
          %swap3A_1093 = tpu.vector_load %arg11[%swap3A_1091, %swap3A_1092] {strides = array<i32>} : memref<64x64xf32, #tpu.memory_space<vmem>>, vector<16xf32>,
          tpu.vector_store %arg11[%swap3A_1091, %swap3A_1092], %mul3A_1090 {strides = array<i32>} : memref<64x64xf32, #tpu.memory_space<vmem>>, vector<16xf32>,
          %mul3A_1094 = arith.mulf %mul3A_1090, %broadcast_in_dim3A_1082 : vector<16xf32>
          %swap3A_1095 = arith.index_cast %add3A_1086 : i32 to index
          %swap3A_1096 = arith.constant 0 : index
          %swap3A_1097 = tpu.vector_load %arg12[%swap3A_1095, %swap3A_1096] {strides = array<i32>} : memref<64x64xf32, #tpu.memory_space<vmem>>, vector<16xf32>,
          tpu.vector_store %arg12[%swap3A_1095, %swap3A_1096], %mul3A_1094 {strides = array<i32>} : memref<64x64xf32, #tpu.memory_space<vmem>>, vector<16xf32>,
          %get3A_1098 = arith.index_cast %add3A_1086 : i32 to index
          %get3A_1099 = arith.constant 16 : index
          %get3A_1100 = tpu.vector_load %arg11[%get3A_1098, %get3A_1099] {strides = array<i32>} : memref<64x64xf32, #tpu.memory_space<vmem>>, vector<16xf32>,
          %mul3A_1101 = arith.mulf %get3A_1100, %broadcast_in_dim3A_1082 : vector<16xf32>
          %swap3A_1102 = arith.index_cast %add3A_1086 : i32 to index
          %swap3A_1103 = arith.constant 16 : index
          %swap3A_1104 = tpu.vector_load %arg11[%swap3A_1102, %swap3A_1103] {strides = array<i32>} : memref<64x64xf32, #tpu.memory_space<vmem>>, vector<16xf32>,
          tpu.vector_store %arg11[%swap3A_1102, %swap3A_1103], %mul3A_1101 {strides = array<i32>} : memref<64x64xf32, #tpu.memory_space<vmem>>, vector<16xf32>,
          %mul3A_1105 = arith.mulf %mul3A_1101, %broadcast_in_dim3A_1082 : vector<16xf32>
          %swap3A_1106 = arith.index_cast %add3A_1086 : i32 to index
          %swap3A_1107 = arith.constant 16 : index
          %swap3A_1108 = tpu.vector_load %arg12[%swap3A_1106, %swap3A_1107] {strides = array<i32>} : memref<64x64xf32, #tpu.memory_space<vmem>>, vector<16xf32>,
          tpu.vector_store %arg12[%swap3A_1106, %swap3A_1107], %mul3A_1105 {strides = array<i32>} : memref<64x64xf32, #tpu.memory_space<vmem>>, vector<16xf32>,
          %get3A_1109 = arith.index_cast %add3A_1086 : i32 to index
          %get3A_1110 = arith.constant 32 : index
          %get3A_1111 = tpu.vector_load %arg11[%get3A_1109, %get3A_1110] {strides = array<i32>} : memref<64x64xf32, #tpu.memory_space<vmem>>, vector<16xf32>,
          %mul3A_1112 = arith.mulf %get3A_1111, %broadcast_in_dim3A_1082 : vector<16xf32>
          %swap3A_1113 = arith.index_cast %add3A_1086 : i32 to index
          %swap3A_1114 = arith.constant 32 : index
          %swap3A_1115 = tpu.vector_load %arg11[%swap3A_1113, %swap3A_1114] {strides = array<i32>} : memref<64x64xf32, #tpu.memory_space<vmem>>, vector<16xf32>,
          tpu.vector_store %arg11[%swap3A_1113, %swap3A_1114], %mul3A_1112 {strides = array<i32>} : memref<64x64xf32, #tpu.memory_space<vmem>>, vector<16xf32>,
          %mul3A_1116 = arith.mulf %mul3A_1112, %broadcast_in_dim3A_1082 : vector<16xf32>
          %swap3A_1117 = arith.index_cast %add3A_1086 : i32 to index
          %swap3A_1118 = arith.constant 32 : index
          %swap3A_1119 = tpu.vector_load %arg12[%swap3A_1117, %swap3A_1118] {strides = array<i32>} : memref<64x64xf32, #tpu.memory_space<vmem>>, vector<16xf32>,
          tpu.vector_store %arg12[%swap3A_1117, %swap3A_1118], %mul3A_1116 {strides = array<i32>} : memref<64x64xf32, #tpu.memory_space<vmem>>, vector<16xf32>,
          %get3A_1120 = arith.index_cast %add3A_1086 : i32 to index
          %get3A_1121 = arith.constant 48 : index
          %get3A_1122 = tpu.vector_load %arg11[%get3A_1120, %get3A_1121] {strides = array<i32>} : memref<64x64xf32, #tpu.memory_space<vmem>>, vector<16xf32>,
          %mul3A_1123 = arith.mulf %get3A_1122, %broadcast_in_dim3A_1082 : vector<16xf32>
          %swap3A_1124 = arith.index_cast %add3A_1086 : i32 to index
          %swap3A_1125 = arith.constant 48 : index
          %swap3A_1126 = tpu.vector_load %arg11[%swap3A_1124, %swap3A_1125] {strides = array<i32>} : memref<64x64xf32, #tpu.memory_space<vmem>>, vector<16xf32>,
          tpu.vector_store %arg11[%swap3A_1124, %swap3A_1125], %mul3A_1123 {strides = array<i32>} : memref<64x64xf32, #tpu.memory_space<vmem>>, vector<16xf32>,
          %mul3A_1127 = arith.mulf %mul3A_1123, %broadcast_in_dim3A_1082 : vector<16xf32>
          %swap3A_1128 = arith.index_cast %add3A_1086 : i32 to index
          %swap3A_1129 = arith.constant 48 : index
          %swap3A_1130 = tpu.vector_load %arg12[%swap3A_1128, %swap3A_1129] {strides = array<i32>} : memref<64x64xf32, #tpu.memory_space<vmem>>, vector<16xf32>,
          tpu.vector_store %arg12[%swap3A_1128, %swap3A_1129], %mul3A_1127 {strides = array<i32>} : memref<64x64xf32, #tpu.memory_space<vmem>>, vector<16xf32>,
          %scan3A_1131 = arith.constant 0 : i32
          scf.yield %scan3A_1131 : i32
        }
        %scan3A_301 = arith.constant 4 : i32
        "tpu.region"() ({
          %run_scoped3A = tpu.sem_alloc : memref<!tpu.dma_semaphore, #tpu.memory_space<semaphore_mem>>
          %dma_start3A_312 = arith.constant 0 : i32
          %dma_start3A_313 = tpu.memref_slice %arg5[%select_n3A, %add3A_165, %add3A_292, %dma_start3A_312] : memref<3x4x10240x64xf32, #tpu.memory_space<hbm>> -> memref<1x1x64x64xf32, #tpu.memory_space<hbm>>
          %dma_start3A_314 = tpu.memref_squeeze %dma_start3A_313 : memref<1x1x64x64xf32, #tpu.memory_space<hbm>> -> memref<64x64xf32, #tpu.memory_space<hbm>>
          %dma_start3A_315 = arith.constant 0 : i32
          %dma_start3A_316 = tpu.memref_slice %arg5[%select_n3A, %add3A_165, %add3A_292, %dma_start3A_315] : memref<3x4x10240x64xf32, #tpu.memory_space<hbm>> -> memref<1x1x64x64xf32, #tpu.memory_space<hbm>>
          %dma_start3A_317 = tpu.memref_squeeze %dma_start3A_316 : memref<1x1x64x64xf32, #tpu.memory_space<hbm>> -> memref<64x64xf32, #tpu.memory_space<hbm>>
          tpu.enqueue_dma source(%arg11 : memref<64x64xf32, #tpu.memory_space<vmem>>) target(%dma_start3A_317 : memref<64x64xf32, #tpu.memory_space<hbm>>) target_semaphore(%run_scoped3A : memref<!tpu.dma_semaphore, #tpu.memory_space<semaphore_mem>>)
          %dma_wait3A_318 = arith.constant 0 : i32
          %dma_wait3A_319 = tpu.memref_slice %arg5[%select_n3A, %add3A_165, %add3A_292, %dma_wait3A_318] : memref<3x4x10240x64xf32, #tpu.memory_space<hbm>> -> memref<1x1x64x64xf32, #tpu.memory_space<hbm>>
          %dma_wait3A_320 = tpu.memref_squeeze %dma_wait3A_319 : memref<1x1x64x64xf32, #tpu.memory_space<hbm>> -> memref<64x64xf32, #tpu.memory_space<hbm>>
          %dma_wait3A_321 = arith.constant 0 : i32
          %dma_wait3A_322 = tpu.memref_slice %arg5[%select_n3A, %add3A_165, %add3A_292, %dma_wait3A_321] : memref<3x4x10240x64xf32, #tpu.memory_space<hbm>> -> memref<1x1x64x64xf32, #tpu.memory_space<hbm>>
          %dma_wait3A_323 = tpu.memref_squeeze %dma_wait3A_322 : memref<1x1x64x64xf32, #tpu.memory_space<hbm>> -> memref<64x64xf32, #tpu.memory_space<hbm>>
          tpu.wait_dma2 semaphore(%run_scoped3A : memref<!tpu.dma_semaphore, #tpu.memory_space<semaphore_mem>>) src(%arg11 : memref<64x64xf32, #tpu.memory_space<vmem>>) dst(%dma_wait3A_323 : memref<64x64xf32, #tpu.memory_space<hbm>>)
          tpu.yield
        }) : () -> ()
        %lt3A_302 = arith.constant 2 : i32
        %lt3A_303 = arith.cmpi slt, %select_n3A, %lt3A_302 : i32
        %convert_element_type3A_304 = arith.extui %lt3A_303 : i1 to i32
        %cond3A_305 = arith.constant 0 : i32
        %cond3A_306 = arith.cmpi ne, %convert_element_type3A_304, %cond3A_305 : i32
        scf.if %cond3A_306 {
          %mul3A_312 = arith.constant 10240 : i32
          %mul3A_313 = arith.muli %add3A_165, %mul3A_312 : i32
          %add3A_314 = arith.addi %mul3A_313, %add3A_292 : i32
          "tpu.region"() ({
            %run_scoped3A = tpu.sem_alloc : memref<!tpu.dma_semaphore, #tpu.memory_space<semaphore_mem>>
            %dma_start3A_315 = arith.constant 0 : i32
            %dma_start3A_316 = tpu.memref_slice %arg6[%add3A_314, %dma_start3A_315] : memref<40960x64xf32, #tpu.memory_space<hbm>> -> memref<64x64xf32, #tpu.memory_space<hbm>>
            %dma_start3A_317 = arith.constant 0 : i32
            %dma_start3A_318 = tpu.memref_slice %arg6[%add3A_314, %dma_start3A_317] : memref<40960x64xf32, #tpu.memory_space<hbm>> -> memref<64x64xf32, #tpu.memory_space<hbm>>
            tpu.enqueue_dma source(%arg12 : memref<64x64xf32, #tpu.memory_space<vmem>>) target(%dma_start3A_318 : memref<64x64xf32, #tpu.memory_space<hbm>>) target_semaphore(%run_scoped3A : memref<!tpu.dma_semaphore, #tpu.memory_space<semaphore_mem>>)
            %dma_wait3A_319 = arith.constant 0 : i32
            %dma_wait3A_320 = tpu.memref_slice %arg6[%add3A_314, %dma_wait3A_319] : memref<40960x64xf32, #tpu.memory_space<hbm>> -> memref<64x64xf32, #tpu.memory_space<hbm>>
            %dma_wait3A_321 = arith.constant 0 : i32
            %dma_wait3A_322 = tpu.memref_slice %arg6[%add3A_314, %dma_wait3A_321] : memref<40960x64xf32, #tpu.memory_space<hbm>> -> memref<64x64xf32, #tpu.memory_space<hbm>>
            tpu.wait_dma2 semaphore(%run_scoped3A : memref<!tpu.dma_semaphore, #tpu.memory_space<semaphore_mem>>) src(%arg12 : memref<64x64xf32, #tpu.memory_space<vmem>>) dst(%dma_wait3A_322 : memref<64x64xf32, #tpu.memory_space<hbm>>)
            tpu.yield
          }) : () -> ()
        } else {
        }
        %add3A_307 = arith.constant 0 : i32
        %add3A_308 = arith.addi %add3A_292, %add3A_307 : i32
        "tpu.region"() ({
          %run_scoped3A = tpu.sem_alloc : memref<!tpu.dma_semaphore, #tpu.memory_space<semaphore_mem>>
          %dma_start3A_312 = arith.constant 0 : i32
          %dma_start3A_313 = tpu.memref_slice %arg17[%add3A_308, %dma_start3A_312] : memref<10240x64xf32, #tpu.memory_space<vmem_shared>> -> memref<32x64xf32, #tpu.memory_space<vmem_shared>>
          %dma_start3A_314 = arith.constant 0 : i32
          %dma_start3A_315 = tpu.memref_slice %arg17[%add3A_308, %dma_start3A_314] : memref<10240x64xf32, #tpu.memory_space<vmem_shared>> -> memref<32x64xf32, #tpu.memory_space<vmem_shared>>
          tpu.enqueue_dma source(%arg13 : memref<32x64xf32, #tpu.memory_space<vmem>>) target(%dma_start3A_315 : memref<32x64xf32, #tpu.memory_space<vmem_shared>>) target_semaphore(%run_scoped3A : memref<!tpu.dma_semaphore, #tpu.memory_space<semaphore_mem>>)
          %dma_wait3A_316 = arith.constant 0 : i32
          %dma_wait3A_317 = tpu.memref_slice %arg17[%add3A_308, %dma_wait3A_316] : memref<10240x64xf32, #tpu.memory_space<vmem_shared>> -> memref<32x64xf32, #tpu.memory_space<vmem_shared>>
          %dma_wait3A_318 = arith.constant 0 : i32
          %dma_wait3A_319 = tpu.memref_slice %arg17[%add3A_308, %dma_wait3A_318] : memref<10240x64xf32, #tpu.memory_space<vmem_shared>> -> memref<32x64xf32, #tpu.memory_space<vmem_shared>>
          tpu.wait_dma2 semaphore(%run_scoped3A : memref<!tpu.dma_semaphore, #tpu.memory_space<semaphore_mem>>) src(%arg13 : memref<32x64xf32, #tpu.memory_space<vmem>>) dst(%dma_wait3A_319 : memref<32x64xf32, #tpu.memory_space<vmem_shared>>)
          tpu.yield
        }) : () -> ()
        %add3A_309 = arith.constant 32 : i32
        %add3A_310 = arith.addi %add3A_292, %add3A_309 : i32
        "tpu.region"() ({
          %run_scoped3A = tpu.sem_alloc : memref<!tpu.dma_semaphore, #tpu.memory_space<semaphore_mem>>
          %dma_start3A_312 = arith.constant 0 : i32
          %dma_start3A_313 = tpu.memref_slice %arg17[%add3A_310, %dma_start3A_312] : memref<10240x64xf32, #tpu.memory_space<vmem_shared>> -> memref<32x64xf32, #tpu.memory_space<vmem_shared>>
          %dma_start3A_314 = arith.constant 0 : i32
          %dma_start3A_315 = tpu.memref_slice %arg17[%add3A_310, %dma_start3A_314] : memref<10240x64xf32, #tpu.memory_space<vmem_shared>> -> memref<32x64xf32, #tpu.memory_space<vmem_shared>>
          tpu.enqueue_dma source(%arg13 : memref<32x64xf32, #tpu.memory_space<vmem>>) target(%dma_start3A_315 : memref<32x64xf32, #tpu.memory_space<vmem_shared>>) target_semaphore(%run_scoped3A : memref<!tpu.dma_semaphore, #tpu.memory_space<semaphore_mem>>)
          %dma_wait3A_316 = arith.constant 0 : i32
          %dma_wait3A_317 = tpu.memref_slice %arg17[%add3A_310, %dma_wait3A_316] : memref<10240x64xf32, #tpu.memory_space<vmem_shared>> -> memref<32x64xf32, #tpu.memory_space<vmem_shared>>
          %dma_wait3A_318 = arith.constant 0 : i32
          %dma_wait3A_319 = tpu.memref_slice %arg17[%add3A_310, %dma_wait3A_318] : memref<10240x64xf32, #tpu.memory_space<vmem_shared>> -> memref<32x64xf32, #tpu.memory_space<vmem_shared>>
          tpu.wait_dma2 semaphore(%run_scoped3A : memref<!tpu.dma_semaphore, #tpu.memory_space<semaphore_mem>>) src(%arg13 : memref<32x64xf32, #tpu.memory_space<vmem>>) dst(%dma_wait3A_319 : memref<32x64xf32, #tpu.memory_space<vmem_shared>>)
          tpu.yield
        }) : () -> ()
        %scan3A_311 = arith.constant 0 : i32
        scf.yield %scan3A_311 : i32
      }
      %scan3A_285 = arith.constant 10 : i32
      %barrier3A_286 = arith.constant 0 : index
      tpu.barrier barrier_id(%barrier3A_286)
      %scan3A_287 = arith.constant 0 : i32
      scf.yield %scan3A_287 : i32
    }
    %scan3A_130 = arith.constant 6 : i32
    return
  }
}

module attributes {stable_mosaic.version = 14 : i64} {
  func.func @_mlp_body(%arg0: i32, %arg1: memref<1024x256xf32, #tpu.memory_space<vmem>>, %arg2: memref<3x4x1024x64xf32, #tpu.memory_space<vmem>>, %arg3: memref<1024x256xf32, #tpu.memory_space<vmem>>, %arg4: memref<1x256xf32, #tpu.memory_space<vmem>>, %arg5: memref<256x256xf32, #tpu.memory_space<vmem>>, %arg6: memref<1x256xf32, #tpu.memory_space<vmem>>, %arg7: memref<1024x256xf32, #tpu.memory_space<vmem>>) attributes {dimension_semantics = [#tpu.dimension_semantics<arbitrary>], iteration_bounds = array<i64: 10>, scalar_prefetch = 0 : i64, scratch_operands = 0 : i64, tpu.core_type = #tpu.core_type<tc>, window_params = [{transform_indices = @transform_0, window_bounds = array<i64: 1024, 256>}, {transform_indices = @transform_1, window_bounds = array<i64: 3, 4, 1024, 64>}, {pipeline_mode = #tpu.pipeline_mode<synchronous>, transform_indices = @transform_2, window_bounds = array<i64: 1024, 256>}, {pipeline_mode = #tpu.pipeline_mode<synchronous>, transform_indices = @transform_3, window_bounds = array<i64: 1, 256>}, {pipeline_mode = #tpu.pipeline_mode<synchronous>, transform_indices = @transform_4, window_bounds = array<i64: 256, 256>}, {pipeline_mode = #tpu.pipeline_mode<synchronous>, transform_indices = @transform_5, window_bounds = array<i64: 1, 256>}, {transform_indices = @transform_6, window_bounds = array<i64: 1024, 256>}]} {
    %get3A = arith.constant 0 : index
    %get3A_0 = arith.constant 0 : index
    %get3A_1 = vector.load %arg1[%get3A, %get3A_0] : memref<1024x256xf32, #tpu.memory_space<vmem>>, vector<1024x256xf32>
    %get3A_2 = arith.constant 0 : index
    %get3A_3 = arith.constant 0 : index
    %get3A_4 = vector.load %arg3[%get3A_2, %get3A_3] : memref<1024x256xf32, #tpu.memory_space<vmem>>, vector<256x256xf32>
    %dot_general3A = arith.constant dense<0.000000e+00> : vector<1024x256xf32>
    %dot_general3A_5 = tpu.matmul %get3A_1, %get3A_4, %dot_general3A {dimension_numbers = #tpu.dot_dimension_numbers<[1], [0], [0], [1], [0, 0, 1, 1], [], []>, transpose_lhs_hint = false} : vector<1024x256xf32>, vector<256x256xf32>, vector<1024x256xf32> -> vector<1024x256xf32>
    %get3A_6 = arith.constant 0 : index
    %get3A_7 = arith.constant 0 : index
    %get3A_8 = arith.constant 0 : index
    %get3A_9 = arith.constant 0 : index
    %get3A_10 = vector.load %arg2[%get3A_6, %get3A_7, %get3A_8, %get3A_9] : memref<3x4x1024x64xf32, #tpu.memory_space<vmem>>, vector<1x1x1024x64xf32>
    %get3A_11 = vector.shape_cast %get3A_10 : vector<1x1x1024x64xf32> to vector<1024x64xf32>
    %get3A_12 = arith.constant 256 : index
    %get3A_13 = arith.constant 0 : index
    %get3A_14 = vector.load %arg3[%get3A_12, %get3A_13] : memref<1024x256xf32, #tpu.memory_space<vmem>>, vector<64x256xf32>
    %dot_general3A_15 = arith.constant dense<0.000000e+00> : vector<1024x256xf32>
    %dot_general3A_16 = tpu.matmul %get3A_11, %get3A_14, %dot_general3A_15 {dimension_numbers = #tpu.dot_dimension_numbers<[1], [0], [0], [1], [0, 0, 1, 1], [], []>, transpose_lhs_hint = false} : vector<1024x64xf32>, vector<64x256xf32>, vector<1024x256xf32> -> vector<1024x256xf32>
    %add3A = arith.addf %dot_general3A_5, %dot_general3A_16 : vector<1024x256xf32>
    %get3A_17 = arith.constant 0 : index
    %get3A_18 = arith.constant 1 : index
    %get3A_19 = arith.constant 0 : index
    %get3A_20 = arith.constant 0 : index
    %get3A_21 = vector.load %arg2[%get3A_17, %get3A_18, %get3A_19, %get3A_20] : memref<3x4x1024x64xf32, #tpu.memory_space<vmem>>, vector<1x1x1024x64xf32>
    %get3A_22 = vector.shape_cast %get3A_21 : vector<1x1x1024x64xf32> to vector<1024x64xf32>
    %get3A_23 = arith.constant 320 : index
    %get3A_24 = arith.constant 0 : index
    %get3A_25 = vector.load %arg3[%get3A_23, %get3A_24] : memref<1024x256xf32, #tpu.memory_space<vmem>>, vector<64x256xf32>
    %dot_general3A_26 = arith.constant dense<0.000000e+00> : vector<1024x256xf32>
    %dot_general3A_27 = tpu.matmul %get3A_22, %get3A_25, %dot_general3A_26 {dimension_numbers = #tpu.dot_dimension_numbers<[1], [0], [0], [1], [0, 0, 1, 1], [], []>, transpose_lhs_hint = false} : vector<1024x64xf32>, vector<64x256xf32>, vector<1024x256xf32> -> vector<1024x256xf32>
    %add3A_28 = arith.addf %add3A, %dot_general3A_27 : vector<1024x256xf32>
    %get3A_29 = arith.constant 0 : index
    %get3A_30 = arith.constant 2 : index
    %get3A_31 = arith.constant 0 : index
    %get3A_32 = arith.constant 0 : index
    %get3A_33 = vector.load %arg2[%get3A_29, %get3A_30, %get3A_31, %get3A_32] : memref<3x4x1024x64xf32, #tpu.memory_space<vmem>>, vector<1x1x1024x64xf32>
    %get3A_34 = vector.shape_cast %get3A_33 : vector<1x1x1024x64xf32> to vector<1024x64xf32>
    %get3A_35 = arith.constant 384 : index
    %get3A_36 = arith.constant 0 : index
    %get3A_37 = vector.load %arg3[%get3A_35, %get3A_36] : memref<1024x256xf32, #tpu.memory_space<vmem>>, vector<64x256xf32>
    %dot_general3A_38 = arith.constant dense<0.000000e+00> : vector<1024x256xf32>
    %dot_general3A_39 = tpu.matmul %get3A_34, %get3A_37, %dot_general3A_38 {dimension_numbers = #tpu.dot_dimension_numbers<[1], [0], [0], [1], [0, 0, 1, 1], [], []>, transpose_lhs_hint = false} : vector<1024x64xf32>, vector<64x256xf32>, vector<1024x256xf32> -> vector<1024x256xf32>
    %add3A_40 = arith.addf %add3A_28, %dot_general3A_39 : vector<1024x256xf32>
    %get3A_41 = arith.constant 0 : index
    %get3A_42 = arith.constant 3 : index
    %get3A_43 = arith.constant 0 : index
    %get3A_44 = arith.constant 0 : index
    %get3A_45 = vector.load %arg2[%get3A_41, %get3A_42, %get3A_43, %get3A_44] : memref<3x4x1024x64xf32, #tpu.memory_space<vmem>>, vector<1x1x1024x64xf32>
    %get3A_46 = vector.shape_cast %get3A_45 : vector<1x1x1024x64xf32> to vector<1024x64xf32>
    %get3A_47 = arith.constant 448 : index
    %get3A_48 = arith.constant 0 : index
    %get3A_49 = vector.load %arg3[%get3A_47, %get3A_48] : memref<1024x256xf32, #tpu.memory_space<vmem>>, vector<64x256xf32>
    %dot_general3A_50 = arith.constant dense<0.000000e+00> : vector<1024x256xf32>
    %dot_general3A_51 = tpu.matmul %get3A_46, %get3A_49, %dot_general3A_50 {dimension_numbers = #tpu.dot_dimension_numbers<[1], [0], [0], [1], [0, 0, 1, 1], [], []>, transpose_lhs_hint = false} : vector<1024x64xf32>, vector<64x256xf32>, vector<1024x256xf32> -> vector<1024x256xf32>
    %add3A_52 = arith.addf %add3A_40, %dot_general3A_51 : vector<1024x256xf32>
    %get3A_53 = arith.constant 1 : index
    %get3A_54 = arith.constant 0 : index
    %get3A_55 = arith.constant 0 : index
    %get3A_56 = arith.constant 0 : index
    %get3A_57 = vector.load %arg2[%get3A_53, %get3A_54, %get3A_55, %get3A_56] : memref<3x4x1024x64xf32, #tpu.memory_space<vmem>>, vector<1x1x1024x64xf32>
    %get3A_58 = vector.shape_cast %get3A_57 : vector<1x1x1024x64xf32> to vector<1024x64xf32>
    %get3A_59 = arith.constant 512 : index
    %get3A_60 = arith.constant 0 : index
    %get3A_61 = vector.load %arg3[%get3A_59, %get3A_60] : memref<1024x256xf32, #tpu.memory_space<vmem>>, vector<64x256xf32>
    %dot_general3A_62 = arith.constant dense<0.000000e+00> : vector<1024x256xf32>
    %dot_general3A_63 = tpu.matmul %get3A_58, %get3A_61, %dot_general3A_62 {dimension_numbers = #tpu.dot_dimension_numbers<[1], [0], [0], [1], [0, 0, 1, 1], [], []>, transpose_lhs_hint = false} : vector<1024x64xf32>, vector<64x256xf32>, vector<1024x256xf32> -> vector<1024x256xf32>
    %add3A_64 = arith.addf %add3A_52, %dot_general3A_63 : vector<1024x256xf32>
    %get3A_65 = arith.constant 1 : index
    %get3A_66 = arith.constant 1 : index
    %get3A_67 = arith.constant 0 : index
    %get3A_68 = arith.constant 0 : index
    %get3A_69 = vector.load %arg2[%get3A_65, %get3A_66, %get3A_67, %get3A_68] : memref<3x4x1024x64xf32, #tpu.memory_space<vmem>>, vector<1x1x1024x64xf32>
    %get3A_70 = vector.shape_cast %get3A_69 : vector<1x1x1024x64xf32> to vector<1024x64xf32>
    %get3A_71 = arith.constant 576 : index
    %get3A_72 = arith.constant 0 : index
    %get3A_73 = vector.load %arg3[%get3A_71, %get3A_72] : memref<1024x256xf32, #tpu.memory_space<vmem>>, vector<64x256xf32>
    %dot_general3A_74 = arith.constant dense<0.000000e+00> : vector<1024x256xf32>
    %dot_general3A_75 = tpu.matmul %get3A_70, %get3A_73, %dot_general3A_74 {dimension_numbers = #tpu.dot_dimension_numbers<[1], [0], [0], [1], [0, 0, 1, 1], [], []>, transpose_lhs_hint = false} : vector<1024x64xf32>, vector<64x256xf32>, vector<1024x256xf32> -> vector<1024x256xf32>
    %add3A_76 = arith.addf %add3A_64, %dot_general3A_75 : vector<1024x256xf32>
    %get3A_77 = arith.constant 1 : index
    %get3A_78 = arith.constant 2 : index
    %get3A_79 = arith.constant 0 : index
    %get3A_80 = arith.constant 0 : index
    %get3A_81 = vector.load %arg2[%get3A_77, %get3A_78, %get3A_79, %get3A_80] : memref<3x4x1024x64xf32, #tpu.memory_space<vmem>>, vector<1x1x1024x64xf32>
    %get3A_82 = vector.shape_cast %get3A_81 : vector<1x1x1024x64xf32> to vector<1024x64xf32>
    %get3A_83 = arith.constant 640 : index
    %get3A_84 = arith.constant 0 : index
    %get3A_85 = vector.load %arg3[%get3A_83, %get3A_84] : memref<1024x256xf32, #tpu.memory_space<vmem>>, vector<64x256xf32>
    %dot_general3A_86 = arith.constant dense<0.000000e+00> : vector<1024x256xf32>
    %dot_general3A_87 = tpu.matmul %get3A_82, %get3A_85, %dot_general3A_86 {dimension_numbers = #tpu.dot_dimension_numbers<[1], [0], [0], [1], [0, 0, 1, 1], [], []>, transpose_lhs_hint = false} : vector<1024x64xf32>, vector<64x256xf32>, vector<1024x256xf32> -> vector<1024x256xf32>
    %add3A_88 = arith.addf %add3A_76, %dot_general3A_87 : vector<1024x256xf32>
    %get3A_89 = arith.constant 1 : index
    %get3A_90 = arith.constant 3 : index
    %get3A_91 = arith.constant 0 : index
    %get3A_92 = arith.constant 0 : index
    %get3A_93 = vector.load %arg2[%get3A_89, %get3A_90, %get3A_91, %get3A_92] : memref<3x4x1024x64xf32, #tpu.memory_space<vmem>>, vector<1x1x1024x64xf32>
    %get3A_94 = vector.shape_cast %get3A_93 : vector<1x1x1024x64xf32> to vector<1024x64xf32>
    %get3A_95 = arith.constant 704 : index
    %get3A_96 = arith.constant 0 : index
    %get3A_97 = vector.load %arg3[%get3A_95, %get3A_96] : memref<1024x256xf32, #tpu.memory_space<vmem>>, vector<64x256xf32>
    %dot_general3A_98 = arith.constant dense<0.000000e+00> : vector<1024x256xf32>
    %dot_general3A_99 = tpu.matmul %get3A_94, %get3A_97, %dot_general3A_98 {dimension_numbers = #tpu.dot_dimension_numbers<[1], [0], [0], [1], [0, 0, 1, 1], [], []>, transpose_lhs_hint = false} : vector<1024x64xf32>, vector<64x256xf32>, vector<1024x256xf32> -> vector<1024x256xf32>
    %add3A_100 = arith.addf %add3A_88, %dot_general3A_99 : vector<1024x256xf32>
    %get3A_101 = arith.constant 2 : index
    %get3A_102 = arith.constant 0 : index
    %get3A_103 = arith.constant 0 : index
    %get3A_104 = arith.constant 0 : index
    %get3A_105 = vector.load %arg2[%get3A_101, %get3A_102, %get3A_103, %get3A_104] : memref<3x4x1024x64xf32, #tpu.memory_space<vmem>>, vector<1x1x1024x64xf32>
    %get3A_106 = vector.shape_cast %get3A_105 : vector<1x1x1024x64xf32> to vector<1024x64xf32>
    %get3A_107 = arith.constant 768 : index
    %get3A_108 = arith.constant 0 : index
    %get3A_109 = vector.load %arg3[%get3A_107, %get3A_108] : memref<1024x256xf32, #tpu.memory_space<vmem>>, vector<64x256xf32>
    %dot_general3A_110 = arith.constant dense<0.000000e+00> : vector<1024x256xf32>
    %dot_general3A_111 = tpu.matmul %get3A_106, %get3A_109, %dot_general3A_110 {dimension_numbers = #tpu.dot_dimension_numbers<[1], [0], [0], [1], [0, 0, 1, 1], [], []>, transpose_lhs_hint = false} : vector<1024x64xf32>, vector<64x256xf32>, vector<1024x256xf32> -> vector<1024x256xf32>
    %add3A_112 = arith.addf %add3A_100, %dot_general3A_111 : vector<1024x256xf32>
    %get3A_113 = arith.constant 2 : index
    %get3A_114 = arith.constant 1 : index
    %get3A_115 = arith.constant 0 : index
    %get3A_116 = arith.constant 0 : index
    %get3A_117 = vector.load %arg2[%get3A_113, %get3A_114, %get3A_115, %get3A_116] : memref<3x4x1024x64xf32, #tpu.memory_space<vmem>>, vector<1x1x1024x64xf32>
    %get3A_118 = vector.shape_cast %get3A_117 : vector<1x1x1024x64xf32> to vector<1024x64xf32>
    %get3A_119 = arith.constant 832 : index
    %get3A_120 = arith.constant 0 : index
    %get3A_121 = vector.load %arg3[%get3A_119, %get3A_120] : memref<1024x256xf32, #tpu.memory_space<vmem>>, vector<64x256xf32>
    %dot_general3A_122 = arith.constant dense<0.000000e+00> : vector<1024x256xf32>
    %dot_general3A_123 = tpu.matmul %get3A_118, %get3A_121, %dot_general3A_122 {dimension_numbers = #tpu.dot_dimension_numbers<[1], [0], [0], [1], [0, 0, 1, 1], [], []>, transpose_lhs_hint = false} : vector<1024x64xf32>, vector<64x256xf32>, vector<1024x256xf32> -> vector<1024x256xf32>
    %add3A_124 = arith.addf %add3A_112, %dot_general3A_123 : vector<1024x256xf32>
    %get3A_125 = arith.constant 2 : index
    %get3A_126 = arith.constant 2 : index
    %get3A_127 = arith.constant 0 : index
    %get3A_128 = arith.constant 0 : index
    %get3A_129 = vector.load %arg2[%get3A_125, %get3A_126, %get3A_127, %get3A_128] : memref<3x4x1024x64xf32, #tpu.memory_space<vmem>>, vector<1x1x1024x64xf32>
    %get3A_130 = vector.shape_cast %get3A_129 : vector<1x1x1024x64xf32> to vector<1024x64xf32>
    %get3A_131 = arith.constant 896 : index
    %get3A_132 = arith.constant 0 : index
    %get3A_133 = vector.load %arg3[%get3A_131, %get3A_132] : memref<1024x256xf32, #tpu.memory_space<vmem>>, vector<64x256xf32>
    %dot_general3A_134 = arith.constant dense<0.000000e+00> : vector<1024x256xf32>
    %dot_general3A_135 = tpu.matmul %get3A_130, %get3A_133, %dot_general3A_134 {dimension_numbers = #tpu.dot_dimension_numbers<[1], [0], [0], [1], [0, 0, 1, 1], [], []>, transpose_lhs_hint = false} : vector<1024x64xf32>, vector<64x256xf32>, vector<1024x256xf32> -> vector<1024x256xf32>
    %add3A_136 = arith.addf %add3A_124, %dot_general3A_135 : vector<1024x256xf32>
    %get3A_137 = arith.constant 2 : index
    %get3A_138 = arith.constant 3 : index
    %get3A_139 = arith.constant 0 : index
    %get3A_140 = arith.constant 0 : index
    %get3A_141 = vector.load %arg2[%get3A_137, %get3A_138, %get3A_139, %get3A_140] : memref<3x4x1024x64xf32, #tpu.memory_space<vmem>>, vector<1x1x1024x64xf32>
    %get3A_142 = vector.shape_cast %get3A_141 : vector<1x1x1024x64xf32> to vector<1024x64xf32>
    %get3A_143 = arith.constant 960 : index
    %get3A_144 = arith.constant 0 : index
    %get3A_145 = vector.load %arg3[%get3A_143, %get3A_144] : memref<1024x256xf32, #tpu.memory_space<vmem>>, vector<64x256xf32>
    %dot_general3A_146 = arith.constant dense<0.000000e+00> : vector<1024x256xf32>
    %dot_general3A_147 = tpu.matmul %get3A_142, %get3A_145, %dot_general3A_146 {dimension_numbers = #tpu.dot_dimension_numbers<[1], [0], [0], [1], [0, 0, 1, 1], [], []>, transpose_lhs_hint = false} : vector<1024x64xf32>, vector<64x256xf32>, vector<1024x256xf32> -> vector<1024x256xf32>
    %add3A_148 = arith.addf %add3A_136, %dot_general3A_147 : vector<1024x256xf32>
    %get3A_149 = arith.constant 0 : index
    %get3A_150 = arith.constant 0 : index
    %get3A_151 = vector.load %arg4[%get3A_149, %get3A_150] : memref<1x256xf32, #tpu.memory_space<vmem>>, vector<1x256xf32>
    %add3A_152 = vector.broadcast %get3A_151 : vector<1x256xf32> to vector<1024x256xf32>
    %add3A_153 = arith.addf %add3A_148, %add3A_152 : vector<1024x256xf32>
    %max3A = arith.constant 0.000000e+00 : f32
    %max3A_154 = vector.broadcast %max3A : f32 to vector<1024x256xf32>
    %max3A_155 = arith.maximumf %add3A_153, %max3A_154 : vector<1024x256xf32>
    %get3A_156 = arith.constant 0 : index
    %get3A_157 = arith.constant 0 : index
    %get3A_158 = vector.load %arg5[%get3A_156, %get3A_157] : memref<256x256xf32, #tpu.memory_space<vmem>>, vector<256x256xf32>
    %dot_general3A_159 = arith.constant dense<0.000000e+00> : vector<1024x256xf32>
    %dot_general3A_160 = tpu.matmul %max3A_155, %get3A_158, %dot_general3A_159 {dimension_numbers = #tpu.dot_dimension_numbers<[1], [0], [0], [1], [0, 0, 1, 1], [], []>, transpose_lhs_hint = false} : vector<1024x256xf32>, vector<256x256xf32>, vector<1024x256xf32> -> vector<1024x256xf32>
    %get3A_161 = arith.constant 0 : index
    %get3A_162 = arith.constant 0 : index
    %get3A_163 = vector.load %arg6[%get3A_161, %get3A_162] : memref<1x256xf32, #tpu.memory_space<vmem>>, vector<1x256xf32>
    %add3A_164 = vector.broadcast %get3A_163 : vector<1x256xf32> to vector<1024x256xf32>
    %add3A_165 = arith.addf %dot_general3A_160, %add3A_164 : vector<1024x256xf32>
    %swap3A = arith.constant 0 : index
    %swap3A_166 = arith.constant 0 : index
    %swap3A_167 = vector.load %arg7[%swap3A, %swap3A_166] : memref<1024x256xf32, #tpu.memory_space<vmem>>, vector<1024x256xf32>
    tpu.vector_store %arg7[%swap3A, %swap3A_166], %add3A_165 {strides = array<i32>} : memref<1024x256xf32, #tpu.memory_space<vmem>>, vector<1024x256xf32>,
    return
  }
  func.func @transform_0(%arg0: i32) -> (i32, i32) {
    %c0_i32 = arith.constant 0 : i32
    %c0_i32_0 = arith.constant 0 : i32
    return %arg0, %c0_i32 : i32, i32
  }
  func.func @transform_1(%arg0: i32) -> (i32, i32, i32, i32) {
    %c0_i32 = arith.constant 0 : i32
    %c0_i32_0 = arith.constant 0 : i32
    %c0_i32_1 = arith.constant 0 : i32
    %c0_i32_2 = arith.constant 0 : i32
    return %c0_i32, %c0_i32_0, %arg0, %c0_i32_1 : i32, i32, i32, i32
  }
  func.func @transform_2(%arg0: i32) -> (i32, i32) {
    %c0_i32 = arith.constant 0 : i32
    %c0_i32_0 = arith.constant 0 : i32
    %c0_i32_1 = arith.constant 0 : i32
    return %c0_i32, %c0_i32_0 : i32, i32
  }
  func.func @transform_3(%arg0: i32) -> (i32, i32) {
    %c0_i32 = arith.constant 0 : i32
    %c0_i32_0 = arith.constant 0 : i32
    %c0_i32_1 = arith.constant 0 : i32
    return %c0_i32, %c0_i32_0 : i32, i32
  }
  func.func @transform_4(%arg0: i32) -> (i32, i32) {
    %c0_i32 = arith.constant 0 : i32
    %c0_i32_0 = arith.constant 0 : i32
    %c0_i32_1 = arith.constant 0 : i32
    return %c0_i32, %c0_i32_0 : i32, i32
  }
  func.func @transform_5(%arg0: i32) -> (i32, i32) {
    %c0_i32 = arith.constant 0 : i32
    %c0_i32_0 = arith.constant 0 : i32
    %c0_i32_1 = arith.constant 0 : i32
    return %c0_i32, %c0_i32_0 : i32, i32
  }
  func.func @transform_6(%arg0: i32) -> (i32, i32) {
    %c0_i32 = arith.constant 0 : i32
    %c0_i32_0 = arith.constant 0 : i32
    return %arg0, %c0_i32 : i32, i32
  }
}

</mosaic_0001>

<sc_bundles>
// kernel: kernel.4.cloned.1.call-start
scs
__scs_entry_jumppad:
0x0: {  	(pc) =	sbr.rel $0x88, $3  }
0x1: {  	(tag) =	ssettag $0x0;
	lr =	simm.s32 $0x1  }
0x2: {  	[smem:$0x3F9B] =	sst lr;
	_ =	strace $0xD0000000  }
0x3: {  	_ = 	snop  }
0x4: {  	_ = 	snop  }
0x5: {  	_ = 	snop  }
0x6: {  	_ = 	snop  }
0x7: {  	_ = 	snop  }
__scs_overlays_trampoline_lowered:
0x8: {  	[smem:$0x3FAA] =	sst s0  }
0x9: {  	[smem:$0x3FAB] =	sst s1  }
0xa: {  	[smem:$0x3FAC] =	sst s2  }
0xb: {  	[smem:$0x3FAD] =	sst s3  }
0xc: {  	[smem:$0x3FAE] =	sst s4  }
0xd: {  	[smem:$0x3FAF] =	sst s5  }
0xe: {  	[smem:$0x3FB0] =	sst s6  }
0xf: {  	[smem:$0x3FB1] =	sst s7  }
0x10: {  	[smem:$0x3FB2] =	sst s8  }
0x11: {  	[smem:$0x3FB3] =	sst s9;
	s0 =	simm.s32 @!p0 $0x0  }
0x12: {  	s1 =	sld [smem:$0x3F99];
	s0 =	simm.s32 @p0 $0x1  }
0x13: {  	[smem:$0x3FB4] =	sst s0;
	s0 =	simm.s32 @!p1 $0x0  }
0x14: {  	s2 =	sld [smem:$0x3F98];
	s0 =	simm.s32 @p1 $0x1  }
0x15: {  	[smem:$0x3FB5] =	sst s0;
	s0 =	simm.s32 @!p2 $0x0  }
0x16: {  	s3 =	sld [smem:$0x3FDB];
	s0 =	simm.s32 @p2 $0x1  }
0x17: {  	s4 =	simm.s32 $0x1BF5;
	[smem:$0x3FB7] =	sst s0  }
0x18: {  	s0 =	sld [smem:$0x3F9A];
	_ =	swait.ge [sflag:s4], $0x0  }
0x19: {  	s7 =	sld [smem:$0x3F9B]  }
0x1a: {  	s8 =	sadd.s32 $0xFFFFE003, lr  }
0x1b: {  	s9 =	sadd.s32 $0xFFFFFEF7, lr;
	s5 =	simm.s32 $0xFFFFFFFF;
	p2 =	slt.u32 s8, $0xFFFFF086  }
0x1c: {  	p1 =	slt.u32 s9, $0xF7A;
	s5 =	simm.s32 @!p2 $0x0  }
0x1d: {  	s5 =	simm.s32 @p1 $0x1;
	p0 =	seq.s32 s7, s2  }
0x1e: {  	s7 =	smul.u32 @!p0 $0xF7A, s2;
	p2 =	seq.s32 @!p0 s5, $0x0  }
0x1f: {  	s9 =	smul.u32 $0xF7A, s1;
	s8 =	simm.s32 @!p0 $0x1BF5;
	p2 =	por !p2, p0  }
0x20: {  	[sflag:s8] =	ssyncset.s32 @!p0 $0xFFFFF086;
	s6 =	sadd.s32 @!p0 s3, s7;
	s7 =	simm.s32 @!p0 $0x108  }
0x21: {  	s3 =	sadd.s32 s3, s9;
	s6 =	sadd.s32 @!p0 $0x88, s6;
	s7 =	simm.s32 @p2 $0x1082  }
0x22: {  	[simem:s7], [sflag:s8] =	dma.local @!p0 [hbm:s6], $0xF7A  }
0x23: {  	s9 =	sor.u32 $0xD0000000, s2;
	s6 =	simm.s32 $0x108;
	_ =	swait.ge @!p0 [sflag:s8], $0x0  }
0x24: {  	s3 =	sadd.s32 $0x88, s3;
	s6 =	simm.s32 @!p1 $0x1082;
	[sflag:s4] =	ssyncset.s32 $0xFFFFF086  }
0x25: {  	[simem:s6], [sflag:s4] =	dma.local [hbm:s3], $0xF7A  }
0x26: {  	[smem:$0x3F9B] =	sst s1;
	(tag) =	ssettag s2;
	_ =	strace s9  }
0x27: {  	s1 =	sld [smem:$0x3FAB]  }
0x28: {  	s2 =	sld [smem:$0x3FAC]  }
0x29: {  	s4 =	sld [smem:$0x3FAE]  }
0x2a: {  	p0 =	seq.s32 s5, $0x0;
	s5 =	sld [smem:$0x3FAF]  }
0x2b: {  	s6 =	sld [smem:$0x3FB0]  }
0x2c: {  	s7 =	sld [smem:$0x3FB1]  }
0x2d: {  	s3 =	simm.s32 $0x108;
	s8 =	sld [smem:$0x3FB2]  }
0x2e: {  	s3 =	simm.s32 @!p0 $0x1082;
	s9 =	sld [smem:$0x3FB3]  }
0x2f: {  	lr =	sadd.s32 s0, s3;
	s0 =	sld [smem:$0x3FAA]  }
0x30: {  	s3 =	sld [smem:$0x3FAD]  }
0x31: {  	[smem:$0x3FB6] =	sst s10  }
0x32: {  	s10 =	sld [smem:$0x3FB4];
	_ =	sdelay $0x3  }
0x33: {  	p0 =	seq.s32 s10, $0x1;
	s10 =	sld [smem:$0x3FB6];
	_ =	sdelay $0x3  }
0x34: {  	[smem:$0x3FB6] =	sst s10  }
0x35: {  	s10 =	sld [smem:$0x3FB5];
	_ =	sdelay $0x3  }
0x36: {  	p1 =	seq.s32 s10, $0x1;
	s10 =	sld [smem:$0x3FB6];
	_ =	sdelay $0x3  }
0x37: {  	[smem:$0x3FB6] =	sst s10  }
0x38: {  	s10 =	sld [smem:$0x3FB7]  }
0x39: {  	_ = 	snop;
	(pc) =	sbr.ind lr, $3  }
0x3a: {  	_ = 	snop  }
0x3b: {  	_ = 	snop  }
0x3c: {  	p2 =	seq.s32 s10, $0x1;
	s10 =	sld [smem:$0x3FB6]  }
0x3d: {  	_ =	shalt  }
0x3e: {  	_ =	shalt  }
0x3f: {  	_ =	shalt  }
0x40: {  	_ =	shalt  }
0x41: {  	_ =	shalt  }
0x42: {  	_ =	shalt  }
0x43: {  	_ =	shalt  }
0x44: {  	_ =	shalt  }
0x45: {  	_ =	shalt  }
0x46: {  	_ =	shalt  }
0x47: {  	_ =	shalt  }
0x48: {  	_ =	shalt  }
0x49: {  	_ =	shalt  }
0x4a: {  	_ =	shalt  }
0x4b: {  	_ =	shalt  }
0x4c: {  	_ =	shalt  }
0x4d: {  	_ =	shalt  }
0x4e: {  	_ =	shalt  }
0x4f: {  	_ =	shalt  }
0x50: {  	_ =	shalt  }
0x51: {  	_ =	shalt  }
0x52: {  	_ =	shalt  }
0x53: {  	_ =	shalt  }
0x54: {  	_ =	shalt  }
0x55: {  	_ =	shalt  }
0x56: {  	_ =	shalt  }
0x57: {  	_ =	shalt  }
0x58: {  	_ =	shalt  }
0x59: {  	_ =	shalt  }
0x5a: {  	_ =	shalt  }
0x5b: {  	_ =	shalt  }
0x5c: {  	_ =	shalt  }
0x5d: {  	_ =	shalt  }
0x5e: {  	_ =	shalt  }
0x5f: {  	_ =	shalt  }
0x60: {  	_ =	shalt  }
0x61: {  	_ =	shalt  }
0x62: {  	_ =	shalt  }
0x63: {  	_ =	shalt  }
0x64: {  	_ =	shalt  }
0x65: {  	_ =	shalt  }
0x66: {  	_ =	shalt  }
0x67: {  	_ =	shalt  }
0x68: {  	_ =	shalt  }
0x69: {  	_ =	shalt  }
0x6a: {  	_ =	shalt  }
0x6b: {  	_ =	shalt  }
0x6c: {  	_ =	shalt  }
0x6d: {  	_ =	shalt  }
0x6e: {  	_ =	shalt  }
0x6f: {  	_ =	shalt  }
0x70: {  	_ =	shalt  }
0x71: {  	_ =	shalt  }
0x72: {  	_ =	shalt  }
0x73: {  	_ =	shalt  }
0x74: {  	_ =	shalt  }
0x75: {  	_ =	shalt  }
0x76: {  	_ =	shalt  }
0x77: {  	_ =	shalt  }
0x78: {  	_ =	shalt  }
0x79: {  	_ =	shalt  }
0x7a: {  	_ =	shalt  }
0x7b: {  	_ =	shalt  }
0x7c: {  	_ =	shalt  }
0x7d: {  	_ =	shalt  }
0x7e: {  	_ =	shalt  }
0x7f: {  	_ =	shalt  }
0x80: {  	_ =	shalt  }
0x81: {  	_ =	shalt  }
0x82: {  	_ =	shalt  }
0x83: {  	_ =	shalt  }
0x84: {  	_ =	shalt  }
0x85: {  	_ =	shalt  }
0x86: {  	_ =	shalt  }
0x87: {  	_ =	shalt  }
.Lfunc_end0:
.L_simem_size_0:
called_computation_lowered:
.L_overlay_start_0:
0x88: {  	s2 =	sld [smem:$0x3FD9]  }
0x89: {  	s3 =	sld [smem:$0x3FFE];
	_ =	sdelay $0x1  }
0x8a: {  	s1 =	srdreg.scid  }
0x8b: {  	s0 =	sand.u32 $0x1, s1  }
0x8c: {  	s17 =	sshll.u32 s0, $0xA;
	s2 =	sadd.s32 s3, s2  }
0x8d: {  	s2 =	sadd.s32 s2, s17  }
0x8e: {  	[smem:$0x3FC2] =	sst s2  }
0x8f: {  	_ = 	snop  }
0x90: {  	s2 =	sld [smem:$0x3FD0];
	(tm) =	ssettm $0x1  }
0x91: {  	s18 =	sld [smem:$0x3FFB];
	_ =	sdelay $0x3  }
0x92: {  	_ =	strace s18  }
0x93: {  	s3 =	sld [smem:$0x3FFC];
	_ =	sdelay $0x3  }
0x94: {  	_ =	strace s3  }
0x95: {  	s3 =	sld [smem:$0x3FFD];
	_ =	sdelay $0x3  }
0x96: {  	_ =	strace s3  }
0x97: {  	_ =	strace $0x8FFFFFFF  }
0x98: {  	s19 =	sld [smem:$0x3FDB];
	_ =	sdelay $0x1  }
0x99: {  	s4 =	simm.s32 $_scs_section_size  }
0x9a: {  	s5 =	simm.s32 $_size__tile_overlayer_lowered;
	s6 =	simm.s32 $_tile_overlayer_lowered  }
0x9b: {  	s22 =	simm.s32 $0x1BFF;
	s21 =	sshll.u32 s6, $0x1;
	s3 =	sadd.s32 s4, s19  }
0x9c: {  	s7 =	simm.s32 $0x0;
	s20 =	sshll.u32 s5, $0x1;
	s5 =	sadd.s32 s21, s3  }
0x9d: {  	[timem:s7], [sflag:s22] =	dma.local [hbm:s5], s20  }
0x9e: {  	_ =	swait.ge [sflag:s22], s20  }
0x9f: {  	s4 =	ssub.s32 $0x0, s20;
	[sflag:s22] =	ssyncset.done $0x0  }
0xa0: {  	[sflag:s22] =	ssyncadd.s32 s4;
	_ =	sdelay $0x1  }
0xa1: {  	s23 =	simm.s32 $0x1B8B  }
0xa2: {  	_ =	swait.ge [sflag:s23], $0x1  }
0xa3: {  	[sflag:s23] =	ssyncset.done $0x0  }
0xa4: {  	s25 =	simm.s32 $0x1B8E;
	s24 =	sld [smem:$0x3FFE];
	[sflag:s23] =	ssyncadd.s32 $0xFFFFFFFF  }
0xa5: {  	s26 =	simm.s32 $execute0_lowered;
	[smem:$0x3FD2] =	sst s25  }
0xa6: {  	s5 =	sshll.u32 s26, $0x1;
	_ =	strace $0x80000046;
	[dreg:$0x1] =	wrdreg $0xFFFFFFFF  }
0xa7: {  	s28 =	simm.s32 $_size_execute0_lowered;
	s3 =	sadd.s32 s3, s5;
	[dreg:$0x0] =	wrdreg $0x0  }
0xa8: {  	s5 =	sshll.u32 s28, $0x1;
	[dreg:$0x2] =	wrdreg s3  }
0xa9: {  	[dreg:$0x3] =	wrdreg s5  }
0xaa: {  	[dreg:$0x4] =	wrdreg $0xC0  }
0xab: {  	_ =	task [dreg:s7], $0x5FFFF  }
0xac: {  	[dreg:$0x1] =	wrdreg $0xFFFFFFFF  }
0xad: {  	[dreg:$0x0] =	wrdreg $0x60  }
0xae: {  	[dreg:$0x2] =	wrdreg s24  }
0xaf: {  	[dreg:$0x3] =	wrdreg s2  }
0xb0: {  	[dreg:$0x4] =	wrdreg $0x146800  }
0xb1: {  	[dreg:$0x5] =	wrdreg $0x9  }
0xb2: {  	_ =	task.clear_ibuf [dreg:s7], $0x6FFFF;
	_ =	strace $0x90000046  }
0xb3: {  	s29 =	simm.s32 $0x9;
	_ =	strace $0x80000048  }
0xb4: {  	_ =	swait.ge [sflag:s29], $0x1  }
0xb5: {  	[sflag:s29] =	ssyncadd.s32 $0xFFFFFFFF  }
0xb6: {  	_ =	strace $0x90000048  }
0xb7: {  	_ =	sfence  }
0xb8: {  	s30 =	sld [smem:$0x0];
	_ =	sdelay $0x2  }
0xb9: {  	s31 =	sshll.u32 s1, $0xD;
	s1 =	sshrl.u32 s1, $0x2  }
0xba: {  	s3 =	sand.u32 $0x4000, s31;
	s1 =	sadd.s32 s1, s30  }
0xbb: {  	s0 =	sor.u32 s3, s0;
	s1 =	sshll.u32 s1, $0x11  }
0xbc: {  	s0 =	sor.u32 s1, s0  }
0xbd: {  	s0 =	sadd.s32 $0x8F2B, s0  }
0xbe: {  	[sflag:s0] =	ssyncadd.remote.s32 $0x1  }
0xbf: {  	_ =	sfence.sel $0xFFFF  }
0xc0: {  	[dreg:$0x0] =	wrdreg $0xFFFFFFFF;
	(pc) =	sbr.abs _section_cstart, $3  }
0xc1: {  	[dreg:$0x1] =	wrdreg $0xFFFFFFFF  }
0xc2: {  	_ =	task.clear_ibuf [dreg:s7], $0x2FFFF;
	_ =	strace $0x9FFFFFFF  }
0xc3: {  	(tm) =	ssettm $0x7FFFFFFF  }
tec
execute0_lowered:
.L_overlay_start_1:
0x0: {  	(tag) =	ssettag $0x1  }
0x1: {  	s0 =	rddreg [dreg:$0x0]  }
0x2: {  	s12 =	rddreg [dreg:$0x1]  }
0x3: {  	s3 =	rddreg [dreg:$0x2];
	s11 =	stileid.u32  }
0x4: {  	s2 =	srdreg.scid;
	s1 =	smul.u32 $0x500, s11  }
0x5: {  	s4 =	simm.s32 $0x0;
	s2 =	sand.u32 $0x1, s2;
	s9 =	smul.u32 $0x28000, s11  }
0x6: {  	[smem:$0x7FF] =	sst s4;
	s31 =	smul.u32 $0x140000, s2  }
0x7: {  	s8 =	smul.u32 $0x280, s11;
	_ =	strace $0x80000047;
	s1 =	sadd.s32 s1, s0  }
0x8: {  	s18 =	smul.u32 $0x28000, s2;
	s26 =	sadd.s32 $0x5800, s1;
	[dreg:$0xe] =	wrdreg s31  }
0x9: {  	s9 =	sshrl.u32 s9, $0x2;
	s1 =	sadd.s32 $0x800, s1;
	[dreg:$0xb] =	wrdreg s26  }
0xa: {  	s13 =	sadd.s32 s9, s3;
	s9 =	sor.u32 s18, s8;
	[dreg:$0xc] =	wrdreg s1  }
0xb: {  	[dreg:$0xf] =	wrdreg s9  }
0xc: {  	s5 =	sadd.s32 $0xA800, s0;
	s19 =	sadd.s32 $0x800, s13;
	[dreg:$0x4] =	wrdreg s13  }
0xd: {  	s6 =	sadd.s32 $0xAA800, s0;
	s20 =	sadd.s32 $0x1000, s13;
	[dreg:$0x5] =	wrdreg s19  }
0xe: {  	s7 =	sadd.s32 $0x5A800, s0;
	s22 =	sadd.s32 $0x1800, s13;
	[dreg:$0x6] =	wrdreg s20  }
0xf: {  	s17 =	ssub.s32 $0x2, s2;
	s23 =	sadd.s32 $0x2000, s13;
	[dreg:$0x7] =	wrdreg s22  }
0x10: {  	s10 =	sshrl.u32 s17, $0x1;
	s24 =	sadd.s32 $0x2800, s13;
	[dreg:$0x8] =	wrdreg s23  }
0x11: {  	s0 =	ssub.s32 s17, s10;
	s25 =	sadd.s32 $0x3000, s13;
	[dreg:$0x9] =	wrdreg s24  }
0x12: {  	s0 =	smax.u32 s0, $0x1;
	[dreg:$0xa] =	wrdreg s25  }
0x13: {  	s15 =	sadd.s32 $0x3800, s13;
	[dreg:$0x12] =	wrdreg s0  }
0x14: {  	s21 =	smul.u32 $0x2800, s11;
	s16 =	sadd.s32 $0x4000, s13;
	[dreg:$0x13] =	wrdreg s15  }
0x15: {  	s17 =	sadd.s32 $0x4800, s13;
	[dreg:$0x14] =	wrdreg s16  }
0x16: {  	s10 =	sadd.s32 s21, s18;
	s18 =	sadd.s32 $0x5000, s13;
	[dreg:$0x15] =	wrdreg s17  }
0x17: {  	s29 =	simm.s32 $0xF000;
	s21 =	sadd.s32 $0x6800, s13;
	[dreg:$0x16] =	wrdreg s18  }
0x18: {  	s11 =	smul.u32 $0x5000, s2;
	s26 =	sadd.s32 $0x8800, s13;
	[dreg:$0x19] =	wrdreg s21  }
0x19: {  	s28 =	sshrl.u32 s10, $0x3;
	s31 =	sadd.s32 $0x9800, s13;
	[dreg:$0x1d] =	wrdreg s26  }
0x1a: {  	s10 =	smov.u32 s12;
	s1 =	sadd.s32 s12, s28;
	[dreg:$0x1f] =	wrdreg s31  }
0x1b: {  	s12 =	sshllo.u32 s2, $0x1;
	s2 =	sshll.u32 s2, $0x1;
	[dreg:$0xd] =	wrdreg s1  }
0x1c: {  	s30 =	simm.s32 $0x80;
	s19 =	sadd.s32 $0x5800, s13;
	[dreg:$0x10] =	wrdreg s2  }
0x1d: {  	s20 =	sadd.s32 $0x6000, s13;
	s22 =	sadd.s32 $0x7000, s13;
	[dreg:$0x17] =	wrdreg s19  }
0x1e: {  	s23 =	sadd.s32 $0x7800, s13;
	s25 =	sadd.s32 $0x8000, s13;
	[dreg:$0x18] =	wrdreg s20  }
0x1f: {  	s28 =	sadd.s32 $0x9000, s13;
	s16 =	simm.s32 $0x11000;
	[dreg:$0x1a] =	wrdreg s22  }
0x20: {  	s17 =	simm.s32 $0xB;
	s14 =	smul.u32 $0xA0000, s12;
	[dreg:$0x1b] =	wrdreg s23  }
0x21: {  	s15 =	simm.s32 $0xA;
	s24 =	smul.u32 $0x2800, s12;
	[dreg:$0x1c] =	wrdreg s25  }
0x22: {  	[dreg:$0x1e] =	wrdreg s28;
	s25 =	simm.s32 $0x11800;
	s23 =	smov.u32 s11  }
0x23: {  	v1 =	vimm.f32 $0.0e+00;
	v2 =	vimm.f32 $1.000000000e+00;
	v0 =	vmov s11;
	s1 =	simm.s32 $0x0;
	[dreg:$0x11] =	wrdreg s14;
	s14 =	simm.s32 $0x9  }
.LBB2_1:
0x24: {  	[smem:$0x7FD] =	sst s1;
	s0 =	simm.s32 $0x0  }
.LBB2_2:
0x25: {  	p0 =	sne.s32 s0, $0x1F00  }
.Ltmp0:
0x26: {  	s1 =	sshra.s32 s0, $0x2;
	(pc) =	sbr.rel @p0 .LBB2_2-.Ltmp0, $4  }
0x27: {  	[tilespmem:s1+$0x11000] =	vst v1  }
0x28: {  	[tilespmem:s1+$0x11010] =	vst v1  }
0x29: {  	[tilespmem:s1+$0x11020] =	vst v1  }
0x2a: {  	s0 =	sadd.s32 $0x100, s0;
	[tilespmem:s1+$0x11030] =	vst v1  }
0x2b: {  	s0 =	simm.s32 $0x40;
	s1 =	simm.s32 $0x0;
	s11 =	rddreg [dreg:$0xf]  }
.LBB2_4:
0x2c: {  	p0 =	sne.s32 s0, $0x9FC0;
	[tilespmem:s1+$0x11800] =	vst v1;
	s1 =	smov.u32 s0;
	s0 =	sadd.s32 $0x40, s0  }
.Ltmp1:
0x2d: {  	(pc) =	sbr.rel @p0 .LBB2_4-.Ltmp1, $2  }
0x2e: {  	_ =	sdelay $0x2  }
0x2f: {  	s1 =	sshra.s32 s1, $0x2  }
0x30: {  	[tilespmem:s1+$0x11800] =	vst v1;
	s0 =	rddreg [dreg:$0x4]  }
0x31: {  	[spmem:s0] =	stream.linear.scatter [tilespmem:s16], [sflag:$0xB], $0x800, $0x38;
	[tilespmem:$0x1E680] =	vst v63  }
0x32: {  	_ =	swait.ge [sflag:s17], $0x800  }
0x33: {  	[sflag:s17] =	ssyncset.done $0x0  }
0x34: {  	s18 =	rddreg [dreg:$0x5];
	[sflag:s17] =	ssyncadd.s32 $0xFFFFF800  }
0x35: {  	[spmem:s18] =	stream.linear.scatter [tilespmem:s16], [sflag:$0xB], $0x800, $0x38;
	[tilespmem:$0x1E680] =	vst v63  }
0x36: {  	_ =	swait.ge [sflag:s17], $0x800  }
0x37: {  	[sflag:s17] =	ssyncset.done $0x0  }
0x38: {  	s19 =	rddreg [dreg:$0x6];
	[sflag:s17] =	ssyncadd.s32 $0xFFFFF800  }
0x39: {  	[spmem:s19] =	stream.linear.scatter [tilespmem:s16], [sflag:$0xB], $0x800, $0x38;
	[tilespmem:$0x1E680] =	vst v63  }
0x3a: {  	_ =	swait.ge [sflag:s17], $0x800  }
0x3b: {  	[sflag:s17] =	ssyncset.done $0x0  }
0x3c: {  	s20 =	rddreg [dreg:$0x7];
	[sflag:s17] =	ssyncadd.s32 $0xFFFFF800  }
0x3d: {  	[spmem:s20] =	stream.linear.scatter [tilespmem:s16], [sflag:$0xB], $0x800, $0x38;
	[tilespmem:$0x1E680] =	vst v63  }
0x3e: {  	_ =	swait.ge [sflag:s17], $0x800  }
0x3f: {  	[sflag:s17] =	ssyncset.done $0x0  }
0x40: {  	s21 =	rddreg [dreg:$0x8];
	[sflag:s17] =	ssyncadd.s32 $0xFFFFF800  }
0x41: {  	[spmem:s21] =	stream.linear.scatter [tilespmem:s16], [sflag:$0xB], $0x800, $0x38;
	[tilespmem:$0x1E680] =	vst v63  }
0x42: {  	_ =	swait.ge [sflag:s17], $0x800  }
0x43: {  	[sflag:s17] =	ssyncset.done $0x0  }
0x44: {  	s22 =	rddreg [dreg:$0x9];
	[sflag:s17] =	ssyncadd.s32 $0xFFFFF800  }
0x45: {  	[spmem:s22] =	stream.linear.scatter [tilespmem:s16], [sflag:$0xB], $0x800, $0x38;
	[tilespmem:$0x1E680] =	vst v63  }
0x46: {  	_ =	swait.ge [sflag:s17], $0x800  }
0x47: {  	[sflag:s17] =	ssyncset.done $0x0  }
0x48: {  	s26 =	rddreg [dreg:$0xa];
	[sflag:s17] =	ssyncadd.s32 $0xFFFFF800  }
0x49: {  	[spmem:s26] =	stream.linear.scatter [tilespmem:s16], [sflag:$0xB], $0x800, $0x38;
	[tilespmem:$0x1E680] =	vst v63  }
0x4a: {  	_ =	swait.ge [sflag:s17], $0x800  }
0x4b: {  	[sflag:s17] =	ssyncset.done $0x0  }
0x4c: {  	s28 =	rddreg [dreg:$0x13];
	[sflag:s17] =	ssyncadd.s32 $0xFFFFF800  }
0x4d: {  	[spmem:s28] =	stream.linear.scatter [tilespmem:s16], [sflag:$0xB], $0x800, $0x38;
	[tilespmem:$0x1E680] =	vst v63  }
0x4e: {  	_ =	swait.ge [sflag:s17], $0x800  }
0x4f: {  	[sflag:s17] =	ssyncset.done $0x0  }
0x50: {  	s31 =	rddreg [dreg:$0x14];
	[sflag:s17] =	ssyncadd.s32 $0xFFFFF800  }
0x51: {  	[spmem:s31] =	stream.linear.scatter [tilespmem:s16], [sflag:$0xB], $0x800, $0x38;
	[tilespmem:$0x1E680] =	vst v63  }
0x52: {  	_ =	swait.ge [sflag:s17], $0x800  }
0x53: {  	[sflag:s17] =	ssyncset.done $0x0  }
0x54: {  	s1 =	rddreg [dreg:$0x15];
	[sflag:s17] =	ssyncadd.s32 $0xFFFFF800  }
0x55: {  	[spmem:s1] =	stream.linear.scatter [tilespmem:s16], [sflag:$0xB], $0x800, $0x38;
	[tilespmem:$0x1E680] =	vst v63  }
0x56: {  	_ =	swait.ge [sflag:s17], $0x800  }
0x57: {  	[sflag:s17] =	ssyncset.done $0x0  }
0x58: {  	s2 =	rddreg [dreg:$0x16];
	[sflag:s17] =	ssyncadd.s32 $0xFFFFF800  }
0x59: {  	[spmem:s2] =	stream.linear.scatter [tilespmem:s16], [sflag:$0xB], $0x800, $0x38;
	[tilespmem:$0x1E680] =	vst v63  }
0x5a: {  	_ =	swait.ge [sflag:s17], $0x800  }
0x5b: {  	[sflag:s17] =	ssyncset.done $0x0  }
0x5c: {  	s9 =	rddreg [dreg:$0x17];
	[sflag:s17] =	ssyncadd.s32 $0xFFFFF800  }
0x5d: {  	[spmem:s9] =	stream.linear.scatter [tilespmem:s16], [sflag:$0xB], $0x800, $0x38;
	[tilespmem:$0x1E680] =	vst v63  }
0x5e: {  	_ =	swait.ge [sflag:s17], $0x800  }
0x5f: {  	[sflag:s17] =	ssyncset.done $0x0  }
0x60: {  	s12 =	rddreg [dreg:$0x18];
	[sflag:s17] =	ssyncadd.s32 $0xFFFFF800  }
0x61: {  	[spmem:s12] =	stream.linear.scatter [tilespmem:s16], [sflag:$0xB], $0x800, $0x38;
	[tilespmem:$0x1E680] =	vst v63  }
0x62: {  	_ =	swait.ge [sflag:s17], $0x800  }
0x63: {  	[sflag:s17] =	ssyncset.done $0x0  }
0x64: {  	s13 =	rddreg [dreg:$0x19];
	[sflag:s17] =	ssyncadd.s32 $0xFFFFF800  }
0x65: {  	[spmem:s13] =	stream.linear.scatter [tilespmem:s16], [sflag:$0xB], $0x800, $0x38;
	[tilespmem:$0x1E680] =	vst v63  }
0x66: {  	_ =	swait.ge [sflag:s17], $0x800  }
0x67: {  	[sflag:s17] =	ssyncset.done $0x0  }
0x68: {  	s18 =	rddreg [dreg:$0x1a];
	[sflag:s17] =	ssyncadd.s32 $0xFFFFF800  }
0x69: {  	[spmem:s18] =	stream.linear.scatter [tilespmem:s16], [sflag:$0xB], $0x800, $0x38;
	[tilespmem:$0x1E680] =	vst v63  }
0x6a: {  	_ =	swait.ge [sflag:s17], $0x800  }
0x6b: {  	[sflag:s17] =	ssyncset.done $0x0  }
0x6c: {  	s19 =	rddreg [dreg:$0x1b];
	[sflag:s17] =	ssyncadd.s32 $0xFFFFF800  }
0x6d: {  	[spmem:s19] =	stream.linear.scatter [tilespmem:s16], [sflag:$0xB], $0x800, $0x38;
	[tilespmem:$0x1E680] =	vst v63  }
0x6e: {  	_ =	swait.ge [sflag:s17], $0x800  }
0x6f: {  	[sflag:s17] =	ssyncset.done $0x0  }
0x70: {  	s20 =	rddreg [dreg:$0x1c];
	[sflag:s17] =	ssyncadd.s32 $0xFFFFF800  }
0x71: {  	[spmem:s20] =	stream.linear.scatter [tilespmem:s16], [sflag:$0xB], $0x800, $0x38;
	[tilespmem:$0x1E680] =	vst v63  }
0x72: {  	_ =	swait.ge [sflag:s17], $0x800  }
0x73: {  	[sflag:s17] =	ssyncset.done $0x0  }
0x74: {  	s21 =	rddreg [dreg:$0x1d];
	[sflag:s17] =	ssyncadd.s32 $0xFFFFF800  }
0x75: {  	[spmem:s21] =	stream.linear.scatter [tilespmem:s16], [sflag:$0xB], $0x800, $0x38;
	[tilespmem:$0x1E680] =	vst v63  }
0x76: {  	_ =	swait.ge [sflag:s17], $0x800  }
0x77: {  	[sflag:s17] =	ssyncset.done $0x0  }
0x78: {  	s22 =	rddreg [dreg:$0x1e];
	[sflag:s17] =	ssyncadd.s32 $0xFFFFF800  }
0x79: {  	[spmem:s22] =	stream.linear.scatter [tilespmem:s16], [sflag:$0xB], $0x800, $0x38;
	[tilespmem:$0x1E680] =	vst v63  }
0x7a: {  	_ =	swait.ge [sflag:s17], $0x800  }
0x7b: {  	[sflag:s17] =	ssyncset.done $0x0  }
0x7c: {  	s26 =	rddreg [dreg:$0x1f];
	[sflag:s17] =	ssyncadd.s32 $0xFFFFF800  }
0x7d: {  	[spmem:s26] =	stream.linear.scatter [tilespmem:s16], [sflag:$0xB], $0x800, $0x38;
	[tilespmem:$0x1E680] =	vst v63  }
0x7e: {  	_ =	swait.ge [sflag:s17], $0x800  }
0x7f: {  	[sflag:s17] =	ssyncset.done $0x0  }
0x80: {  	s0 =	simm.s32 $0x0;
	s28 =	rddreg [dreg:$0xb];
	[sflag:s17] =	ssyncadd.s32 $0xFFFFF800  }
0x81: {  	[tilespmem:s0], [sflag:$0xB] =	stream.linear.gather [hbm4b:s28+s0], $0x2800, $0x38;
	[tilespmem:$0x1E680] =	vst v63  }
0x82: {  	_ =	swait.ge [sflag:s17], $0x2800  }
0x83: {  	[sflag:s17] =	ssyncset.done $0x0  }
0x84: {  	s2 =	simm.s32 $0x2800;
	s31 =	rddreg [dreg:$0xc];
	[sflag:s17] =	ssyncadd.s32 $0xFFFFD800  }
0x85: {  	[tilespmem:s2], [sflag:$0xB] =	stream.linear.gather [hbm4b:s31+s0], $0x2800, $0x38;
	[tilespmem:$0x1E680] =	vst v63  }
0x86: {  	_ =	swait.ge [sflag:s17], $0x2800  }
0x87: {  	[sflag:s17] =	ssyncset.done $0x0  }
0x88: {  	s1 =	simm.s32 $0x0;
	[sflag:s17] =	ssyncadd.s32 $0xFFFFD800  }
0x89: {  	v5 =	vld [tilespmem:s1+$0x0]  }
0x8a: {  	v7 =	vld [tilespmem:s1+$0x10]  }
0x8b: {  	v6 =	vld [tilespmem:s1+$0x20]  }
0x8c: {  	v4 =	vld [tilespmem:s1+$0x30]  }
0x8d: {  	v3 =	vld [tilespmem:s1+$0x40]  }
0x8e: {  	v8 =	vadd.s32 v0, v5;
	v5 =	vld [tilespmem:s1+$0x50]  }
0x8f: {  	s2 =	simm.s32 $0x200;
	[tilespmem:s1+$0x0] =	vst v8;
	v8 =	vadd.s32 v0, v7;
	v7 =	vld [tilespmem:s1+$0x60]  }
.LBB2_6:
0x90: {  	s9 =	sshra.s32 s2, $0x2;
	p0 =	sne.s32 s2, $0x9E00;
	[tilespmem:s1+$0x10] =	vst v8;
	v6 =	vadd.s32 v0, v6;
	v8 =	vld [tilespmem:s1+$0x70]  }
0x91: {  	v9 =	vld [tilespmem:s9+$0x0];
	[tilespmem:s1+$0x20] =	vst v6;
	v4 =	vadd.s32 v0, v4  }
0x92: {  	v10 =	vld [tilespmem:s9+$0x10];
	[tilespmem:s1+$0x30] =	vst v4;
	v3 =	vadd.s32 v0, v3  }
.Ltmp2:
0x93: {  	v6 =	vld [tilespmem:s9+$0x20];
	[tilespmem:s1+$0x40] =	vst v3;
	v3 =	vadd.s32 v0, v5;
	(pc) =	sbr.rel @p0 .LBB2_6-.Ltmp2, $4  }
0x94: {  	v4 =	vld [tilespmem:s9+$0x30];
	[tilespmem:s1+$0x50] =	vst v3;
	v5 =	vadd.s32 v0, v7  }
0x95: {  	v3 =	vld [tilespmem:s9+$0x40];
	[tilespmem:s1+$0x60] =	vst v5;
	v7 =	vadd.s32 v0, v8  }
0x96: {  	v8 =	vadd.s32 v0, v9;
	v5 =	vld [tilespmem:s9+$0x50];
	[tilespmem:s1+$0x70] =	vst v7;
	s1 =	smov.u32 s9  }
0x97: {  	s2 =	sadd.s32 $0x200, s2;
	[tilespmem:s1+$0x0] =	vst v8;
	v8 =	vadd.s32 v0, v10;
	v7 =	vld [tilespmem:s1+$0x60]  }
0x98: {  	[tilespmem:s1+$0x10] =	vst v8;
	v6 =	vadd.s32 v0, v6;
	v63 =	vld [tilespmem:s1+$0x70]  }
0x99: {  	[tilespmem:s1+$0x20] =	vst v6;
	v4 =	vadd.s32 v0, v4  }
0x9a: {  	[tilespmem:s1+$0x30] =	vst v4;
	v3 =	vadd.s32 v0, v3  }
0x9b: {  	[tilespmem:s1+$0x40] =	vst v3;
	v3 =	vadd.s32 v0, v5  }
0x9c: {  	[tilespmem:s1+$0x50] =	vst v3;
	v3 =	vadd.s32 v0, v7  }
0x9d: {  	[tilespmem:s1+$0x60] =	vst v3;
	v3 =	vadd.s32 v0, v63  }
0x9e: {  	[tilespmem:s1+$0x70] =	vst v3  }
.LBB2_8:
0x9f: {  	s1 =	sshra.s32 s0, $0x2  }
0xa0: {  	v3 =	vld [tilespmem:s1+$0x2800];
	_ =	sdelay $0x7  }
0xa1: {  	[tilespmem:v3+s25+$0x0] =	vst.idx.add.f32.msk $0xffff, v2  }
0xa2: {  	v3 =	vld [tilespmem:s1+$0x2810];
	_ =	sdelay $0x7  }
0xa3: {  	[tilespmem:v3+s25+$0x0] =	vst.idx.add.f32.msk $0xffff, v2  }
0xa4: {  	v3 =	vld [tilespmem:s1+$0x2820];
	_ =	sdelay $0x7  }
0xa5: {  	[tilespmem:v3+s25+$0x0] =	vst.idx.add.f32.msk $0xffff, v2  }
0xa6: {  	v3 =	vld [tilespmem:s1+$0x2830];
	_ =	sdelay $0x7  }
0xa7: {  	[tilespmem:v3+s25+$0x0] =	vst.idx.add.f32.msk $0xffff, v2  }
0xa8: {  	v3 =	vld [tilespmem:s1+$0x2840];
	_ =	sdelay $0x7  }
0xa9: {  	[tilespmem:v3+s25+$0x0] =	vst.idx.add.f32.msk $0xffff, v2  }
0xaa: {  	v3 =	vld [tilespmem:s1+$0x2850];
	_ =	sdelay $0x7  }
0xab: {  	[tilespmem:v3+s25+$0x0] =	vst.idx.add.f32.msk $0xffff, v2  }
0xac: {  	v3 =	vld [tilespmem:s1+$0x2860];
	_ =	sdelay $0x7  }
0xad: {  	[tilespmem:v3+s25+$0x0] =	vst.idx.add.f32.msk $0xffff, v2  }
0xae: {  	v3 =	vld [tilespmem:s1+$0x2870];
	_ =	sdelay $0x2  }
0xaf: {  	p0 =	sne.s32 s0, $0x9E00  }
.Ltmp3:
0xb0: {  	_ = 	snop;
	(pc) =	sbr.rel @p0 .LBB2_8-.Ltmp3, $2  }
0xb1: {  	_ =	sdelay $0x2  }
0xb2: {  	s0 =	sadd.s32 $0x200, s0;
	[tilespmem:v3+s25+$0x0] =	vst.idx.add.f32.msk $0xffff, v2  }
0xb3: {  	s0 =	simm.s32 $0x0;
	s1 =	rddreg [dreg:$0xd]  }
0xb4: {  	[hbm4b:s1+s0] =	stream.linear.scatter [tilespmem:s25], [sflag:$0xB], $0x2800, $0x38;
	[tilespmem:$0x1E680] =	vst v63  }
0xb5: {  	_ =	swait.ge [sflag:s17], $0x2800  }
0xb6: {  	[sflag:s17] =	ssyncset.done $0x0  }
0xb7: {  	[sflag:s17] =	ssyncadd.s32 $0xFFFFD800  }
0xb8: {  	s1 =	simm.s32 $0x14400;
	[bflag:$0x0] =	sbarrier.arrive $0xFFFF  }
.LBB2_10:
0xb9: {  	s2 =	sshll.u32 s0, $0x6  }
0xba: {  	s2 =	sadd.s32 s11, s2  }
0xbb: {  	s9 =	simm.s32 $0x2800;
	s2 =	sshrl.u32 s2, $0x3  }
0xbc: {  	s12 =	simm.s32 $0x40;
	s13 =	simm.s32 $0x14000;
	s2 =	sadd.s32 s10, s2  }
0xbd: {  	[tilespmem:s13], [sflag:$0xB] =	stream.strided.gather [hbm4b:s2+s12], $0x400, s9, s12, $0x38;
	[tilespmem:$0x1E680] =	vst v63  }
0xbe: {  	_ =	swait.ge [sflag:s17], $0x400  }
0xbf: {  	[sflag:s17] =	ssyncset.done $0x0  }
0xc0: {  	s2 =	simm.s32 $0x0;
	[sflag:s17] =	ssyncadd.s32 $0xFFFFFC00  }
0xc1: {  	v3 =	vmov s1;
	s9 =	simm.s32 $0x40;
	v4 =	vld [tilespmem:s2+$0x14040]  }
.LBB2_11:
0xc2: {  	p0 =	sne.s32 s9, $0xC0;
	v5 =	vld [tilespmem:s2+$0x14000];
	_ =	sdelay $0x1  }
0xc3: {  	v6 =	vld [tilespmem:s2+$0x14080];
	_ =	sdelay $0x1  }
0xc4: {  	v7 =	vld [tilespmem:s2+$0x140C0]  }
0xc5: {  	v4 =	vadd.f32 v4, v5  }
0xc6: {  	v5 =	vld [tilespmem:s2+$0x14100]  }
0xc7: {  	v4 =	vadd.f32 v6, v4  }
0xc8: {  	v6 =	vld [tilespmem:s2+$0x14140]  }
0xc9: {  	v4 =	vadd.f32 v7, v4  }
0xca: {  	v7 =	vld [tilespmem:s2+$0x14180]  }
0xcb: {  	v4 =	vadd.f32 v5, v4  }
0xcc: {  	v5 =	vld [tilespmem:s2+$0x141C0]  }
0xcd: {  	v4 =	vadd.f32 v6, v4  }
0xce: {  	v6 =	vld [tilespmem:s2+$0x14200]  }
0xcf: {  	v4 =	vadd.f32 v7, v4  }
0xd0: {  	v7 =	vld [tilespmem:s2+$0x14240]  }
0xd1: {  	v4 =	vadd.f32 v5, v4  }
0xd2: {  	v5 =	vld [tilespmem:s2+$0x14280]  }
0xd3: {  	v4 =	vadd.f32 v6, v4  }
0xd4: {  	v6 =	vld [tilespmem:s2+$0x142C0]  }
0xd5: {  	v4 =	vadd.f32 v7, v4  }
0xd6: {  	v7 =	vld [tilespmem:s2+$0x14300]  }
0xd7: {  	v4 =	vadd.f32 v5, v4  }
0xd8: {  	v5 =	vld [tilespmem:s2+$0x14340]  }
0xd9: {  	v4 =	vadd.f32 v6, v4  }
0xda: {  	v6 =	vld [tilespmem:s2+$0x14380]  }
0xdb: {  	v4 =	vadd.f32 v7, v4  }
0xdc: {  	v7 =	vld [tilespmem:s2+$0x143C0]  }
0xdd: {  	v4 =	vadd.f32 v5, v4;
	_ =	sdelay $0x1  }
0xde: {  	v4 =	vadd.f32 v6, v4;
	_ =	sdelay $0x1  }
0xdf: {  	v4 =	vadd.f32 v7, v4;
	_ =	sdelay $0x1  }
0xe0: {  	v5 =	vmax.f32 v4, $1.000000000e+00  }
0xe1: {  	v6 =	vshra.s32 v5, $0x1;
	v5 =	vmul.f32 $5.000000000e-01, v5  }
0xe2: {  	v6 =	vsub.s32 $0x5F3759DF, v6  }
0xe3: {  	v7 =	vmul.f32 v6, v5;
	_ =	sdelay $0x1  }
0xe4: {  	v7 =	vmul.f32 v6, v7;
	_ =	sdelay $0x1  }
0xe5: {  	v7 =	vsub.f32 $1.500000000e+00, v7;
	_ =	sdelay $0x1  }
0xe6: {  	v6 =	vmul.f32 v6, v7;
	_ =	sdelay $0x1  }
0xe7: {  	v7 =	vmul.f32 v6, v5;
	_ =	sdelay $0x1  }
0xe8: {  	v7 =	vmul.f32 v7, v6;
	_ =	sdelay $0x1  }
0xe9: {  	v7 =	vsub.f32 $1.500000000e+00, v7;
	_ =	sdelay $0x1  }
0xea: {  	v6 =	vmul.f32 v7, v6;
	_ =	sdelay $0x1  }
0xeb: {  	v7 =	vmul.f32 v6, v5;
	_ =	sdelay $0x1  }
0xec: {  	v7 =	vmul.f32 v7, v6;
	_ =	sdelay $0x1  }
0xed: {  	v7 =	vsub.f32 $1.500000000e+00, v7;
	_ =	sdelay $0x1  }
0xee: {  	v6 =	vmul.f32 v7, v6;
	_ =	sdelay $0x1  }
0xef: {  	v5 =	vmul.f32 v6, v5;
	_ =	sdelay $0x1  }
0xf0: {  	v5 =	vmul.f32 v5, v6;
	_ =	sdelay $0x1  }
0xf1: {  	v5 =	vsub.f32 $1.500000000e+00, v5;
	_ =	sdelay $0x1  }
.Ltmp4:
0xf2: {  	v5 =	vmul.f32 v5, v6;
	(pc) =	sbr.rel @p0 .LBB2_11-.Ltmp4, $4  }
0xf3: {  	vm0 =	vgt.f32 v4, $5.000000000e-01  }
0xf4: {  	v4 =	vnsel vm0, $0x0, v5  }
0xf5: {  	[tilespmem:v3+s2+$0x0 ss:$0x1] =	vst.idx.msk $0xffff, v4;
	s2 =	sshra.s32 s9, $0x2  }
0xf6: {  	s9 =	sadd.s32 $0x40, s9;
	v4 =	vld [tilespmem:s2+$0x14040]  }
0xf7: {  	v5 =	vld [tilespmem:s2+$0x14000];
	_ =	sdelay $0x1  }
0xf8: {  	v6 =	vld [tilespmem:s2+$0x14080];
	_ =	sdelay $0x1  }
0xf9: {  	v7 =	vld [tilespmem:s2+$0x140C0]  }
0xfa: {  	v4 =	vadd.f32 v4, v5  }
0xfb: {  	v49 =	vld [tilespmem:s2+$0x14100]  }
0xfc: {  	v4 =	vadd.f32 v6, v4  }
0xfd: {  	v50 =	vld [tilespmem:s2+$0x14140]  }
0xfe: {  	v4 =	vadd.f32 v7, v4  }
0xff: {  	v51 =	vld [tilespmem:s2+$0x14180]  }
0x100: {  	v4 =	vadd.f32 v49, v4  }
0x101: {  	v52 =	vld [tilespmem:s2+$0x141C0]  }
0x102: {  	v4 =	vadd.f32 v50, v4  }
0x103: {  	v53 =	vld [tilespmem:s2+$0x14200]  }
0x104: {  	v4 =	vadd.f32 v51, v4  }
0x105: {  	v54 =	vld [tilespmem:s2+$0x14240]  }
0x106: {  	v4 =	vadd.f32 v52, v4  }
0x107: {  	v55 =	vld [tilespmem:s2+$0x14280]  }
0x108: {  	v4 =	vadd.f32 v53, v4  }
0x109: {  	v56 =	vld [tilespmem:s2+$0x142C0]  }
0x10a: {  	v4 =	vadd.f32 v54, v4  }
0x10b: {  	v57 =	vld [tilespmem:s2+$0x14300]  }
0x10c: {  	v4 =	vadd.f32 v55, v4  }
0x10d: {  	v58 =	vld [tilespmem:s2+$0x14340]  }
0x10e: {  	v4 =	vadd.f32 v56, v4  }
0x10f: {  	v59 =	vld [tilespmem:s2+$0x14380]  }
0x110: {  	v4 =	vadd.f32 v57, v4  }
0x111: {  	v60 =	vld [tilespmem:s2+$0x143C0]  }
0x112: {  	v4 =	vadd.f32 v58, v4;
	_ =	sdelay $0x1  }
0x113: {  	v4 =	vadd.f32 v59, v4;
	_ =	sdelay $0x1  }
0x114: {  	v4 =	vadd.f32 v60, v4;
	_ =	sdelay $0x1  }
0x115: {  	v61 =	vmax.f32 v4, $1.000000000e+00  }
0x116: {  	v62 =	vshra.s32 v61, $0x1;
	v5 =	vmul.f32 $5.000000000e-01, v61  }
0x117: {  	v6 =	vsub.s32 $0x5F3759DF, v62  }
0x118: {  	v63 =	vmul.f32 v6, v5;
	_ =	sdelay $0x1  }
0x119: {  	v7 =	vmul.f32 v6, v63;
	_ =	sdelay $0x1  }
0x11a: {  	v7 =	vsub.f32 $1.500000000e+00, v7;
	_ =	sdelay $0x1  }
0x11b: {  	v6 =	vmul.f32 v6, v7;
	_ =	sdelay $0x1  }
0x11c: {  	v7 =	vmul.f32 v6, v5;
	_ =	sdelay $0x1  }
0x11d: {  	v7 =	vmul.f32 v7, v6;
	_ =	sdelay $0x1  }
0x11e: {  	v7 =	vsub.f32 $1.500000000e+00, v7;
	_ =	sdelay $0x1  }
0x11f: {  	v6 =	vmul.f32 v7, v6;
	_ =	sdelay $0x1  }
0x120: {  	v7 =	vmul.f32 v6, v5;
	_ =	sdelay $0x1  }
0x121: {  	v7 =	vmul.f32 v7, v6;
	_ =	sdelay $0x1  }
0x122: {  	v7 =	vsub.f32 $1.500000000e+00, v7;
	_ =	sdelay $0x1  }
0x123: {  	v6 =	vmul.f32 v7, v6;
	_ =	sdelay $0x1  }
0x124: {  	v5 =	vmul.f32 v6, v5;
	_ =	sdelay $0x1  }
0x125: {  	v5 =	vmul.f32 v5, v6  }
0x126: {  	s0 =	sadd.s32 $0x1, s0  }
0x127: {  	p0 =	sne.s32 s0, $0xA;
	v5 =	vsub.f32 $1.500000000e+00, v5  }
.Ltmp5:
0x128: {  	_ = 	snop;
	(pc) =	sbr.rel @p0 .LBB2_10-.Ltmp5, $4  }
0x129: {  	v5 =	vmul.f32 v5, v6  }
0x12a: {  	vm0 =	vgt.f32 v4, $5.000000000e-01  }
0x12b: {  	v4 =	vnsel vm0, $0x0, v5  }
0x12c: {  	s1 =	sadd.s32 $0x40, s1;
	[tilespmem:v3+s2+$0x0 ss:$0x1] =	vst.idx.msk $0xffff, v4  }
0x12d: {  	s1 =	simm.s32 $0x0;
	s2 =	simm.s32 $0x14400;
	s9 =	simm.s32 $0x0  }
.LBB2_14:
0x12e: {  	s0 =	sshll.u32 s9, $0x6  }
0x12f: {  	s0 =	sadd.s32 s8, s0  }
0x130: {  	s11 =	rddreg [dreg:$0xe];
	s10 =	sshll.u32 s0, $0x6  }
0x131: {  	s10 =	sadd.s32 s11, s10  }
0x132: {  	s10 =	sshrl.u32 s10, $0x3  }
0x133: {  	s10 =	sadd.s32 s5, s10  }
0x134: {  	v3 =	vmov s2;
	[tilespmem:s29], [sflag:$0xB] =	stream.linear.gather [hbm4b:s10+s1], $0x1000, $0x38;
	[tilespmem:$0x1E680] =	vst v63  }
0x135: {  	_ =	swait.ge [sflag:s17], $0x1000  }
0x136: {  	[sflag:s17] =	ssyncset.done $0x0  }
0x137: {  	s11 =	simm.s32 $0x0;
	s10 =	simm.s32 $0xF200;
	[sflag:s17] =	ssyncadd.s32 $0xFFFFF000  }
.LBB2_15:
0x138: {  	s12 =	sshra.s32 s11, $0x2  }
0x139: {  	v4 =	vld.idx.msk [tilespmem:v3+s12+$0x0 ss:$0x1], $0xffff;
	_ =	sdelay $0x1  }
0x13a: {  	v5 =	vld [tilespmem:s10+$0xFFFFFE00];
	_ =	sdelay $0x2  }
0x13b: {  	v6 =	vbroadcast v4, $0x0;
	_ =	sdelay $0x1  }
0x13c: {  	v5 =	vmul.f32 v6, v5;
	_ =	sdelay $0x1  }
0x13d: {  	[tilespmem:s10+$0xFFFFFE00] =	vst v5;
	v5 =	vld [tilespmem:s10+$0xFFFFFE10];
	_ =	sdelay $0x4  }
0x13e: {  	v5 =	vmul.f32 v5, v6;
	_ =	sdelay $0x1  }
0x13f: {  	[tilespmem:s10+$0xFFFFFE10] =	vst v5;
	v5 =	vld [tilespmem:s10+$0xFFFFFE20];
	_ =	sdelay $0x4  }
0x140: {  	v5 =	vmul.f32 v5, v6;
	_ =	sdelay $0x1  }
0x141: {  	[tilespmem:s10+$0xFFFFFE20] =	vst v5;
	v5 =	vld [tilespmem:s10+$0xFFFFFE30];
	_ =	sdelay $0x4  }
0x142: {  	v5 =	vmul.f32 v5, v6;
	_ =	sdelay $0x1  }
0x143: {  	[tilespmem:s10+$0xFFFFFE30] =	vst v5;
	v5 =	vld [tilespmem:s10+$0xFFFFFE40];
	_ =	sdelay $0x2  }
0x144: {  	v50 =	vbroadcast v4, $0x1;
	_ =	sdelay $0x1  }
0x145: {  	v5 =	vmul.f32 v5, v50;
	_ =	sdelay $0x1  }
0x146: {  	[tilespmem:s10+$0xFFFFFE40] =	vst v5;
	v5 =	vld [tilespmem:s10+$0xFFFFFE50];
	_ =	sdelay $0x4  }
0x147: {  	v5 =	vmul.f32 v5, v50;
	_ =	sdelay $0x1  }
0x148: {  	[tilespmem:s10+$0xFFFFFE50] =	vst v5;
	v5 =	vld [tilespmem:s10+$0xFFFFFE60];
	_ =	sdelay $0x4  }
0x149: {  	v5 =	vmul.f32 v5, v50;
	_ =	sdelay $0x1  }
0x14a: {  	[tilespmem:s10+$0xFFFFFE60] =	vst v5;
	v5 =	vld [tilespmem:s10+$0xFFFFFE70];
	_ =	sdelay $0x4  }
0x14b: {  	v5 =	vmul.f32 v5, v50;
	_ =	sdelay $0x1  }
0x14c: {  	[tilespmem:s10+$0xFFFFFE70] =	vst v5;
	v5 =	vld [tilespmem:s10+$0xFFFFFE80];
	_ =	sdelay $0x2  }
0x14d: {  	v51 =	vbroadcast v4, $0x2;
	_ =	sdelay $0x1  }
0x14e: {  	v5 =	vmul.f32 v5, v51;
	_ =	sdelay $0x1  }
0x14f: {  	[tilespmem:s10+$0xFFFFFE80] =	vst v5;
	v5 =	vld [tilespmem:s10+$0xFFFFFE90];
	_ =	sdelay $0x4  }
0x150: {  	v5 =	vmul.f32 v5, v51;
	_ =	sdelay $0x1  }
0x151: {  	[tilespmem:s10+$0xFFFFFE90] =	vst v5;
	v5 =	vld [tilespmem:s10+$0xFFFFFEA0];
	_ =	sdelay $0x4  }
0x152: {  	v5 =	vmul.f32 v5, v51;
	_ =	sdelay $0x1  }
0x153: {  	[tilespmem:s10+$0xFFFFFEA0] =	vst v5;
	v5 =	vld [tilespmem:s10+$0xFFFFFEB0];
	_ =	sdelay $0x4  }
0x154: {  	v5 =	vmul.f32 v5, v51;
	_ =	sdelay $0x1  }
0x155: {  	[tilespmem:s10+$0xFFFFFEB0] =	vst v5;
	v5 =	vld [tilespmem:s10+$0xFFFFFEC0];
	_ =	sdelay $0x2  }
0x156: {  	v52 =	vbroadcast v4, $0x3;
	_ =	sdelay $0x1  }
0x157: {  	v5 =	vmul.f32 v5, v52;
	_ =	sdelay $0x1  }
0x158: {  	[tilespmem:s10+$0xFFFFFEC0] =	vst v5;
	v5 =	vld [tilespmem:s10+$0xFFFFFED0];
	_ =	sdelay $0x4  }
0x159: {  	v5 =	vmul.f32 v5, v52;
	_ =	sdelay $0x1  }
0x15a: {  	[tilespmem:s10+$0xFFFFFED0] =	vst v5;
	v5 =	vld [tilespmem:s10+$0xFFFFFEE0];
	_ =	sdelay $0x4  }
0x15b: {  	v5 =	vmul.f32 v5, v52;
	_ =	sdelay $0x1  }
0x15c: {  	[tilespmem:s10+$0xFFFFFEE0] =	vst v5;
	v5 =	vld [tilespmem:s10+$0xFFFFFEF0];
	_ =	sdelay $0x4  }
0x15d: {  	v5 =	vmul.f32 v5, v52;
	_ =	sdelay $0x1  }
0x15e: {  	[tilespmem:s10+$0xFFFFFEF0] =	vst v5;
	v5 =	vld [tilespmem:s10+$0xFFFFFF00];
	_ =	sdelay $0x2  }
0x15f: {  	v53 =	vbroadcast v4, $0x4;
	_ =	sdelay $0x1  }
0x160: {  	v5 =	vmul.f32 v5, v53;
	_ =	sdelay $0x1  }
0x161: {  	[tilespmem:s10+$0xFFFFFF00] =	vst v5;
	v5 =	vld [tilespmem:s10+$0xFFFFFF10];
	_ =	sdelay $0x4  }
0x162: {  	v5 =	vmul.f32 v5, v53;
	_ =	sdelay $0x1  }
0x163: {  	[tilespmem:s10+$0xFFFFFF10] =	vst v5;
	v5 =	vld [tilespmem:s10+$0xFFFFFF20];
	_ =	sdelay $0x4  }
0x164: {  	v5 =	vmul.f32 v5, v53;
	_ =	sdelay $0x1  }
0x165: {  	[tilespmem:s10+$0xFFFFFF20] =	vst v5;
	v5 =	vld [tilespmem:s10+$0xFFFFFF30];
	_ =	sdelay $0x4  }
0x166: {  	v5 =	vmul.f32 v5, v53;
	_ =	sdelay $0x1  }
0x167: {  	[tilespmem:s10+$0xFFFFFF30] =	vst v5;
	v5 =	vld [tilespmem:s10+$0xFFFFFF40];
	_ =	sdelay $0x2  }
0x168: {  	v54 =	vbroadcast v4, $0x5;
	_ =	sdelay $0x1  }
0x169: {  	v5 =	vmul.f32 v5, v54;
	_ =	sdelay $0x1  }
0x16a: {  	[tilespmem:s10+$0xFFFFFF40] =	vst v5;
	v5 =	vld [tilespmem:s10+$0xFFFFFF50];
	_ =	sdelay $0x4  }
0x16b: {  	v5 =	vmul.f32 v5, v54;
	_ =	sdelay $0x1  }
0x16c: {  	[tilespmem:s10+$0xFFFFFF50] =	vst v5;
	v5 =	vld [tilespmem:s10+$0xFFFFFF60];
	_ =	sdelay $0x4  }
0x16d: {  	v5 =	vmul.f32 v5, v54;
	_ =	sdelay $0x1  }
0x16e: {  	[tilespmem:s10+$0xFFFFFF60] =	vst v5;
	v5 =	vld [tilespmem:s10+$0xFFFFFF70];
	_ =	sdelay $0x4  }
0x16f: {  	v5 =	vmul.f32 v5, v54;
	_ =	sdelay $0x1  }
0x170: {  	[tilespmem:s10+$0xFFFFFF70] =	vst v5;
	v5 =	vld [tilespmem:s10+$0xFFFFFF80];
	_ =	sdelay $0x2  }
0x171: {  	v55 =	vbroadcast v4, $0x6;
	_ =	sdelay $0x1  }
0x172: {  	v5 =	vmul.f32 v5, v55;
	_ =	sdelay $0x1  }
0x173: {  	[tilespmem:s10+$0xFFFFFF80] =	vst v5;
	v5 =	vld [tilespmem:s10+$0xFFFFFF90];
	_ =	sdelay $0x4  }
0x174: {  	v5 =	vmul.f32 v5, v55;
	_ =	sdelay $0x1  }
0x175: {  	[tilespmem:s10+$0xFFFFFF90] =	vst v5;
	v5 =	vld [tilespmem:s10+$0xFFFFFFA0];
	_ =	sdelay $0x4  }
0x176: {  	v5 =	vmul.f32 v5, v55;
	_ =	sdelay $0x1  }
0x177: {  	[tilespmem:s10+$0xFFFFFFA0] =	vst v5;
	v5 =	vld [tilespmem:s10+$0xFFFFFFB0];
	_ =	sdelay $0x4  }
0x178: {  	v5 =	vmul.f32 v5, v55;
	_ =	sdelay $0x1  }
0x179: {  	[tilespmem:s10+$0xFFFFFFB0] =	vst v5;
	v5 =	vld [tilespmem:s10+$0xFFFFFFC0];
	_ =	sdelay $0x2  }
0x17a: {  	v56 =	vbroadcast v4, $0x7;
	_ =	sdelay $0x1  }
0x17b: {  	v5 =	vmul.f32 v5, v56;
	_ =	sdelay $0x1  }
0x17c: {  	[tilespmem:s10+$0xFFFFFFC0] =	vst v5;
	v5 =	vld [tilespmem:s10+$0xFFFFFFD0];
	_ =	sdelay $0x4  }
0x17d: {  	v5 =	vmul.f32 v5, v56;
	_ =	sdelay $0x1  }
0x17e: {  	[tilespmem:s10+$0xFFFFFFD0] =	vst v5;
	v5 =	vld [tilespmem:s10+$0xFFFFFFE0];
	_ =	sdelay $0x4  }
0x17f: {  	v5 =	vmul.f32 v5, v56;
	_ =	sdelay $0x1  }
0x180: {  	[tilespmem:s10+$0xFFFFFFE0] =	vst v5;
	v5 =	vld [tilespmem:s10+$0xFFFFFFF0];
	_ =	sdelay $0x4  }
0x181: {  	v5 =	vmul.f32 v5, v56;
	_ =	sdelay $0x1  }
0x182: {  	[tilespmem:s10+$0xFFFFFFF0] =	vst v5;
	v5 =	vld [tilespmem:s10+$0x0];
	_ =	sdelay $0x2  }
0x183: {  	v57 =	vbroadcast v4, $0x8;
	_ =	sdelay $0x1  }
0x184: {  	v5 =	vmul.f32 v5, v57;
	_ =	sdelay $0x1  }
0x185: {  	[tilespmem:s10+$0x0] =	vst v5;
	v5 =	vld [tilespmem:s10+$0x10];
	_ =	sdelay $0x4  }
0x186: {  	v5 =	vmul.f32 v5, v57;
	_ =	sdelay $0x1  }
0x187: {  	[tilespmem:s10+$0x10] =	vst v5;
	v5 =	vld [tilespmem:s10+$0x20];
	_ =	sdelay $0x4  }
0x188: {  	v5 =	vmul.f32 v5, v57;
	_ =	sdelay $0x1  }
0x189: {  	[tilespmem:s10+$0x20] =	vst v5;
	v5 =	vld [tilespmem:s10+$0x30];
	_ =	sdelay $0x4  }
0x18a: {  	v5 =	vmul.f32 v5, v57;
	_ =	sdelay $0x1  }
0x18b: {  	[tilespmem:s10+$0x30] =	vst v5;
	v5 =	vld [tilespmem:s10+$0x40];
	_ =	sdelay $0x2  }
0x18c: {  	v58 =	vbroadcast v4, $0x9;
	_ =	sdelay $0x1  }
0x18d: {  	v5 =	vmul.f32 v5, v58;
	_ =	sdelay $0x1  }
0x18e: {  	[tilespmem:s10+$0x40] =	vst v5;
	v5 =	vld [tilespmem:s10+$0x50];
	_ =	sdelay $0x4  }
0x18f: {  	v5 =	vmul.f32 v5, v58;
	_ =	sdelay $0x1  }
0x190: {  	[tilespmem:s10+$0x50] =	vst v5;
	v5 =	vld [tilespmem:s10+$0x60];
	_ =	sdelay $0x4  }
0x191: {  	v5 =	vmul.f32 v5, v58;
	_ =	sdelay $0x1  }
0x192: {  	[tilespmem:s10+$0x60] =	vst v5;
	v5 =	vld [tilespmem:s10+$0x70];
	_ =	sdelay $0x4  }
0x193: {  	v5 =	vmul.f32 v5, v58;
	_ =	sdelay $0x1  }
0x194: {  	[tilespmem:s10+$0x70] =	vst v5;
	v5 =	vld [tilespmem:s10+$0x80];
	_ =	sdelay $0x2  }
0x195: {  	v59 =	vbroadcast v4, $0xA;
	_ =	sdelay $0x1  }
0x196: {  	v5 =	vmul.f32 v5, v59;
	_ =	sdelay $0x1  }
0x197: {  	[tilespmem:s10+$0x80] =	vst v5;
	v5 =	vld [tilespmem:s10+$0x90];
	_ =	sdelay $0x4  }
0x198: {  	v5 =	vmul.f32 v5, v59;
	_ =	sdelay $0x1  }
0x199: {  	[tilespmem:s10+$0x90] =	vst v5;
	v5 =	vld [tilespmem:s10+$0xA0];
	_ =	sdelay $0x4  }
0x19a: {  	v5 =	vmul.f32 v5, v59;
	_ =	sdelay $0x1  }
0x19b: {  	[tilespmem:s10+$0xA0] =	vst v5;
	v5 =	vld [tilespmem:s10+$0xB0];
	_ =	sdelay $0x4  }
0x19c: {  	v5 =	vmul.f32 v5, v59;
	_ =	sdelay $0x1  }
0x19d: {  	[tilespmem:s10+$0xB0] =	vst v5;
	v5 =	vld [tilespmem:s10+$0xC0];
	_ =	sdelay $0x2  }
0x19e: {  	v60 =	vbroadcast v4, $0xB;
	_ =	sdelay $0x1  }
0x19f: {  	v5 =	vmul.f32 v5, v60;
	_ =	sdelay $0x1  }
0x1a0: {  	[tilespmem:s10+$0xC0] =	vst v5;
	v5 =	vld [tilespmem:s10+$0xD0];
	_ =	sdelay $0x4  }
0x1a1: {  	v5 =	vmul.f32 v5, v60;
	_ =	sdelay $0x1  }
0x1a2: {  	[tilespmem:s10+$0xD0] =	vst v5;
	v5 =	vld [tilespmem:s10+$0xE0];
	_ =	sdelay $0x4  }
0x1a3: {  	v5 =	vmul.f32 v5, v60;
	_ =	sdelay $0x1  }
0x1a4: {  	[tilespmem:s10+$0xE0] =	vst v5;
	v5 =	vld [tilespmem:s10+$0xF0];
	_ =	sdelay $0x4  }
0x1a5: {  	v5 =	vmul.f32 v5, v60;
	_ =	sdelay $0x1  }
0x1a6: {  	[tilespmem:s10+$0xF0] =	vst v5;
	v5 =	vld [tilespmem:s10+$0x100];
	_ =	sdelay $0x2  }
0x1a7: {  	v61 =	vbroadcast v4, $0xC;
	_ =	sdelay $0x1  }
0x1a8: {  	v5 =	vmul.f32 v5, v61;
	_ =	sdelay $0x1  }
0x1a9: {  	[tilespmem:s10+$0x100] =	vst v5;
	v5 =	vld [tilespmem:s10+$0x110];
	_ =	sdelay $0x4  }
0x1aa: {  	v5 =	vmul.f32 v5, v61;
	_ =	sdelay $0x1  }
0x1ab: {  	[tilespmem:s10+$0x110] =	vst v5;
	v5 =	vld [tilespmem:s10+$0x120];
	_ =	sdelay $0x4  }
0x1ac: {  	v5 =	vmul.f32 v5, v61;
	_ =	sdelay $0x1  }
0x1ad: {  	[tilespmem:s10+$0x120] =	vst v5;
	v5 =	vld [tilespmem:s10+$0x130];
	_ =	sdelay $0x4  }
0x1ae: {  	v5 =	vmul.f32 v5, v61;
	_ =	sdelay $0x1  }
0x1af: {  	[tilespmem:s10+$0x130] =	vst v5;
	v5 =	vld [tilespmem:s10+$0x140];
	_ =	sdelay $0x2  }
0x1b0: {  	v62 =	vbroadcast v4, $0xD;
	_ =	sdelay $0x1  }
0x1b1: {  	v5 =	vmul.f32 v5, v62;
	_ =	sdelay $0x1  }
0x1b2: {  	[tilespmem:s10+$0x140] =	vst v5;
	v5 =	vld [tilespmem:s10+$0x150];
	_ =	sdelay $0x4  }
0x1b3: {  	v5 =	vmul.f32 v5, v62;
	_ =	sdelay $0x1  }
0x1b4: {  	[tilespmem:s10+$0x150] =	vst v5;
	v5 =	vld [tilespmem:s10+$0x160];
	_ =	sdelay $0x4  }
0x1b5: {  	v5 =	vmul.f32 v5, v62;
	_ =	sdelay $0x1  }
0x1b6: {  	[tilespmem:s10+$0x160] =	vst v5;
	v5 =	vld [tilespmem:s10+$0x170];
	_ =	sdelay $0x4  }
0x1b7: {  	v5 =	vmul.f32 v5, v62;
	_ =	sdelay $0x1  }
0x1b8: {  	[tilespmem:s10+$0x170] =	vst v5;
	v5 =	vld [tilespmem:s10+$0x180];
	_ =	sdelay $0x2  }
0x1b9: {  	v63 =	vbroadcast v4, $0xE;
	_ =	sdelay $0x1  }
0x1ba: {  	v5 =	vmul.f32 v5, v63;
	_ =	sdelay $0x1  }
0x1bb: {  	[tilespmem:s10+$0x180] =	vst v5;
	v5 =	vld [tilespmem:s10+$0x190];
	_ =	sdelay $0x4  }
0x1bc: {  	v5 =	vmul.f32 v5, v63;
	_ =	sdelay $0x1  }
0x1bd: {  	[tilespmem:s10+$0x190] =	vst v5;
	v5 =	vld [tilespmem:s10+$0x1A0];
	_ =	sdelay $0x4  }
0x1be: {  	v5 =	vmul.f32 v5, v63;
	_ =	sdelay $0x1  }
0x1bf: {  	[tilespmem:s10+$0x1A0] =	vst v5;
	v5 =	vld [tilespmem:s10+$0x1B0];
	_ =	sdelay $0x4  }
0x1c0: {  	v5 =	vmul.f32 v5, v63;
	_ =	sdelay $0x1  }
0x1c1: {  	[tilespmem:s10+$0x1B0] =	vst v5;
	v5 =	vld [tilespmem:s10+$0x1C0];
	_ =	sdelay $0x2  }
0x1c2: {  	v4 =	vbroadcast v4, $0xF;
	_ =	sdelay $0x1  }
0x1c3: {  	v5 =	vmul.f32 v5, v4;
	_ =	sdelay $0x1  }
0x1c4: {  	[tilespmem:s10+$0x1C0] =	vst v5;
	v5 =	vld [tilespmem:s10+$0x1D0];
	_ =	sdelay $0x4  }
0x1c5: {  	v5 =	vmul.f32 v5, v4;
	_ =	sdelay $0x1  }
0x1c6: {  	[tilespmem:s10+$0x1D0] =	vst v5;
	v5 =	vld [tilespmem:s10+$0x1E0];
	_ =	sdelay $0x4  }
0x1c7: {  	v5 =	vmul.f32 v5, v4;
	_ =	sdelay $0x1  }
0x1c8: {  	[tilespmem:s10+$0x1E0] =	vst v5;
	v5 =	vld [tilespmem:s10+$0x1F0];
	_ =	sdelay $0x1  }
0x1c9: {  	p0 =	sne.s32 s11, $0xC0  }
.Ltmp6:
0x1ca: {  	_ = 	snop;
	(pc) =	sbr.rel @p0 .LBB2_15-.Ltmp6, $3  }
0x1cb: {  	_ = 	snop  }
0x1cc: {  	v4 =	vmul.f32 v5, v4;
	_ =	sdelay $0x1  }
0x1cd: {  	s11 =	sadd.s32 $0x40, s11;
	[tilespmem:s10+$0x1F0] =	vst v4;
	s10 =	sadd.s32 $0x400, s10  }
0x1ce: {  	s0 =	sadd.s32 s23, s0;
	s9 =	sadd.s32 $0x1, s9  }
0x1cf: {  	s0 =	sshll.u32 s0, $0x3;
	p0 =	sne.s32 s9, $0xA  }
.Ltmp7:
0x1d0: {  	s10 =	sadd.s32 s7, s0;
	s0 =	simm.s32 $0x0;
	(pc) =	sbr.rel @p0 .LBB2_14-.Ltmp7, $4  }
0x1d1: {  	[hbm4b:s10+s0] =	stream.linear.scatter [tilespmem:s29], [sflag:$0xB], $0x1000, $0x38;
	[tilespmem:$0x1E680] =	vst v63  }
0x1d2: {  	_ =	swait.ge [sflag:s17], $0x1000  }
0x1d3: {  	[sflag:s17] =	ssyncset.done $0x0  }
0x1d4: {  	s2 =	sadd.s32 $0x40, s2;
	[sflag:s17] =	ssyncadd.s32 $0xFFFFF000  }
0x1d5: {  	s1 =	simm.s32 $0x14400;
	s2 =	simm.s32 $0x0  }
.LBB2_18:
0x1d6: {  	s9 =	sshll.u32 s2, $0x6  }
0x1d7: {  	s9 =	sadd.s32 s8, s9  }
0x1d8: {  	s11 =	rddreg [dreg:$0x11];
	s10 =	sshll.u32 s9, $0x6  }
0x1d9: {  	s10 =	sadd.s32 s11, s10  }
0x1da: {  	s10 =	sshrl.u32 s10, $0x3  }
0x1db: {  	s10 =	sadd.s32 s5, s10  }
0x1dc: {  	v3 =	vmov s1;
	[tilespmem:s29], [sflag:$0xB] =	stream.linear.gather [hbm4b:s10+s0], $0x1000, $0x38;
	[tilespmem:$0x1E680] =	vst v63  }
0x1dd: {  	_ =	swait.ge [sflag:s17], $0x1000  }
0x1de: {  	[sflag:s17] =	ssyncset.done $0x0  }
0x1df: {  	s11 =	simm.s32 $0x0;
	s10 =	simm.s32 $0xF200;
	[sflag:s17] =	ssyncadd.s32 $0xFFFFF000  }
.LBB2_19:
0x1e0: {  	s12 =	sshra.s32 s11, $0x2  }
0x1e1: {  	v4 =	vld.idx.msk [tilespmem:v3+s12+$0x0 ss:$0x1], $0xffff;
	_ =	sdelay $0x1  }
0x1e2: {  	v5 =	vld [tilespmem:s10+$0xFFFFFE00];
	_ =	sdelay $0x2  }
0x1e3: {  	v6 =	vbroadcast v4, $0x0;
	_ =	sdelay $0x1  }
0x1e4: {  	v5 =	vmul.f32 v6, v5;
	_ =	sdelay $0x1  }
0x1e5: {  	[tilespmem:s10+$0xFFFFFE00] =	vst v5;
	v5 =	vld [tilespmem:s10+$0xFFFFFE10];
	_ =	sdelay $0x4  }
0x1e6: {  	v5 =	vmul.f32 v5, v6;
	_ =	sdelay $0x1  }
0x1e7: {  	[tilespmem:s10+$0xFFFFFE10] =	vst v5;
	v5 =	vld [tilespmem:s10+$0xFFFFFE20];
	_ =	sdelay $0x4  }
0x1e8: {  	v5 =	vmul.f32 v5, v6;
	_ =	sdelay $0x1  }
0x1e9: {  	[tilespmem:s10+$0xFFFFFE20] =	vst v5;
	v5 =	vld [tilespmem:s10+$0xFFFFFE30];
	_ =	sdelay $0x4  }
0x1ea: {  	v5 =	vmul.f32 v5, v6;
	_ =	sdelay $0x1  }
0x1eb: {  	[tilespmem:s10+$0xFFFFFE30] =	vst v5;
	v5 =	vld [tilespmem:s10+$0xFFFFFE40];
	_ =	sdelay $0x2  }
0x1ec: {  	v50 =	vbroadcast v4, $0x1;
	_ =	sdelay $0x1  }
0x1ed: {  	v5 =	vmul.f32 v5, v50;
	_ =	sdelay $0x1  }
0x1ee: {  	[tilespmem:s10+$0xFFFFFE40] =	vst v5;
	v5 =	vld [tilespmem:s10+$0xFFFFFE50];
	_ =	sdelay $0x4  }
0x1ef: {  	v5 =	vmul.f32 v5, v50;
	_ =	sdelay $0x1  }
0x1f0: {  	[tilespmem:s10+$0xFFFFFE50] =	vst v5;
	v5 =	vld [tilespmem:s10+$0xFFFFFE60];
	_ =	sdelay $0x4  }
0x1f1: {  	v5 =	vmul.f32 v5, v50;
	_ =	sdelay $0x1  }
0x1f2: {  	[tilespmem:s10+$0xFFFFFE60] =	vst v5;
	v5 =	vld [tilespmem:s10+$0xFFFFFE70];
	_ =	sdelay $0x4  }
0x1f3: {  	v5 =	vmul.f32 v5, v50;
	_ =	sdelay $0x1  }
0x1f4: {  	[tilespmem:s10+$0xFFFFFE70] =	vst v5;
	v5 =	vld [tilespmem:s10+$0xFFFFFE80];
	_ =	sdelay $0x2  }
0x1f5: {  	v51 =	vbroadcast v4, $0x2;
	_ =	sdelay $0x1  }
0x1f6: {  	v5 =	vmul.f32 v5, v51;
	_ =	sdelay $0x1  }
0x1f7: {  	[tilespmem:s10+$0xFFFFFE80] =	vst v5;
	v5 =	vld [tilespmem:s10+$0xFFFFFE90];
	_ =	sdelay $0x4  }
0x1f8: {  	v5 =	vmul.f32 v5, v51;
	_ =	sdelay $0x1  }
0x1f9: {  	[tilespmem:s10+$0xFFFFFE90] =	vst v5;
	v5 =	vld [tilespmem:s10+$0xFFFFFEA0];
	_ =	sdelay $0x4  }
0x1fa: {  	v5 =	vmul.f32 v5, v51;
	_ =	sdelay $0x1  }
0x1fb: {  	[tilespmem:s10+$0xFFFFFEA0] =	vst v5;
	v5 =	vld [tilespmem:s10+$0xFFFFFEB0];
	_ =	sdelay $0x4  }
0x1fc: {  	v5 =	vmul.f32 v5, v51;
	_ =	sdelay $0x1  }
0x1fd: {  	[tilespmem:s10+$0xFFFFFEB0] =	vst v5;
	v5 =	vld [tilespmem:s10+$0xFFFFFEC0];
	_ =	sdelay $0x2  }
0x1fe: {  	v52 =	vbroadcast v4, $0x3;
	_ =	sdelay $0x1  }
0x1ff: {  	v5 =	vmul.f32 v5, v52;
	_ =	sdelay $0x1  }
0x200: {  	[tilespmem:s10+$0xFFFFFEC0] =	vst v5;
	v5 =	vld [tilespmem:s10+$0xFFFFFED0];
	_ =	sdelay $0x4  }
0x201: {  	v5 =	vmul.f32 v5, v52;
	_ =	sdelay $0x1  }
0x202: {  	[tilespmem:s10+$0xFFFFFED0] =	vst v5;
	v5 =	vld [tilespmem:s10+$0xFFFFFEE0];
	_ =	sdelay $0x4  }
0x203: {  	v5 =	vmul.f32 v5, v52;
	_ =	sdelay $0x1  }
0x204: {  	[tilespmem:s10+$0xFFFFFEE0] =	vst v5;
	v5 =	vld [tilespmem:s10+$0xFFFFFEF0];
	_ =	sdelay $0x4  }
0x205: {  	v5 =	vmul.f32 v5, v52;
	_ =	sdelay $0x1  }
0x206: {  	[tilespmem:s10+$0xFFFFFEF0] =	vst v5;
	v5 =	vld [tilespmem:s10+$0xFFFFFF00];
	_ =	sdelay $0x2  }
0x207: {  	v53 =	vbroadcast v4, $0x4;
	_ =	sdelay $0x1  }
0x208: {  	v5 =	vmul.f32 v5, v53;
	_ =	sdelay $0x1  }
0x209: {  	[tilespmem:s10+$0xFFFFFF00] =	vst v5;
	v5 =	vld [tilespmem:s10+$0xFFFFFF10];
	_ =	sdelay $0x4  }
0x20a: {  	v5 =	vmul.f32 v5, v53;
	_ =	sdelay $0x1  }
0x20b: {  	[tilespmem:s10+$0xFFFFFF10] =	vst v5;
	v5 =	vld [tilespmem:s10+$0xFFFFFF20];
	_ =	sdelay $0x4  }
0x20c: {  	v5 =	vmul.f32 v5, v53;
	_ =	sdelay $0x1  }
0x20d: {  	[tilespmem:s10+$0xFFFFFF20] =	vst v5;
	v5 =	vld [tilespmem:s10+$0xFFFFFF30];
	_ =	sdelay $0x4  }
0x20e: {  	v5 =	vmul.f32 v5, v53;
	_ =	sdelay $0x1  }
0x20f: {  	[tilespmem:s10+$0xFFFFFF30] =	vst v5;
	v5 =	vld [tilespmem:s10+$0xFFFFFF40];
	_ =	sdelay $0x2  }
0x210: {  	v54 =	vbroadcast v4, $0x5;
	_ =	sdelay $0x1  }
0x211: {  	v5 =	vmul.f32 v5, v54;
	_ =	sdelay $0x1  }
0x212: {  	[tilespmem:s10+$0xFFFFFF40] =	vst v5;
	v5 =	vld [tilespmem:s10+$0xFFFFFF50];
	_ =	sdelay $0x4  }
0x213: {  	v5 =	vmul.f32 v5, v54;
	_ =	sdelay $0x1  }
0x214: {  	[tilespmem:s10+$0xFFFFFF50] =	vst v5;
	v5 =	vld [tilespmem:s10+$0xFFFFFF60];
	_ =	sdelay $0x4  }
0x215: {  	v5 =	vmul.f32 v5, v54;
	_ =	sdelay $0x1  }
0x216: {  	[tilespmem:s10+$0xFFFFFF60] =	vst v5;
	v5 =	vld [tilespmem:s10+$0xFFFFFF70];
	_ =	sdelay $0x4  }
0x217: {  	v5 =	vmul.f32 v5, v54;
	_ =	sdelay $0x1  }
0x218: {  	[tilespmem:s10+$0xFFFFFF70] =	vst v5;
	v5 =	vld [tilespmem:s10+$0xFFFFFF80];
	_ =	sdelay $0x2  }
0x219: {  	v55 =	vbroadcast v4, $0x6;
	_ =	sdelay $0x1  }
0x21a: {  	v5 =	vmul.f32 v5, v55;
	_ =	sdelay $0x1  }
0x21b: {  	[tilespmem:s10+$0xFFFFFF80] =	vst v5;
	v5 =	vld [tilespmem:s10+$0xFFFFFF90];
	_ =	sdelay $0x4  }
0x21c: {  	v5 =	vmul.f32 v5, v55;
	_ =	sdelay $0x1  }
0x21d: {  	[tilespmem:s10+$0xFFFFFF90] =	vst v5;
	v5 =	vld [tilespmem:s10+$0xFFFFFFA0];
	_ =	sdelay $0x4  }
0x21e: {  	v5 =	vmul.f32 v5, v55;
	_ =	sdelay $0x1  }
0x21f: {  	[tilespmem:s10+$0xFFFFFFA0] =	vst v5;
	v5 =	vld [tilespmem:s10+$0xFFFFFFB0];
	_ =	sdelay $0x4  }
0x220: {  	v5 =	vmul.f32 v5, v55;
	_ =	sdelay $0x1  }
0x221: {  	[tilespmem:s10+$0xFFFFFFB0] =	vst v5;
	v5 =	vld [tilespmem:s10+$0xFFFFFFC0];
	_ =	sdelay $0x2  }
0x222: {  	v56 =	vbroadcast v4, $0x7;
	_ =	sdelay $0x1  }
0x223: {  	v5 =	vmul.f32 v5, v56;
	_ =	sdelay $0x1  }
0x224: {  	[tilespmem:s10+$0xFFFFFFC0] =	vst v5;
	v5 =	vld [tilespmem:s10+$0xFFFFFFD0];
	_ =	sdelay $0x4  }
0x225: {  	v5 =	vmul.f32 v5, v56;
	_ =	sdelay $0x1  }
0x226: {  	[tilespmem:s10+$0xFFFFFFD0] =	vst v5;
	v5 =	vld [tilespmem:s10+$0xFFFFFFE0];
	_ =	sdelay $0x4  }
0x227: {  	v5 =	vmul.f32 v5, v56;
	_ =	sdelay $0x1  }
0x228: {  	[tilespmem:s10+$0xFFFFFFE0] =	vst v5;
	v5 =	vld [tilespmem:s10+$0xFFFFFFF0];
	_ =	sdelay $0x4  }
0x229: {  	v5 =	vmul.f32 v5, v56;
	_ =	sdelay $0x1  }
0x22a: {  	[tilespmem:s10+$0xFFFFFFF0] =	vst v5;
	v5 =	vld [tilespmem:s10+$0x0];
	_ =	sdelay $0x2  }
0x22b: {  	v57 =	vbroadcast v4, $0x8;
	_ =	sdelay $0x1  }
0x22c: {  	v5 =	vmul.f32 v5, v57;
	_ =	sdelay $0x1  }
0x22d: {  	[tilespmem:s10+$0x0] =	vst v5;
	v5 =	vld [tilespmem:s10+$0x10];
	_ =	sdelay $0x4  }
0x22e: {  	v5 =	vmul.f32 v5, v57;
	_ =	sdelay $0x1  }
0x22f: {  	[tilespmem:s10+$0x10] =	vst v5;
	v5 =	vld [tilespmem:s10+$0x20];
	_ =	sdelay $0x4  }
0x230: {  	v5 =	vmul.f32 v5, v57;
	_ =	sdelay $0x1  }
0x231: {  	[tilespmem:s10+$0x20] =	vst v5;
	v5 =	vld [tilespmem:s10+$0x30];
	_ =	sdelay $0x4  }
0x232: {  	v5 =	vmul.f32 v5, v57;
	_ =	sdelay $0x1  }
0x233: {  	[tilespmem:s10+$0x30] =	vst v5;
	v5 =	vld [tilespmem:s10+$0x40];
	_ =	sdelay $0x2  }
0x234: {  	v58 =	vbroadcast v4, $0x9;
	_ =	sdelay $0x1  }
0x235: {  	v5 =	vmul.f32 v5, v58;
	_ =	sdelay $0x1  }
0x236: {  	[tilespmem:s10+$0x40] =	vst v5;
	v5 =	vld [tilespmem:s10+$0x50];
	_ =	sdelay $0x4  }
0x237: {  	v5 =	vmul.f32 v5, v58;
	_ =	sdelay $0x1  }
0x238: {  	[tilespmem:s10+$0x50] =	vst v5;
	v5 =	vld [tilespmem:s10+$0x60];
	_ =	sdelay $0x4  }
0x239: {  	v5 =	vmul.f32 v5, v58;
	_ =	sdelay $0x1  }
0x23a: {  	[tilespmem:s10+$0x60] =	vst v5;
	v5 =	vld [tilespmem:s10+$0x70];
	_ =	sdelay $0x4  }
0x23b: {  	v5 =	vmul.f32 v5, v58;
	_ =	sdelay $0x1  }
0x23c: {  	[tilespmem:s10+$0x70] =	vst v5;
	v5 =	vld [tilespmem:s10+$0x80];
	_ =	sdelay $0x2  }
0x23d: {  	v59 =	vbroadcast v4, $0xA;
	_ =	sdelay $0x1  }
0x23e: {  	v5 =	vmul.f32 v5, v59;
	_ =	sdelay $0x1  }
0x23f: {  	[tilespmem:s10+$0x80] =	vst v5;
	v5 =	vld [tilespmem:s10+$0x90];
	_ =	sdelay $0x4  }
0x240: {  	v5 =	vmul.f32 v5, v59;
	_ =	sdelay $0x1  }
0x241: {  	[tilespmem:s10+$0x90] =	vst v5;
	v5 =	vld [tilespmem:s10+$0xA0];
	_ =	sdelay $0x4  }
0x242: {  	v5 =	vmul.f32 v5, v59;
	_ =	sdelay $0x1  }
0x243: {  	[tilespmem:s10+$0xA0] =	vst v5;
	v5 =	vld [tilespmem:s10+$0xB0];
	_ =	sdelay $0x4  }
0x244: {  	v5 =	vmul.f32 v5, v59;
	_ =	sdelay $0x1  }
0x245: {  	[tilespmem:s10+$0xB0] =	vst v5;
	v5 =	vld [tilespmem:s10+$0xC0];
	_ =	sdelay $0x2  }
0x246: {  	v60 =	vbroadcast v4, $0xB;
	_ =	sdelay $0x1  }
0x247: {  	v5 =	vmul.f32 v5, v60;
	_ =	sdelay $0x1  }
0x248: {  	[tilespmem:s10+$0xC0] =	vst v5;
	v5 =	vld [tilespmem:s10+$0xD0];
	_ =	sdelay $0x4  }
0x249: {  	v5 =	vmul.f32 v5, v60;
	_ =	sdelay $0x1  }
0x24a: {  	[tilespmem:s10+$0xD0] =	vst v5;
	v5 =	vld [tilespmem:s10+$0xE0];
	_ =	sdelay $0x4  }
0x24b: {  	v5 =	vmul.f32 v5, v60;
	_ =	sdelay $0x1  }
0x24c: {  	[tilespmem:s10+$0xE0] =	vst v5;
	v5 =	vld [tilespmem:s10+$0xF0];
	_ =	sdelay $0x4  }
0x24d: {  	v5 =	vmul.f32 v5, v60;
	_ =	sdelay $0x1  }
0x24e: {  	[tilespmem:s10+$0xF0] =	vst v5;
	v5 =	vld [tilespmem:s10+$0x100];
	_ =	sdelay $0x2  }
0x24f: {  	v61 =	vbroadcast v4, $0xC;
	_ =	sdelay $0x1  }
0x250: {  	v5 =	vmul.f32 v5, v61;
	_ =	sdelay $0x1  }
0x251: {  	[tilespmem:s10+$0x100] =	vst v5;
	v5 =	vld [tilespmem:s10+$0x110];
	_ =	sdelay $0x4  }
0x252: {  	v5 =	vmul.f32 v5, v61;
	_ =	sdelay $0x1  }
0x253: {  	[tilespmem:s10+$0x110] =	vst v5;
	v5 =	vld [tilespmem:s10+$0x120];
	_ =	sdelay $0x4  }
0x254: {  	v5 =	vmul.f32 v5, v61;
	_ =	sdelay $0x1  }
0x255: {  	[tilespmem:s10+$0x120] =	vst v5;
	v5 =	vld [tilespmem:s10+$0x130];
	_ =	sdelay $0x4  }
0x256: {  	v5 =	vmul.f32 v5, v61;
	_ =	sdelay $0x1  }
0x257: {  	[tilespmem:s10+$0x130] =	vst v5;
	v5 =	vld [tilespmem:s10+$0x140];
	_ =	sdelay $0x2  }
0x258: {  	v62 =	vbroadcast v4, $0xD;
	_ =	sdelay $0x1  }
0x259: {  	v5 =	vmul.f32 v5, v62;
	_ =	sdelay $0x1  }
0x25a: {  	[tilespmem:s10+$0x140] =	vst v5;
	v5 =	vld [tilespmem:s10+$0x150];
	_ =	sdelay $0x4  }
0x25b: {  	v5 =	vmul.f32 v5, v62;
	_ =	sdelay $0x1  }
0x25c: {  	[tilespmem:s10+$0x150] =	vst v5;
	v5 =	vld [tilespmem:s10+$0x160];
	_ =	sdelay $0x4  }
0x25d: {  	v5 =	vmul.f32 v5, v62;
	_ =	sdelay $0x1  }
0x25e: {  	[tilespmem:s10+$0x160] =	vst v5;
	v5 =	vld [tilespmem:s10+$0x170];
	_ =	sdelay $0x4  }
0x25f: {  	v5 =	vmul.f32 v5, v62;
	_ =	sdelay $0x1  }
0x260: {  	[tilespmem:s10+$0x170] =	vst v5;
	v5 =	vld [tilespmem:s10+$0x180];
	_ =	sdelay $0x2  }
0x261: {  	v63 =	vbroadcast v4, $0xE;
	_ =	sdelay $0x1  }
0x262: {  	v5 =	vmul.f32 v5, v63;
	_ =	sdelay $0x1  }
0x263: {  	[tilespmem:s10+$0x180] =	vst v5;
	v5 =	vld [tilespmem:s10+$0x190];
	_ =	sdelay $0x4  }
0x264: {  	v5 =	vmul.f32 v5, v63;
	_ =	sdelay $0x1  }
0x265: {  	[tilespmem:s10+$0x190] =	vst v5;
	v5 =	vld [tilespmem:s10+$0x1A0];
	_ =	sdelay $0x4  }
0x266: {  	v5 =	vmul.f32 v5, v63;
	_ =	sdelay $0x1  }
0x267: {  	[tilespmem:s10+$0x1A0] =	vst v5;
	v5 =	vld [tilespmem:s10+$0x1B0];
	_ =	sdelay $0x4  }
0x268: {  	v5 =	vmul.f32 v5, v63;
	_ =	sdelay $0x1  }
0x269: {  	[tilespmem:s10+$0x1B0] =	vst v5;
	v5 =	vld [tilespmem:s10+$0x1C0];
	_ =	sdelay $0x2  }
0x26a: {  	v4 =	vbroadcast v4, $0xF;
	_ =	sdelay $0x1  }
0x26b: {  	v5 =	vmul.f32 v5, v4;
	_ =	sdelay $0x1  }
0x26c: {  	[tilespmem:s10+$0x1C0] =	vst v5;
	v5 =	vld [tilespmem:s10+$0x1D0];
	_ =	sdelay $0x4  }
0x26d: {  	v5 =	vmul.f32 v5, v4;
	_ =	sdelay $0x1  }
0x26e: {  	[tilespmem:s10+$0x1D0] =	vst v5;
	v5 =	vld [tilespmem:s10+$0x1E0];
	_ =	sdelay $0x4  }
0x26f: {  	v5 =	vmul.f32 v5, v4;
	_ =	sdelay $0x1  }
0x270: {  	[tilespmem:s10+$0x1E0] =	vst v5;
	v5 =	vld [tilespmem:s10+$0x1F0];
	_ =	sdelay $0x1  }
0x271: {  	p0 =	sne.s32 s11, $0xC0  }
.Ltmp8:
0x272: {  	_ = 	snop;
	(pc) =	sbr.rel @p0 .LBB2_19-.Ltmp8, $3  }
0x273: {  	_ = 	snop  }
0x274: {  	v4 =	vmul.f32 v5, v4;
	_ =	sdelay $0x1  }
0x275: {  	s11 =	sadd.s32 $0x40, s11;
	[tilespmem:s10+$0x1F0] =	vst v4;
	s10 =	sadd.s32 $0x400, s10  }
0x276: {  	s9 =	sadd.s32 s24, s9  }
0x277: {  	s2 =	sadd.s32 $0x1, s2;
	s9 =	sshll.u32 s9, $0x3  }
0x278: {  	p0 =	sne.s32 s2, $0xA;
	s9 =	sand.u32 $0x1FFFFE00, s9  }
.Ltmp9:
0x279: {  	s9 =	sadd.s32 s7, s9;
	(pc) =	sbr.rel @p0 .LBB2_18-.Ltmp9, $4  }
0x27a: {  	[hbm4b:s9+s4] =	stream.linear.scatter [tilespmem:s29], [sflag:$0xB], $0x1000, $0x38;
	[tilespmem:$0x1E680] =	vst v63  }
0x27b: {  	_ =	swait.ge [sflag:s17], $0x1000  }
0x27c: {  	[sflag:s17] =	ssyncset.done $0x0  }
0x27d: {  	s1 =	sadd.s32 $0x40, s1;
	[sflag:s17] =	ssyncadd.s32 $0xFFFFF000  }
0x27e: {  	[bflag:$0x0] =	sbarrier.arrive $0xFFFF;
	s9 =	simm.s32 $0x0  }
.LBB2_22:
0x27f: {  	p0 =	seq.s32 s9, $0x0  }
.Ltmp10:
0x280: {  	_ = 	snop;
	(pc) =	sbr.rel @p0 .LBB2_26-.Ltmp10, $2  }
0x281: {  	_ =	sdelay $0x2  }
0x282: {  	s0 =	sand.u32 $0x1, s9  }
0x283: {  	s1 =	simm.s32 $0x0  }
0x284: {  	v6 =	vld [tilespmem:s1+$0x0]  }
0x285: {  	v8 =	vld [tilespmem:s1+$0x10]  }
0x286: {  	p0 =	seq.s32 s0, $0x0;
	s2 =	simm.s32 $0xFFFFD800;
	v7 =	vld [tilespmem:s1+$0x20]  }
0x287: {  	s2 =	simm.s32 @!p0 $0x2800;
	v4 =	vld [tilespmem:s1+$0x30]  }
0x288: {  	v5 =	vld [tilespmem:s1+$0x40];
	v3 =	vmov s2  }
0x289: {  	v9 =	vadd.s32 v3, v6;
	v6 =	vld [tilespmem:s1+$0x50]  }
0x28a: {  	s2 =	simm.s32 $0x200;
	[tilespmem:s1+$0x0] =	vst v9;
	v9 =	vadd.s32 v3, v8;
	v8 =	vld [tilespmem:s1+$0x60]  }
.LBB2_24:
0x28b: {  	s10 =	sshra.s32 s2, $0x2;
	p0 =	sne.s32 s2, $0x9E00;
	[tilespmem:s1+$0x10] =	vst v9;
	v7 =	vadd.s32 v3, v7;
	v9 =	vld [tilespmem:s1+$0x70]  }
0x28c: {  	v10 =	vld [tilespmem:s10+$0x0];
	[tilespmem:s1+$0x20] =	vst v7;
	v4 =	vadd.s32 v3, v4  }
0x28d: {  	v11 =	vld [tilespmem:s10+$0x10];
	[tilespmem:s1+$0x30] =	vst v4;
	v4 =	vadd.s32 v3, v5  }
.Ltmp11:
0x28e: {  	v7 =	vld [tilespmem:s10+$0x20];
	[tilespmem:s1+$0x40] =	vst v4;
	v5 =	vadd.s32 v3, v6;
	(pc) =	sbr.rel @p0 .LBB2_24-.Ltmp11, $4  }
0x28f: {  	v4 =	vld [tilespmem:s10+$0x30];
	[tilespmem:s1+$0x50] =	vst v5;
	v6 =	vadd.s32 v3, v8  }
0x290: {  	v5 =	vld [tilespmem:s10+$0x40];
	[tilespmem:s1+$0x60] =	vst v6;
	v8 =	vadd.s32 v3, v9  }
0x291: {  	v9 =	vadd.s32 v3, v10;
	v6 =	vld [tilespmem:s10+$0x50];
	[tilespmem:s1+$0x70] =	vst v8;
	s1 =	smov.u32 s10  }
0x292: {  	s2 =	sadd.s32 $0x200, s2;
	[tilespmem:s1+$0x0] =	vst v9;
	v9 =	vadd.s32 v3, v11;
	v8 =	vld [tilespmem:s1+$0x60]  }
0x293: {  	[tilespmem:s1+$0x10] =	vst v9;
	v7 =	vadd.s32 v3, v7;
	v60 =	vld [tilespmem:s1+$0x70]  }
0x294: {  	[tilespmem:s1+$0x20] =	vst v7;
	v4 =	vadd.s32 v3, v4  }
0x295: {  	[tilespmem:s1+$0x30] =	vst v4;
	v61 =	vadd.s32 v3, v5  }
0x296: {  	[tilespmem:s1+$0x40] =	vst v61;
	v62 =	vadd.s32 v3, v6  }
0x297: {  	[tilespmem:s1+$0x50] =	vst v62;
	v63 =	vadd.s32 v3, v8  }
0x298: {  	[tilespmem:s1+$0x60] =	vst v63;
	v3 =	vadd.s32 v3, v60  }
0x299: {  	[tilespmem:s1+$0x70] =	vst v3  }
.LBB2_26:
0x29a: {  	s1 =	simm.s32 $0x0;
	s2 =	simm.s32 $0x5000  }
0x29b: {  	[tilespmem:s2], [sflag:$0x1] =	stream.indirect.gather [hbm4b:s7+s30], $0x40, s1, s30, $0xb8;
	[tilespmem:$0x1E680] =	vst v63  }
0x29c: {  	s19 =	simm.s32 $0x7000;
	s20 =	simm.s32 $0x100;
	s10 =	simm.s32 $0x9000  }
0x29d: {  	[tilespmem:s19], [sflag:$0x2] =	stream.indirect.gather [hbm4b:s7+s30], $0x40, s30, s30, $0xb8;
	[tilespmem:$0x1E680] =	vst v63  }
0x29e: {  	s12 =	simm.s32 $0x180;
	s21 =	simm.s32 $0xB000;
	s1 =	smul.u32 $0xCD, s1  }
0x29f: {  	[tilespmem:s10], [sflag:$0x3] =	stream.indirect.gather [hbm4b:s7+s30], $0x40, s20, s30, $0xb8;
	[tilespmem:$0x1E680] =	vst v63  }
0x2a0: {  	s22 =	simm.s32 $0x200;
	s10 =	sshrl.u32 s1, $0xA;
	s1 =	sadd.s32 $0x267, s1  }
0x2a1: {  	s26 =	simm.s32 $0xD000;
	s2 =	sand.u32 $0x3F, s10;
	s1 =	sshrl.u32 s1, $0xA  }
0x2a2: {  	[tilespmem:s21], [sflag:$0x4] =	stream.indirect.gather [hbm4b:s7+s30], $0x40, s12, s30, $0xb8;
	[tilespmem:$0x1E680] =	vst v63  }
0x2a3: {  	p0 =	por $0x1, $0x1;
	s13 =	smul.u32 $0x5, s2;
	s11 =	sand.u32 $0x3F, s1  }
0x2a4: {  	[tilespmem:s26], [sflag:$0x5] =	stream.indirect.gather [hbm4b:s7+s30], $0x40, s22, s30, $0xb8;
	[tilespmem:$0x1E680] =	vst v63  }
0x2a5: {  	s18 =	rddreg [dreg:$0x10];
	p1 =	por @!p0 $0x0, $0x0;
	s26 =	smul.u32 $0x5, s11  }
0x2a6: {  	s0 =	sor.u32 s18, s0;
	p1 =	por p1, p0  }
0x2a7: {  	s18 =	simm.s32 @!p1 $0x80;
	s13 =	ssub.s32 $0x0, s13;
	s26 =	ssub.s32 $0x0, s26  }
0x2a8: {  	s10 =	simm.s32 $0x1;
	s13 =	sand.u32 $0xFF, s13;
	s26 =	sadd.s32 $0x3, s26  }
0x2a9: {  	s1 =	sshrl.u32 s9, $0x1;
	s28 =	sshll.u32 s13, $0xD;
	s31 =	sand.u32 $0xFF, s26  }
0x2aa: {  	s2 =	simm.s32 $0x2800;
	s26 =	sadd.s32 $0x5000, s28;
	s28 =	sadd.s32 @!p0 $0x6, s31  }
0x2ab: {  	s21 =	smul.u32 $0xCD, s10;
	s11 =	simm.s32 $0x2;
	_ =	swait.ge @!p0 [sflag:s28], $0x2000  }
0x2ac: {  	s20 =	sadd.s32 $0x1, s13;
	s19 =	sshll.u32 @!p1 s31, $0xD;
	[sflag:s28] =	ssyncset.done @!p0 $0x0  }
0x2ad: {  	s31 =	sadd.s32 @!p1 $0x1, s31;
	s19 =	sadd.s32 @!p1 $0x5000, s19;
	[sflag:s28] =	ssyncadd.s32 @!p0 $0xFFFFE000  }
0x2ae: {  	[tilespmem:s19], [sflag:s31] =	stream.indirect.gather @!p1 [hbm4b:s7+s18], $0x40, s12, s18, $0xb8;
	[tilespmem:$0x1E680] =	vst v63  }
0x2af: {  	s22 =	sadd.s32 $0x267, s21;
	s19 =	sshrl.u32 s21, $0xA;
	_ =	swait.ge [sflag:s20], $0x2000  }
0x2b0: {  	s12 =	simm.s32 $0x200;
	s18 =	sand.u32 $0x3F, s19;
	[sflag:s20] =	ssyncset.done $0x0  }
0x2b1: {  	s31 =	sshrl.u32 s22, $0xA;
	s28 =	smul.u32 $0x5, s18;
	[sflag:s20] =	ssyncadd.s32 $0xFFFFE000  }
.LBB2_27:
0x2b2: {  	s18 =	sand.u32 $0x3F, s31;
	s19 =	smov.u32 s10;
	s10 =	smov.u32 s11  }
0x2b3: {  	s11 =	sadd.s32 $0x1, s11;
	s20 =	smov.u32 s2;
	s2 =	sadd.s32 $0x80, s2  }
0x2b4: {  	s13 =	sadd.s32 $0x6, s13;
	s21 =	ssub.s32 s19, s28;
	s18 =	smul.u32 $0x5, s18  }
0x2b5: {  	[spmem:s3] =	stream.indirect.scatter.add.f32 [tilespmem:s26], [sflag:s13], $0x40, s20, s30, $0xb8;
	[tilespmem:$0x1E680] =	vst v63  }
0x2b6: {  	p1 =	slt.u32 s19, $0x2;
	s13 =	sand.u32 $0xFF, s21;
	s18 =	ssub.s32 s19, s18  }
0x2b7: {  	p0 =	sgt.u32 @!p1 s19, $0x4C;
	s19 =	sshll.u32 s13, $0xD;
	s18 =	sadd.s32 $0x3, s18  }
0x2b8: {  	p2 =	por p0, p1;
	s26 =	sadd.s32 $0x5000, s19;
	s18 =	sand.u32 $0xFF, s18  }
0x2b9: {  	p0 =	sne.s32 s11, $0x50;
	s19 =	sadd.s32 @!p1 $0x6, s18;
	s20 =	sshll.u32 @!p2 s18, $0xD  }
0x2ba: {  	s22 =	sadd.s32 $0x1, s13;
	s21 =	simm.s32 @!p2 $0x80;
	_ =	swait.ge @!p1 [sflag:s19], $0x2000  }
0x2bb: {  	s28 =	smul.u32 $0xCD, s10;
	s18 =	sadd.s32 @!p2 $0x1, s18;
	[sflag:s19] =	ssyncset.done @!p1 $0x0  }
.Ltmp12:
0x2bc: {  	[sflag:s19] =	ssyncadd.s32 @!p1 $0xFFFFE000;
	s19 =	sadd.s32 @!p2 $0x5000, s20;
	(pc) =	sbr.rel @p0 .LBB2_27-.Ltmp12, $4  }
0x2bd: {  	[tilespmem:s19], [sflag:s18] =	stream.indirect.gather @!p2 [hbm4b:s7+s21], $0x40, s12, s21, $0xb8;
	[tilespmem:$0x1E680] =	vst v63  }
0x2be: {  	s18 =	sshrl.u32 s28, $0xA;
	s12 =	sadd.s32 $0x80, s12;
	_ =	swait.ge [sflag:s22], $0x2000  }
0x2bf: {  	s19 =	sadd.s32 $0x267, s28;
	s18 =	sand.u32 $0x3F, s18;
	[sflag:s22] =	ssyncset.done $0x0  }
0x2c0: {  	s31 =	sshrl.u32 s19, $0xA;
	s28 =	smul.u32 $0x5, s18;
	[sflag:s22] =	ssyncadd.s32 $0xFFFFE000  }
0x2c1: {  	s11 =	sand.u32 $0x3F, s31  }
0x2c2: {  	s13 =	sadd.s32 $0x6, s13;
	s11 =	smul.u32 $0x5, s11  }
0x2c3: {  	[spmem:s3] =	stream.indirect.scatter.add.f32 [tilespmem:s26], [sflag:s13], $0x40, s2, s30, $0xb8;
	[tilespmem:$0x1E680] =	vst v63  }
0x2c4: {  	s11 =	ssub.s32 s10, s11  }
0x2c5: {  	p0 =	slt.u32 s10, $0x2;
	s11 =	sadd.s32 $0x3, s11  }
0x2c6: {  	p1 =	sgt.u32 @!p0 s10, $0x4C;
	s11 =	sand.u32 $0xFF, s11  }
0x2c7: {  	s21 =	ssub.s32 s10, s28;
	p1 =	por p1, p0;
	s13 =	sadd.s32 @!p0 $0x6, s11  }
0x2c8: {  	s10 =	sand.u32 $0xFF, s21;
	s19 =	simm.s32 @!p1 $0x80;
	_ =	swait.ge @!p0 [sflag:s13], $0x2000  }
0x2c9: {  	s20 =	sadd.s32 $0x1, s10;
	s18 =	sshll.u32 @!p1 s11, $0xD;
	[sflag:s13] =	ssyncset.done @!p0 $0x0  }
0x2ca: {  	s11 =	sadd.s32 @!p1 $0x1, s11;
	[sflag:s13] =	ssyncadd.s32 @!p0 $0xFFFFE000;
	s13 =	sadd.s32 @!p1 $0x5000, s18  }
0x2cb: {  	[tilespmem:s13], [sflag:s11] =	stream.indirect.gather @!p1 [hbm4b:s7+s19], $0x40, s12, s19, $0xb8;
	[tilespmem:$0x1E680] =	vst v63  }
0x2cc: {  	_ =	swait.ge [sflag:s20], $0x2000  }
0x2cd: {  	s22 =	sadd.s32 $0x80, s2;
	s26 =	sshll.u32 s10, $0xD;
	[sflag:s20] =	ssyncset.done $0x0  }
0x2ce: {  	s10 =	sadd.s32 $0x6, s10;
	s11 =	sadd.s32 $0x5000, s26;
	[sflag:s20] =	ssyncadd.s32 $0xFFFFE000  }
0x2cf: {  	[spmem:s3] =	stream.indirect.scatter.add.f32 [tilespmem:s11], [sflag:s10], $0x40, s22, s30, $0xb8;
	[tilespmem:$0x1E680] =	vst v63  }
0x2d0: {  	_ =	swait.ge [sflag:s14], $0x2000  }
0x2d1: {  	[sflag:s14] =	ssyncset.done $0x0  }
0x2d2: {  	s1 =	smul.u32 $0x280000, s1;
	[sflag:s14] =	ssyncadd.s32 $0xFFFFE000  }
0x2d3: {  	s31 =	smul.u32 $0xA0000, s0;
	_ =	swait.ge [sflag:s15], $0x2000  }
0x2d4: {  	s28 =	simm.s32 $0x0;
	[sflag:s15] =	ssyncset.done $0x0  }
0x2d5: {  	s2 =	sadd.s32 s1, s31;
	p0 =	sgt.u32 s9, $0x3;
	[sflag:s15] =	ssyncadd.s32 $0xFFFFE000  }
0x2d6: {  	s26 =	smul.u32 $0x2800, s0;
	s13 =	simm.s32 $0x14400;
	[bflag:$0x0] =	sbarrier.arrive $0xFFFF  }
.LBB2_29:
0x2d7: {  	s0 =	sshll.u32 s28, $0x6  }
0x2d8: {  	s10 =	sadd.s32 s8, s0  }
0x2d9: {  	s0 =	sshll.u32 s10, $0x6  }
0x2da: {  	s1 =	sadd.s32 s0, s3  }
0x2db: {  	[tilespmem:s29], [sflag:$0xB] =	stream.linear.gather [spmem:s1], $0x1000, $0x38;
	[tilespmem:$0x1E680] =	vst v63  }
0x2dc: {  	_ =	swait.ge [sflag:s17], $0x1000  }
0x2dd: {  	[sflag:s17] =	ssyncset.done $0x0  }
0x2de: {  	s11 =	simm.s32 $0x0;
	[sflag:s17] =	ssyncadd.s32 $0xFFFFF000  }
0x2df: {  	v4 =	vld [tilespmem:s11+$0xF030]  }
0x2e0: {  	s12 =	simm.s32 $0x1000;
	s31 =	smov.u32 s13;
	v3 =	vld [tilespmem:s13+$0x0]  }
.LBB2_30:
0x2e1: {  	p1 =	sne.s32 s12, $0x3000;
	v5 =	vld [tilespmem:s11+$0xF010]  }
0x2e2: {  	v6 =	vld [tilespmem:s11+$0xF000]  }
0x2e3: {  	v7 =	vld [tilespmem:s11+$0xF020]  }
0x2e4: {  	v8 =	vld [tilespmem:s11+$0xF070]  }
0x2e5: {  	v9 =	vbroadcast v3, $0x0;
	v10 =	vbroadcast v3, $0x1;
	v11 =	vld [tilespmem:s11+$0xF050]  }
0x2e6: {  	v13 =	vbroadcast v3, $0x2;
	v14 =	vbroadcast v3, $0x3;
	v12 =	vld [tilespmem:s11+$0xF040]  }
0x2e7: {  	v6 =	vmul.f32 v9, v6;
	v5 =	vmul.f32 v5, v9;
	v15 =	vld [tilespmem:s11+$0xF060]  }
0x2e8: {  	v17 =	vmul.f32 v4, v9;
	v16 =	vmul.f32 v7, v9;
	v18 =	vld [tilespmem:s11+$0xF0B0]  }
0x2e9: {  	[tilespmem:s11+$0xF000] =	vst v6;
	v4 =	vmul.f32 v6, v9;
	v6 =	vmul.f32 v5, v9;
	v7 =	vld [tilespmem:s11+$0xF090]  }
0x2ea: {  	[tilespmem:s11+$0xF010] =	vst v5;
	v5 =	vmul.f32 v16, v9;
	v9 =	vmul.f32 v17, v9;
	v19 =	vld [tilespmem:s11+$0xF080]  }
0x2eb: {  	v34 =	vmul.f32 v11, v10;
	[tilespmem:s11+$0x10000] =	vst v4;
	v35 =	vmul.f32 v12, v10;
	v11 =	vld [tilespmem:s11+$0xF0A0]  }
0x2ec: {  	v20 =	vmul.f32 v8, v10;
	[tilespmem:s11+$0x10010] =	vst v6;
	v22 =	vmul.f32 v15, v10;
	v12 =	vld [tilespmem:s11+$0xF0F0]  }
0x2ed: {  	v6 =	vmul.f32 v34, v10;
	[tilespmem:s11+$0x10020] =	vst v5;
	v4 =	vmul.f32 v35, v10;
	v8 =	vld [tilespmem:s11+$0xF0D0]  }
0x2ee: {  	[tilespmem:s11+$0x10030] =	vst v9;
	v9 =	vmul.f32 v22, v10;
	v10 =	vmul.f32 v20, v10;
	v15 =	vld [tilespmem:s11+$0xF0C0]  }
0x2ef: {  	[tilespmem:s11+$0x10040] =	vst v4;
	v5 =	vmul.f32 v19, v13;
	v4 =	vmul.f32 v7, v13;
	v19 =	vld [tilespmem:s11+$0xF0E0]  }
0x2f0: {  	[tilespmem:s11+$0x10050] =	vst v6;
	v7 =	vmul.f32 v11, v13;
	v6 =	vmul.f32 v18, v13  }
0x2f1: {  	[tilespmem:s11+$0x10060] =	vst v9;
	v9 =	vmul.f32 v5, v13;
	v11 =	vmul.f32 v4, v13  }
0x2f2: {  	[tilespmem:s11+$0x10070] =	vst v10;
	v18 =	vmul.f32 v7, v13;
	v13 =	vmul.f32 v6, v13;
	v21 =	vld [tilespmem:s11+$0xF130]  }
0x2f3: {  	v8 =	vmul.f32 v8, v14;
	[tilespmem:s11+$0x10080] =	vst v9;
	v9 =	vmul.f32 v15, v14;
	v15 =	vld [tilespmem:s11+$0xF110]  }
0x2f4: {  	v10 =	vmul.f32 v12, v14;
	[tilespmem:s11+$0x10090] =	vst v11;
	v11 =	vmul.f32 v19, v14;
	v12 =	vld [tilespmem:s11+$0xF100]  }
0x2f5: {  	v19 =	vmul.f32 v8, v14;
	[tilespmem:s11+$0x100A0] =	vst v18;
	v18 =	vmul.f32 v9, v14;
	v23 =	vld [tilespmem:s11+$0xF120]  }
0x2f6: {  	[tilespmem:s11+$0x100B0] =	vst v13;
	v13 =	vmul.f32 v11, v14;
	v14 =	vmul.f32 v10, v14;
	v24 =	vld [tilespmem:s11+$0xF170]  }
0x2f7: {  	v25 =	vbroadcast v3, $0x5;
	[tilespmem:s11+$0x100C0] =	vst v18;
	v18 =	vbroadcast v3, $0x4;
	v26 =	vld [tilespmem:s11+$0xF150]  }
0x2f8: {  	v27 =	vbroadcast v3, $0x6;
	v30 =	vbroadcast v3, $0x7;
	[tilespmem:s11+$0x100D0] =	vst v19;
	v19 =	vld [tilespmem:s11+$0xF140]  }
0x2f9: {  	[tilespmem:s11+$0x100E0] =	vst v13;
	v13 =	vmul.f32 v12, v18;
	v12 =	vmul.f32 v15, v18;
	v28 =	vld [tilespmem:s11+$0xF160]  }
0x2fa: {  	[tilespmem:s11+$0x100F0] =	vst v14;
	v15 =	vmul.f32 v23, v18;
	v14 =	vmul.f32 v21, v18;
	v29 =	vld [tilespmem:s11+$0xF1B0]  }
0x2fb: {  	[tilespmem:s11+$0xF020] =	vst v16;
	v16 =	vmul.f32 v13, v18;
	v21 =	vmul.f32 v12, v18;
	v31 =	vld [tilespmem:s11+$0xF190]  }
0x2fc: {  	[tilespmem:s11+$0xF030] =	vst v17;
	v23 =	vmul.f32 v15, v18;
	v32 =	vmul.f32 v14, v18;
	v33 =	vld [tilespmem:s11+$0xF180]  }
0x2fd: {  	[tilespmem:s11+$0x10100] =	vst v16;
	v17 =	vmul.f32 v19, v25;
	v16 =	vmul.f32 v26, v25;
	v26 =	vld [tilespmem:s11+$0xF1A0]  }
0x2fe: {  	v18 =	vmul.f32 v24, v25;
	[tilespmem:s11+$0x10110] =	vst v21;
	v19 =	vmul.f32 v28, v25;
	v28 =	vld [tilespmem:s11+$0xF1F0]  }
0x2ff: {  	[tilespmem:s11+$0x10120] =	vst v23;
	v21 =	vmul.f32 v17, v25;
	v24 =	vmul.f32 v16, v25;
	v36 =	vld [tilespmem:s11+$0xF1D0]  }
0x300: {  	v37 =	vmul.f32 v18, v25;
	[tilespmem:s11+$0x10130] =	vst v32;
	v32 =	vmul.f32 v19, v25;
	v38 =	vld [tilespmem:s11+$0xF1C0]  }
0x301: {  	[tilespmem:s11+$0x10140] =	vst v21;
	v23 =	vmul.f32 v33, v27;
	v21 =	vmul.f32 v31, v27;
	v31 =	vld [tilespmem:s11+$0xF1E0]  }
0x302: {  	[tilespmem:s11+$0x10150] =	vst v24;
	v25 =	vmul.f32 v26, v27;
	v24 =	vmul.f32 v29, v27  }
0x303: {  	[tilespmem:s11+$0x10160] =	vst v32;
	v26 =	vmul.f32 v23, v27;
	v29 =	vmul.f32 v21, v27  }
0x304: {  	[tilespmem:s11+$0x10170] =	vst v37;
	v32 =	vmul.f32 v25, v27;
	v33 =	vmul.f32 v24, v27;
	v37 =	vld [tilespmem:s11+$0xF230]  }
0x305: {  	[tilespmem:s11+$0x10180] =	vst v26;
	v27 =	vmul.f32 v38, v30;
	v26 =	vmul.f32 v36, v30;
	v36 =	vld [tilespmem:s11+$0xF210]  }
0x306: {  	v28 =	vmul.f32 v28, v30;
	[tilespmem:s11+$0x10190] =	vst v29;
	v29 =	vmul.f32 v31, v30;
	v31 =	vld [tilespmem:s11+$0xF200]  }
0x307: {  	[tilespmem:s11+$0x101A0] =	vst v32;
	v32 =	vmul.f32 v27, v30;
	v38 =	vmul.f32 v26, v30;
	v39 =	vld [tilespmem:s11+$0xF220]  }
0x308: {  	v40 =	vmul.f32 v28, v30;
	[tilespmem:s11+$0x101B0] =	vst v33;
	v33 =	vmul.f32 v29, v30;
	v41 =	vld [tilespmem:s11+$0xF270]  }
0x309: {  	v42 =	vbroadcast v3, $0x8;
	v43 =	vbroadcast v3, $0x9;
	[tilespmem:s11+$0x101C0] =	vst v32;
	v44 =	vld [tilespmem:s11+$0xF250]  }
0x30a: {  	v45 =	vbroadcast v3, $0xA;
	v46 =	vbroadcast v3, $0xB;
	[tilespmem:s11+$0x101D0] =	vst v38;
	v38 =	vld [tilespmem:s11+$0xF240]  }
0x30b: {  	v30 =	vmul.f32 v36, v42;
	[tilespmem:s11+$0x101E0] =	vst v33;
	v31 =	vmul.f32 v31, v42;
	v36 =	vld [tilespmem:s11+$0xF260]  }
0x30c: {  	v32 =	vmul.f32 v37, v42;
	[tilespmem:s11+$0x101F0] =	vst v40;
	v33 =	vmul.f32 v39, v42;
	v40 =	vld [tilespmem:s11+$0xF2B0]  }
0x30d: {  	v37 =	vmul.f32 v30, v42;
	[tilespmem:s11+$0xF040] =	vst v35;
	v35 =	vmul.f32 v31, v42;
	v47 =	vld [tilespmem:s11+$0xF290]  }
0x30e: {  	[tilespmem:s11+$0xF050] =	vst v34;
	v39 =	vmul.f32 v33, v42;
	v42 =	vmul.f32 v32, v42;
	v48 =	vld [tilespmem:s11+$0xF280]  }
0x30f: {  	v34 =	vmul.f32 v44, v43;
	[tilespmem:s11+$0x10200] =	vst v35;
	v35 =	vmul.f32 v38, v43;
	v44 =	vld [tilespmem:s11+$0xF2A0]  }
0x310: {  	[tilespmem:s11+$0x10210] =	vst v37;
	v37 =	vmul.f32 v36, v43;
	v36 =	vmul.f32 v41, v43;
	v49 =	vld [tilespmem:s11+$0xF2F0]  }
0x311: {  	v41 =	vmul.f32 v34, v43;
	[tilespmem:s11+$0x10220] =	vst v39;
	v38 =	vmul.f32 v35, v43;
	v50 =	vld [tilespmem:s11+$0xF2D0]  }
0x312: {  	[tilespmem:s11+$0x10230] =	vst v42;
	v42 =	vmul.f32 v37, v43;
	v43 =	vmul.f32 v36, v43;
	v51 =	vld [tilespmem:s11+$0xF2C0]  }
0x313: {  	[tilespmem:s11+$0x10240] =	vst v38;
	v39 =	vmul.f32 v48, v45;
	v38 =	vmul.f32 v47, v45;
	v47 =	vld [tilespmem:s11+$0xF2E0]  }
0x314: {  	v40 =	vmul.f32 v40, v45;
	[tilespmem:s11+$0x10250] =	vst v41;
	v41 =	vmul.f32 v44, v45  }
0x315: {  	[tilespmem:s11+$0x10260] =	vst v42;
	v42 =	vmul.f32 v39, v45;
	v44 =	vmul.f32 v38, v45  }
0x316: {  	v52 =	vmul.f32 v40, v45;
	[tilespmem:s11+$0x10270] =	vst v43;
	v48 =	vmul.f32 v41, v45;
	v53 =	vld [tilespmem:s11+$0xF330]  }
0x317: {  	[tilespmem:s11+$0x10280] =	vst v42;
	v43 =	vmul.f32 v51, v46;
	v42 =	vmul.f32 v50, v46;
	v50 =	vld [tilespmem:s11+$0xF310]  }
0x318: {  	[tilespmem:s11+$0x10290] =	vst v44;
	v45 =	vmul.f32 v47, v46;
	v44 =	vmul.f32 v49, v46;
	v47 =	vld [tilespmem:s11+$0xF300]  }
0x319: {  	[tilespmem:s11+$0x102A0] =	vst v48;
	v48 =	vmul.f32 v43, v46;
	v49 =	vmul.f32 v42, v46;
	v51 =	vld [tilespmem:s11+$0xF320]  }
0x31a: {  	[tilespmem:s11+$0x102B0] =	vst v52;
	v52 =	vmul.f32 v45, v46;
	v54 =	vmul.f32 v44, v46;
	v55 =	vld [tilespmem:s11+$0xF370]  }
0x31b: {  	v56 =	vbroadcast v3, $0xC;
	v57 =	vbroadcast v3, $0xD;
	[tilespmem:s11+$0x102C0] =	vst v48;
	v58 =	vld [tilespmem:s11+$0xF350]  }
0x31c: {  	v59 =	vbroadcast v3, $0xE;
	v60 =	vbroadcast v3, $0xF;
	[tilespmem:s11+$0x102D0] =	vst v49;
	v49 =	vld [tilespmem:s11+$0xF340]  }
0x31d: {  	v3 =	vmul.f32 v50, v56;
	[tilespmem:s11+$0x102E0] =	vst v52;
	v46 =	vmul.f32 v47, v56;
	v50 =	vld [tilespmem:s11+$0xF360]  }
0x31e: {  	v47 =	vmul.f32 v53, v56;
	[tilespmem:s11+$0x102F0] =	vst v54;
	v48 =	vmul.f32 v51, v56;
	v53 =	vld [tilespmem:s11+$0xF3B0]  }
0x31f: {  	v51 =	vmul.f32 v3, v56;
	[tilespmem:s11+$0xF060] =	vst v22;
	v22 =	vmul.f32 v46, v56;
	v54 =	vld [tilespmem:s11+$0xF390]  }
0x320: {  	[tilespmem:s11+$0xF070] =	vst v20;
	v52 =	vmul.f32 v48, v56;
	v56 =	vmul.f32 v47, v56;
	v61 =	vld [tilespmem:s11+$0xF380]  }
0x321: {  	v20 =	vmul.f32 v58, v57;
	[tilespmem:s11+$0x10300] =	vst v22;
	v22 =	vmul.f32 v49, v57;
	v58 =	vld [tilespmem:s11+$0xF3A0]  }
0x322: {  	v49 =	vmul.f32 v55, v57;
	[tilespmem:s11+$0x10310] =	vst v51;
	v50 =	vmul.f32 v50, v57;
	v55 =	vld [tilespmem:s11+$0xF3F0]  }
0x323: {  	v62 =	vmul.f32 v20, v57;
	[tilespmem:s11+$0x10320] =	vst v52;
	v51 =	vmul.f32 v22, v57;
	v63 =	vld [tilespmem:s11+$0xF3D0]  }
0x324: {  	[tilespmem:s11+$0x10330] =	vst v56;
	v56 =	vmul.f32 v50, v57;
	v57 =	vmul.f32 v49, v57;
	v2 =	vld [tilespmem:s11+$0xF3C0]  }
0x325: {  	[tilespmem:s11+$0x10340] =	vst v51;
	v52 =	vmul.f32 v61, v59;
	v51 =	vmul.f32 v54, v59;
	v61 =	vld [tilespmem:s11+$0xF3E0]  }
0x326: {  	v53 =	vmul.f32 v53, v59;
	[tilespmem:s11+$0x10350] =	vst v62;
	v54 =	vmul.f32 v58, v59  }
0x327: {  	[tilespmem:s11+$0x10360] =	vst v56;
	v56 =	vmul.f32 v52, v59;
	v58 =	vmul.f32 v51, v59  }
0x328: {  	[tilespmem:s11+$0x10370] =	vst v57;
	v57 =	vmul.f32 v54, v59;
	v59 =	vmul.f32 v53, v59  }
0x329: {  	[tilespmem:s11+$0x10380] =	vst v56;
	v2 =	vmul.f32 v2, v60;
	v56 =	vmul.f32 v63, v60  }
0x32a: {  	v55 =	vmul.f32 v55, v60;
	[tilespmem:s11+$0x10390] =	vst v58;
	v58 =	vmul.f32 v61, v60  }
0x32b: {  	[tilespmem:s11+$0x103A0] =	vst v57;
	v57 =	vmul.f32 v2, v60;
	v61 =	vmul.f32 v56, v60  }
0x32c: {  	[tilespmem:s11+$0x103B0] =	vst v59;
	v59 =	vmul.f32 v58, v60;
	v60 =	vmul.f32 v55, v60  }
0x32d: {  	[tilespmem:s11+$0x103C0] =	vst v57  }
0x32e: {  	[tilespmem:s11+$0x103D0] =	vst v61  }
0x32f: {  	[tilespmem:s11+$0x103E0] =	vst v59  }
0x330: {  	[tilespmem:s11+$0x103F0] =	vst v60  }
0x331: {  	[tilespmem:s11+$0xF080] =	vst v5  }
0x332: {  	[tilespmem:s11+$0xF090] =	vst v4  }
0x333: {  	[tilespmem:s11+$0xF0A0] =	vst v7  }
0x334: {  	[tilespmem:s11+$0xF0B0] =	vst v6  }
0x335: {  	[tilespmem:s11+$0xF0C0] =	vst v9  }
0x336: {  	[tilespmem:s11+$0xF0D0] =	vst v8  }
0x337: {  	[tilespmem:s11+$0xF0E0] =	vst v11  }
0x338: {  	[tilespmem:s11+$0xF0F0] =	vst v10  }
0x339: {  	[tilespmem:s11+$0xF100] =	vst v13  }
0x33a: {  	[tilespmem:s11+$0xF110] =	vst v12  }
0x33b: {  	[tilespmem:s11+$0xF120] =	vst v15  }
0x33c: {  	[tilespmem:s11+$0xF130] =	vst v14  }
0x33d: {  	[tilespmem:s11+$0xF140] =	vst v17  }
0x33e: {  	[tilespmem:s11+$0xF150] =	vst v16  }
0x33f: {  	[tilespmem:s11+$0xF160] =	vst v19  }
0x340: {  	[tilespmem:s11+$0xF170] =	vst v18  }
0x341: {  	[tilespmem:s11+$0xF180] =	vst v23  }
0x342: {  	[tilespmem:s11+$0xF190] =	vst v21  }
0x343: {  	[tilespmem:s11+$0xF1A0] =	vst v25  }
0x344: {  	[tilespmem:s11+$0xF1B0] =	vst v24  }
0x345: {  	[tilespmem:s11+$0xF1C0] =	vst v27  }
0x346: {  	[tilespmem:s11+$0xF1D0] =	vst v26  }
0x347: {  	[tilespmem:s11+$0xF1E0] =	vst v29  }
0x348: {  	[tilespmem:s11+$0xF1F0] =	vst v28  }
0x349: {  	[tilespmem:s11+$0xF200] =	vst v31  }
0x34a: {  	[tilespmem:s11+$0xF210] =	vst v30  }
0x34b: {  	[tilespmem:s11+$0xF220] =	vst v33  }
0x34c: {  	[tilespmem:s11+$0xF230] =	vst v32  }
0x34d: {  	[tilespmem:s11+$0xF240] =	vst v35  }
0x34e: {  	[tilespmem:s11+$0xF250] =	vst v34  }
0x34f: {  	[tilespmem:s11+$0xF260] =	vst v37  }
0x350: {  	[tilespmem:s11+$0xF270] =	vst v36  }
0x351: {  	[tilespmem:s11+$0xF280] =	vst v39  }
0x352: {  	[tilespmem:s11+$0xF290] =	vst v38  }
0x353: {  	[tilespmem:s11+$0xF2A0] =	vst v41  }
0x354: {  	[tilespmem:s11+$0xF2B0] =	vst v40  }
0x355: {  	[tilespmem:s11+$0xF2C0] =	vst v43  }
0x356: {  	[tilespmem:s11+$0xF2D0] =	vst v42  }
0x357: {  	[tilespmem:s11+$0xF2E0] =	vst v45  }
0x358: {  	[tilespmem:s11+$0xF2F0] =	vst v44  }
0x359: {  	[tilespmem:s11+$0xF300] =	vst v46  }
0x35a: {  	[tilespmem:s11+$0xF310] =	vst v3  }
0x35b: {  	[tilespmem:s11+$0xF320] =	vst v48  }
0x35c: {  	[tilespmem:s11+$0xF330] =	vst v47  }
0x35d: {  	[tilespmem:s11+$0xF340] =	vst v22  }
0x35e: {  	[tilespmem:s11+$0xF350] =	vst v20  }
0x35f: {  	[tilespmem:s11+$0xF360] =	vst v50  }
0x360: {  	[tilespmem:s11+$0xF370] =	vst v49  }
0x361: {  	[tilespmem:s11+$0xF380] =	vst v52  }
0x362: {  	[tilespmem:s11+$0xF390] =	vst v51  }
0x363: {  	[tilespmem:s11+$0xF3A0] =	vst v54  }
0x364: {  	[tilespmem:s11+$0xF3B0] =	vst v53  }
.Ltmp13:
0x365: {  	[tilespmem:s11+$0xF3C0] =	vst v2;
	(pc) =	sbr.rel @p1 .LBB2_30-.Ltmp13, $4  }
0x366: {  	[tilespmem:s11+$0xF3D0] =	vst v56  }
0x367: {  	s18 =	sshra.s32 s12, $0x2;
	[tilespmem:s11+$0xF3E0] =	vst v58  }
0x368: {  	s31 =	sadd.s32 $0x10, s31;
	v4 =	vld [tilespmem:s18+$0xF030];
	[tilespmem:s11+$0xF3F0] =	vst v55;
	s11 =	smov.u32 s18  }
0x369: {  	s12 =	sadd.s32 $0x1000, s12;
	v3 =	vld [tilespmem:s31+$0x0]  }
0x36a: {  	_ = 	snop  }
0x36b: {  	v5 =	vld [tilespmem:s11+$0xF000]  }
0x36c: {  	v2 =	vld [tilespmem:s11+$0xF010]  }
0x36d: {  	v6 =	vld [tilespmem:s11+$0xF020]  }
0x36e: {  	v8 =	vbroadcast v3, $0x0  }
0x36f: {  	v10 =	vld [tilespmem:s11+$0xF040]  }
0x370: {  	v9 =	vld [tilespmem:s11+$0xF050];
	v5 =	vmul.f32 v8, v5  }
0x371: {  	v11 =	vld [tilespmem:s11+$0xF060];
	v2 =	vmul.f32 v2, v8  }
0x372: {  	v7 =	vld [tilespmem:s11+$0xF070];
	v25 =	vbroadcast v3, $0x1;
	v15 =	vmul.f32 v6, v8;
	[tilespmem:s11+$0xF000] =	vst v5  }
0x373: {  	v16 =	vmul.f32 v4, v8;
	[tilespmem:s11+$0xF010] =	vst v2  }
0x374: {  	v31 =	vmul.f32 v10, v25;
	[tilespmem:s11+$0xF020] =	vst v15  }
0x375: {  	v32 =	vmul.f32 v9, v25;
	[tilespmem:s11+$0xF030] =	vst v16  }
0x376: {  	v21 =	vmul.f32 v11, v25;
	[tilespmem:s11+$0xF040] =	vst v31  }
0x377: {  	v19 =	vmul.f32 v7, v25;
	[tilespmem:s11+$0xF050] =	vst v32  }
0x378: {  	v14 =	vld [tilespmem:s11+$0xF080];
	v5 =	vmul.f32 v5, v8;
	[tilespmem:s11+$0xF060] =	vst v21  }
0x379: {  	v26 =	vld [tilespmem:s11+$0xF0A0];
	v2 =	vmul.f32 v2, v8;
	[tilespmem:s11+$0xF070] =	vst v19  }
0x37a: {  	v12 =	vld [tilespmem:s11+$0xF0B0];
	v35 =	vbroadcast v3, $0x2;
	v27 =	vmul.f32 v15, v8;
	[tilespmem:s11+$0x10000] =	vst v5  }
0x37b: {  	v29 =	vld [tilespmem:s11+$0xF0D0];
	v41 =	vbroadcast v3, $0x3;
	v8 =	vmul.f32 v16, v8;
	[tilespmem:s11+$0x10010] =	vst v2  }
0x37c: {  	v17 =	vld [tilespmem:s11+$0xF0E0];
	v51 =	vbroadcast v3, $0x5;
	v34 =	vmul.f32 v31, v25;
	[tilespmem:s11+$0x10020] =	vst v27  }
0x37d: {  	v24 =	vld [tilespmem:s11+$0xF150];
	v4 =	vmul.f32 v14, v35;
	v37 =	vmul.f32 v32, v25;
	[tilespmem:s11+$0x10030] =	vst v8  }
0x37e: {  	v6 =	vmul.f32 v26, v35;
	v11 =	vmul.f32 v21, v25;
	[tilespmem:s11+$0x10040] =	vst v34  }
0x37f: {  	v7 =	vmul.f32 v12, v35;
	v18 =	vmul.f32 v19, v25;
	[tilespmem:s11+$0x10050] =	vst v37  }
0x380: {  	v9 =	vmul.f32 v29, v41;
	v38 =	vmul.f32 v4, v35;
	[tilespmem:s11+$0x10060] =	vst v11  }
0x381: {  	v10 =	vmul.f32 v17, v41;
	v43 =	vmul.f32 v6, v35;
	[tilespmem:s11+$0x10070] =	vst v18  }
0x382: {  	v17 =	vmul.f32 v24, v51;
	v44 =	vmul.f32 v7, v35;
	[tilespmem:s11+$0x10080] =	vst v38  }
0x383: {  	v46 =	vmul.f32 v9, v41;
	[tilespmem:s11+$0x100A0] =	vst v43  }
0x384: {  	v55 =	vmul.f32 v17, v51;
	[tilespmem:s11+$0x100B0] =	vst v44  }
0x385: {  	v47 =	vld [tilespmem:s11+$0xF140];
	[tilespmem:s11+$0x100D0] =	vst v46  }
0x386: {  	[tilespmem:s11+$0x10150] =	vst v55  }
0x387: {  	v13 =	vld [tilespmem:s11+$0xF090];
	[tilespmem:s11+$0xF080] =	vst v4  }
0x388: {  	v2 =	vld [tilespmem:s11+$0xF0F0];
	[tilespmem:s11+$0xF0A0] =	vst v6  }
0x389: {  	v36 =	vld [tilespmem:s11+$0xF0C0];
	[tilespmem:s11+$0xF0B0] =	vst v7  }
0x38a: {  	v20 =	vld [tilespmem:s11+$0xF100];
	v16 =	vmul.f32 v47, v51;
	[tilespmem:s11+$0xF0D0] =	vst v9  }
0x38b: {  	v42 =	vld [tilespmem:s11+$0xF110];
	[tilespmem:s11+$0xF0E0] =	vst v10  }
0x38c: {  	v22 =	vld [tilespmem:s11+$0xF120];
	v54 =	vmul.f32 v16, v51;
	[tilespmem:s11+$0xF140] =	vst v16  }
0x38d: {  	v39 =	vld [tilespmem:s11+$0xF130];
	v25 =	vbroadcast v3, $0x4;
	v5 =	vmul.f32 v13, v35;
	[tilespmem:s11+$0xF150] =	vst v17  }
0x38e: {  	v23 =	vld [tilespmem:s11+$0xF170];
	v8 =	vmul.f32 v36, v41;
	[tilespmem:s11+$0x10140] =	vst v54  }
0x38f: {  	v12 =	vmul.f32 v20, v25;
	[tilespmem:s11+$0xF090] =	vst v5  }
0x390: {  	v13 =	vmul.f32 v42, v25;
	[tilespmem:s11+$0xF0C0] =	vst v8  }
0x391: {  	v14 =	vmul.f32 v22, v25;
	[tilespmem:s11+$0xF100] =	vst v12  }
0x392: {  	v15 =	vmul.f32 v39, v25;
	[tilespmem:s11+$0xF110] =	vst v13  }
0x393: {  	v20 =	vmul.f32 v23, v51;
	[tilespmem:s11+$0xF120] =	vst v14  }
0x394: {  	v40 =	vmul.f32 v5, v35;
	[tilespmem:s11+$0xF130] =	vst v15  }
0x395: {  	v45 =	vmul.f32 v8, v41;
	[tilespmem:s11+$0xF170] =	vst v20  }
0x396: {  	v28 =	vld [tilespmem:s11+$0xF180];
	v49 =	vmul.f32 v12, v25;
	[tilespmem:s11+$0x10090] =	vst v40  }
0x397: {  	v29 =	vld [tilespmem:s11+$0xF1A0];
	v50 =	vmul.f32 v13, v25;
	[tilespmem:s11+$0x100C0] =	vst v45  }
0x398: {  	v26 =	vld [tilespmem:s11+$0xF1B0];
	v52 =	vmul.f32 v14, v25;
	[tilespmem:s11+$0x10100] =	vst v49  }
0x399: {  	v30 =	vld [tilespmem:s11+$0xF1F0];
	v34 =	vbroadcast v3, $0x6;
	v53 =	vmul.f32 v15, v25;
	[tilespmem:s11+$0x10110] =	vst v50  }
0x39a: {  	v57 =	vmul.f32 v20, v51;
	[tilespmem:s11+$0x10120] =	vst v52  }
0x39b: {  	v22 =	vmul.f32 v28, v34;
	[tilespmem:s11+$0x10130] =	vst v53  }
0x39c: {  	v37 =	vbroadcast v3, $0x7;
	v24 =	vmul.f32 v29, v34;
	[tilespmem:s11+$0x10170] =	vst v57  }
0x39d: {  	v25 =	vmul.f32 v26, v34;
	[tilespmem:s11+$0xF180] =	vst v22  }
0x39e: {  	v29 =	vmul.f32 v30, v37;
	[tilespmem:s11+$0xF1A0] =	vst v24  }
0x39f: {  	v58 =	vmul.f32 v22, v34;
	[tilespmem:s11+$0xF1B0] =	vst v25  }
0x3a0: {  	v27 =	vld [tilespmem:s11+$0xF190];
	v60 =	vmul.f32 v24, v34;
	[tilespmem:s11+$0xF1F0] =	vst v29  }
0x3a1: {  	v33 =	vld [tilespmem:s11+$0xF1D0];
	v61 =	vmul.f32 v25, v34;
	[tilespmem:s11+$0x10180] =	vst v58  }
0x3a2: {  	v50 =	vmul.f32 v29, v37;
	[tilespmem:s11+$0x101A0] =	vst v60  }
0x3a3: {  	v11 =	vmul.f32 v2, v41;
	v2 =	vmul.f32 v10, v41;
	[tilespmem:s11+$0x101B0] =	vst v61  }
0x3a4: {  	[tilespmem:s11+$0x101F0] =	vst v50  }
0x3a5: {  	v35 =	vld [tilespmem:s11+$0xF1E0];
	v23 =	vmul.f32 v27, v34;
	[tilespmem:s11+$0x100E0] =	vst v2  }
0x3a6: {  	v63 =	vld [tilespmem:s11+$0xF250];
	v27 =	vmul.f32 v33, v37;
	[tilespmem:s11+$0xF0F0] =	vst v11  }
0x3a7: {  	v47 =	vld [tilespmem:s11+$0xF2C0];
	v48 =	vmul.f32 v11, v41;
	[tilespmem:s11+$0xF190] =	vst v23  }
0x3a8: {  	v59 =	vmul.f32 v23, v34;
	[tilespmem:s11+$0xF1D0] =	vst v27  }
0x3a9: {  	v43 =	vbroadcast v3, $0x9;
	v33 =	vmul.f32 v27, v37;
	[tilespmem:s11+$0x100F0] =	vst v48  }
0x3aa: {  	v39 =	vld [tilespmem:s11+$0xF200];
	v58 =	vbroadcast v3, $0xB;
	v28 =	vmul.f32 v35, v37;
	[tilespmem:s11+$0x10190] =	vst v59  }
0x3ab: {  	v38 =	vld [tilespmem:s11+$0xF210];
	v35 =	vmul.f32 v63, v43;
	[tilespmem:s11+$0x101D0] =	vst v33  }
0x3ac: {  	v36 =	vld [tilespmem:s11+$0xF230];
	v47 =	vmul.f32 v47, v58;
	[tilespmem:s11+$0xF1E0] =	vst v28  }
0x3ad: {  	v49 =	vld [tilespmem:s11+$0xF240];
	v41 =	vbroadcast v3, $0x8;
	v48 =	vmul.f32 v28, v37;
	[tilespmem:s11+$0xF250] =	vst v35  }
0x3ae: {  	v45 =	vld [tilespmem:s11+$0xF2D0];
	v60 =	vmul.f32 v35, v43;
	[tilespmem:s11+$0xF2C0] =	vst v47  }
0x3af: {  	v2 =	vld [tilespmem:s11+$0xF160];
	v30 =	vmul.f32 v39, v41;
	[tilespmem:s11+$0x101E0] =	vst v48  }
0x3b0: {  	v31 =	vmul.f32 v38, v41;
	[tilespmem:s11+$0x10250] =	vst v60  }
0x3b1: {  	v33 =	vmul.f32 v36, v41;
	[tilespmem:s11+$0xF200] =	vst v30  }
0x3b2: {  	v34 =	vmul.f32 v49, v43;
	[tilespmem:s11+$0xF210] =	vst v31  }
0x3b3: {  	v45 =	vmul.f32 v45, v58;
	v48 =	vld [tilespmem:s11+$0xF2E0];
	[tilespmem:s11+$0xF230] =	vst v33  }
0x3b4: {  	v53 =	vmul.f32 v30, v41;
	[tilespmem:s11+$0xF240] =	vst v34;
	v18 =	vmul.f32 v2, v51;
	v2 =	vld [tilespmem:s11+$0xF1C0]  }
0x3b5: {  	v52 =	vld [tilespmem:s11+$0xF290];
	v46 =	vmul.f32 v34, v43;
	[tilespmem:s11+$0xF2D0] =	vst v45  }
0x3b6: {  	[tilespmem:s11+$0x10200] =	vst v53;
	v56 =	vmul.f32 v18, v51  }
0x3b7: {  	v54 =	vld [tilespmem:s11+$0xF280];
	[tilespmem:s11+$0x10240] =	vst v46  }
0x3b8: {  	[tilespmem:s11+$0x10160] =	vst v56;
	v56 =	vbroadcast v3, $0xA;
	v48 =	vmul.f32 v48, v58  }
0x3b9: {  	v44 =	vld [tilespmem:s11+$0xF2A0];
	[tilespmem:s11+$0xF160] =	vst v18;
	v26 =	vmul.f32 v2, v37  }
0x3ba: {  	v42 =	vld [tilespmem:s11+$0xF2B0];
	v39 =	vmul.f32 v52, v56;
	v52 =	vmul.f32 v45, v58;
	[tilespmem:s11+$0xF2E0] =	vst v48  }
0x3bb: {  	v53 =	vmul.f32 v48, v58;
	[tilespmem:s11+$0xF1C0] =	vst v26  }
0x3bc: {  	v51 =	vld [tilespmem:s11+$0xF260];
	v38 =	vmul.f32 v54, v56;
	[tilespmem:s11+$0x102D0] =	vst v52  }
0x3bd: {  	[tilespmem:s11+$0x102E0] =	vst v53  }
0x3be: {  	v40 =	vld [tilespmem:s11+$0xF270];
	v44 =	vmul.f32 v44, v56;
	[tilespmem:s11+$0xF280] =	vst v38  }
0x3bf: {  	v42 =	vmul.f32 v42, v56;
	[tilespmem:s11+$0xF290] =	vst v39  }
0x3c0: {  	v62 =	vmul.f32 v26, v37;
	[tilespmem:s11+$0xF2A0] =	vst v44  }
0x3c1: {  	v59 =	vld [tilespmem:s11+$0xF300];
	v36 =	vmul.f32 v51, v43;
	v51 =	vmul.f32 v47, v58;
	[tilespmem:s11+$0xF2B0] =	vst v42  }
0x3c2: {  	v49 =	vld [tilespmem:s11+$0xF310];
	[tilespmem:s11+$0x101C0] =	vst v62  }
0x3c3: {  	v37 =	vmul.f32 v40, v43;
	[tilespmem:s11+$0x102C0] =	vst v51  }
0x3c4: {  	v54 =	vbroadcast v3, $0xC;
	v57 =	vmul.f32 v39, v56;
	[tilespmem:s11+$0xF260] =	vst v36  }
0x3c5: {  	v50 =	vmul.f32 v44, v56;
	[tilespmem:s11+$0xF270] =	vst v37  }
0x3c6: {  	v2 =	vld [tilespmem:s11+$0xF220];
	v46 =	vmul.f32 v59, v54;
	[tilespmem:s11+$0x10290] =	vst v57  }
0x3c7: {  	v49 =	vmul.f32 v49, v54;
	[tilespmem:s11+$0x102A0] =	vst v50  }
0x3c8: {  	v60 =	vld [tilespmem:s11+$0xF320];
	v61 =	vmul.f32 v36, v43;
	[tilespmem:s11+$0xF300] =	vst v46  }
0x3c9: {  	v63 =	vld [tilespmem:s11+$0xF330];
	v43 =	vmul.f32 v37, v43;
	[tilespmem:s11+$0xF310] =	vst v49  }
0x3ca: {  	v62 =	vmul.f32 v38, v56;
	[tilespmem:s11+$0x10260] =	vst v61  }
0x3cb: {  	v32 =	vmul.f32 v2, v41;
	v2 =	vmul.f32 v31, v41;
	[tilespmem:s11+$0x10270] =	vst v43  }
0x3cc: {  	[tilespmem:s11+$0x10280] =	vst v62  }
0x3cd: {  	v50 =	vmul.f32 v60, v54;
	[tilespmem:s11+$0x10210] =	vst v2  }
0x3ce: {  	v43 =	vmul.f32 v63, v54;
	[tilespmem:s11+$0xF220] =	vst v32  }
0x3cf: {  	v55 =	vmul.f32 v32, v41;
	v2 =	vld [tilespmem:s11+$0xF2F0];
	[tilespmem:s11+$0xF320] =	vst v50  }
0x3d0: {  	v62 =	vld [tilespmem:s11+$0xF340];
	v41 =	vmul.f32 v33, v41;
	[tilespmem:s11+$0xF330] =	vst v43  }
0x3d1: {  	v61 =	vld [tilespmem:s11+$0xF350];
	[tilespmem:s11+$0x10220] =	vst v55;
	v55 =	vmul.f32 v46, v54  }
0x3d2: {  	v53 =	vld [tilespmem:s11+$0xF360];
	[tilespmem:s11+$0x10230] =	vst v41;
	v41 =	vmul.f32 v42, v56  }
0x3d3: {  	v56 =	vmul.f32 v49, v54;
	[tilespmem:s11+$0x10300] =	vst v55;
	v55 =	vbroadcast v3, $0xD  }
0x3d4: {  	[tilespmem:s11+$0x102B0] =	vst v41;
	v2 =	vmul.f32 v2, v58  }
0x3d5: {  	[tilespmem:s11+$0x10310] =	vst v56;
	v52 =	vmul.f32 v62, v55  }
0x3d6: {  	v51 =	vmul.f32 v61, v55;
	[tilespmem:s11+$0xF2F0] =	vst v2  }
0x3d7: {  	v53 =	vmul.f32 v53, v55;
	[tilespmem:s11+$0xF340] =	vst v52  }
0x3d8: {  	v41 =	vld [tilespmem:s11+$0xF370];
	v40 =	vmul.f32 v2, v58;
	[tilespmem:s11+$0xF350] =	vst v51  }
0x3d9: {  	v58 =	vmul.f32 v50, v54;
	[tilespmem:s11+$0xF360] =	vst v53  }
0x3da: {  	v54 =	vmul.f32 v43, v54;
	[tilespmem:s11+$0x102F0] =	vst v40  }
0x3db: {  	v19 =	vld [tilespmem:s11+$0xF380];
	v60 =	vmul.f32 v52, v55;
	[tilespmem:s11+$0x10320] =	vst v58  }
0x3dc: {  	v21 =	vld [tilespmem:s11+$0xF390];
	v61 =	vmul.f32 v51, v55;
	[tilespmem:s11+$0x10330] =	vst v54  }
0x3dd: {  	v57 =	vld [tilespmem:s11+$0xF3A0];
	v41 =	vmul.f32 v41, v55;
	[tilespmem:s11+$0x10340] =	vst v60  }
0x3de: {  	v59 =	vld [tilespmem:s11+$0xF3D0];
	v58 =	vbroadcast v3, $0xE;
	v60 =	vmul.f32 v53, v55;
	[tilespmem:s11+$0x10350] =	vst v61  }
0x3df: {  	v56 =	vld [tilespmem:s11+$0xF3F0];
	v55 =	vmul.f32 v41, v55;
	[tilespmem:s11+$0xF370] =	vst v41  }
0x3e0: {  	v19 =	vmul.f32 v19, v58;
	[tilespmem:s11+$0x10360] =	vst v60  }
0x3e1: {  	v3 =	vbroadcast v3, $0xF;
	v21 =	vmul.f32 v21, v58;
	[tilespmem:s11+$0x10370] =	vst v55  }
0x3e2: {  	v57 =	vmul.f32 v57, v58;
	[tilespmem:s11+$0xF380] =	vst v19  }
0x3e3: {  	v40 =	vld [tilespmem:s11+$0xF3B0];
	v59 =	vmul.f32 v59, v3;
	[tilespmem:s11+$0xF390] =	vst v21  }
0x3e4: {  	v54 =	vld [tilespmem:s11+$0xF3C0];
	v56 =	vmul.f32 v56, v3;
	[tilespmem:s11+$0xF3A0] =	vst v57  }
0x3e5: {  	v60 =	vmul.f32 v19, v58;
	[tilespmem:s11+$0xF3D0] =	vst v59  }
0x3e6: {  	v62 =	vld [tilespmem:s11+$0xF3E0];
	v61 =	vmul.f32 v21, v58;
	[tilespmem:s11+$0xF3F0] =	vst v56  }
0x3e7: {  	v55 =	vmul.f32 v57, v58;
	[tilespmem:s11+$0x10380] =	vst v60  }
0x3e8: {  	v40 =	vmul.f32 v40, v58;
	[tilespmem:s11+$0x10390] =	vst v61  }
0x3e9: {  	v54 =	vmul.f32 v54, v3;
	[tilespmem:s11+$0x103A0] =	vst v55  }
0x3ea: {  	v61 =	vmul.f32 v59, v3;
	[tilespmem:s11+$0xF3B0] =	vst v40  }
0x3eb: {  	v60 =	vmul.f32 v62, v3;
	[tilespmem:s11+$0xF3C0] =	vst v54  }
0x3ec: {  	v58 =	vmul.f32 v40, v58;
	[tilespmem:s11+$0x103D0] =	vst v61  }
0x3ed: {  	v55 =	vmul.f32 v54, v3;
	[tilespmem:s11+$0xF3E0] =	vst v60  }
0x3ee: {  	v63 =	vmul.f32 v60, v3;
	[tilespmem:s11+$0x103B0] =	vst v58  }
0x3ef: {  	s12 =	sadd.s32 s0, s2;
	v3 =	vmul.f32 v56, v3;
	[tilespmem:s11+$0x103C0] =	vst v55  }
0x3f0: {  	s12 =	sshrl.u32 s12, $0x3;
	[tilespmem:s11+$0x103E0] =	vst v63  }
0x3f1: {  	s10 =	sadd.s32 @!p0 s26, s10;
	s22 =	sadd.s32 s6, s12;
	[tilespmem:s11+$0x103F0] =	vst v3  }
0x3f2: {  	[hbm4b:s22+s4] =	stream.linear.scatter [tilespmem:s29], [sflag:$0xB], $0x1000, $0x38;
	[tilespmem:$0x1E680] =	vst v63  }
0x3f3: {  	s10 =	sshll.u32 @!p0 s10, $0x3;
	_ =	swait.ge [sflag:s17], $0x1000  }
0x3f4: {  	s10 =	sand.u32 @!p0 $0x1FFFFE00, s10;
	s12 =	simm.s32 @!p0 $0x10000;
	[sflag:s17] =	ssyncset.done $0x0  }
0x3f5: {  	s10 =	sadd.s32 @!p0 s7, s10;
	s11 =	simm.s32 @!p0 $0x0;
	[sflag:s17] =	ssyncadd.s32 $0xFFFFF000  }
0x3f6: {  	[hbm4b:s10+s11] =	stream.linear.scatter @!p0 [tilespmem:s12], [sflag:$0xB], $0x1000, $0x38;
	[tilespmem:$0x1E680] =	vst v63  }
0x3f7: {  	s10 =	simm.s32 @!p0 $0xB  }
0x3f8: {  	_ =	swait.ge @!p0 [sflag:s10], $0x1000  }
0x3f9: {  	[sflag:s10] =	ssyncset.done @!p0 $0x0  }
0x3fa: {  	[sflag:s10] =	ssyncadd.s32 @!p0 $0xFFFFF000  }
0x3fb: {  	[spmem:s1] =	stream.linear.scatter [tilespmem:s16], [sflag:$0xB], $0x800, $0x38;
	[tilespmem:$0x1E680] =	vst v63  }
0x3fc: {  	s31 =	sand.u32 $0x3FFFFFC0, s0;
	s28 =	sadd.s32 $0x1, s28;
	_ =	swait.ge [sflag:s17], $0x800  }
0x3fd: {  	s0 =	sadd.s32 s31, s3;
	p1 =	sne.s32 s28, $0xA;
	[sflag:s17] =	ssyncset.done $0x0  }
.Ltmp14:
0x3fe: {  	s0 =	sadd.s32 $0x800, s0;
	[sflag:s17] =	ssyncadd.s32 $0xFFFFF800;
	(pc) =	sbr.rel @p1 .LBB2_29-.Ltmp14, $4  }
0x3ff: {  	[spmem:s0] =	stream.linear.scatter [tilespmem:s16], [sflag:$0xB], $0x800, $0x38;
	[tilespmem:$0x1E680] =	vst v63  }
0x400: {  	_ =	swait.ge [sflag:s17], $0x800  }
0x401: {  	[sflag:s17] =	ssyncset.done $0x0  }
0x402: {  	s13 =	sadd.s32 $0x40, s13;
	[sflag:s17] =	ssyncadd.s32 $0xFFFFF800  }
0x403: {  	s9 =	sadd.s32 $0x1, s9  }
0x404: {  	p0 =	sne.s32 s9, $0x6  }
.Ltmp15:
0x405: {  	_ = 	snop;
	(pc) =	sbr.rel @p0 .LBB2_22-.Ltmp15, $2  }
0x406: {  	_ =	sdelay $0x1  }
0x407: {  	[bflag:$0x0] =	sbarrier.arrive $0xFFFF;
	_ =	sdelay $0x1  }
0x408: {  	s1 =	sld [smem:$0x7FD];
	_ =	sdelay $0x2  }
0x409: {  	s0 =	rddreg [dreg:$0x12];
	s1 =	sadd.s32 $0x1, s1  }
0x40a: {  	p0 =	sne.s32 s1, s0  }
.Ltmp16:
0x40b: {  	_ = 	snop;
	(pc) =	sbr.rel @p0 .LBB2_1-.Ltmp16, $2  }
0x40c: {  	_ =	sdelay $0x2  }
0x40d: {  	s10 =	rddreg [dreg:$0x1];
	v2 =	vimm.f32 $1.000000000e+00  }
0x40e: {  	_ =	sfence.sel $0x180000  }
0x40f: {  	[bflag:$0x0] =	sbarrier.arrive $0xFFFF  }
0x410: {  	_ =	strace $0x90000047  }
0x411: {  	s0 =	stileid.u32;
	[bflag:$0x2] =	sbarrier.arrive $0xFFFF  }
0x412: {  	p0 =	sne.s32 s0, $0x0;
	s0 =	rddreg [dreg:$0x3]  }
0x413: {  	s0 =	sadd.s32 @!p0 $0x100000, s0  }
0x414: {  	[sflag:s0] =	ssyncadd.tile.s32 @!p0 $0x1;
	_ =	shalt  }
.Lfunc_end2:
_tile_overlayer_lowered:
.L_overlay_start_2:
0x415: {  	(tag) =	ssettag $0x2  }
0x416: {  	s0 =	rddreg [dreg:$0x0];
	s2 =	stileid.u32  }
0x417: {  	s1 =	rddreg [dreg:$0x1];
	p0 =	sne.s32 s2, $0x0  }
0x418: {  	s3 =	rddreg [dreg:$0x2];
	[bflag:$0x3] =	sbarrier.arrive $0xFFFF;
	s2 =	simm.s32 @!p0 $0x1C0B  }
0x419: {  	[timem:s3], [sflag:s2] =	dma.local @!p0 [hbm:s0], s1  }
0x41a: {  	s0 =	simm.s32 @!p0 $0xB  }
0x41b: {  	_ =	swait.ge @!p0 [sflag:s0], s1  }
0x41c: {  	s1 =	ssub.s32 @!p0 $0x0, s1;
	[sflag:s0] =	ssyncset.done @!p0 $0x0  }
0x41d: {  	[sflag:s0] =	ssyncadd.s32 @!p0 s1  }
0x41e: {  	[bflag:$0x3] =	sbarrier.arrive $0xFFFF  }
0x41f: {  	_ =	shalt  }

</sc_bundles>
